<compile_context>
chip_gen: v7x
topology: tpu7x:2x2x1
jax: 0.10.2.dev20260603
libtpu: 0.0.44.dev20260713+nightly
codegen_flags: <defaults>
</compile_context>

<pallas_src>
import functools

import jax
import jax.numpy as jnp
from jax import lax
from jax.experimental import pallas as pl
from jax.experimental.pallas import tpu as pltpu
from jax.experimental.pallas import tpu_sc as plsc

N = 10000
E = 320000
D = 128

NC = 2
NS = 16
NW = NC * NS
EPW = E // NW
CH = 80
PH = 48
NCH = EPW // CH
NP = 10240
NPC = NP // CH // NS

BR = 1000


def _mesh():
    return plsc.VectorSubcoreMesh(core_axis_name="c", subcore_axis_name="s")


@functools.partial(
    pl.kernel,
    out_type=jax.ShapeDtypeStruct((NC, NP, D), jnp.float32),
    mesh=_mesh(),
    scratch_types=[
        pltpu.VMEM((NCH, CH), jnp.int32),
        pltpu.VMEM((CH, D), jnp.float32),
        pltpu.VMEM((CH, D), jnp.float32),
        pltpu.VMEM_SHARED((NP, D), jnp.float32),
        pltpu.SemaphoreType.DMA,
    ],
)
def _deg_kernel(dst_hbm, ones_hbm, z128_hbm, out_hbm, idx_v, ones_v, ones2_v,
                acc_sh, ssem):
    c = lax.axis_index("c")
    s = lax.axis_index("s")
    w = s * NC + c
    pltpu.sync_copy(dst_hbm.at[w], idx_v)
    pltpu.sync_copy(z128_hbm, ones_v)
    for k in range(NPC):
        q = s * NPC + k
        pltpu.async_copy(ones_v, acc_sh.at[pl.ds(q * CH, CH)], ssem)
    for k in range(NPC):
        q = s * NPC + k
        pltpu.make_async_copy(ones_v, acc_sh.at[pl.ds(q * CH, CH)], ssem).wait()
    pltpu.sync_copy(ones_hbm, ones_v)
    plsc.subcore_barrier()

    pltpu.async_copy(ones_v, acc_sh.at[idx_v.at[0]], ssem, add=True)
    pltpu.async_copy(ones_v, acc_sh.at[idx_v.at[1]], ssem, add=True)

    def body(j, carry):
        pltpu.make_async_copy(ones_v, acc_sh.at[idx_v.at[j]], ssem).wait()
        pltpu.async_copy(ones_v, acc_sh.at[idx_v.at[j + 2]], ssem, add=True)
        return carry

    lax.fori_loop(0, NCH - 2, body, 0)
    for j in (NCH - 2, NCH - 1):
        pltpu.make_async_copy(ones_v, acc_sh.at[idx_v.at[j]], ssem).wait()
    plsc.subcore_barrier()
    for k in range(NPC):
        q = s * NPC + k
        buf = ones_v if k % 2 == 0 else ones2_v
        if k >= 2:
            p = s * NPC + k - 2
            pltpu.make_async_copy(buf, out_hbm.at[c, pl.ds(p * CH, CH)], ssem).wait()
        pltpu.sync_copy(acc_sh.at[pl.ds(q * CH, CH)], buf)
        pltpu.async_copy(buf, out_hbm.at[c, pl.ds(q * CH, CH)], ssem)
    for k in (NPC - 2, NPC - 1):
        q = s * NPC + k
        buf = ones_v if k % 2 == 0 else ones2_v
        pltpu.make_async_copy(buf, out_hbm.at[c, pl.ds(q * CH, CH)], ssem).wait()


@functools.partial(
    pl.kernel,
    out_type=jax.ShapeDtypeStruct((NC, NP, D), jnp.float32),
    mesh=_mesh(),
    scratch_types=[
        pltpu.VMEM((PH, CH), jnp.int32),
        pltpu.VMEM((PH, CH), jnp.int32),
        pltpu.VMEM((CH, D), jnp.float32),
        pltpu.VMEM((CH, D), jnp.float32),
        pltpu.VMEM((CH, D), jnp.float32),
        pltpu.VMEM_SHARED((NP, D), jnp.float32),
        pltpu.SemaphoreType.DMA,
        pltpu.SemaphoreType.DMA,
        pltpu.SemaphoreType.DMA,
        pltpu.SemaphoreType.DMA,
        pltpu.SemaphoreType.DMA,
        pltpu.SemaphoreType.DMA,
    ],
)
def _agg_kernel(y_hbm, src_hbm, dst_hbm, z128_hbm, out_hbm,
                src_v, dst_v, rows_v, rows2_v, rows3_v, acc_sh,
                gsa, gsb, gsc, ssa, ssb, ssc):
    c = lax.axis_index("c")
    s = lax.axis_index("s")
    w = s * NC + c

    def load_idx(ph0, cnt):
        pltpu.sync_copy(src_hbm.at[w, pl.ds(ph0, cnt)], src_v.at[pl.ds(0, cnt)])
        pltpu.sync_copy(dst_hbm.at[w, pl.ds(ph0, cnt)], dst_v.at[pl.ds(0, cnt)])

    load_idx(0, PH)
    pltpu.sync_copy(z128_hbm, rows_v)
    for k in range(NPC):
        q = s * NPC + k
        pltpu.async_copy(rows_v, acc_sh.at[pl.ds(q * CH, CH)], ssa)
    for k in range(NPC):
        q = s * NPC + k
        pltpu.make_async_copy(rows_v, acc_sh.at[pl.ds(q * CH, CH)], ssa).wait()

    plsc.subcore_barrier()

    def pipe(n):
        B = (rows_v, gsa, ssa), (rows2_v, gsb, ssb), (rows3_v, gsc, ssc)
        for r in range(3):
            pltpu.async_copy(y_hbm.at[src_v.at[r]], B[r][0], B[r][1])

        def body(t, carry):
            base = 3 * t
            for r in range(3):
                buf, gs, ss = B[r]
                j = base + r
                pltpu.make_async_copy(y_hbm.at[src_v.at[j]], buf, gs).wait()
                pltpu.async_copy(buf, acc_sh.at[dst_v.at[j]], ss, add=True)
            for r in range(3):
                buf, gs, ss = B[r]
                j = base + r
                pltpu.make_async_copy(buf, acc_sh.at[dst_v.at[j]], ss).wait()
                pltpu.async_copy(y_hbm.at[src_v.at[j + 3]], buf, gs)
            return carry

        T = (n - 3) // 3
        lax.fori_loop(0, T, body, 0)
        rem = list(range(3 * T, n))
        for r in rem:
            buf, gs, ss = B[r % 3]
            if r >= 3 * T + 3:
                pltpu.make_async_copy(buf, acc_sh.at[dst_v.at[r - 3]], ss).wait()
                pltpu.async_copy(y_hbm.at[src_v.at[r]], buf, gs)
            pltpu.make_async_copy(y_hbm.at[src_v.at[r]], buf, gs).wait()
            pltpu.async_copy(buf, acc_sh.at[dst_v.at[r]], ss, add=True)
        last = {}
        for r in rem:
            last[r % 3] = r
        for k in sorted(last):
            buf, gs, ss = B[k]
            pltpu.make_async_copy(buf, acc_sh.at[dst_v.at[last[k]]], ss).wait()

    pipe(PH)
    load_idx(PH, PH)
    pipe(PH)
    load_idx(2 * PH, NCH - 2 * PH)
    pipe(NCH - 2 * PH)
    plsc.subcore_barrier()
    for k in range(NPC):
        q = s * NPC + k
        buf, gs = (rows_v, gsa) if k % 2 == 0 else (rows2_v, gsb)
        if k >= 2:
            p = s * NPC + k - 2
            pltpu.make_async_copy(buf, out_hbm.at[c, pl.ds(p * CH, CH)], gs).wait()
        pltpu.sync_copy(acc_sh.at[pl.ds(q * CH, CH)], buf)
        pltpu.async_copy(buf, out_hbm.at[c, pl.ds(q * CH, CH)], gs)
    for k in (NPC - 2, NPC - 1):
        q = s * NPC + k
        buf, gs = (rows_v, gsa) if k % 2 == 0 else (rows2_v, gsb)
        pltpu.make_async_copy(buf, out_hbm.at[c, pl.ds(q * CH, CH)], gs).wait()


def _dinv_from(degp_ref):
    deg = degp_ref[0] + degp_ref[1] + 1.0
    return jnp.where(deg > 0, lax.rsqrt(deg), 0.0)


def _tc1_body(degp_ref, x_ref, w_ref, o_ref):
    dinv = _dinv_from(degp_ref)
    o_ref[...] = dinv * jnp.dot(x_ref[...], w_ref[...],
                                preferred_element_type=jnp.float32)


_tc1 = pl.pallas_call(
    _tc1_body,
    grid=(N // BR,),
    in_specs=[
        pl.BlockSpec((2, BR, 1), lambda i: (0, i, 0)),
        pl.BlockSpec((BR, D), lambda i: (i, 0)),
        pl.BlockSpec((D, D), lambda i: (0, 0)),
    ],
    out_specs=pl.BlockSpec((BR, D), lambda i: (i, 0)),
    out_shape=jax.ShapeDtypeStruct((N, D), jnp.float32),
)


def _tc2_body(degp_ref, s_ref, y1_ref, b1_ref, w2_ref, o_ref):
    dinv = _dinv_from(degp_ref)
    sv = s_ref[...]
    h = jnp.maximum(dinv * (sv[0] + sv[1] + y1_ref[...]) + b1_ref[...], 0.0)
    o_ref[...] = dinv * jnp.dot(h, w2_ref[...],
                                preferred_element_type=jnp.float32)


_tc2 = pl.pallas_call(
    _tc2_body,
    grid=(N // BR,),
    in_specs=[
        pl.BlockSpec((2, BR, 1), lambda i: (0, i, 0)),
        pl.BlockSpec((2, BR, D), lambda i: (0, i, 0)),
        pl.BlockSpec((BR, D), lambda i: (i, 0)),
        pl.BlockSpec((1, D), lambda i: (0, 0)),
        pl.BlockSpec((D, D), lambda i: (0, 0)),
    ],
    out_specs=pl.BlockSpec((BR, D), lambda i: (i, 0)),
    out_shape=jax.ShapeDtypeStruct((N, D), jnp.float32),
)


def _tc3_body(degp_ref, s_ref, y2_ref, b2_ref, o_ref):
    dinv = _dinv_from(degp_ref)
    sv = s_ref[...]
    o_ref[...] = dinv * (sv[0] + sv[1] + y2_ref[...]) + b2_ref[...]


_tc3 = pl.pallas_call(
    _tc3_body,
    grid=(N // BR,),
    in_specs=[
        pl.BlockSpec((2, BR, 1), lambda i: (0, i, 0)),
        pl.BlockSpec((2, BR, D), lambda i: (0, i, 0)),
        pl.BlockSpec((BR, D), lambda i: (i, 0)),
        pl.BlockSpec((1, D), lambda i: (0, 0)),
    ],
    out_specs=pl.BlockSpec((BR, D), lambda i: (i, 0)),
    out_shape=jax.ShapeDtypeStruct((N, D), jnp.float32),
)


def kernel(x, edge_index, W1, b1, W2, b2):
    ei = edge_index.astype(jnp.int32)
    src3 = ei[0].reshape(NW, NCH, CH)
    dst3 = ei[1].reshape(NW, NCH, CH)
    ones128 = jnp.ones((CH, D), jnp.float32)
    z128 = jnp.zeros((CH, D), jnp.float32)

    degp = _deg_kernel(dst3, ones128, z128)
    degc = degp[:, :N, 0:1]
    y1 = _tc1(degc, x, W1)
    s1 = _agg_kernel(y1, src3, dst3, z128)
    y2 = _tc2(degc, s1[:, :N], y1, b1.reshape(1, D), W2)
    s2 = _agg_kernel(y2, src3, dst3, z128)
    out = _tc3(degc, s2[:, :N], y2, b2.reshape(1, D))
    return out

# --- scband reference (transcript-rebuilt; emitter-appended) ---
"""Pipeline reference for scband-gcn-4148938408753 (READ-ONLY COPY).

The authoritative reference and input builder live on the scoring server;
editing this copy changes nothing except your own understanding.
"""

import jax, jax.numpy as jnp
import numpy as np

N = 10000
E = 320000
D_IN = 128
D_H = 128
D_OUT = 128


def setup_inputs(seed: int = 0) -> dict:
    key = jax.random.key(seed)
    k1, k2, k3, k4, k5, k6 = jax.random.split(key, 6)
    x = jax.random.normal(k1, (N, D_IN), dtype=jnp.float32)
    edge_index = jax.random.randint(k2, (2, E), 0, N)
    W1 = jax.random.normal(k3, (D_IN, D_H), dtype=jnp.float32) * (1.0 / np.sqrt(D_IN))
    b1 = jnp.zeros((D_H,), dtype=jnp.float32)
    W2 = jax.random.normal(k4, (D_H, D_OUT), dtype=jnp.float32) * (1.0 / np.sqrt(D_H))
    b2 = jnp.zeros((D_OUT,), dtype=jnp.float32)
    return {"x": x, "edge_index": edge_index, "W1": W1, "b1": b1, "W2": W2, "b2": b2}


def _gcn_conv(x, edge_index, W, b):
    n = x.shape[0]
    loop = jnp.arange(n, dtype=edge_index.dtype)
    src = jnp.concatenate([edge_index[0], loop])
    dst = jnp.concatenate([edge_index[1], loop])
    ones = jnp.ones(src.shape[0], dtype=x.dtype)
    deg = jax.ops.segment_sum(ones, dst, num_segments=n)
    dinv = jnp.where(deg > 0, jax.lax.rsqrt(deg), 0.0)
    norm = dinv[src] * dinv[dst]
    xw = x @ W
    msg = jnp.take(xw, src, axis=0) * norm[:, None]
    out = jax.ops.segment_sum(msg, dst, num_segments=n)
    return out + b


def reference(x, edge_index, W1, b1, W2, b2):
    h = _gcn_conv(x, edge_index, W1, b1)
    h = jax.nn.relu(h)
    out = _gcn_conv(h, edge_index, W2, b2)
    return out

if __name__ == "__main__":
    import jax
    _d = setup_inputs()
    print(jax.jit(kernel)(*tuple(_d.values())))

</pallas_src>

<mosaic_0001>
#map = affine_map<(d0, d1) -> (0, 0)>
#map1 = affine_map<(d0, d1) -> (0, 0, 0)>
module attributes {stable_mosaic.version = 14 : i64} {
  func.func @_agg_kernel(%arg0: i32, %arg1: i32, %arg2: memref<10000x128xf32, #tpu.memory_space<hbm>>, %arg3: memref<32x125x80xi32, #tpu.memory_space<hbm>>, %arg4: memref<32x125x80xi32, #tpu.memory_space<hbm>>, %arg5: memref<80x128xf32, #tpu.memory_space<hbm>>, %arg6: memref<2x10240x128xf32, #tpu.memory_space<hbm>>, %arg7: memref<48x80xi32, #tpu.memory_space<vmem>>, %arg8: memref<48x80xi32, #tpu.memory_space<vmem>>, %arg9: memref<80x128xf32, #tpu.memory_space<vmem>>, %arg10: memref<80x128xf32, #tpu.memory_space<vmem>>, %arg11: memref<80x128xf32, #tpu.memory_space<vmem>>, %arg12: memref<10240x128xf32, #tpu.memory_space<vmem_shared>>, %arg13: memref<!tpu.dma_semaphore, #tpu.memory_space<semaphore_mem>>, %arg14: memref<!tpu.dma_semaphore, #tpu.memory_space<semaphore_mem>>, %arg15: memref<!tpu.dma_semaphore, #tpu.memory_space<semaphore_mem>>, %arg16: memref<!tpu.dma_semaphore, #tpu.memory_space<semaphore_mem>>, %arg17: memref<!tpu.dma_semaphore, #tpu.memory_space<semaphore_mem>>, %arg18: memref<!tpu.dma_semaphore, #tpu.memory_space<semaphore_mem>>) attributes {dimension_semantics = [#tpu.dimension_semantics<core_parallel>, #tpu.dimension_semantics<subcore_parallel>], iteration_bounds = array<i64: 2, 16>, scalar_prefetch = 0 : i64, scratch_operands = 12 : i64, tpu.core_type = #tpu.core_type<sc_vector_subcore>, window_params = [{transform_indices = #map}, {transform_indices = #map1}, {transform_indices = #map1}, {transform_indices = #map}, {transform_indices = #map1}]} {
    %mul3A = arith.constant 2 : i32
    %mul3A_0 = arith.muli %arg1, %mul3A : i32
    %add3A = arith.addi %mul3A_0, %arg0 : i32
    "tpu.region"() ({
      %run_scoped3A = tpu.sem_alloc : memref<!tpu.dma_semaphore, #tpu.memory_space<semaphore_mem>>
      %dma_start3A_704 = arith.constant 0 : i32
      %dma_start3A_705 = arith.constant 0 : i32
      %dma_start3A_706 = tpu.memref_slice %arg7[%dma_start3A_704, %dma_start3A_705] : memref<48x80xi32, #tpu.memory_space<vmem>> -> memref<48x80xi32, #tpu.memory_space<vmem>>
      %dma_start3A_707 = arith.constant 0 : i32
      %dma_start3A_708 = arith.constant 0 : i32
      %dma_start3A_709 = tpu.memref_slice %arg3[%add3A, %dma_start3A_707, %dma_start3A_708] : memref<32x125x80xi32, #tpu.memory_space<hbm>> -> memref<1x48x80xi32, #tpu.memory_space<hbm>>
      %dma_start3A_710 = tpu.memref_squeeze %dma_start3A_709 : memref<1x48x80xi32, #tpu.memory_space<hbm>> -> memref<48x80xi32, #tpu.memory_space<hbm>>
      %dma_start3A_711 = arith.constant 0 : i32
      %dma_start3A_712 = arith.constant 0 : i32
      %dma_start3A_713 = tpu.memref_slice %arg7[%dma_start3A_711, %dma_start3A_712] : memref<48x80xi32, #tpu.memory_space<vmem>> -> memref<48x80xi32, #tpu.memory_space<vmem>>
      %dma_start3A_714 = arith.constant 0 : i32
      %dma_start3A_715 = arith.constant 0 : i32
      %dma_start3A_716 = tpu.memref_slice %arg3[%add3A, %dma_start3A_714, %dma_start3A_715] : memref<32x125x80xi32, #tpu.memory_space<hbm>> -> memref<1x48x80xi32, #tpu.memory_space<hbm>>
      %dma_start3A_717 = tpu.memref_squeeze %dma_start3A_716 : memref<1x48x80xi32, #tpu.memory_space<hbm>> -> memref<48x80xi32, #tpu.memory_space<hbm>>
      tpu.enqueue_dma source(%dma_start3A_717 : memref<48x80xi32, #tpu.memory_space<hbm>>) target(%dma_start3A_713 : memref<48x80xi32, #tpu.memory_space<vmem>>) target_semaphore(%run_scoped3A : memref<!tpu.dma_semaphore, #tpu.memory_space<semaphore_mem>>)
      %dma_wait3A_718 = arith.constant 0 : i32
      %dma_wait3A_719 = arith.constant 0 : i32
      %dma_wait3A_720 = tpu.memref_slice %arg7[%dma_wait3A_718, %dma_wait3A_719] : memref<48x80xi32, #tpu.memory_space<vmem>> -> memref<48x80xi32, #tpu.memory_space<vmem>>
      %dma_wait3A_721 = arith.constant 0 : i32
      %dma_wait3A_722 = arith.constant 0 : i32
      %dma_wait3A_723 = tpu.memref_slice %arg3[%add3A, %dma_wait3A_721, %dma_wait3A_722] : memref<32x125x80xi32, #tpu.memory_space<hbm>> -> memref<1x48x80xi32, #tpu.memory_space<hbm>>
      %dma_wait3A_724 = tpu.memref_squeeze %dma_wait3A_723 : memref<1x48x80xi32, #tpu.memory_space<hbm>> -> memref<48x80xi32, #tpu.memory_space<hbm>>
      %dma_wait3A_725 = arith.constant 0 : i32
      %dma_wait3A_726 = arith.constant 0 : i32
      %dma_wait3A_727 = tpu.memref_slice %arg7[%dma_wait3A_725, %dma_wait3A_726] : memref<48x80xi32, #tpu.memory_space<vmem>> -> memref<48x80xi32, #tpu.memory_space<vmem>>
      %dma_wait3A_728 = arith.constant 0 : i32
      %dma_wait3A_729 = arith.constant 0 : i32
      %dma_wait3A_730 = tpu.memref_slice %arg3[%add3A, %dma_wait3A_728, %dma_wait3A_729] : memref<32x125x80xi32, #tpu.memory_space<hbm>> -> memref<1x48x80xi32, #tpu.memory_space<hbm>>
      %dma_wait3A_731 = tpu.memref_squeeze %dma_wait3A_730 : memref<1x48x80xi32, #tpu.memory_space<hbm>> -> memref<48x80xi32, #tpu.memory_space<hbm>>
      tpu.wait_dma2 semaphore(%run_scoped3A : memref<!tpu.dma_semaphore, #tpu.memory_space<semaphore_mem>>) src(%dma_wait3A_731 : memref<48x80xi32, #tpu.memory_space<hbm>>) dst(%dma_wait3A_727 : memref<48x80xi32, #tpu.memory_space<vmem>>)
      tpu.yield
    }) : () -> ()
    "tpu.region"() ({
      %run_scoped3A = tpu.sem_alloc : memref<!tpu.dma_semaphore, #tpu.memory_space<semaphore_mem>>
      %dma_start3A_704 = arith.constant 0 : i32
      %dma_start3A_705 = arith.constant 0 : i32
      %dma_start3A_706 = tpu.memref_slice %arg8[%dma_start3A_704, %dma_start3A_705] : memref<48x80xi32, #tpu.memory_space<vmem>> -> memref<48x80xi32, #tpu.memory_space<vmem>>
      %dma_start3A_707 = arith.constant 0 : i32
      %dma_start3A_708 = arith.constant 0 : i32
      %dma_start3A_709 = tpu.memref_slice %arg4[%add3A, %dma_start3A_707, %dma_start3A_708] : memref<32x125x80xi32, #tpu.memory_space<hbm>> -> memref<1x48x80xi32, #tpu.memory_space<hbm>>
      %dma_start3A_710 = tpu.memref_squeeze %dma_start3A_709 : memref<1x48x80xi32, #tpu.memory_space<hbm>> -> memref<48x80xi32, #tpu.memory_space<hbm>>
      %dma_start3A_711 = arith.constant 0 : i32
      %dma_start3A_712 = arith.constant 0 : i32
      %dma_start3A_713 = tpu.memref_slice %arg8[%dma_start3A_711, %dma_start3A_712] : memref<48x80xi32, #tpu.memory_space<vmem>> -> memref<48x80xi32, #tpu.memory_space<vmem>>
      %dma_start3A_714 = arith.constant 0 : i32
      %dma_start3A_715 = arith.constant 0 : i32
      %dma_start3A_716 = tpu.memref_slice %arg4[%add3A, %dma_start3A_714, %dma_start3A_715] : memref<32x125x80xi32, #tpu.memory_space<hbm>> -> memref<1x48x80xi32, #tpu.memory_space<hbm>>
      %dma_start3A_717 = tpu.memref_squeeze %dma_start3A_716 : memref<1x48x80xi32, #tpu.memory_space<hbm>> -> memref<48x80xi32, #tpu.memory_space<hbm>>
      tpu.enqueue_dma source(%dma_start3A_717 : memref<48x80xi32, #tpu.memory_space<hbm>>) target(%dma_start3A_713 : memref<48x80xi32, #tpu.memory_space<vmem>>) target_semaphore(%run_scoped3A : memref<!tpu.dma_semaphore, #tpu.memory_space<semaphore_mem>>)
      %dma_wait3A_718 = arith.constant 0 : i32
      %dma_wait3A_719 = arith.constant 0 : i32
      %dma_wait3A_720 = tpu.memref_slice %arg8[%dma_wait3A_718, %dma_wait3A_719] : memref<48x80xi32, #tpu.memory_space<vmem>> -> memref<48x80xi32, #tpu.memory_space<vmem>>
      %dma_wait3A_721 = arith.constant 0 : i32
      %dma_wait3A_722 = arith.constant 0 : i32
      %dma_wait3A_723 = tpu.memref_slice %arg4[%add3A, %dma_wait3A_721, %dma_wait3A_722] : memref<32x125x80xi32, #tpu.memory_space<hbm>> -> memref<1x48x80xi32, #tpu.memory_space<hbm>>
      %dma_wait3A_724 = tpu.memref_squeeze %dma_wait3A_723 : memref<1x48x80xi32, #tpu.memory_space<hbm>> -> memref<48x80xi32, #tpu.memory_space<hbm>>
      %dma_wait3A_725 = arith.constant 0 : i32
      %dma_wait3A_726 = arith.constant 0 : i32
      %dma_wait3A_727 = tpu.memref_slice %arg8[%dma_wait3A_725, %dma_wait3A_726] : memref<48x80xi32, #tpu.memory_space<vmem>> -> memref<48x80xi32, #tpu.memory_space<vmem>>
      %dma_wait3A_728 = arith.constant 0 : i32
      %dma_wait3A_729 = arith.constant 0 : i32
      %dma_wait3A_730 = tpu.memref_slice %arg4[%add3A, %dma_wait3A_728, %dma_wait3A_729] : memref<32x125x80xi32, #tpu.memory_space<hbm>> -> memref<1x48x80xi32, #tpu.memory_space<hbm>>
      %dma_wait3A_731 = tpu.memref_squeeze %dma_wait3A_730 : memref<1x48x80xi32, #tpu.memory_space<hbm>> -> memref<48x80xi32, #tpu.memory_space<hbm>>
      tpu.wait_dma2 semaphore(%run_scoped3A : memref<!tpu.dma_semaphore, #tpu.memory_space<semaphore_mem>>) src(%dma_wait3A_731 : memref<48x80xi32, #tpu.memory_space<hbm>>) dst(%dma_wait3A_727 : memref<48x80xi32, #tpu.memory_space<vmem>>)
      tpu.yield
    }) : () -> ()
    "tpu.region"() ({
      %run_scoped3A = tpu.sem_alloc : memref<!tpu.dma_semaphore, #tpu.memory_space<semaphore_mem>>
      tpu.enqueue_dma source(%arg5 : memref<80x128xf32, #tpu.memory_space<hbm>>) target(%arg9 : memref<80x128xf32, #tpu.memory_space<vmem>>) target_semaphore(%run_scoped3A : memref<!tpu.dma_semaphore, #tpu.memory_space<semaphore_mem>>)
      tpu.wait_dma2 semaphore(%run_scoped3A : memref<!tpu.dma_semaphore, #tpu.memory_space<semaphore_mem>>) src(%arg5 : memref<80x128xf32, #tpu.memory_space<hbm>>) dst(%arg9 : memref<80x128xf32, #tpu.memory_space<vmem>>)
      tpu.yield
    }) : () -> ()
    %mul3A_1 = arith.constant 8 : i32
    %mul3A_2 = arith.muli %arg1, %mul3A_1 : i32
    %add3A_3 = arith.constant 0 : i32
    %add3A_4 = arith.addi %mul3A_2, %add3A_3 : i32
    %mul3A_5 = arith.constant 80 : i32
    %mul3A_6 = arith.muli %add3A_4, %mul3A_5 : i32
    %dma_start3A = arith.constant 0 : i32
    %dma_start3A_7 = tpu.memref_slice %arg12[%mul3A_6, %dma_start3A] : memref<10240x128xf32, #tpu.memory_space<vmem_shared>> -> memref<80x128xf32, #tpu.memory_space<vmem_shared>>
    %dma_start3A_8 = arith.constant 0 : i32
    %dma_start3A_9 = tpu.memref_slice %arg12[%mul3A_6, %dma_start3A_8] : memref<10240x128xf32, #tpu.memory_space<vmem_shared>> -> memref<80x128xf32, #tpu.memory_space<vmem_shared>>
    tpu.enqueue_dma source(%arg9 : memref<80x128xf32, #tpu.memory_space<vmem>>) target(%dma_start3A_9 : memref<80x128xf32, #tpu.memory_space<vmem_shared>>) target_semaphore(%arg16 : memref<!tpu.dma_semaphore, #tpu.memory_space<semaphore_mem>>)
    %mul3A_10 = arith.constant 8 : i32
    %mul3A_11 = arith.muli %arg1, %mul3A_10 : i32
    %add3A_12 = arith.constant 1 : i32
    %add3A_13 = arith.addi %mul3A_11, %add3A_12 : i32
    %mul3A_14 = arith.constant 80 : i32
    %mul3A_15 = arith.muli %add3A_13, %mul3A_14 : i32
    %dma_start3A_16 = arith.constant 0 : i32
    %dma_start3A_17 = tpu.memref_slice %arg12[%mul3A_15, %dma_start3A_16] : memref<10240x128xf32, #tpu.memory_space<vmem_shared>> -> memref<80x128xf32, #tpu.memory_space<vmem_shared>>
    %dma_start3A_18 = arith.constant 0 : i32
    %dma_start3A_19 = tpu.memref_slice %arg12[%mul3A_15, %dma_start3A_18] : memref<10240x128xf32, #tpu.memory_space<vmem_shared>> -> memref<80x128xf32, #tpu.memory_space<vmem_shared>>
    tpu.enqueue_dma source(%arg9 : memref<80x128xf32, #tpu.memory_space<vmem>>) target(%dma_start3A_19 : memref<80x128xf32, #tpu.memory_space<vmem_shared>>) target_semaphore(%arg16 : memref<!tpu.dma_semaphore, #tpu.memory_space<semaphore_mem>>)
    %mul3A_20 = arith.constant 8 : i32
    %mul3A_21 = arith.muli %arg1, %mul3A_20 : i32
    %add3A_22 = arith.constant 2 : i32
    %add3A_23 = arith.addi %mul3A_21, %add3A_22 : i32
    %mul3A_24 = arith.constant 80 : i32
    %mul3A_25 = arith.muli %add3A_23, %mul3A_24 : i32
    %dma_start3A_26 = arith.constant 0 : i32
    %dma_start3A_27 = tpu.memref_slice %arg12[%mul3A_25, %dma_start3A_26] : memref<10240x128xf32, #tpu.memory_space<vmem_shared>> -> memref<80x128xf32, #tpu.memory_space<vmem_shared>>
    %dma_start3A_28 = arith.constant 0 : i32
    %dma_start3A_29 = tpu.memref_slice %arg12[%mul3A_25, %dma_start3A_28] : memref<10240x128xf32, #tpu.memory_space<vmem_shared>> -> memref<80x128xf32, #tpu.memory_space<vmem_shared>>
    tpu.enqueue_dma source(%arg9 : memref<80x128xf32, #tpu.memory_space<vmem>>) target(%dma_start3A_29 : memref<80x128xf32, #tpu.memory_space<vmem_shared>>) target_semaphore(%arg16 : memref<!tpu.dma_semaphore, #tpu.memory_space<semaphore_mem>>)
    %mul3A_30 = arith.constant 8 : i32
    %mul3A_31 = arith.muli %arg1, %mul3A_30 : i32
    %add3A_32 = arith.constant 3 : i32
    %add3A_33 = arith.addi %mul3A_31, %add3A_32 : i32
    %mul3A_34 = arith.constant 80 : i32
    %mul3A_35 = arith.muli %add3A_33, %mul3A_34 : i32
    %dma_start3A_36 = arith.constant 0 : i32
    %dma_start3A_37 = tpu.memref_slice %arg12[%mul3A_35, %dma_start3A_36] : memref<10240x128xf32, #tpu.memory_space<vmem_shared>> -> memref<80x128xf32, #tpu.memory_space<vmem_shared>>
    %dma_start3A_38 = arith.constant 0 : i32
    %dma_start3A_39 = tpu.memref_slice %arg12[%mul3A_35, %dma_start3A_38] : memref<10240x128xf32, #tpu.memory_space<vmem_shared>> -> memref<80x128xf32, #tpu.memory_space<vmem_shared>>
    tpu.enqueue_dma source(%arg9 : memref<80x128xf32, #tpu.memory_space<vmem>>) target(%dma_start3A_39 : memref<80x128xf32, #tpu.memory_space<vmem_shared>>) target_semaphore(%arg16 : memref<!tpu.dma_semaphore, #tpu.memory_space<semaphore_mem>>)
    %mul3A_40 = arith.constant 8 : i32
    %mul3A_41 = arith.muli %arg1, %mul3A_40 : i32
    %add3A_42 = arith.constant 4 : i32
    %add3A_43 = arith.addi %mul3A_41, %add3A_42 : i32
    %mul3A_44 = arith.constant 80 : i32
    %mul3A_45 = arith.muli %add3A_43, %mul3A_44 : i32
    %dma_start3A_46 = arith.constant 0 : i32
    %dma_start3A_47 = tpu.memref_slice %arg12[%mul3A_45, %dma_start3A_46] : memref<10240x128xf32, #tpu.memory_space<vmem_shared>> -> memref<80x128xf32, #tpu.memory_space<vmem_shared>>
    %dma_start3A_48 = arith.constant 0 : i32
    %dma_start3A_49 = tpu.memref_slice %arg12[%mul3A_45, %dma_start3A_48] : memref<10240x128xf32, #tpu.memory_space<vmem_shared>> -> memref<80x128xf32, #tpu.memory_space<vmem_shared>>
    tpu.enqueue_dma source(%arg9 : memref<80x128xf32, #tpu.memory_space<vmem>>) target(%dma_start3A_49 : memref<80x128xf32, #tpu.memory_space<vmem_shared>>) target_semaphore(%arg16 : memref<!tpu.dma_semaphore, #tpu.memory_space<semaphore_mem>>)
    %mul3A_50 = arith.constant 8 : i32
    %mul3A_51 = arith.muli %arg1, %mul3A_50 : i32
    %add3A_52 = arith.constant 5 : i32
    %add3A_53 = arith.addi %mul3A_51, %add3A_52 : i32
    %mul3A_54 = arith.constant 80 : i32
    %mul3A_55 = arith.muli %add3A_53, %mul3A_54 : i32
    %dma_start3A_56 = arith.constant 0 : i32
    %dma_start3A_57 = tpu.memref_slice %arg12[%mul3A_55, %dma_start3A_56] : memref<10240x128xf32, #tpu.memory_space<vmem_shared>> -> memref<80x128xf32, #tpu.memory_space<vmem_shared>>
    %dma_start3A_58 = arith.constant 0 : i32
    %dma_start3A_59 = tpu.memref_slice %arg12[%mul3A_55, %dma_start3A_58] : memref<10240x128xf32, #tpu.memory_space<vmem_shared>> -> memref<80x128xf32, #tpu.memory_space<vmem_shared>>
    tpu.enqueue_dma source(%arg9 : memref<80x128xf32, #tpu.memory_space<vmem>>) target(%dma_start3A_59 : memref<80x128xf32, #tpu.memory_space<vmem_shared>>) target_semaphore(%arg16 : memref<!tpu.dma_semaphore, #tpu.memory_space<semaphore_mem>>)
    %mul3A_60 = arith.constant 8 : i32
    %mul3A_61 = arith.muli %arg1, %mul3A_60 : i32
    %add3A_62 = arith.constant 6 : i32
    %add3A_63 = arith.addi %mul3A_61, %add3A_62 : i32
    %mul3A_64 = arith.constant 80 : i32
    %mul3A_65 = arith.muli %add3A_63, %mul3A_64 : i32
    %dma_start3A_66 = arith.constant 0 : i32
    %dma_start3A_67 = tpu.memref_slice %arg12[%mul3A_65, %dma_start3A_66] : memref<10240x128xf32, #tpu.memory_space<vmem_shared>> -> memref<80x128xf32, #tpu.memory_space<vmem_shared>>
    %dma_start3A_68 = arith.constant 0 : i32
    %dma_start3A_69 = tpu.memref_slice %arg12[%mul3A_65, %dma_start3A_68] : memref<10240x128xf32, #tpu.memory_space<vmem_shared>> -> memref<80x128xf32, #tpu.memory_space<vmem_shared>>
    tpu.enqueue_dma source(%arg9 : memref<80x128xf32, #tpu.memory_space<vmem>>) target(%dma_start3A_69 : memref<80x128xf32, #tpu.memory_space<vmem_shared>>) target_semaphore(%arg16 : memref<!tpu.dma_semaphore, #tpu.memory_space<semaphore_mem>>)
    %mul3A_70 = arith.constant 8 : i32
    %mul3A_71 = arith.muli %arg1, %mul3A_70 : i32
    %add3A_72 = arith.constant 7 : i32
    %add3A_73 = arith.addi %mul3A_71, %add3A_72 : i32
    %mul3A_74 = arith.constant 80 : i32
    %mul3A_75 = arith.muli %add3A_73, %mul3A_74 : i32
    %dma_start3A_76 = arith.constant 0 : i32
    %dma_start3A_77 = tpu.memref_slice %arg12[%mul3A_75, %dma_start3A_76] : memref<10240x128xf32, #tpu.memory_space<vmem_shared>> -> memref<80x128xf32, #tpu.memory_space<vmem_shared>>
    %dma_start3A_78 = arith.constant 0 : i32
    %dma_start3A_79 = tpu.memref_slice %arg12[%mul3A_75, %dma_start3A_78] : memref<10240x128xf32, #tpu.memory_space<vmem_shared>> -> memref<80x128xf32, #tpu.memory_space<vmem_shared>>
    tpu.enqueue_dma source(%arg9 : memref<80x128xf32, #tpu.memory_space<vmem>>) target(%dma_start3A_79 : memref<80x128xf32, #tpu.memory_space<vmem_shared>>) target_semaphore(%arg16 : memref<!tpu.dma_semaphore, #tpu.memory_space<semaphore_mem>>)
    %mul3A_80 = arith.constant 8 : i32
    %mul3A_81 = arith.muli %arg1, %mul3A_80 : i32
    %add3A_82 = arith.constant 0 : i32
    %add3A_83 = arith.addi %mul3A_81, %add3A_82 : i32
    %mul3A_84 = arith.constant 80 : i32
    %mul3A_85 = arith.muli %add3A_83, %mul3A_84 : i32
    %dma_wait3A = arith.constant 0 : i32
    %dma_wait3A_86 = tpu.memref_slice %arg12[%mul3A_85, %dma_wait3A] : memref<10240x128xf32, #tpu.memory_space<vmem_shared>> -> memref<80x128xf32, #tpu.memory_space<vmem_shared>>
    %dma_wait3A_87 = arith.constant 0 : i32
    %dma_wait3A_88 = tpu.memref_slice %arg12[%mul3A_85, %dma_wait3A_87] : memref<10240x128xf32, #tpu.memory_space<vmem_shared>> -> memref<80x128xf32, #tpu.memory_space<vmem_shared>>
    tpu.wait_dma2 semaphore(%arg16 : memref<!tpu.dma_semaphore, #tpu.memory_space<semaphore_mem>>) src(%arg9 : memref<80x128xf32, #tpu.memory_space<vmem>>) dst(%dma_wait3A_88 : memref<80x128xf32, #tpu.memory_space<vmem_shared>>)
    %mul3A_89 = arith.constant 8 : i32
    %mul3A_90 = arith.muli %arg1, %mul3A_89 : i32
    %add3A_91 = arith.constant 1 : i32
    %add3A_92 = arith.addi %mul3A_90, %add3A_91 : i32
    %mul3A_93 = arith.constant 80 : i32
    %mul3A_94 = arith.muli %add3A_92, %mul3A_93 : i32
    %dma_wait3A_95 = arith.constant 0 : i32
    %dma_wait3A_96 = tpu.memref_slice %arg12[%mul3A_94, %dma_wait3A_95] : memref<10240x128xf32, #tpu.memory_space<vmem_shared>> -> memref<80x128xf32, #tpu.memory_space<vmem_shared>>
    %dma_wait3A_97 = arith.constant 0 : i32
    %dma_wait3A_98 = tpu.memref_slice %arg12[%mul3A_94, %dma_wait3A_97] : memref<10240x128xf32, #tpu.memory_space<vmem_shared>> -> memref<80x128xf32, #tpu.memory_space<vmem_shared>>
    tpu.wait_dma2 semaphore(%arg16 : memref<!tpu.dma_semaphore, #tpu.memory_space<semaphore_mem>>) src(%arg9 : memref<80x128xf32, #tpu.memory_space<vmem>>) dst(%dma_wait3A_98 : memref<80x128xf32, #tpu.memory_space<vmem_shared>>)
    %mul3A_99 = arith.constant 8 : i32
    %mul3A_100 = arith.muli %arg1, %mul3A_99 : i32
    %add3A_101 = arith.constant 2 : i32
    %add3A_102 = arith.addi %mul3A_100, %add3A_101 : i32
    %mul3A_103 = arith.constant 80 : i32
    %mul3A_104 = arith.muli %add3A_102, %mul3A_103 : i32
    %dma_wait3A_105 = arith.constant 0 : i32
    %dma_wait3A_106 = tpu.memref_slice %arg12[%mul3A_104, %dma_wait3A_105] : memref<10240x128xf32, #tpu.memory_space<vmem_shared>> -> memref<80x128xf32, #tpu.memory_space<vmem_shared>>
    %dma_wait3A_107 = arith.constant 0 : i32
    %dma_wait3A_108 = tpu.memref_slice %arg12[%mul3A_104, %dma_wait3A_107] : memref<10240x128xf32, #tpu.memory_space<vmem_shared>> -> memref<80x128xf32, #tpu.memory_space<vmem_shared>>
    tpu.wait_dma2 semaphore(%arg16 : memref<!tpu.dma_semaphore, #tpu.memory_space<semaphore_mem>>) src(%arg9 : memref<80x128xf32, #tpu.memory_space<vmem>>) dst(%dma_wait3A_108 : memref<80x128xf32, #tpu.memory_space<vmem_shared>>)
    %mul3A_109 = arith.constant 8 : i32
    %mul3A_110 = arith.muli %arg1, %mul3A_109 : i32
    %add3A_111 = arith.constant 3 : i32
    %add3A_112 = arith.addi %mul3A_110, %add3A_111 : i32
    %mul3A_113 = arith.constant 80 : i32
    %mul3A_114 = arith.muli %add3A_112, %mul3A_113 : i32
    %dma_wait3A_115 = arith.constant 0 : i32
    %dma_wait3A_116 = tpu.memref_slice %arg12[%mul3A_114, %dma_wait3A_115] : memref<10240x128xf32, #tpu.memory_space<vmem_shared>> -> memref<80x128xf32, #tpu.memory_space<vmem_shared>>
    %dma_wait3A_117 = arith.constant 0 : i32
    %dma_wait3A_118 = tpu.memref_slice %arg12[%mul3A_114, %dma_wait3A_117] : memref<10240x128xf32, #tpu.memory_space<vmem_shared>> -> memref<80x128xf32, #tpu.memory_space<vmem_shared>>
    tpu.wait_dma2 semaphore(%arg16 : memref<!tpu.dma_semaphore, #tpu.memory_space<semaphore_mem>>) src(%arg9 : memref<80x128xf32, #tpu.memory_space<vmem>>) dst(%dma_wait3A_118 : memref<80x128xf32, #tpu.memory_space<vmem_shared>>)
    %mul3A_119 = arith.constant 8 : i32
    %mul3A_120 = arith.muli %arg1, %mul3A_119 : i32
    %add3A_121 = arith.constant 4 : i32
    %add3A_122 = arith.addi %mul3A_120, %add3A_121 : i32
    %mul3A_123 = arith.constant 80 : i32
    %mul3A_124 = arith.muli %add3A_122, %mul3A_123 : i32
    %dma_wait3A_125 = arith.constant 0 : i32
    %dma_wait3A_126 = tpu.memref_slice %arg12[%mul3A_124, %dma_wait3A_125] : memref<10240x128xf32, #tpu.memory_space<vmem_shared>> -> memref<80x128xf32, #tpu.memory_space<vmem_shared>>
    %dma_wait3A_127 = arith.constant 0 : i32
    %dma_wait3A_128 = tpu.memref_slice %arg12[%mul3A_124, %dma_wait3A_127] : memref<10240x128xf32, #tpu.memory_space<vmem_shared>> -> memref<80x128xf32, #tpu.memory_space<vmem_shared>>
    tpu.wait_dma2 semaphore(%arg16 : memref<!tpu.dma_semaphore, #tpu.memory_space<semaphore_mem>>) src(%arg9 : memref<80x128xf32, #tpu.memory_space<vmem>>) dst(%dma_wait3A_128 : memref<80x128xf32, #tpu.memory_space<vmem_shared>>)
    %mul3A_129 = arith.constant 8 : i32
    %mul3A_130 = arith.muli %arg1, %mul3A_129 : i32
    %add3A_131 = arith.constant 5 : i32
    %add3A_132 = arith.addi %mul3A_130, %add3A_131 : i32
    %mul3A_133 = arith.constant 80 : i32
    %mul3A_134 = arith.muli %add3A_132, %mul3A_133 : i32
    %dma_wait3A_135 = arith.constant 0 : i32
    %dma_wait3A_136 = tpu.memref_slice %arg12[%mul3A_134, %dma_wait3A_135] : memref<10240x128xf32, #tpu.memory_space<vmem_shared>> -> memref<80x128xf32, #tpu.memory_space<vmem_shared>>
    %dma_wait3A_137 = arith.constant 0 : i32
    %dma_wait3A_138 = tpu.memref_slice %arg12[%mul3A_134, %dma_wait3A_137] : memref<10240x128xf32, #tpu.memory_space<vmem_shared>> -> memref<80x128xf32, #tpu.memory_space<vmem_shared>>
    tpu.wait_dma2 semaphore(%arg16 : memref<!tpu.dma_semaphore, #tpu.memory_space<semaphore_mem>>) src(%arg9 : memref<80x128xf32, #tpu.memory_space<vmem>>) dst(%dma_wait3A_138 : memref<80x128xf32, #tpu.memory_space<vmem_shared>>)
    %mul3A_139 = arith.constant 8 : i32
    %mul3A_140 = arith.muli %arg1, %mul3A_139 : i32
    %add3A_141 = arith.constant 6 : i32
    %add3A_142 = arith.addi %mul3A_140, %add3A_141 : i32
    %mul3A_143 = arith.constant 80 : i32
    %mul3A_144 = arith.muli %add3A_142, %mul3A_143 : i32
    %dma_wait3A_145 = arith.constant 0 : i32
    %dma_wait3A_146 = tpu.memref_slice %arg12[%mul3A_144, %dma_wait3A_145] : memref<10240x128xf32, #tpu.memory_space<vmem_shared>> -> memref<80x128xf32, #tpu.memory_space<vmem_shared>>
    %dma_wait3A_147 = arith.constant 0 : i32
    %dma_wait3A_148 = tpu.memref_slice %arg12[%mul3A_144, %dma_wait3A_147] : memref<10240x128xf32, #tpu.memory_space<vmem_shared>> -> memref<80x128xf32, #tpu.memory_space<vmem_shared>>
    tpu.wait_dma2 semaphore(%arg16 : memref<!tpu.dma_semaphore, #tpu.memory_space<semaphore_mem>>) src(%arg9 : memref<80x128xf32, #tpu.memory_space<vmem>>) dst(%dma_wait3A_148 : memref<80x128xf32, #tpu.memory_space<vmem_shared>>)
    %mul3A_149 = arith.constant 8 : i32
    %mul3A_150 = arith.muli %arg1, %mul3A_149 : i32
    %add3A_151 = arith.constant 7 : i32
    %add3A_152 = arith.addi %mul3A_150, %add3A_151 : i32
    %mul3A_153 = arith.constant 80 : i32
    %mul3A_154 = arith.muli %add3A_152, %mul3A_153 : i32
    %dma_wait3A_155 = arith.constant 0 : i32
    %dma_wait3A_156 = tpu.memref_slice %arg12[%mul3A_154, %dma_wait3A_155] : memref<10240x128xf32, #tpu.memory_space<vmem_shared>> -> memref<80x128xf32, #tpu.memory_space<vmem_shared>>
    %dma_wait3A_157 = arith.constant 0 : i32
    %dma_wait3A_158 = tpu.memref_slice %arg12[%mul3A_154, %dma_wait3A_157] : memref<10240x128xf32, #tpu.memory_space<vmem_shared>> -> memref<80x128xf32, #tpu.memory_space<vmem_shared>>
    tpu.wait_dma2 semaphore(%arg16 : memref<!tpu.dma_semaphore, #tpu.memory_space<semaphore_mem>>) src(%arg9 : memref<80x128xf32, #tpu.memory_space<vmem>>) dst(%dma_wait3A_158 : memref<80x128xf32, #tpu.memory_space<vmem_shared>>)
    %barrier3A = arith.constant 0 : index
    tpu.barrier barrier_id(%barrier3A)
    %dma_start3A_159 = arith.constant 0 : i32
    %dma_start3A_160 = arith.constant 0 : i32
    %dma_start3A_161 = tpu.memref_slice %arg7[%dma_start3A_159, %dma_start3A_160] : memref<48x80xi32, #tpu.memory_space<vmem>> -> memref<1x80xi32, #tpu.memory_space<vmem>>
    %dma_start3A_162 = tpu.memref_squeeze %dma_start3A_161 : memref<1x80xi32, #tpu.memory_space<vmem>> -> memref<80xi32, #tpu.memory_space<vmem>>
    %dma_start3A_163 = arith.constant 0 : i32
    %dma_start3A_164 = arith.constant 0 : i32
    %dma_start3A_165 = tpu.memref_slice %arg2[%dma_start3A_163, %dma_start3A_164] : memref<10000x128xf32, #tpu.memory_space<hbm>> -> memref<10000x128xf32, #tpu.memory_space<hbm>>
    tpu.enqueue_indirect_dma source(%dma_start3A_165 : memref<10000x128xf32, #tpu.memory_space<hbm>>) target(%arg9 : memref<80x128xf32, #tpu.memory_space<vmem>>) offsets(%dma_start3A_162 : memref<80xi32, #tpu.memory_space<vmem>>) semaphore(%arg13 : memref<!tpu.dma_semaphore, #tpu.memory_space<semaphore_mem>>)
    %dma_start3A_166 = arith.constant 1 : i32
    %dma_start3A_167 = arith.constant 0 : i32
    %dma_start3A_168 = tpu.memref_slice %arg7[%dma_start3A_166, %dma_start3A_167] : memref<48x80xi32, #tpu.memory_space<vmem>> -> memref<1x80xi32, #tpu.memory_space<vmem>>
    %dma_start3A_169 = tpu.memref_squeeze %dma_start3A_168 : memref<1x80xi32, #tpu.memory_space<vmem>> -> memref<80xi32, #tpu.memory_space<vmem>>
    %dma_start3A_170 = arith.constant 0 : i32
    %dma_start3A_171 = arith.constant 0 : i32
    %dma_start3A_172 = tpu.memref_slice %arg2[%dma_start3A_170, %dma_start3A_171] : memref<10000x128xf32, #tpu.memory_space<hbm>> -> memref<10000x128xf32, #tpu.memory_space<hbm>>
    tpu.enqueue_indirect_dma source(%dma_start3A_172 : memref<10000x128xf32, #tpu.memory_space<hbm>>) target(%arg10 : memref<80x128xf32, #tpu.memory_space<vmem>>) offsets(%dma_start3A_169 : memref<80xi32, #tpu.memory_space<vmem>>) semaphore(%arg14 : memref<!tpu.dma_semaphore, #tpu.memory_space<semaphore_mem>>)
    %dma_start3A_173 = arith.constant 2 : i32
    %dma_start3A_174 = arith.constant 0 : i32
    %dma_start3A_175 = tpu.memref_slice %arg7[%dma_start3A_173, %dma_start3A_174] : memref<48x80xi32, #tpu.memory_space<vmem>> -> memref<1x80xi32, #tpu.memory_space<vmem>>
    %dma_start3A_176 = tpu.memref_squeeze %dma_start3A_175 : memref<1x80xi32, #tpu.memory_space<vmem>> -> memref<80xi32, #tpu.memory_space<vmem>>
    %dma_start3A_177 = arith.constant 0 : i32
    %dma_start3A_178 = arith.constant 0 : i32
    %dma_start3A_179 = tpu.memref_slice %arg2[%dma_start3A_177, %dma_start3A_178] : memref<10000x128xf32, #tpu.memory_space<hbm>> -> memref<10000x128xf32, #tpu.memory_space<hbm>>
    tpu.enqueue_indirect_dma source(%dma_start3A_179 : memref<10000x128xf32, #tpu.memory_space<hbm>>) target(%arg11 : memref<80x128xf32, #tpu.memory_space<vmem>>) offsets(%dma_start3A_176 : memref<80xi32, #tpu.memory_space<vmem>>) semaphore(%arg15 : memref<!tpu.dma_semaphore, #tpu.memory_space<semaphore_mem>>)
    %scan3A = arith.constant 0 : i32
    %scan3A_180 = arith.constant 0 : i32
    %scan3A_181 = arith.constant 15 : i32
    %scan3A_182 = arith.addi %scan3A_180, %scan3A_181 : i32
    %scan3A_183 = arith.constant 1 : i32
    scf.for %scan3A_704 = %scan3A_180 to %scan3A_182 step %scan3A_183  : i32 {
      %mul3A_705 = arith.constant 3 : i32
      %mul3A_706 = arith.muli %mul3A_705, %scan3A_704 : i32
      %add3A_707 = arith.constant 0 : i32
      %add3A_708 = arith.addi %mul3A_706, %add3A_707 : i32
      %dma_wait3A_709 = arith.constant 0 : i32
      %dma_wait3A_710 = tpu.memref_slice %arg7[%add3A_708, %dma_wait3A_709] : memref<48x80xi32, #tpu.memory_space<vmem>> -> memref<1x80xi32, #tpu.memory_space<vmem>>
      %dma_wait3A_711 = tpu.memref_squeeze %dma_wait3A_710 : memref<1x80xi32, #tpu.memory_space<vmem>> -> memref<80xi32, #tpu.memory_space<vmem>>
      %dma_wait3A_712 = arith.constant 0 : i32
      %dma_wait3A_713 = arith.constant 0 : i32
      %dma_wait3A_714 = tpu.memref_slice %arg2[%dma_wait3A_712, %dma_wait3A_713] : memref<10000x128xf32, #tpu.memory_space<hbm>> -> memref<10000x128xf32, #tpu.memory_space<hbm>>
      tpu.wait_indirect_dma semaphore(%arg13 : memref<!tpu.dma_semaphore, #tpu.memory_space<semaphore_mem>>) src(%dma_wait3A_714 : memref<10000x128xf32, #tpu.memory_space<hbm>>) dst(%arg9 : memref<80x128xf32, #tpu.memory_space<vmem>>)
      %dma_start3A_715 = arith.constant 0 : i32
      %dma_start3A_716 = tpu.memref_slice %arg8[%add3A_708, %dma_start3A_715] : memref<48x80xi32, #tpu.memory_space<vmem>> -> memref<1x80xi32, #tpu.memory_space<vmem>>
      %dma_start3A_717 = tpu.memref_squeeze %dma_start3A_716 : memref<1x80xi32, #tpu.memory_space<vmem>> -> memref<80xi32, #tpu.memory_space<vmem>>
      %dma_start3A_718 = arith.constant 0 : i32
      %dma_start3A_719 = arith.constant 0 : i32
      %dma_start3A_720 = tpu.memref_slice %arg12[%dma_start3A_718, %dma_start3A_719] : memref<10240x128xf32, #tpu.memory_space<vmem_shared>> -> memref<10240x128xf32, #tpu.memory_space<vmem_shared>>
      tpu.enqueue_indirect_dma source(%arg9 : memref<80x128xf32, #tpu.memory_space<vmem>>) target(%dma_start3A_720 : memref<10240x128xf32, #tpu.memory_space<vmem_shared>>) offsets(%dma_start3A_717 : memref<80xi32, #tpu.memory_space<vmem>>) semaphore(%arg16 : memref<!tpu.dma_semaphore, #tpu.memory_space<semaphore_mem>>) {add = true}
      %add3A_721 = arith.constant 1 : i32
      %add3A_722 = arith.addi %mul3A_706, %add3A_721 : i32
      %dma_wait3A_723 = arith.constant 0 : i32
      %dma_wait3A_724 = tpu.memref_slice %arg7[%add3A_722, %dma_wait3A_723] : memref<48x80xi32, #tpu.memory_space<vmem>> -> memref<1x80xi32, #tpu.memory_space<vmem>>
      %dma_wait3A_725 = tpu.memref_squeeze %dma_wait3A_724 : memref<1x80xi32, #tpu.memory_space<vmem>> -> memref<80xi32, #tpu.memory_space<vmem>>
      %dma_wait3A_726 = arith.constant 0 : i32
      %dma_wait3A_727 = arith.constant 0 : i32
      %dma_wait3A_728 = tpu.memref_slice %arg2[%dma_wait3A_726, %dma_wait3A_727] : memref<10000x128xf32, #tpu.memory_space<hbm>> -> memref<10000x128xf32, #tpu.memory_space<hbm>>
      tpu.wait_indirect_dma semaphore(%arg14 : memref<!tpu.dma_semaphore, #tpu.memory_space<semaphore_mem>>) src(%dma_wait3A_728 : memref<10000x128xf32, #tpu.memory_space<hbm>>) dst(%arg10 : memref<80x128xf32, #tpu.memory_space<vmem>>)
      %dma_start3A_729 = arith.constant 0 : i32
      %dma_start3A_730 = tpu.memref_slice %arg8[%add3A_722, %dma_start3A_729] : memref<48x80xi32, #tpu.memory_space<vmem>> -> memref<1x80xi32, #tpu.memory_space<vmem>>
      %dma_start3A_731 = tpu.memref_squeeze %dma_start3A_730 : memref<1x80xi32, #tpu.memory_space<vmem>> -> memref<80xi32, #tpu.memory_space<vmem>>
      %dma_start3A_732 = arith.constant 0 : i32
      %dma_start3A_733 = arith.constant 0 : i32
      %dma_start3A_734 = tpu.memref_slice %arg12[%dma_start3A_732, %dma_start3A_733] : memref<10240x128xf32, #tpu.memory_space<vmem_shared>> -> memref<10240x128xf32, #tpu.memory_space<vmem_shared>>
      tpu.enqueue_indirect_dma source(%arg10 : memref<80x128xf32, #tpu.memory_space<vmem>>) target(%dma_start3A_734 : memref<10240x128xf32, #tpu.memory_space<vmem_shared>>) offsets(%dma_start3A_731 : memref<80xi32, #tpu.memory_space<vmem>>) semaphore(%arg17 : memref<!tpu.dma_semaphore, #tpu.memory_space<semaphore_mem>>) {add = true}
      %add3A_735 = arith.constant 2 : i32
      %add3A_736 = arith.addi %mul3A_706, %add3A_735 : i32
      %dma_wait3A_737 = arith.constant 0 : i32
      %dma_wait3A_738 = tpu.memref_slice %arg7[%add3A_736, %dma_wait3A_737] : memref<48x80xi32, #tpu.memory_space<vmem>> -> memref<1x80xi32, #tpu.memory_space<vmem>>
      %dma_wait3A_739 = tpu.memref_squeeze %dma_wait3A_738 : memref<1x80xi32, #tpu.memory_space<vmem>> -> memref<80xi32, #tpu.memory_space<vmem>>
      %dma_wait3A_740 = arith.constant 0 : i32
      %dma_wait3A_741 = arith.constant 0 : i32
      %dma_wait3A_742 = tpu.memref_slice %arg2[%dma_wait3A_740, %dma_wait3A_741] : memref<10000x128xf32, #tpu.memory_space<hbm>> -> memref<10000x128xf32, #tpu.memory_space<hbm>>
      tpu.wait_indirect_dma semaphore(%arg15 : memref<!tpu.dma_semaphore, #tpu.memory_space<semaphore_mem>>) src(%dma_wait3A_742 : memref<10000x128xf32, #tpu.memory_space<hbm>>) dst(%arg11 : memref<80x128xf32, #tpu.memory_space<vmem>>)
      %dma_start3A_743 = arith.constant 0 : i32
      %dma_start3A_744 = tpu.memref_slice %arg8[%add3A_736, %dma_start3A_743] : memref<48x80xi32, #tpu.memory_space<vmem>> -> memref<1x80xi32, #tpu.memory_space<vmem>>
      %dma_start3A_745 = tpu.memref_squeeze %dma_start3A_744 : memref<1x80xi32, #tpu.memory_space<vmem>> -> memref<80xi32, #tpu.memory_space<vmem>>
      %dma_start3A_746 = arith.constant 0 : i32
      %dma_start3A_747 = arith.constant 0 : i32
      %dma_start3A_748 = tpu.memref_slice %arg12[%dma_start3A_746, %dma_start3A_747] : memref<10240x128xf32, #tpu.memory_space<vmem_shared>> -> memref<10240x128xf32, #tpu.memory_space<vmem_shared>>
      tpu.enqueue_indirect_dma source(%arg11 : memref<80x128xf32, #tpu.memory_space<vmem>>) target(%dma_start3A_748 : memref<10240x128xf32, #tpu.memory_space<vmem_shared>>) offsets(%dma_start3A_745 : memref<80xi32, #tpu.memory_space<vmem>>) semaphore(%arg18 : memref<!tpu.dma_semaphore, #tpu.memory_space<semaphore_mem>>) {add = true}
      %add3A_749 = arith.constant 0 : i32
      %add3A_750 = arith.addi %mul3A_706, %add3A_749 : i32
      %dma_wait3A_751 = arith.constant 0 : i32
      %dma_wait3A_752 = tpu.memref_slice %arg8[%add3A_750, %dma_wait3A_751] : memref<48x80xi32, #tpu.memory_space<vmem>> -> memref<1x80xi32, #tpu.memory_space<vmem>>
      %dma_wait3A_753 = tpu.memref_squeeze %dma_wait3A_752 : memref<1x80xi32, #tpu.memory_space<vmem>> -> memref<80xi32, #tpu.memory_space<vmem>>
      %dma_wait3A_754 = arith.constant 0 : i32
      %dma_wait3A_755 = arith.constant 0 : i32
      %dma_wait3A_756 = tpu.memref_slice %arg12[%dma_wait3A_754, %dma_wait3A_755] : memref<10240x128xf32, #tpu.memory_space<vmem_shared>> -> memref<10240x128xf32, #tpu.memory_space<vmem_shared>>
      tpu.wait_indirect_dma semaphore(%arg16 : memref<!tpu.dma_semaphore, #tpu.memory_space<semaphore_mem>>) src(%arg9 : memref<80x128xf32, #tpu.memory_space<vmem>>) dst(%dma_wait3A_756 : memref<10240x128xf32, #tpu.memory_space<vmem_shared>>)
      %add3A_757 = arith.constant 3 : i32
      %add3A_758 = arith.addi %add3A_750, %add3A_757 : i32
      %dma_start3A_759 = arith.constant 0 : i32
      %dma_start3A_760 = tpu.memref_slice %arg7[%add3A_758, %dma_start3A_759] : memref<48x80xi32, #tpu.memory_space<vmem>> -> memref<1x80xi32, #tpu.memory_space<vmem>>
      %dma_start3A_761 = tpu.memref_squeeze %dma_start3A_760 : memref<1x80xi32, #tpu.memory_space<vmem>> -> memref<80xi32, #tpu.memory_space<vmem>>
      %dma_start3A_762 = arith.constant 0 : i32
      %dma_start3A_763 = arith.constant 0 : i32
      %dma_start3A_764 = tpu.memref_slice %arg2[%dma_start3A_762, %dma_start3A_763] : memref<10000x128xf32, #tpu.memory_space<hbm>> -> memref<10000x128xf32, #tpu.memory_space<hbm>>
      tpu.enqueue_indirect_dma source(%dma_start3A_764 : memref<10000x128xf32, #tpu.memory_space<hbm>>) target(%arg9 : memref<80x128xf32, #tpu.memory_space<vmem>>) offsets(%dma_start3A_761 : memref<80xi32, #tpu.memory_space<vmem>>) semaphore(%arg13 : memref<!tpu.dma_semaphore, #tpu.memory_space<semaphore_mem>>)
      %add3A_765 = arith.constant 1 : i32
      %add3A_766 = arith.addi %mul3A_706, %add3A_765 : i32
      %dma_wait3A_767 = arith.constant 0 : i32
      %dma_wait3A_768 = tpu.memref_slice %arg8[%add3A_766, %dma_wait3A_767] : memref<48x80xi32, #tpu.memory_space<vmem>> -> memref<1x80xi32, #tpu.memory_space<vmem>>
      %dma_wait3A_769 = tpu.memref_squeeze %dma_wait3A_768 : memref<1x80xi32, #tpu.memory_space<vmem>> -> memref<80xi32, #tpu.memory_space<vmem>>
      %dma_wait3A_770 = arith.constant 0 : i32
      %dma_wait3A_771 = arith.constant 0 : i32
      %dma_wait3A_772 = tpu.memref_slice %arg12[%dma_wait3A_770, %dma_wait3A_771] : memref<10240x128xf32, #tpu.memory_space<vmem_shared>> -> memref<10240x128xf32, #tpu.memory_space<vmem_shared>>
      tpu.wait_indirect_dma semaphore(%arg17 : memref<!tpu.dma_semaphore, #tpu.memory_space<semaphore_mem>>) src(%arg10 : memref<80x128xf32, #tpu.memory_space<vmem>>) dst(%dma_wait3A_772 : memref<10240x128xf32, #tpu.memory_space<vmem_shared>>)
      %add3A_773 = arith.constant 3 : i32
      %add3A_774 = arith.addi %add3A_766, %add3A_773 : i32
      %dma_start3A_775 = arith.constant 0 : i32
      %dma_start3A_776 = tpu.memref_slice %arg7[%add3A_774, %dma_start3A_775] : memref<48x80xi32, #tpu.memory_space<vmem>> -> memref<1x80xi32, #tpu.memory_space<vmem>>
      %dma_start3A_777 = tpu.memref_squeeze %dma_start3A_776 : memref<1x80xi32, #tpu.memory_space<vmem>> -> memref<80xi32, #tpu.memory_space<vmem>>
      %dma_start3A_778 = arith.constant 0 : i32
      %dma_start3A_779 = arith.constant 0 : i32
      %dma_start3A_780 = tpu.memref_slice %arg2[%dma_start3A_778, %dma_start3A_779] : memref<10000x128xf32, #tpu.memory_space<hbm>> -> memref<10000x128xf32, #tpu.memory_space<hbm>>
      tpu.enqueue_indirect_dma source(%dma_start3A_780 : memref<10000x128xf32, #tpu.memory_space<hbm>>) target(%arg10 : memref<80x128xf32, #tpu.memory_space<vmem>>) offsets(%dma_start3A_777 : memref<80xi32, #tpu.memory_space<vmem>>) semaphore(%arg14 : memref<!tpu.dma_semaphore, #tpu.memory_space<semaphore_mem>>)
      %add3A_781 = arith.constant 2 : i32
      %add3A_782 = arith.addi %mul3A_706, %add3A_781 : i32
      %dma_wait3A_783 = arith.constant 0 : i32
      %dma_wait3A_784 = tpu.memref_slice %arg8[%add3A_782, %dma_wait3A_783] : memref<48x80xi32, #tpu.memory_space<vmem>> -> memref<1x80xi32, #tpu.memory_space<vmem>>
      %dma_wait3A_785 = tpu.memref_squeeze %dma_wait3A_784 : memref<1x80xi32, #tpu.memory_space<vmem>> -> memref<80xi32, #tpu.memory_space<vmem>>
      %dma_wait3A_786 = arith.constant 0 : i32
      %dma_wait3A_787 = arith.constant 0 : i32
      %dma_wait3A_788 = tpu.memref_slice %arg12[%dma_wait3A_786, %dma_wait3A_787] : memref<10240x128xf32, #tpu.memory_space<vmem_shared>> -> memref<10240x128xf32, #tpu.memory_space<vmem_shared>>
      tpu.wait_indirect_dma semaphore(%arg18 : memref<!tpu.dma_semaphore, #tpu.memory_space<semaphore_mem>>) src(%arg11 : memref<80x128xf32, #tpu.memory_space<vmem>>) dst(%dma_wait3A_788 : memref<10240x128xf32, #tpu.memory_space<vmem_shared>>)
      %add3A_789 = arith.constant 3 : i32
      %add3A_790 = arith.addi %add3A_782, %add3A_789 : i32
      %dma_start3A_791 = arith.constant 0 : i32
      %dma_start3A_792 = tpu.memref_slice %arg7[%add3A_790, %dma_start3A_791] : memref<48x80xi32, #tpu.memory_space<vmem>> -> memref<1x80xi32, #tpu.memory_space<vmem>>
      %dma_start3A_793 = tpu.memref_squeeze %dma_start3A_792 : memref<1x80xi32, #tpu.memory_space<vmem>> -> memref<80xi32, #tpu.memory_space<vmem>>
      %dma_start3A_794 = arith.constant 0 : i32
      %dma_start3A_795 = arith.constant 0 : i32
      %dma_start3A_796 = tpu.memref_slice %arg2[%dma_start3A_794, %dma_start3A_795] : memref<10000x128xf32, #tpu.memory_space<hbm>> -> memref<10000x128xf32, #tpu.memory_space<hbm>>
      tpu.enqueue_indirect_dma source(%dma_start3A_796 : memref<10000x128xf32, #tpu.memory_space<hbm>>) target(%arg11 : memref<80x128xf32, #tpu.memory_space<vmem>>) offsets(%dma_start3A_793 : memref<80xi32, #tpu.memory_space<vmem>>) semaphore(%arg15 : memref<!tpu.dma_semaphore, #tpu.memory_space<semaphore_mem>>)
    }
    %scan3A_184 = arith.constant 15 : i32
    %dma_wait3A_185 = arith.constant 45 : i32
    %dma_wait3A_186 = arith.constant 0 : i32
    %dma_wait3A_187 = tpu.memref_slice %arg7[%dma_wait3A_185, %dma_wait3A_186] : memref<48x80xi32, #tpu.memory_space<vmem>> -> memref<1x80xi32, #tpu.memory_space<vmem>>
    %dma_wait3A_188 = tpu.memref_squeeze %dma_wait3A_187 : memref<1x80xi32, #tpu.memory_space<vmem>> -> memref<80xi32, #tpu.memory_space<vmem>>
    %dma_wait3A_189 = arith.constant 0 : i32
    %dma_wait3A_190 = arith.constant 0 : i32
    %dma_wait3A_191 = tpu.memref_slice %arg2[%dma_wait3A_189, %dma_wait3A_190] : memref<10000x128xf32, #tpu.memory_space<hbm>> -> memref<10000x128xf32, #tpu.memory_space<hbm>>
    tpu.wait_indirect_dma semaphore(%arg13 : memref<!tpu.dma_semaphore, #tpu.memory_space<semaphore_mem>>) src(%dma_wait3A_191 : memref<10000x128xf32, #tpu.memory_space<hbm>>) dst(%arg9 : memref<80x128xf32, #tpu.memory_space<vmem>>)
    %dma_start3A_192 = arith.constant 45 : i32
    %dma_start3A_193 = arith.constant 0 : i32
    %dma_start3A_194 = tpu.memref_slice %arg8[%dma_start3A_192, %dma_start3A_193] : memref<48x80xi32, #tpu.memory_space<vmem>> -> memref<1x80xi32, #tpu.memory_space<vmem>>
    %dma_start3A_195 = tpu.memref_squeeze %dma_start3A_194 : memref<1x80xi32, #tpu.memory_space<vmem>> -> memref<80xi32, #tpu.memory_space<vmem>>
    %dma_start3A_196 = arith.constant 0 : i32
    %dma_start3A_197 = arith.constant 0 : i32
    %dma_start3A_198 = tpu.memref_slice %arg12[%dma_start3A_196, %dma_start3A_197] : memref<10240x128xf32, #tpu.memory_space<vmem_shared>> -> memref<10240x128xf32, #tpu.memory_space<vmem_shared>>
    tpu.enqueue_indirect_dma source(%arg9 : memref<80x128xf32, #tpu.memory_space<vmem>>) target(%dma_start3A_198 : memref<10240x128xf32, #tpu.memory_space<vmem_shared>>) offsets(%dma_start3A_195 : memref<80xi32, #tpu.memory_space<vmem>>) semaphore(%arg16 : memref<!tpu.dma_semaphore, #tpu.memory_space<semaphore_mem>>) {add = true}
    %dma_wait3A_199 = arith.constant 46 : i32
    %dma_wait3A_200 = arith.constant 0 : i32
    %dma_wait3A_201 = tpu.memref_slice %arg7[%dma_wait3A_199, %dma_wait3A_200] : memref<48x80xi32, #tpu.memory_space<vmem>> -> memref<1x80xi32, #tpu.memory_space<vmem>>
    %dma_wait3A_202 = tpu.memref_squeeze %dma_wait3A_201 : memref<1x80xi32, #tpu.memory_space<vmem>> -> memref<80xi32, #tpu.memory_space<vmem>>
    %dma_wait3A_203 = arith.constant 0 : i32
    %dma_wait3A_204 = arith.constant 0 : i32
    %dma_wait3A_205 = tpu.memref_slice %arg2[%dma_wait3A_203, %dma_wait3A_204] : memref<10000x128xf32, #tpu.memory_space<hbm>> -> memref<10000x128xf32, #tpu.memory_space<hbm>>
    tpu.wait_indirect_dma semaphore(%arg14 : memref<!tpu.dma_semaphore, #tpu.memory_space<semaphore_mem>>) src(%dma_wait3A_205 : memref<10000x128xf32, #tpu.memory_space<hbm>>) dst(%arg10 : memref<80x128xf32, #tpu.memory_space<vmem>>)
    %dma_start3A_206 = arith.constant 46 : i32
    %dma_start3A_207 = arith.constant 0 : i32
    %dma_start3A_208 = tpu.memref_slice %arg8[%dma_start3A_206, %dma_start3A_207] : memref<48x80xi32, #tpu.memory_space<vmem>> -> memref<1x80xi32, #tpu.memory_space<vmem>>
    %dma_start3A_209 = tpu.memref_squeeze %dma_start3A_208 : memref<1x80xi32, #tpu.memory_space<vmem>> -> memref<80xi32, #tpu.memory_space<vmem>>
    %dma_start3A_210 = arith.constant 0 : i32
    %dma_start3A_211 = arith.constant 0 : i32
    %dma_start3A_212 = tpu.memref_slice %arg12[%dma_start3A_210, %dma_start3A_211] : memref<10240x128xf32, #tpu.memory_space<vmem_shared>> -> memref<10240x128xf32, #tpu.memory_space<vmem_shared>>
    tpu.enqueue_indirect_dma source(%arg10 : memref<80x128xf32, #tpu.memory_space<vmem>>) target(%dma_start3A_212 : memref<10240x128xf32, #tpu.memory_space<vmem_shared>>) offsets(%dma_start3A_209 : memref<80xi32, #tpu.memory_space<vmem>>) semaphore(%arg17 : memref<!tpu.dma_semaphore, #tpu.memory_space<semaphore_mem>>) {add = true}
    %dma_wait3A_213 = arith.constant 47 : i32
    %dma_wait3A_214 = arith.constant 0 : i32
    %dma_wait3A_215 = tpu.memref_slice %arg7[%dma_wait3A_213, %dma_wait3A_214] : memref<48x80xi32, #tpu.memory_space<vmem>> -> memref<1x80xi32, #tpu.memory_space<vmem>>
    %dma_wait3A_216 = tpu.memref_squeeze %dma_wait3A_215 : memref<1x80xi32, #tpu.memory_space<vmem>> -> memref<80xi32, #tpu.memory_space<vmem>>
    %dma_wait3A_217 = arith.constant 0 : i32
    %dma_wait3A_218 = arith.constant 0 : i32
    %dma_wait3A_219 = tpu.memref_slice %arg2[%dma_wait3A_217, %dma_wait3A_218] : memref<10000x128xf32, #tpu.memory_space<hbm>> -> memref<10000x128xf32, #tpu.memory_space<hbm>>
    tpu.wait_indirect_dma semaphore(%arg15 : memref<!tpu.dma_semaphore, #tpu.memory_space<semaphore_mem>>) src(%dma_wait3A_219 : memref<10000x128xf32, #tpu.memory_space<hbm>>) dst(%arg11 : memref<80x128xf32, #tpu.memory_space<vmem>>)
    %dma_start3A_220 = arith.constant 47 : i32
    %dma_start3A_221 = arith.constant 0 : i32
    %dma_start3A_222 = tpu.memref_slice %arg8[%dma_start3A_220, %dma_start3A_221] : memref<48x80xi32, #tpu.memory_space<vmem>> -> memref<1x80xi32, #tpu.memory_space<vmem>>
    %dma_start3A_223 = tpu.memref_squeeze %dma_start3A_222 : memref<1x80xi32, #tpu.memory_space<vmem>> -> memref<80xi32, #tpu.memory_space<vmem>>
    %dma_start3A_224 = arith.constant 0 : i32
    %dma_start3A_225 = arith.constant 0 : i32
    %dma_start3A_226 = tpu.memref_slice %arg12[%dma_start3A_224, %dma_start3A_225] : memref<10240x128xf32, #tpu.memory_space<vmem_shared>> -> memref<10240x128xf32, #tpu.memory_space<vmem_shared>>
    tpu.enqueue_indirect_dma source(%arg11 : memref<80x128xf32, #tpu.memory_space<vmem>>) target(%dma_start3A_226 : memref<10240x128xf32, #tpu.memory_space<vmem_shared>>) offsets(%dma_start3A_223 : memref<80xi32, #tpu.memory_space<vmem>>) semaphore(%arg18 : memref<!tpu.dma_semaphore, #tpu.memory_space<semaphore_mem>>) {add = true}
    %dma_wait3A_227 = arith.constant 45 : i32
    %dma_wait3A_228 = arith.constant 0 : i32
    %dma_wait3A_229 = tpu.memref_slice %arg8[%dma_wait3A_227, %dma_wait3A_228] : memref<48x80xi32, #tpu.memory_space<vmem>> -> memref<1x80xi32, #tpu.memory_space<vmem>>
    %dma_wait3A_230 = tpu.memref_squeeze %dma_wait3A_229 : memref<1x80xi32, #tpu.memory_space<vmem>> -> memref<80xi32, #tpu.memory_space<vmem>>
    %dma_wait3A_231 = arith.constant 0 : i32
    %dma_wait3A_232 = arith.constant 0 : i32
    %dma_wait3A_233 = tpu.memref_slice %arg12[%dma_wait3A_231, %dma_wait3A_232] : memref<10240x128xf32, #tpu.memory_space<vmem_shared>> -> memref<10240x128xf32, #tpu.memory_space<vmem_shared>>
    tpu.wait_indirect_dma semaphore(%arg16 : memref<!tpu.dma_semaphore, #tpu.memory_space<semaphore_mem>>) src(%arg9 : memref<80x128xf32, #tpu.memory_space<vmem>>) dst(%dma_wait3A_233 : memref<10240x128xf32, #tpu.memory_space<vmem_shared>>)
    %dma_wait3A_234 = arith.constant 46 : i32
    %dma_wait3A_235 = arith.constant 0 : i32
    %dma_wait3A_236 = tpu.memref_slice %arg8[%dma_wait3A_234, %dma_wait3A_235] : memref<48x80xi32, #tpu.memory_space<vmem>> -> memref<1x80xi32, #tpu.memory_space<vmem>>
    %dma_wait3A_237 = tpu.memref_squeeze %dma_wait3A_236 : memref<1x80xi32, #tpu.memory_space<vmem>> -> memref<80xi32, #tpu.memory_space<vmem>>
    %dma_wait3A_238 = arith.constant 0 : i32
    %dma_wait3A_239 = arith.constant 0 : i32
    %dma_wait3A_240 = tpu.memref_slice %arg12[%dma_wait3A_238, %dma_wait3A_239] : memref<10240x128xf32, #tpu.memory_space<vmem_shared>> -> memref<10240x128xf32, #tpu.memory_space<vmem_shared>>
    tpu.wait_indirect_dma semaphore(%arg17 : memref<!tpu.dma_semaphore, #tpu.memory_space<semaphore_mem>>) src(%arg10 : memref<80x128xf32, #tpu.memory_space<vmem>>) dst(%dma_wait3A_240 : memref<10240x128xf32, #tpu.memory_space<vmem_shared>>)
    %dma_wait3A_241 = arith.constant 47 : i32
    %dma_wait3A_242 = arith.constant 0 : i32
    %dma_wait3A_243 = tpu.memref_slice %arg8[%dma_wait3A_241, %dma_wait3A_242] : memref<48x80xi32, #tpu.memory_space<vmem>> -> memref<1x80xi32, #tpu.memory_space<vmem>>
    %dma_wait3A_244 = tpu.memref_squeeze %dma_wait3A_243 : memref<1x80xi32, #tpu.memory_space<vmem>> -> memref<80xi32, #tpu.memory_space<vmem>>
    %dma_wait3A_245 = arith.constant 0 : i32
    %dma_wait3A_246 = arith.constant 0 : i32
    %dma_wait3A_247 = tpu.memref_slice %arg12[%dma_wait3A_245, %dma_wait3A_246] : memref<10240x128xf32, #tpu.memory_space<vmem_shared>> -> memref<10240x128xf32, #tpu.memory_space<vmem_shared>>
    tpu.wait_indirect_dma semaphore(%arg18 : memref<!tpu.dma_semaphore, #tpu.memory_space<semaphore_mem>>) src(%arg11 : memref<80x128xf32, #tpu.memory_space<vmem>>) dst(%dma_wait3A_247 : memref<10240x128xf32, #tpu.memory_space<vmem_shared>>)
    "tpu.region"() ({
      %run_scoped3A = tpu.sem_alloc : memref<!tpu.dma_semaphore, #tpu.memory_space<semaphore_mem>>
      %dma_start3A_704 = arith.constant 0 : i32
      %dma_start3A_705 = arith.constant 0 : i32
      %dma_start3A_706 = tpu.memref_slice %arg7[%dma_start3A_704, %dma_start3A_705] : memref<48x80xi32, #tpu.memory_space<vmem>> -> memref<48x80xi32, #tpu.memory_space<vmem>>
      %dma_start3A_707 = arith.constant 48 : i32
      %dma_start3A_708 = arith.constant 0 : i32
      %dma_start3A_709 = tpu.memref_slice %arg3[%add3A, %dma_start3A_707, %dma_start3A_708] : memref<32x125x80xi32, #tpu.memory_space<hbm>> -> memref<1x48x80xi32, #tpu.memory_space<hbm>>
      %dma_start3A_710 = tpu.memref_squeeze %dma_start3A_709 : memref<1x48x80xi32, #tpu.memory_space<hbm>> -> memref<48x80xi32, #tpu.memory_space<hbm>>
      %dma_start3A_711 = arith.constant 0 : i32
      %dma_start3A_712 = arith.constant 0 : i32
      %dma_start3A_713 = tpu.memref_slice %arg7[%dma_start3A_711, %dma_start3A_712] : memref<48x80xi32, #tpu.memory_space<vmem>> -> memref<48x80xi32, #tpu.memory_space<vmem>>
      %dma_start3A_714 = arith.constant 48 : i32
      %dma_start3A_715 = arith.constant 0 : i32
      %dma_start3A_716 = tpu.memref_slice %arg3[%add3A, %dma_start3A_714, %dma_start3A_715] : memref<32x125x80xi32, #tpu.memory_space<hbm>> -> memref<1x48x80xi32, #tpu.memory_space<hbm>>
      %dma_start3A_717 = tpu.memref_squeeze %dma_start3A_716 : memref<1x48x80xi32, #tpu.memory_space<hbm>> -> memref<48x80xi32, #tpu.memory_space<hbm>>
      tpu.enqueue_dma source(%dma_start3A_717 : memref<48x80xi32, #tpu.memory_space<hbm>>) target(%dma_start3A_713 : memref<48x80xi32, #tpu.memory_space<vmem>>) target_semaphore(%run_scoped3A : memref<!tpu.dma_semaphore, #tpu.memory_space<semaphore_mem>>)
      %dma_wait3A_718 = arith.constant 0 : i32
      %dma_wait3A_719 = arith.constant 0 : i32
      %dma_wait3A_720 = tpu.memref_slice %arg7[%dma_wait3A_718, %dma_wait3A_719] : memref<48x80xi32, #tpu.memory_space<vmem>> -> memref<48x80xi32, #tpu.memory_space<vmem>>
      %dma_wait3A_721 = arith.constant 48 : i32
      %dma_wait3A_722 = arith.constant 0 : i32
      %dma_wait3A_723 = tpu.memref_slice %arg3[%add3A, %dma_wait3A_721, %dma_wait3A_722] : memref<32x125x80xi32, #tpu.memory_space<hbm>> -> memref<1x48x80xi32, #tpu.memory_space<hbm>>
      %dma_wait3A_724 = tpu.memref_squeeze %dma_wait3A_723 : memref<1x48x80xi32, #tpu.memory_space<hbm>> -> memref<48x80xi32, #tpu.memory_space<hbm>>
      %dma_wait3A_725 = arith.constant 0 : i32
      %dma_wait3A_726 = arith.constant 0 : i32
      %dma_wait3A_727 = tpu.memref_slice %arg7[%dma_wait3A_725, %dma_wait3A_726] : memref<48x80xi32, #tpu.memory_space<vmem>> -> memref<48x80xi32, #tpu.memory_space<vmem>>
      %dma_wait3A_728 = arith.constant 48 : i32
      %dma_wait3A_729 = arith.constant 0 : i32
      %dma_wait3A_730 = tpu.memref_slice %arg3[%add3A, %dma_wait3A_728, %dma_wait3A_729] : memref<32x125x80xi32, #tpu.memory_space<hbm>> -> memref<1x48x80xi32, #tpu.memory_space<hbm>>
      %dma_wait3A_731 = tpu.memref_squeeze %dma_wait3A_730 : memref<1x48x80xi32, #tpu.memory_space<hbm>> -> memref<48x80xi32, #tpu.memory_space<hbm>>
      tpu.wait_dma2 semaphore(%run_scoped3A : memref<!tpu.dma_semaphore, #tpu.memory_space<semaphore_mem>>) src(%dma_wait3A_731 : memref<48x80xi32, #tpu.memory_space<hbm>>) dst(%dma_wait3A_727 : memref<48x80xi32, #tpu.memory_space<vmem>>)
      tpu.yield
    }) : () -> ()
    "tpu.region"() ({
      %run_scoped3A = tpu.sem_alloc : memref<!tpu.dma_semaphore, #tpu.memory_space<semaphore_mem>>
      %dma_start3A_704 = arith.constant 0 : i32
      %dma_start3A_705 = arith.constant 0 : i32
      %dma_start3A_706 = tpu.memref_slice %arg8[%dma_start3A_704, %dma_start3A_705] : memref<48x80xi32, #tpu.memory_space<vmem>> -> memref<48x80xi32, #tpu.memory_space<vmem>>
      %dma_start3A_707 = arith.constant 48 : i32
      %dma_start3A_708 = arith.constant 0 : i32
      %dma_start3A_709 = tpu.memref_slice %arg4[%add3A, %dma_start3A_707, %dma_start3A_708] : memref<32x125x80xi32, #tpu.memory_space<hbm>> -> memref<1x48x80xi32, #tpu.memory_space<hbm>>
      %dma_start3A_710 = tpu.memref_squeeze %dma_start3A_709 : memref<1x48x80xi32, #tpu.memory_space<hbm>> -> memref<48x80xi32, #tpu.memory_space<hbm>>
      %dma_start3A_711 = arith.constant 0 : i32
      %dma_start3A_712 = arith.constant 0 : i32
      %dma_start3A_713 = tpu.memref_slice %arg8[%dma_start3A_711, %dma_start3A_712] : memref<48x80xi32, #tpu.memory_space<vmem>> -> memref<48x80xi32, #tpu.memory_space<vmem>>
      %dma_start3A_714 = arith.constant 48 : i32
      %dma_start3A_715 = arith.constant 0 : i32
      %dma_start3A_716 = tpu.memref_slice %arg4[%add3A, %dma_start3A_714, %dma_start3A_715] : memref<32x125x80xi32, #tpu.memory_space<hbm>> -> memref<1x48x80xi32, #tpu.memory_space<hbm>>
      %dma_start3A_717 = tpu.memref_squeeze %dma_start3A_716 : memref<1x48x80xi32, #tpu.memory_space<hbm>> -> memref<48x80xi32, #tpu.memory_space<hbm>>
      tpu.enqueue_dma source(%dma_start3A_717 : memref<48x80xi32, #tpu.memory_space<hbm>>) target(%dma_start3A_713 : memref<48x80xi32, #tpu.memory_space<vmem>>) target_semaphore(%run_scoped3A : memref<!tpu.dma_semaphore, #tpu.memory_space<semaphore_mem>>)
      %dma_wait3A_718 = arith.constant 0 : i32
      %dma_wait3A_719 = arith.constant 0 : i32
      %dma_wait3A_720 = tpu.memref_slice %arg8[%dma_wait3A_718, %dma_wait3A_719] : memref<48x80xi32, #tpu.memory_space<vmem>> -> memref<48x80xi32, #tpu.memory_space<vmem>>
      %dma_wait3A_721 = arith.constant 48 : i32
      %dma_wait3A_722 = arith.constant 0 : i32
      %dma_wait3A_723 = tpu.memref_slice %arg4[%add3A, %dma_wait3A_721, %dma_wait3A_722] : memref<32x125x80xi32, #tpu.memory_space<hbm>> -> memref<1x48x80xi32, #tpu.memory_space<hbm>>
      %dma_wait3A_724 = tpu.memref_squeeze %dma_wait3A_723 : memref<1x48x80xi32, #tpu.memory_space<hbm>> -> memref<48x80xi32, #tpu.memory_space<hbm>>
      %dma_wait3A_725 = arith.constant 0 : i32
      %dma_wait3A_726 = arith.constant 0 : i32
      %dma_wait3A_727 = tpu.memref_slice %arg8[%dma_wait3A_725, %dma_wait3A_726] : memref<48x80xi32, #tpu.memory_space<vmem>> -> memref<48x80xi32, #tpu.memory_space<vmem>>
      %dma_wait3A_728 = arith.constant 48 : i32
      %dma_wait3A_729 = arith.constant 0 : i32
      %dma_wait3A_730 = tpu.memref_slice %arg4[%add3A, %dma_wait3A_728, %dma_wait3A_729] : memref<32x125x80xi32, #tpu.memory_space<hbm>> -> memref<1x48x80xi32, #tpu.memory_space<hbm>>
      %dma_wait3A_731 = tpu.memref_squeeze %dma_wait3A_730 : memref<1x48x80xi32, #tpu.memory_space<hbm>> -> memref<48x80xi32, #tpu.memory_space<hbm>>
      tpu.wait_dma2 semaphore(%run_scoped3A : memref<!tpu.dma_semaphore, #tpu.memory_space<semaphore_mem>>) src(%dma_wait3A_731 : memref<48x80xi32, #tpu.memory_space<hbm>>) dst(%dma_wait3A_727 : memref<48x80xi32, #tpu.memory_space<vmem>>)
      tpu.yield
    }) : () -> ()
    %dma_start3A_248 = arith.constant 0 : i32
    %dma_start3A_249 = arith.constant 0 : i32
    %dma_start3A_250 = tpu.memref_slice %arg7[%dma_start3A_248, %dma_start3A_249] : memref<48x80xi32, #tpu.memory_space<vmem>> -> memref<1x80xi32, #tpu.memory_space<vmem>>
    %dma_start3A_251 = tpu.memref_squeeze %dma_start3A_250 : memref<1x80xi32, #tpu.memory_space<vmem>> -> memref<80xi32, #tpu.memory_space<vmem>>
    %dma_start3A_252 = arith.constant 0 : i32
    %dma_start3A_253 = arith.constant 0 : i32
    %dma_start3A_254 = tpu.memref_slice %arg2[%dma_start3A_252, %dma_start3A_253] : memref<10000x128xf32, #tpu.memory_space<hbm>> -> memref<10000x128xf32, #tpu.memory_space<hbm>>
    tpu.enqueue_indirect_dma source(%dma_start3A_254 : memref<10000x128xf32, #tpu.memory_space<hbm>>) target(%arg9 : memref<80x128xf32, #tpu.memory_space<vmem>>) offsets(%dma_start3A_251 : memref<80xi32, #tpu.memory_space<vmem>>) semaphore(%arg13 : memref<!tpu.dma_semaphore, #tpu.memory_space<semaphore_mem>>)
    %dma_start3A_255 = arith.constant 1 : i32
    %dma_start3A_256 = arith.constant 0 : i32
    %dma_start3A_257 = tpu.memref_slice %arg7[%dma_start3A_255, %dma_start3A_256] : memref<48x80xi32, #tpu.memory_space<vmem>> -> memref<1x80xi32, #tpu.memory_space<vmem>>
    %dma_start3A_258 = tpu.memref_squeeze %dma_start3A_257 : memref<1x80xi32, #tpu.memory_space<vmem>> -> memref<80xi32, #tpu.memory_space<vmem>>
    %dma_start3A_259 = arith.constant 0 : i32
    %dma_start3A_260 = arith.constant 0 : i32
    %dma_start3A_261 = tpu.memref_slice %arg2[%dma_start3A_259, %dma_start3A_260] : memref<10000x128xf32, #tpu.memory_space<hbm>> -> memref<10000x128xf32, #tpu.memory_space<hbm>>
    tpu.enqueue_indirect_dma source(%dma_start3A_261 : memref<10000x128xf32, #tpu.memory_space<hbm>>) target(%arg10 : memref<80x128xf32, #tpu.memory_space<vmem>>) offsets(%dma_start3A_258 : memref<80xi32, #tpu.memory_space<vmem>>) semaphore(%arg14 : memref<!tpu.dma_semaphore, #tpu.memory_space<semaphore_mem>>)
    %dma_start3A_262 = arith.constant 2 : i32
    %dma_start3A_263 = arith.constant 0 : i32
    %dma_start3A_264 = tpu.memref_slice %arg7[%dma_start3A_262, %dma_start3A_263] : memref<48x80xi32, #tpu.memory_space<vmem>> -> memref<1x80xi32, #tpu.memory_space<vmem>>
    %dma_start3A_265 = tpu.memref_squeeze %dma_start3A_264 : memref<1x80xi32, #tpu.memory_space<vmem>> -> memref<80xi32, #tpu.memory_space<vmem>>
    %dma_start3A_266 = arith.constant 0 : i32
    %dma_start3A_267 = arith.constant 0 : i32
    %dma_start3A_268 = tpu.memref_slice %arg2[%dma_start3A_266, %dma_start3A_267] : memref<10000x128xf32, #tpu.memory_space<hbm>> -> memref<10000x128xf32, #tpu.memory_space<hbm>>
    tpu.enqueue_indirect_dma source(%dma_start3A_268 : memref<10000x128xf32, #tpu.memory_space<hbm>>) target(%arg11 : memref<80x128xf32, #tpu.memory_space<vmem>>) offsets(%dma_start3A_265 : memref<80xi32, #tpu.memory_space<vmem>>) semaphore(%arg15 : memref<!tpu.dma_semaphore, #tpu.memory_space<semaphore_mem>>)
    %scan3A_269 = arith.constant 0 : i32
    %scan3A_270 = arith.constant 0 : i32
    %scan3A_271 = arith.constant 15 : i32
    %scan3A_272 = arith.addi %scan3A_270, %scan3A_271 : i32
    %scan3A_273 = arith.constant 1 : i32
    scf.for %scan3A_704 = %scan3A_270 to %scan3A_272 step %scan3A_273  : i32 {
      %mul3A_705 = arith.constant 3 : i32
      %mul3A_706 = arith.muli %mul3A_705, %scan3A_704 : i32
      %add3A_707 = arith.constant 0 : i32
      %add3A_708 = arith.addi %mul3A_706, %add3A_707 : i32
      %dma_wait3A_709 = arith.constant 0 : i32
      %dma_wait3A_710 = tpu.memref_slice %arg7[%add3A_708, %dma_wait3A_709] : memref<48x80xi32, #tpu.memory_space<vmem>> -> memref<1x80xi32, #tpu.memory_space<vmem>>
      %dma_wait3A_711 = tpu.memref_squeeze %dma_wait3A_710 : memref<1x80xi32, #tpu.memory_space<vmem>> -> memref<80xi32, #tpu.memory_space<vmem>>
      %dma_wait3A_712 = arith.constant 0 : i32
      %dma_wait3A_713 = arith.constant 0 : i32
      %dma_wait3A_714 = tpu.memref_slice %arg2[%dma_wait3A_712, %dma_wait3A_713] : memref<10000x128xf32, #tpu.memory_space<hbm>> -> memref<10000x128xf32, #tpu.memory_space<hbm>>
      tpu.wait_indirect_dma semaphore(%arg13 : memref<!tpu.dma_semaphore, #tpu.memory_space<semaphore_mem>>) src(%dma_wait3A_714 : memref<10000x128xf32, #tpu.memory_space<hbm>>) dst(%arg9 : memref<80x128xf32, #tpu.memory_space<vmem>>)
      %dma_start3A_715 = arith.constant 0 : i32
      %dma_start3A_716 = tpu.memref_slice %arg8[%add3A_708, %dma_start3A_715] : memref<48x80xi32, #tpu.memory_space<vmem>> -> memref<1x80xi32, #tpu.memory_space<vmem>>
      %dma_start3A_717 = tpu.memref_squeeze %dma_start3A_716 : memref<1x80xi32, #tpu.memory_space<vmem>> -> memref<80xi32, #tpu.memory_space<vmem>>
      %dma_start3A_718 = arith.constant 0 : i32
      %dma_start3A_719 = arith.constant 0 : i32
      %dma_start3A_720 = tpu.memref_slice %arg12[%dma_start3A_718, %dma_start3A_719] : memref<10240x128xf32, #tpu.memory_space<vmem_shared>> -> memref<10240x128xf32, #tpu.memory_space<vmem_shared>>
      tpu.enqueue_indirect_dma source(%arg9 : memref<80x128xf32, #tpu.memory_space<vmem>>) target(%dma_start3A_720 : memref<10240x128xf32, #tpu.memory_space<vmem_shared>>) offsets(%dma_start3A_717 : memref<80xi32, #tpu.memory_space<vmem>>) semaphore(%arg16 : memref<!tpu.dma_semaphore, #tpu.memory_space<semaphore_mem>>) {add = true}
      %add3A_721 = arith.constant 1 : i32
      %add3A_722 = arith.addi %mul3A_706, %add3A_721 : i32
      %dma_wait3A_723 = arith.constant 0 : i32
      %dma_wait3A_724 = tpu.memref_slice %arg7[%add3A_722, %dma_wait3A_723] : memref<48x80xi32, #tpu.memory_space<vmem>> -> memref<1x80xi32, #tpu.memory_space<vmem>>
      %dma_wait3A_725 = tpu.memref_squeeze %dma_wait3A_724 : memref<1x80xi32, #tpu.memory_space<vmem>> -> memref<80xi32, #tpu.memory_space<vmem>>
      %dma_wait3A_726 = arith.constant 0 : i32
      %dma_wait3A_727 = arith.constant 0 : i32
      %dma_wait3A_728 = tpu.memref_slice %arg2[%dma_wait3A_726, %dma_wait3A_727] : memref<10000x128xf32, #tpu.memory_space<hbm>> -> memref<10000x128xf32, #tpu.memory_space<hbm>>
      tpu.wait_indirect_dma semaphore(%arg14 : memref<!tpu.dma_semaphore, #tpu.memory_space<semaphore_mem>>) src(%dma_wait3A_728 : memref<10000x128xf32, #tpu.memory_space<hbm>>) dst(%arg10 : memref<80x128xf32, #tpu.memory_space<vmem>>)
      %dma_start3A_729 = arith.constant 0 : i32
      %dma_start3A_730 = tpu.memref_slice %arg8[%add3A_722, %dma_start3A_729] : memref<48x80xi32, #tpu.memory_space<vmem>> -> memref<1x80xi32, #tpu.memory_space<vmem>>
      %dma_start3A_731 = tpu.memref_squeeze %dma_start3A_730 : memref<1x80xi32, #tpu.memory_space<vmem>> -> memref<80xi32, #tpu.memory_space<vmem>>
      %dma_start3A_732 = arith.constant 0 : i32
      %dma_start3A_733 = arith.constant 0 : i32
      %dma_start3A_734 = tpu.memref_slice %arg12[%dma_start3A_732, %dma_start3A_733] : memref<10240x128xf32, #tpu.memory_space<vmem_shared>> -> memref<10240x128xf32, #tpu.memory_space<vmem_shared>>
      tpu.enqueue_indirect_dma source(%arg10 : memref<80x128xf32, #tpu.memory_space<vmem>>) target(%dma_start3A_734 : memref<10240x128xf32, #tpu.memory_space<vmem_shared>>) offsets(%dma_start3A_731 : memref<80xi32, #tpu.memory_space<vmem>>) semaphore(%arg17 : memref<!tpu.dma_semaphore, #tpu.memory_space<semaphore_mem>>) {add = true}
      %add3A_735 = arith.constant 2 : i32
      %add3A_736 = arith.addi %mul3A_706, %add3A_735 : i32
      %dma_wait3A_737 = arith.constant 0 : i32
      %dma_wait3A_738 = tpu.memref_slice %arg7[%add3A_736, %dma_wait3A_737] : memref<48x80xi32, #tpu.memory_space<vmem>> -> memref<1x80xi32, #tpu.memory_space<vmem>>
      %dma_wait3A_739 = tpu.memref_squeeze %dma_wait3A_738 : memref<1x80xi32, #tpu.memory_space<vmem>> -> memref<80xi32, #tpu.memory_space<vmem>>
      %dma_wait3A_740 = arith.constant 0 : i32
      %dma_wait3A_741 = arith.constant 0 : i32
      %dma_wait3A_742 = tpu.memref_slice %arg2[%dma_wait3A_740, %dma_wait3A_741] : memref<10000x128xf32, #tpu.memory_space<hbm>> -> memref<10000x128xf32, #tpu.memory_space<hbm>>
      tpu.wait_indirect_dma semaphore(%arg15 : memref<!tpu.dma_semaphore, #tpu.memory_space<semaphore_mem>>) src(%dma_wait3A_742 : memref<10000x128xf32, #tpu.memory_space<hbm>>) dst(%arg11 : memref<80x128xf32, #tpu.memory_space<vmem>>)
      %dma_start3A_743 = arith.constant 0 : i32
      %dma_start3A_744 = tpu.memref_slice %arg8[%add3A_736, %dma_start3A_743] : memref<48x80xi32, #tpu.memory_space<vmem>> -> memref<1x80xi32, #tpu.memory_space<vmem>>
      %dma_start3A_745 = tpu.memref_squeeze %dma_start3A_744 : memref<1x80xi32, #tpu.memory_space<vmem>> -> memref<80xi32, #tpu.memory_space<vmem>>
      %dma_start3A_746 = arith.constant 0 : i32
      %dma_start3A_747 = arith.constant 0 : i32
      %dma_start3A_748 = tpu.memref_slice %arg12[%dma_start3A_746, %dma_start3A_747] : memref<10240x128xf32, #tpu.memory_space<vmem_shared>> -> memref<10240x128xf32, #tpu.memory_space<vmem_shared>>
      tpu.enqueue_indirect_dma source(%arg11 : memref<80x128xf32, #tpu.memory_space<vmem>>) target(%dma_start3A_748 : memref<10240x128xf32, #tpu.memory_space<vmem_shared>>) offsets(%dma_start3A_745 : memref<80xi32, #tpu.memory_space<vmem>>) semaphore(%arg18 : memref<!tpu.dma_semaphore, #tpu.memory_space<semaphore_mem>>) {add = true}
      %add3A_749 = arith.constant 0 : i32
      %add3A_750 = arith.addi %mul3A_706, %add3A_749 : i32
      %dma_wait3A_751 = arith.constant 0 : i32
      %dma_wait3A_752 = tpu.memref_slice %arg8[%add3A_750, %dma_wait3A_751] : memref<48x80xi32, #tpu.memory_space<vmem>> -> memref<1x80xi32, #tpu.memory_space<vmem>>
      %dma_wait3A_753 = tpu.memref_squeeze %dma_wait3A_752 : memref<1x80xi32, #tpu.memory_space<vmem>> -> memref<80xi32, #tpu.memory_space<vmem>>
      %dma_wait3A_754 = arith.constant 0 : i32
      %dma_wait3A_755 = arith.constant 0 : i32
      %dma_wait3A_756 = tpu.memref_slice %arg12[%dma_wait3A_754, %dma_wait3A_755] : memref<10240x128xf32, #tpu.memory_space<vmem_shared>> -> memref<10240x128xf32, #tpu.memory_space<vmem_shared>>
      tpu.wait_indirect_dma semaphore(%arg16 : memref<!tpu.dma_semaphore, #tpu.memory_space<semaphore_mem>>) src(%arg9 : memref<80x128xf32, #tpu.memory_space<vmem>>) dst(%dma_wait3A_756 : memref<10240x128xf32, #tpu.memory_space<vmem_shared>>)
      %add3A_757 = arith.constant 3 : i32
      %add3A_758 = arith.addi %add3A_750, %add3A_757 : i32
      %dma_start3A_759 = arith.constant 0 : i32
      %dma_start3A_760 = tpu.memref_slice %arg7[%add3A_758, %dma_start3A_759] : memref<48x80xi32, #tpu.memory_space<vmem>> -> memref<1x80xi32, #tpu.memory_space<vmem>>
      %dma_start3A_761 = tpu.memref_squeeze %dma_start3A_760 : memref<1x80xi32, #tpu.memory_space<vmem>> -> memref<80xi32, #tpu.memory_space<vmem>>
      %dma_start3A_762 = arith.constant 0 : i32
      %dma_start3A_763 = arith.constant 0 : i32
      %dma_start3A_764 = tpu.memref_slice %arg2[%dma_start3A_762, %dma_start3A_763] : memref<10000x128xf32, #tpu.memory_space<hbm>> -> memref<10000x128xf32, #tpu.memory_space<hbm>>
      tpu.enqueue_indirect_dma source(%dma_start3A_764 : memref<10000x128xf32, #tpu.memory_space<hbm>>) target(%arg9 : memref<80x128xf32, #tpu.memory_space<vmem>>) offsets(%dma_start3A_761 : memref<80xi32, #tpu.memory_space<vmem>>) semaphore(%arg13 : memref<!tpu.dma_semaphore, #tpu.memory_space<semaphore_mem>>)
      %add3A_765 = arith.constant 1 : i32
      %add3A_766 = arith.addi %mul3A_706, %add3A_765 : i32
      %dma_wait3A_767 = arith.constant 0 : i32
      %dma_wait3A_768 = tpu.memref_slice %arg8[%add3A_766, %dma_wait3A_767] : memref<48x80xi32, #tpu.memory_space<vmem>> -> memref<1x80xi32, #tpu.memory_space<vmem>>
      %dma_wait3A_769 = tpu.memref_squeeze %dma_wait3A_768 : memref<1x80xi32, #tpu.memory_space<vmem>> -> memref<80xi32, #tpu.memory_space<vmem>>
      %dma_wait3A_770 = arith.constant 0 : i32
      %dma_wait3A_771 = arith.constant 0 : i32
      %dma_wait3A_772 = tpu.memref_slice %arg12[%dma_wait3A_770, %dma_wait3A_771] : memref<10240x128xf32, #tpu.memory_space<vmem_shared>> -> memref<10240x128xf32, #tpu.memory_space<vmem_shared>>
      tpu.wait_indirect_dma semaphore(%arg17 : memref<!tpu.dma_semaphore, #tpu.memory_space<semaphore_mem>>) src(%arg10 : memref<80x128xf32, #tpu.memory_space<vmem>>) dst(%dma_wait3A_772 : memref<10240x128xf32, #tpu.memory_space<vmem_shared>>)
      %add3A_773 = arith.constant 3 : i32
      %add3A_774 = arith.addi %add3A_766, %add3A_773 : i32
      %dma_start3A_775 = arith.constant 0 : i32
      %dma_start3A_776 = tpu.memref_slice %arg7[%add3A_774, %dma_start3A_775] : memref<48x80xi32, #tpu.memory_space<vmem>> -> memref<1x80xi32, #tpu.memory_space<vmem>>
      %dma_start3A_777 = tpu.memref_squeeze %dma_start3A_776 : memref<1x80xi32, #tpu.memory_space<vmem>> -> memref<80xi32, #tpu.memory_space<vmem>>
      %dma_start3A_778 = arith.constant 0 : i32
      %dma_start3A_779 = arith.constant 0 : i32
      %dma_start3A_780 = tpu.memref_slice %arg2[%dma_start3A_778, %dma_start3A_779] : memref<10000x128xf32, #tpu.memory_space<hbm>> -> memref<10000x128xf32, #tpu.memory_space<hbm>>
      tpu.enqueue_indirect_dma source(%dma_start3A_780 : memref<10000x128xf32, #tpu.memory_space<hbm>>) target(%arg10 : memref<80x128xf32, #tpu.memory_space<vmem>>) offsets(%dma_start3A_777 : memref<80xi32, #tpu.memory_space<vmem>>) semaphore(%arg14 : memref<!tpu.dma_semaphore, #tpu.memory_space<semaphore_mem>>)
      %add3A_781 = arith.constant 2 : i32
      %add3A_782 = arith.addi %mul3A_706, %add3A_781 : i32
      %dma_wait3A_783 = arith.constant 0 : i32
      %dma_wait3A_784 = tpu.memref_slice %arg8[%add3A_782, %dma_wait3A_783] : memref<48x80xi32, #tpu.memory_space<vmem>> -> memref<1x80xi32, #tpu.memory_space<vmem>>
      %dma_wait3A_785 = tpu.memref_squeeze %dma_wait3A_784 : memref<1x80xi32, #tpu.memory_space<vmem>> -> memref<80xi32, #tpu.memory_space<vmem>>
      %dma_wait3A_786 = arith.constant 0 : i32
      %dma_wait3A_787 = arith.constant 0 : i32
      %dma_wait3A_788 = tpu.memref_slice %arg12[%dma_wait3A_786, %dma_wait3A_787] : memref<10240x128xf32, #tpu.memory_space<vmem_shared>> -> memref<10240x128xf32, #tpu.memory_space<vmem_shared>>
      tpu.wait_indirect_dma semaphore(%arg18 : memref<!tpu.dma_semaphore, #tpu.memory_space<semaphore_mem>>) src(%arg11 : memref<80x128xf32, #tpu.memory_space<vmem>>) dst(%dma_wait3A_788 : memref<10240x128xf32, #tpu.memory_space<vmem_shared>>)
      %add3A_789 = arith.constant 3 : i32
      %add3A_790 = arith.addi %add3A_782, %add3A_789 : i32
      %dma_start3A_791 = arith.constant 0 : i32
      %dma_start3A_792 = tpu.memref_slice %arg7[%add3A_790, %dma_start3A_791] : memref<48x80xi32, #tpu.memory_space<vmem>> -> memref<1x80xi32, #tpu.memory_space<vmem>>
      %dma_start3A_793 = tpu.memref_squeeze %dma_start3A_792 : memref<1x80xi32, #tpu.memory_space<vmem>> -> memref<80xi32, #tpu.memory_space<vmem>>
      %dma_start3A_794 = arith.constant 0 : i32
      %dma_start3A_795 = arith.constant 0 : i32
      %dma_start3A_796 = tpu.memref_slice %arg2[%dma_start3A_794, %dma_start3A_795] : memref<10000x128xf32, #tpu.memory_space<hbm>> -> memref<10000x128xf32, #tpu.memory_space<hbm>>
      tpu.enqueue_indirect_dma source(%dma_start3A_796 : memref<10000x128xf32, #tpu.memory_space<hbm>>) target(%arg11 : memref<80x128xf32, #tpu.memory_space<vmem>>) offsets(%dma_start3A_793 : memref<80xi32, #tpu.memory_space<vmem>>) semaphore(%arg15 : memref<!tpu.dma_semaphore, #tpu.memory_space<semaphore_mem>>)
    }
    %scan3A_274 = arith.constant 15 : i32
    %dma_wait3A_275 = arith.constant 45 : i32
    %dma_wait3A_276 = arith.constant 0 : i32
    %dma_wait3A_277 = tpu.memref_slice %arg7[%dma_wait3A_275, %dma_wait3A_276] : memref<48x80xi32, #tpu.memory_space<vmem>> -> memref<1x80xi32, #tpu.memory_space<vmem>>
    %dma_wait3A_278 = tpu.memref_squeeze %dma_wait3A_277 : memref<1x80xi32, #tpu.memory_space<vmem>> -> memref<80xi32, #tpu.memory_space<vmem>>
    %dma_wait3A_279 = arith.constant 0 : i32
    %dma_wait3A_280 = arith.constant 0 : i32
    %dma_wait3A_281 = tpu.memref_slice %arg2[%dma_wait3A_279, %dma_wait3A_280] : memref<10000x128xf32, #tpu.memory_space<hbm>> -> memref<10000x128xf32, #tpu.memory_space<hbm>>
    tpu.wait_indirect_dma semaphore(%arg13 : memref<!tpu.dma_semaphore, #tpu.memory_space<semaphore_mem>>) src(%dma_wait3A_281 : memref<10000x128xf32, #tpu.memory_space<hbm>>) dst(%arg9 : memref<80x128xf32, #tpu.memory_space<vmem>>)
    %dma_start3A_282 = arith.constant 45 : i32
    %dma_start3A_283 = arith.constant 0 : i32
    %dma_start3A_284 = tpu.memref_slice %arg8[%dma_start3A_282, %dma_start3A_283] : memref<48x80xi32, #tpu.memory_space<vmem>> -> memref<1x80xi32, #tpu.memory_space<vmem>>
    %dma_start3A_285 = tpu.memref_squeeze %dma_start3A_284 : memref<1x80xi32, #tpu.memory_space<vmem>> -> memref<80xi32, #tpu.memory_space<vmem>>
    %dma_start3A_286 = arith.constant 0 : i32
    %dma_start3A_287 = arith.constant 0 : i32
    %dma_start3A_288 = tpu.memref_slice %arg12[%dma_start3A_286, %dma_start3A_287] : memref<10240x128xf32, #tpu.memory_space<vmem_shared>> -> memref<10240x128xf32, #tpu.memory_space<vmem_shared>>
    tpu.enqueue_indirect_dma source(%arg9 : memref<80x128xf32, #tpu.memory_space<vmem>>) target(%dma_start3A_288 : memref<10240x128xf32, #tpu.memory_space<vmem_shared>>) offsets(%dma_start3A_285 : memref<80xi32, #tpu.memory_space<vmem>>) semaphore(%arg16 : memref<!tpu.dma_semaphore, #tpu.memory_space<semaphore_mem>>) {add = true}
    %dma_wait3A_289 = arith.constant 46 : i32
    %dma_wait3A_290 = arith.constant 0 : i32
    %dma_wait3A_291 = tpu.memref_slice %arg7[%dma_wait3A_289, %dma_wait3A_290] : memref<48x80xi32, #tpu.memory_space<vmem>> -> memref<1x80xi32, #tpu.memory_space<vmem>>
    %dma_wait3A_292 = tpu.memref_squeeze %dma_wait3A_291 : memref<1x80xi32, #tpu.memory_space<vmem>> -> memref<80xi32, #tpu.memory_space<vmem>>
    %dma_wait3A_293 = arith.constant 0 : i32
    %dma_wait3A_294 = arith.constant 0 : i32
    %dma_wait3A_295 = tpu.memref_slice %arg2[%dma_wait3A_293, %dma_wait3A_294] : memref<10000x128xf32, #tpu.memory_space<hbm>> -> memref<10000x128xf32, #tpu.memory_space<hbm>>
    tpu.wait_indirect_dma semaphore(%arg14 : memref<!tpu.dma_semaphore, #tpu.memory_space<semaphore_mem>>) src(%dma_wait3A_295 : memref<10000x128xf32, #tpu.memory_space<hbm>>) dst(%arg10 : memref<80x128xf32, #tpu.memory_space<vmem>>)
    %dma_start3A_296 = arith.constant 46 : i32
    %dma_start3A_297 = arith.constant 0 : i32
    %dma_start3A_298 = tpu.memref_slice %arg8[%dma_start3A_296, %dma_start3A_297] : memref<48x80xi32, #tpu.memory_space<vmem>> -> memref<1x80xi32, #tpu.memory_space<vmem>>
    %dma_start3A_299 = tpu.memref_squeeze %dma_start3A_298 : memref<1x80xi32, #tpu.memory_space<vmem>> -> memref<80xi32, #tpu.memory_space<vmem>>
    %dma_start3A_300 = arith.constant 0 : i32
    %dma_start3A_301 = arith.constant 0 : i32
    %dma_start3A_302 = tpu.memref_slice %arg12[%dma_start3A_300, %dma_start3A_301] : memref<10240x128xf32, #tpu.memory_space<vmem_shared>> -> memref<10240x128xf32, #tpu.memory_space<vmem_shared>>
    tpu.enqueue_indirect_dma source(%arg10 : memref<80x128xf32, #tpu.memory_space<vmem>>) target(%dma_start3A_302 : memref<10240x128xf32, #tpu.memory_space<vmem_shared>>) offsets(%dma_start3A_299 : memref<80xi32, #tpu.memory_space<vmem>>) semaphore(%arg17 : memref<!tpu.dma_semaphore, #tpu.memory_space<semaphore_mem>>) {add = true}
    %dma_wait3A_303 = arith.constant 47 : i32
    %dma_wait3A_304 = arith.constant 0 : i32
    %dma_wait3A_305 = tpu.memref_slice %arg7[%dma_wait3A_303, %dma_wait3A_304] : memref<48x80xi32, #tpu.memory_space<vmem>> -> memref<1x80xi32, #tpu.memory_space<vmem>>
    %dma_wait3A_306 = tpu.memref_squeeze %dma_wait3A_305 : memref<1x80xi32, #tpu.memory_space<vmem>> -> memref<80xi32, #tpu.memory_space<vmem>>
    %dma_wait3A_307 = arith.constant 0 : i32
    %dma_wait3A_308 = arith.constant 0 : i32
    %dma_wait3A_309 = tpu.memref_slice %arg2[%dma_wait3A_307, %dma_wait3A_308] : memref<10000x128xf32, #tpu.memory_space<hbm>> -> memref<10000x128xf32, #tpu.memory_space<hbm>>
    tpu.wait_indirect_dma semaphore(%arg15 : memref<!tpu.dma_semaphore, #tpu.memory_space<semaphore_mem>>) src(%dma_wait3A_309 : memref<10000x128xf32, #tpu.memory_space<hbm>>) dst(%arg11 : memref<80x128xf32, #tpu.memory_space<vmem>>)
    %dma_start3A_310 = arith.constant 47 : i32
    %dma_start3A_311 = arith.constant 0 : i32
    %dma_start3A_312 = tpu.memref_slice %arg8[%dma_start3A_310, %dma_start3A_311] : memref<48x80xi32, #tpu.memory_space<vmem>> -> memref<1x80xi32, #tpu.memory_space<vmem>>
    %dma_start3A_313 = tpu.memref_squeeze %dma_start3A_312 : memref<1x80xi32, #tpu.memory_space<vmem>> -> memref<80xi32, #tpu.memory_space<vmem>>
    %dma_start3A_314 = arith.constant 0 : i32
    %dma_start3A_315 = arith.constant 0 : i32
    %dma_start3A_316 = tpu.memref_slice %arg12[%dma_start3A_314, %dma_start3A_315] : memref<10240x128xf32, #tpu.memory_space<vmem_shared>> -> memref<10240x128xf32, #tpu.memory_space<vmem_shared>>
    tpu.enqueue_indirect_dma source(%arg11 : memref<80x128xf32, #tpu.memory_space<vmem>>) target(%dma_start3A_316 : memref<10240x128xf32, #tpu.memory_space<vmem_shared>>) offsets(%dma_start3A_313 : memref<80xi32, #tpu.memory_space<vmem>>) semaphore(%arg18 : memref<!tpu.dma_semaphore, #tpu.memory_space<semaphore_mem>>) {add = true}
    %dma_wait3A_317 = arith.constant 45 : i32
    %dma_wait3A_318 = arith.constant 0 : i32
    %dma_wait3A_319 = tpu.memref_slice %arg8[%dma_wait3A_317, %dma_wait3A_318] : memref<48x80xi32, #tpu.memory_space<vmem>> -> memref<1x80xi32, #tpu.memory_space<vmem>>
    %dma_wait3A_320 = tpu.memref_squeeze %dma_wait3A_319 : memref<1x80xi32, #tpu.memory_space<vmem>> -> memref<80xi32, #tpu.memory_space<vmem>>
    %dma_wait3A_321 = arith.constant 0 : i32
    %dma_wait3A_322 = arith.constant 0 : i32
    %dma_wait3A_323 = tpu.memref_slice %arg12[%dma_wait3A_321, %dma_wait3A_322] : memref<10240x128xf32, #tpu.memory_space<vmem_shared>> -> memref<10240x128xf32, #tpu.memory_space<vmem_shared>>
    tpu.wait_indirect_dma semaphore(%arg16 : memref<!tpu.dma_semaphore, #tpu.memory_space<semaphore_mem>>) src(%arg9 : memref<80x128xf32, #tpu.memory_space<vmem>>) dst(%dma_wait3A_323 : memref<10240x128xf32, #tpu.memory_space<vmem_shared>>)
    %dma_wait3A_324 = arith.constant 46 : i32
    %dma_wait3A_325 = arith.constant 0 : i32
    %dma_wait3A_326 = tpu.memref_slice %arg8[%dma_wait3A_324, %dma_wait3A_325] : memref<48x80xi32, #tpu.memory_space<vmem>> -> memref<1x80xi32, #tpu.memory_space<vmem>>
    %dma_wait3A_327 = tpu.memref_squeeze %dma_wait3A_326 : memref<1x80xi32, #tpu.memory_space<vmem>> -> memref<80xi32, #tpu.memory_space<vmem>>
    %dma_wait3A_328 = arith.constant 0 : i32
    %dma_wait3A_329 = arith.constant 0 : i32
    %dma_wait3A_330 = tpu.memref_slice %arg12[%dma_wait3A_328, %dma_wait3A_329] : memref<10240x128xf32, #tpu.memory_space<vmem_shared>> -> memref<10240x128xf32, #tpu.memory_space<vmem_shared>>
    tpu.wait_indirect_dma semaphore(%arg17 : memref<!tpu.dma_semaphore, #tpu.memory_space<semaphore_mem>>) src(%arg10 : memref<80x128xf32, #tpu.memory_space<vmem>>) dst(%dma_wait3A_330 : memref<10240x128xf32, #tpu.memory_space<vmem_shared>>)
    %dma_wait3A_331 = arith.constant 47 : i32
    %dma_wait3A_332 = arith.constant 0 : i32
    %dma_wait3A_333 = tpu.memref_slice %arg8[%dma_wait3A_331, %dma_wait3A_332] : memref<48x80xi32, #tpu.memory_space<vmem>> -> memref<1x80xi32, #tpu.memory_space<vmem>>
    %dma_wait3A_334 = tpu.memref_squeeze %dma_wait3A_333 : memref<1x80xi32, #tpu.memory_space<vmem>> -> memref<80xi32, #tpu.memory_space<vmem>>
    %dma_wait3A_335 = arith.constant 0 : i32
    %dma_wait3A_336 = arith.constant 0 : i32
    %dma_wait3A_337 = tpu.memref_slice %arg12[%dma_wait3A_335, %dma_wait3A_336] : memref<10240x128xf32, #tpu.memory_space<vmem_shared>> -> memref<10240x128xf32, #tpu.memory_space<vmem_shared>>
    tpu.wait_indirect_dma semaphore(%arg18 : memref<!tpu.dma_semaphore, #tpu.memory_space<semaphore_mem>>) src(%arg11 : memref<80x128xf32, #tpu.memory_space<vmem>>) dst(%dma_wait3A_337 : memref<10240x128xf32, #tpu.memory_space<vmem_shared>>)
    "tpu.region"() ({
      %run_scoped3A = tpu.sem_alloc : memref<!tpu.dma_semaphore, #tpu.memory_space<semaphore_mem>>
      %dma_start3A_704 = arith.constant 0 : i32
      %dma_start3A_705 = arith.constant 0 : i32
      %dma_start3A_706 = tpu.memref_slice %arg7[%dma_start3A_704, %dma_start3A_705] : memref<48x80xi32, #tpu.memory_space<vmem>> -> memref<29x80xi32, #tpu.memory_space<vmem>>
      %dma_start3A_707 = arith.constant 96 : i32
      %dma_start3A_708 = arith.constant 0 : i32
      %dma_start3A_709 = tpu.memref_slice %arg3[%add3A, %dma_start3A_707, %dma_start3A_708] : memref<32x125x80xi32, #tpu.memory_space<hbm>> -> memref<1x29x80xi32, #tpu.memory_space<hbm>>
      %dma_start3A_710 = tpu.memref_squeeze %dma_start3A_709 : memref<1x29x80xi32, #tpu.memory_space<hbm>> -> memref<29x80xi32, #tpu.memory_space<hbm>>
      %dma_start3A_711 = arith.constant 0 : i32
      %dma_start3A_712 = arith.constant 0 : i32
      %dma_start3A_713 = tpu.memref_slice %arg7[%dma_start3A_711, %dma_start3A_712] : memref<48x80xi32, #tpu.memory_space<vmem>> -> memref<29x80xi32, #tpu.memory_space<vmem>>
      %dma_start3A_714 = arith.constant 96 : i32
      %dma_start3A_715 = arith.constant 0 : i32
      %dma_start3A_716 = tpu.memref_slice %arg3[%add3A, %dma_start3A_714, %dma_start3A_715] : memref<32x125x80xi32, #tpu.memory_space<hbm>> -> memref<1x29x80xi32, #tpu.memory_space<hbm>>
      %dma_start3A_717 = tpu.memref_squeeze %dma_start3A_716 : memref<1x29x80xi32, #tpu.memory_space<hbm>> -> memref<29x80xi32, #tpu.memory_space<hbm>>
      tpu.enqueue_dma source(%dma_start3A_717 : memref<29x80xi32, #tpu.memory_space<hbm>>) target(%dma_start3A_713 : memref<29x80xi32, #tpu.memory_space<vmem>>) target_semaphore(%run_scoped3A : memref<!tpu.dma_semaphore, #tpu.memory_space<semaphore_mem>>)
      %dma_wait3A_718 = arith.constant 0 : i32
      %dma_wait3A_719 = arith.constant 0 : i32
      %dma_wait3A_720 = tpu.memref_slice %arg7[%dma_wait3A_718, %dma_wait3A_719] : memref<48x80xi32, #tpu.memory_space<vmem>> -> memref<29x80xi32, #tpu.memory_space<vmem>>
      %dma_wait3A_721 = arith.constant 96 : i32
      %dma_wait3A_722 = arith.constant 0 : i32
      %dma_wait3A_723 = tpu.memref_slice %arg3[%add3A, %dma_wait3A_721, %dma_wait3A_722] : memref<32x125x80xi32, #tpu.memory_space<hbm>> -> memref<1x29x80xi32, #tpu.memory_space<hbm>>
      %dma_wait3A_724 = tpu.memref_squeeze %dma_wait3A_723 : memref<1x29x80xi32, #tpu.memory_space<hbm>> -> memref<29x80xi32, #tpu.memory_space<hbm>>
      %dma_wait3A_725 = arith.constant 0 : i32
      %dma_wait3A_726 = arith.constant 0 : i32
      %dma_wait3A_727 = tpu.memref_slice %arg7[%dma_wait3A_725, %dma_wait3A_726] : memref<48x80xi32, #tpu.memory_space<vmem>> -> memref<29x80xi32, #tpu.memory_space<vmem>>
      %dma_wait3A_728 = arith.constant 96 : i32
      %dma_wait3A_729 = arith.constant 0 : i32
      %dma_wait3A_730 = tpu.memref_slice %arg3[%add3A, %dma_wait3A_728, %dma_wait3A_729] : memref<32x125x80xi32, #tpu.memory_space<hbm>> -> memref<1x29x80xi32, #tpu.memory_space<hbm>>
      %dma_wait3A_731 = tpu.memref_squeeze %dma_wait3A_730 : memref<1x29x80xi32, #tpu.memory_space<hbm>> -> memref<29x80xi32, #tpu.memory_space<hbm>>
      tpu.wait_dma2 semaphore(%run_scoped3A : memref<!tpu.dma_semaphore, #tpu.memory_space<semaphore_mem>>) src(%dma_wait3A_731 : memref<29x80xi32, #tpu.memory_space<hbm>>) dst(%dma_wait3A_727 : memref<29x80xi32, #tpu.memory_space<vmem>>)
      tpu.yield
    }) : () -> ()
    "tpu.region"() ({
      %run_scoped3A = tpu.sem_alloc : memref<!tpu.dma_semaphore, #tpu.memory_space<semaphore_mem>>
      %dma_start3A_704 = arith.constant 0 : i32
      %dma_start3A_705 = arith.constant 0 : i32
      %dma_start3A_706 = tpu.memref_slice %arg8[%dma_start3A_704, %dma_start3A_705] : memref<48x80xi32, #tpu.memory_space<vmem>> -> memref<29x80xi32, #tpu.memory_space<vmem>>
      %dma_start3A_707 = arith.constant 96 : i32
      %dma_start3A_708 = arith.constant 0 : i32
      %dma_start3A_709 = tpu.memref_slice %arg4[%add3A, %dma_start3A_707, %dma_start3A_708] : memref<32x125x80xi32, #tpu.memory_space<hbm>> -> memref<1x29x80xi32, #tpu.memory_space<hbm>>
      %dma_start3A_710 = tpu.memref_squeeze %dma_start3A_709 : memref<1x29x80xi32, #tpu.memory_space<hbm>> -> memref<29x80xi32, #tpu.memory_space<hbm>>
      %dma_start3A_711 = arith.constant 0 : i32
      %dma_start3A_712 = arith.constant 0 : i32
      %dma_start3A_713 = tpu.memref_slice %arg8[%dma_start3A_711, %dma_start3A_712] : memref<48x80xi32, #tpu.memory_space<vmem>> -> memref<29x80xi32, #tpu.memory_space<vmem>>
      %dma_start3A_714 = arith.constant 96 : i32
      %dma_start3A_715 = arith.constant 0 : i32
      %dma_start3A_716 = tpu.memref_slice %arg4[%add3A, %dma_start3A_714, %dma_start3A_715] : memref<32x125x80xi32, #tpu.memory_space<hbm>> -> memref<1x29x80xi32, #tpu.memory_space<hbm>>
      %dma_start3A_717 = tpu.memref_squeeze %dma_start3A_716 : memref<1x29x80xi32, #tpu.memory_space<hbm>> -> memref<29x80xi32, #tpu.memory_space<hbm>>
      tpu.enqueue_dma source(%dma_start3A_717 : memref<29x80xi32, #tpu.memory_space<hbm>>) target(%dma_start3A_713 : memref<29x80xi32, #tpu.memory_space<vmem>>) target_semaphore(%run_scoped3A : memref<!tpu.dma_semaphore, #tpu.memory_space<semaphore_mem>>)
      %dma_wait3A_718 = arith.constant 0 : i32
      %dma_wait3A_719 = arith.constant 0 : i32
      %dma_wait3A_720 = tpu.memref_slice %arg8[%dma_wait3A_718, %dma_wait3A_719] : memref<48x80xi32, #tpu.memory_space<vmem>> -> memref<29x80xi32, #tpu.memory_space<vmem>>
      %dma_wait3A_721 = arith.constant 96 : i32
      %dma_wait3A_722 = arith.constant 0 : i32
      %dma_wait3A_723 = tpu.memref_slice %arg4[%add3A, %dma_wait3A_721, %dma_wait3A_722] : memref<32x125x80xi32, #tpu.memory_space<hbm>> -> memref<1x29x80xi32, #tpu.memory_space<hbm>>
      %dma_wait3A_724 = tpu.memref_squeeze %dma_wait3A_723 : memref<1x29x80xi32, #tpu.memory_space<hbm>> -> memref<29x80xi32, #tpu.memory_space<hbm>>
      %dma_wait3A_725 = arith.constant 0 : i32
      %dma_wait3A_726 = arith.constant 0 : i32
      %dma_wait3A_727 = tpu.memref_slice %arg8[%dma_wait3A_725, %dma_wait3A_726] : memref<48x80xi32, #tpu.memory_space<vmem>> -> memref<29x80xi32, #tpu.memory_space<vmem>>
      %dma_wait3A_728 = arith.constant 96 : i32
      %dma_wait3A_729 = arith.constant 0 : i32
      %dma_wait3A_730 = tpu.memref_slice %arg4[%add3A, %dma_wait3A_728, %dma_wait3A_729] : memref<32x125x80xi32, #tpu.memory_space<hbm>> -> memref<1x29x80xi32, #tpu.memory_space<hbm>>
      %dma_wait3A_731 = tpu.memref_squeeze %dma_wait3A_730 : memref<1x29x80xi32, #tpu.memory_space<hbm>> -> memref<29x80xi32, #tpu.memory_space<hbm>>
      tpu.wait_dma2 semaphore(%run_scoped3A : memref<!tpu.dma_semaphore, #tpu.memory_space<semaphore_mem>>) src(%dma_wait3A_731 : memref<29x80xi32, #tpu.memory_space<hbm>>) dst(%dma_wait3A_727 : memref<29x80xi32, #tpu.memory_space<vmem>>)
      tpu.yield
    }) : () -> ()
    %dma_start3A_338 = arith.constant 0 : i32
    %dma_start3A_339 = arith.constant 0 : i32
    %dma_start3A_340 = tpu.memref_slice %arg7[%dma_start3A_338, %dma_start3A_339] : memref<48x80xi32, #tpu.memory_space<vmem>> -> memref<1x80xi32, #tpu.memory_space<vmem>>
    %dma_start3A_341 = tpu.memref_squeeze %dma_start3A_340 : memref<1x80xi32, #tpu.memory_space<vmem>> -> memref<80xi32, #tpu.memory_space<vmem>>
    %dma_start3A_342 = arith.constant 0 : i32
    %dma_start3A_343 = arith.constant 0 : i32
    %dma_start3A_344 = tpu.memref_slice %arg2[%dma_start3A_342, %dma_start3A_343] : memref<10000x128xf32, #tpu.memory_space<hbm>> -> memref<10000x128xf32, #tpu.memory_space<hbm>>
    tpu.enqueue_indirect_dma source(%dma_start3A_344 : memref<10000x128xf32, #tpu.memory_space<hbm>>) target(%arg9 : memref<80x128xf32, #tpu.memory_space<vmem>>) offsets(%dma_start3A_341 : memref<80xi32, #tpu.memory_space<vmem>>) semaphore(%arg13 : memref<!tpu.dma_semaphore, #tpu.memory_space<semaphore_mem>>)
    %dma_start3A_345 = arith.constant 1 : i32
    %dma_start3A_346 = arith.constant 0 : i32
    %dma_start3A_347 = tpu.memref_slice %arg7[%dma_start3A_345, %dma_start3A_346] : memref<48x80xi32, #tpu.memory_space<vmem>> -> memref<1x80xi32, #tpu.memory_space<vmem>>
    %dma_start3A_348 = tpu.memref_squeeze %dma_start3A_347 : memref<1x80xi32, #tpu.memory_space<vmem>> -> memref<80xi32, #tpu.memory_space<vmem>>
    %dma_start3A_349 = arith.constant 0 : i32
    %dma_start3A_350 = arith.constant 0 : i32
    %dma_start3A_351 = tpu.memref_slice %arg2[%dma_start3A_349, %dma_start3A_350] : memref<10000x128xf32, #tpu.memory_space<hbm>> -> memref<10000x128xf32, #tpu.memory_space<hbm>>
    tpu.enqueue_indirect_dma source(%dma_start3A_351 : memref<10000x128xf32, #tpu.memory_space<hbm>>) target(%arg10 : memref<80x128xf32, #tpu.memory_space<vmem>>) offsets(%dma_start3A_348 : memref<80xi32, #tpu.memory_space<vmem>>) semaphore(%arg14 : memref<!tpu.dma_semaphore, #tpu.memory_space<semaphore_mem>>)
    %dma_start3A_352 = arith.constant 2 : i32
    %dma_start3A_353 = arith.constant 0 : i32
    %dma_start3A_354 = tpu.memref_slice %arg7[%dma_start3A_352, %dma_start3A_353] : memref<48x80xi32, #tpu.memory_space<vmem>> -> memref<1x80xi32, #tpu.memory_space<vmem>>
    %dma_start3A_355 = tpu.memref_squeeze %dma_start3A_354 : memref<1x80xi32, #tpu.memory_space<vmem>> -> memref<80xi32, #tpu.memory_space<vmem>>
    %dma_start3A_356 = arith.constant 0 : i32
    %dma_start3A_357 = arith.constant 0 : i32
    %dma_start3A_358 = tpu.memref_slice %arg2[%dma_start3A_356, %dma_start3A_357] : memref<10000x128xf32, #tpu.memory_space<hbm>> -> memref<10000x128xf32, #tpu.memory_space<hbm>>
    tpu.enqueue_indirect_dma source(%dma_start3A_358 : memref<10000x128xf32, #tpu.memory_space<hbm>>) target(%arg11 : memref<80x128xf32, #tpu.memory_space<vmem>>) offsets(%dma_start3A_355 : memref<80xi32, #tpu.memory_space<vmem>>) semaphore(%arg15 : memref<!tpu.dma_semaphore, #tpu.memory_space<semaphore_mem>>)
    %scan3A_359 = arith.constant 0 : i32
    %scan3A_360 = arith.constant 0 : i32
    %scan3A_361 = arith.constant 8 : i32
    %scan3A_362 = arith.addi %scan3A_360, %scan3A_361 : i32
    %scan3A_363 = arith.constant 1 : i32
    scf.for %scan3A_704 = %scan3A_360 to %scan3A_362 step %scan3A_363  : i32 {
      %mul3A_705 = arith.constant 3 : i32
      %mul3A_706 = arith.muli %mul3A_705, %scan3A_704 : i32
      %add3A_707 = arith.constant 0 : i32
      %add3A_708 = arith.addi %mul3A_706, %add3A_707 : i32
      %dma_wait3A_709 = arith.constant 0 : i32
      %dma_wait3A_710 = tpu.memref_slice %arg7[%add3A_708, %dma_wait3A_709] : memref<48x80xi32, #tpu.memory_space<vmem>> -> memref<1x80xi32, #tpu.memory_space<vmem>>
      %dma_wait3A_711 = tpu.memref_squeeze %dma_wait3A_710 : memref<1x80xi32, #tpu.memory_space<vmem>> -> memref<80xi32, #tpu.memory_space<vmem>>
      %dma_wait3A_712 = arith.constant 0 : i32
      %dma_wait3A_713 = arith.constant 0 : i32
      %dma_wait3A_714 = tpu.memref_slice %arg2[%dma_wait3A_712, %dma_wait3A_713] : memref<10000x128xf32, #tpu.memory_space<hbm>> -> memref<10000x128xf32, #tpu.memory_space<hbm>>
      tpu.wait_indirect_dma semaphore(%arg13 : memref<!tpu.dma_semaphore, #tpu.memory_space<semaphore_mem>>) src(%dma_wait3A_714 : memref<10000x128xf32, #tpu.memory_space<hbm>>) dst(%arg9 : memref<80x128xf32, #tpu.memory_space<vmem>>)
      %dma_start3A_715 = arith.constant 0 : i32
      %dma_start3A_716 = tpu.memref_slice %arg8[%add3A_708, %dma_start3A_715] : memref<48x80xi32, #tpu.memory_space<vmem>> -> memref<1x80xi32, #tpu.memory_space<vmem>>
      %dma_start3A_717 = tpu.memref_squeeze %dma_start3A_716 : memref<1x80xi32, #tpu.memory_space<vmem>> -> memref<80xi32, #tpu.memory_space<vmem>>
      %dma_start3A_718 = arith.constant 0 : i32
      %dma_start3A_719 = arith.constant 0 : i32
      %dma_start3A_720 = tpu.memref_slice %arg12[%dma_start3A_718, %dma_start3A_719] : memref<10240x128xf32, #tpu.memory_space<vmem_shared>> -> memref<10240x128xf32, #tpu.memory_space<vmem_shared>>
      tpu.enqueue_indirect_dma source(%arg9 : memref<80x128xf32, #tpu.memory_space<vmem>>) target(%dma_start3A_720 : memref<10240x128xf32, #tpu.memory_space<vmem_shared>>) offsets(%dma_start3A_717 : memref<80xi32, #tpu.memory_space<vmem>>) semaphore(%arg16 : memref<!tpu.dma_semaphore, #tpu.memory_space<semaphore_mem>>) {add = true}
      %add3A_721 = arith.constant 1 : i32
      %add3A_722 = arith.addi %mul3A_706, %add3A_721 : i32
      %dma_wait3A_723 = arith.constant 0 : i32
      %dma_wait3A_724 = tpu.memref_slice %arg7[%add3A_722, %dma_wait3A_723] : memref<48x80xi32, #tpu.memory_space<vmem>> -> memref<1x80xi32, #tpu.memory_space<vmem>>
      %dma_wait3A_725 = tpu.memref_squeeze %dma_wait3A_724 : memref<1x80xi32, #tpu.memory_space<vmem>> -> memref<80xi32, #tpu.memory_space<vmem>>
      %dma_wait3A_726 = arith.constant 0 : i32
      %dma_wait3A_727 = arith.constant 0 : i32
      %dma_wait3A_728 = tpu.memref_slice %arg2[%dma_wait3A_726, %dma_wait3A_727] : memref<10000x128xf32, #tpu.memory_space<hbm>> -> memref<10000x128xf32, #tpu.memory_space<hbm>>
      tpu.wait_indirect_dma semaphore(%arg14 : memref<!tpu.dma_semaphore, #tpu.memory_space<semaphore_mem>>) src(%dma_wait3A_728 : memref<10000x128xf32, #tpu.memory_space<hbm>>) dst(%arg10 : memref<80x128xf32, #tpu.memory_space<vmem>>)
      %dma_start3A_729 = arith.constant 0 : i32
      %dma_start3A_730 = tpu.memref_slice %arg8[%add3A_722, %dma_start3A_729] : memref<48x80xi32, #tpu.memory_space<vmem>> -> memref<1x80xi32, #tpu.memory_space<vmem>>
      %dma_start3A_731 = tpu.memref_squeeze %dma_start3A_730 : memref<1x80xi32, #tpu.memory_space<vmem>> -> memref<80xi32, #tpu.memory_space<vmem>>
      %dma_start3A_732 = arith.constant 0 : i32
      %dma_start3A_733 = arith.constant 0 : i32
      %dma_start3A_734 = tpu.memref_slice %arg12[%dma_start3A_732, %dma_start3A_733] : memref<10240x128xf32, #tpu.memory_space<vmem_shared>> -> memref<10240x128xf32, #tpu.memory_space<vmem_shared>>
      tpu.enqueue_indirect_dma source(%arg10 : memref<80x128xf32, #tpu.memory_space<vmem>>) target(%dma_start3A_734 : memref<10240x128xf32, #tpu.memory_space<vmem_shared>>) offsets(%dma_start3A_731 : memref<80xi32, #tpu.memory_space<vmem>>) semaphore(%arg17 : memref<!tpu.dma_semaphore, #tpu.memory_space<semaphore_mem>>) {add = true}
      %add3A_735 = arith.constant 2 : i32
      %add3A_736 = arith.addi %mul3A_706, %add3A_735 : i32
      %dma_wait3A_737 = arith.constant 0 : i32
      %dma_wait3A_738 = tpu.memref_slice %arg7[%add3A_736, %dma_wait3A_737] : memref<48x80xi32, #tpu.memory_space<vmem>> -> memref<1x80xi32, #tpu.memory_space<vmem>>
      %dma_wait3A_739 = tpu.memref_squeeze %dma_wait3A_738 : memref<1x80xi32, #tpu.memory_space<vmem>> -> memref<80xi32, #tpu.memory_space<vmem>>
      %dma_wait3A_740 = arith.constant 0 : i32
      %dma_wait3A_741 = arith.constant 0 : i32
      %dma_wait3A_742 = tpu.memref_slice %arg2[%dma_wait3A_740, %dma_wait3A_741] : memref<10000x128xf32, #tpu.memory_space<hbm>> -> memref<10000x128xf32, #tpu.memory_space<hbm>>
      tpu.wait_indirect_dma semaphore(%arg15 : memref<!tpu.dma_semaphore, #tpu.memory_space<semaphore_mem>>) src(%dma_wait3A_742 : memref<10000x128xf32, #tpu.memory_space<hbm>>) dst(%arg11 : memref<80x128xf32, #tpu.memory_space<vmem>>)
      %dma_start3A_743 = arith.constant 0 : i32
      %dma_start3A_744 = tpu.memref_slice %arg8[%add3A_736, %dma_start3A_743] : memref<48x80xi32, #tpu.memory_space<vmem>> -> memref<1x80xi32, #tpu.memory_space<vmem>>
      %dma_start3A_745 = tpu.memref_squeeze %dma_start3A_744 : memref<1x80xi32, #tpu.memory_space<vmem>> -> memref<80xi32, #tpu.memory_space<vmem>>
      %dma_start3A_746 = arith.constant 0 : i32
      %dma_start3A_747 = arith.constant 0 : i32
      %dma_start3A_748 = tpu.memref_slice %arg12[%dma_start3A_746, %dma_start3A_747] : memref<10240x128xf32, #tpu.memory_space<vmem_shared>> -> memref<10240x128xf32, #tpu.memory_space<vmem_shared>>
      tpu.enqueue_indirect_dma source(%arg11 : memref<80x128xf32, #tpu.memory_space<vmem>>) target(%dma_start3A_748 : memref<10240x128xf32, #tpu.memory_space<vmem_shared>>) offsets(%dma_start3A_745 : memref<80xi32, #tpu.memory_space<vmem>>) semaphore(%arg18 : memref<!tpu.dma_semaphore, #tpu.memory_space<semaphore_mem>>) {add = true}
      %add3A_749 = arith.constant 0 : i32
      %add3A_750 = arith.addi %mul3A_706, %add3A_749 : i32
      %dma_wait3A_751 = arith.constant 0 : i32
      %dma_wait3A_752 = tpu.memref_slice %arg8[%add3A_750, %dma_wait3A_751] : memref<48x80xi32, #tpu.memory_space<vmem>> -> memref<1x80xi32, #tpu.memory_space<vmem>>
      %dma_wait3A_753 = tpu.memref_squeeze %dma_wait3A_752 : memref<1x80xi32, #tpu.memory_space<vmem>> -> memref<80xi32, #tpu.memory_space<vmem>>
      %dma_wait3A_754 = arith.constant 0 : i32
      %dma_wait3A_755 = arith.constant 0 : i32
      %dma_wait3A_756 = tpu.memref_slice %arg12[%dma_wait3A_754, %dma_wait3A_755] : memref<10240x128xf32, #tpu.memory_space<vmem_shared>> -> memref<10240x128xf32, #tpu.memory_space<vmem_shared>>
      tpu.wait_indirect_dma semaphore(%arg16 : memref<!tpu.dma_semaphore, #tpu.memory_space<semaphore_mem>>) src(%arg9 : memref<80x128xf32, #tpu.memory_space<vmem>>) dst(%dma_wait3A_756 : memref<10240x128xf32, #tpu.memory_space<vmem_shared>>)
      %add3A_757 = arith.constant 3 : i32
      %add3A_758 = arith.addi %add3A_750, %add3A_757 : i32
      %dma_start3A_759 = arith.constant 0 : i32
      %dma_start3A_760 = tpu.memref_slice %arg7[%add3A_758, %dma_start3A_759] : memref<48x80xi32, #tpu.memory_space<vmem>> -> memref<1x80xi32, #tpu.memory_space<vmem>>
      %dma_start3A_761 = tpu.memref_squeeze %dma_start3A_760 : memref<1x80xi32, #tpu.memory_space<vmem>> -> memref<80xi32, #tpu.memory_space<vmem>>
      %dma_start3A_762 = arith.constant 0 : i32
      %dma_start3A_763 = arith.constant 0 : i32
      %dma_start3A_764 = tpu.memref_slice %arg2[%dma_start3A_762, %dma_start3A_763] : memref<10000x128xf32, #tpu.memory_space<hbm>> -> memref<10000x128xf32, #tpu.memory_space<hbm>>
      tpu.enqueue_indirect_dma source(%dma_start3A_764 : memref<10000x128xf32, #tpu.memory_space<hbm>>) target(%arg9 : memref<80x128xf32, #tpu.memory_space<vmem>>) offsets(%dma_start3A_761 : memref<80xi32, #tpu.memory_space<vmem>>) semaphore(%arg13 : memref<!tpu.dma_semaphore, #tpu.memory_space<semaphore_mem>>)
      %add3A_765 = arith.constant 1 : i32
      %add3A_766 = arith.addi %mul3A_706, %add3A_765 : i32
      %dma_wait3A_767 = arith.constant 0 : i32
      %dma_wait3A_768 = tpu.memref_slice %arg8[%add3A_766, %dma_wait3A_767] : memref<48x80xi32, #tpu.memory_space<vmem>> -> memref<1x80xi32, #tpu.memory_space<vmem>>
      %dma_wait3A_769 = tpu.memref_squeeze %dma_wait3A_768 : memref<1x80xi32, #tpu.memory_space<vmem>> -> memref<80xi32, #tpu.memory_space<vmem>>
      %dma_wait3A_770 = arith.constant 0 : i32
      %dma_wait3A_771 = arith.constant 0 : i32
      %dma_wait3A_772 = tpu.memref_slice %arg12[%dma_wait3A_770, %dma_wait3A_771] : memref<10240x128xf32, #tpu.memory_space<vmem_shared>> -> memref<10240x128xf32, #tpu.memory_space<vmem_shared>>
      tpu.wait_indirect_dma semaphore(%arg17 : memref<!tpu.dma_semaphore, #tpu.memory_space<semaphore_mem>>) src(%arg10 : memref<80x128xf32, #tpu.memory_space<vmem>>) dst(%dma_wait3A_772 : memref<10240x128xf32, #tpu.memory_space<vmem_shared>>)
      %add3A_773 = arith.constant 3 : i32
      %add3A_774 = arith.addi %add3A_766, %add3A_773 : i32
      %dma_start3A_775 = arith.constant 0 : i32
      %dma_start3A_776 = tpu.memref_slice %arg7[%add3A_774, %dma_start3A_775] : memref<48x80xi32, #tpu.memory_space<vmem>> -> memref<1x80xi32, #tpu.memory_space<vmem>>
      %dma_start3A_777 = tpu.memref_squeeze %dma_start3A_776 : memref<1x80xi32, #tpu.memory_space<vmem>> -> memref<80xi32, #tpu.memory_space<vmem>>
      %dma_start3A_778 = arith.constant 0 : i32
      %dma_start3A_779 = arith.constant 0 : i32
      %dma_start3A_780 = tpu.memref_slice %arg2[%dma_start3A_778, %dma_start3A_779] : memref<10000x128xf32, #tpu.memory_space<hbm>> -> memref<10000x128xf32, #tpu.memory_space<hbm>>
      tpu.enqueue_indirect_dma source(%dma_start3A_780 : memref<10000x128xf32, #tpu.memory_space<hbm>>) target(%arg10 : memref<80x128xf32, #tpu.memory_space<vmem>>) offsets(%dma_start3A_777 : memref<80xi32, #tpu.memory_space<vmem>>) semaphore(%arg14 : memref<!tpu.dma_semaphore, #tpu.memory_space<semaphore_mem>>)
      %add3A_781 = arith.constant 2 : i32
      %add3A_782 = arith.addi %mul3A_706, %add3A_781 : i32
      %dma_wait3A_783 = arith.constant 0 : i32
      %dma_wait3A_784 = tpu.memref_slice %arg8[%add3A_782, %dma_wait3A_783] : memref<48x80xi32, #tpu.memory_space<vmem>> -> memref<1x80xi32, #tpu.memory_space<vmem>>
      %dma_wait3A_785 = tpu.memref_squeeze %dma_wait3A_784 : memref<1x80xi32, #tpu.memory_space<vmem>> -> memref<80xi32, #tpu.memory_space<vmem>>
      %dma_wait3A_786 = arith.constant 0 : i32
      %dma_wait3A_787 = arith.constant 0 : i32
      %dma_wait3A_788 = tpu.memref_slice %arg12[%dma_wait3A_786, %dma_wait3A_787] : memref<10240x128xf32, #tpu.memory_space<vmem_shared>> -> memref<10240x128xf32, #tpu.memory_space<vmem_shared>>
      tpu.wait_indirect_dma semaphore(%arg18 : memref<!tpu.dma_semaphore, #tpu.memory_space<semaphore_mem>>) src(%arg11 : memref<80x128xf32, #tpu.memory_space<vmem>>) dst(%dma_wait3A_788 : memref<10240x128xf32, #tpu.memory_space<vmem_shared>>)
      %add3A_789 = arith.constant 3 : i32
      %add3A_790 = arith.addi %add3A_782, %add3A_789 : i32
      %dma_start3A_791 = arith.constant 0 : i32
      %dma_start3A_792 = tpu.memref_slice %arg7[%add3A_790, %dma_start3A_791] : memref<48x80xi32, #tpu.memory_space<vmem>> -> memref<1x80xi32, #tpu.memory_space<vmem>>
      %dma_start3A_793 = tpu.memref_squeeze %dma_start3A_792 : memref<1x80xi32, #tpu.memory_space<vmem>> -> memref<80xi32, #tpu.memory_space<vmem>>
      %dma_start3A_794 = arith.constant 0 : i32
      %dma_start3A_795 = arith.constant 0 : i32
      %dma_start3A_796 = tpu.memref_slice %arg2[%dma_start3A_794, %dma_start3A_795] : memref<10000x128xf32, #tpu.memory_space<hbm>> -> memref<10000x128xf32, #tpu.memory_space<hbm>>
      tpu.enqueue_indirect_dma source(%dma_start3A_796 : memref<10000x128xf32, #tpu.memory_space<hbm>>) target(%arg11 : memref<80x128xf32, #tpu.memory_space<vmem>>) offsets(%dma_start3A_793 : memref<80xi32, #tpu.memory_space<vmem>>) semaphore(%arg15 : memref<!tpu.dma_semaphore, #tpu.memory_space<semaphore_mem>>)
    }
    %scan3A_364 = arith.constant 8 : i32
    %dma_wait3A_365 = arith.constant 24 : i32
    %dma_wait3A_366 = arith.constant 0 : i32
    %dma_wait3A_367 = tpu.memref_slice %arg7[%dma_wait3A_365, %dma_wait3A_366] : memref<48x80xi32, #tpu.memory_space<vmem>> -> memref<1x80xi32, #tpu.memory_space<vmem>>
    %dma_wait3A_368 = tpu.memref_squeeze %dma_wait3A_367 : memref<1x80xi32, #tpu.memory_space<vmem>> -> memref<80xi32, #tpu.memory_space<vmem>>
    %dma_wait3A_369 = arith.constant 0 : i32
    %dma_wait3A_370 = arith.constant 0 : i32
    %dma_wait3A_371 = tpu.memref_slice %arg2[%dma_wait3A_369, %dma_wait3A_370] : memref<10000x128xf32, #tpu.memory_space<hbm>> -> memref<10000x128xf32, #tpu.memory_space<hbm>>
    tpu.wait_indirect_dma semaphore(%arg13 : memref<!tpu.dma_semaphore, #tpu.memory_space<semaphore_mem>>) src(%dma_wait3A_371 : memref<10000x128xf32, #tpu.memory_space<hbm>>) dst(%arg9 : memref<80x128xf32, #tpu.memory_space<vmem>>)
    %dma_start3A_372 = arith.constant 24 : i32
    %dma_start3A_373 = arith.constant 0 : i32
    %dma_start3A_374 = tpu.memref_slice %arg8[%dma_start3A_372, %dma_start3A_373] : memref<48x80xi32, #tpu.memory_space<vmem>> -> memref<1x80xi32, #tpu.memory_space<vmem>>
    %dma_start3A_375 = tpu.memref_squeeze %dma_start3A_374 : memref<1x80xi32, #tpu.memory_space<vmem>> -> memref<80xi32, #tpu.memory_space<vmem>>
    %dma_start3A_376 = arith.constant 0 : i32
    %dma_start3A_377 = arith.constant 0 : i32
    %dma_start3A_378 = tpu.memref_slice %arg12[%dma_start3A_376, %dma_start3A_377] : memref<10240x128xf32, #tpu.memory_space<vmem_shared>> -> memref<10240x128xf32, #tpu.memory_space<vmem_shared>>
    tpu.enqueue_indirect_dma source(%arg9 : memref<80x128xf32, #tpu.memory_space<vmem>>) target(%dma_start3A_378 : memref<10240x128xf32, #tpu.memory_space<vmem_shared>>) offsets(%dma_start3A_375 : memref<80xi32, #tpu.memory_space<vmem>>) semaphore(%arg16 : memref<!tpu.dma_semaphore, #tpu.memory_space<semaphore_mem>>) {add = true}
    %dma_wait3A_379 = arith.constant 25 : i32
    %dma_wait3A_380 = arith.constant 0 : i32
    %dma_wait3A_381 = tpu.memref_slice %arg7[%dma_wait3A_379, %dma_wait3A_380] : memref<48x80xi32, #tpu.memory_space<vmem>> -> memref<1x80xi32, #tpu.memory_space<vmem>>
    %dma_wait3A_382 = tpu.memref_squeeze %dma_wait3A_381 : memref<1x80xi32, #tpu.memory_space<vmem>> -> memref<80xi32, #tpu.memory_space<vmem>>
    %dma_wait3A_383 = arith.constant 0 : i32
    %dma_wait3A_384 = arith.constant 0 : i32
    %dma_wait3A_385 = tpu.memref_slice %arg2[%dma_wait3A_383, %dma_wait3A_384] : memref<10000x128xf32, #tpu.memory_space<hbm>> -> memref<10000x128xf32, #tpu.memory_space<hbm>>
    tpu.wait_indirect_dma semaphore(%arg14 : memref<!tpu.dma_semaphore, #tpu.memory_space<semaphore_mem>>) src(%dma_wait3A_385 : memref<10000x128xf32, #tpu.memory_space<hbm>>) dst(%arg10 : memref<80x128xf32, #tpu.memory_space<vmem>>)
    %dma_start3A_386 = arith.constant 25 : i32
    %dma_start3A_387 = arith.constant 0 : i32
    %dma_start3A_388 = tpu.memref_slice %arg8[%dma_start3A_386, %dma_start3A_387] : memref<48x80xi32, #tpu.memory_space<vmem>> -> memref<1x80xi32, #tpu.memory_space<vmem>>
    %dma_start3A_389 = tpu.memref_squeeze %dma_start3A_388 : memref<1x80xi32, #tpu.memory_space<vmem>> -> memref<80xi32, #tpu.memory_space<vmem>>
    %dma_start3A_390 = arith.constant 0 : i32
    %dma_start3A_391 = arith.constant 0 : i32
    %dma_start3A_392 = tpu.memref_slice %arg12[%dma_start3A_390, %dma_start3A_391] : memref<10240x128xf32, #tpu.memory_space<vmem_shared>> -> memref<10240x128xf32, #tpu.memory_space<vmem_shared>>
    tpu.enqueue_indirect_dma source(%arg10 : memref<80x128xf32, #tpu.memory_space<vmem>>) target(%dma_start3A_392 : memref<10240x128xf32, #tpu.memory_space<vmem_shared>>) offsets(%dma_start3A_389 : memref<80xi32, #tpu.memory_space<vmem>>) semaphore(%arg17 : memref<!tpu.dma_semaphore, #tpu.memory_space<semaphore_mem>>) {add = true}
    %dma_wait3A_393 = arith.constant 26 : i32
    %dma_wait3A_394 = arith.constant 0 : i32
    %dma_wait3A_395 = tpu.memref_slice %arg7[%dma_wait3A_393, %dma_wait3A_394] : memref<48x80xi32, #tpu.memory_space<vmem>> -> memref<1x80xi32, #tpu.memory_space<vmem>>
    %dma_wait3A_396 = tpu.memref_squeeze %dma_wait3A_395 : memref<1x80xi32, #tpu.memory_space<vmem>> -> memref<80xi32, #tpu.memory_space<vmem>>
    %dma_wait3A_397 = arith.constant 0 : i32
    %dma_wait3A_398 = arith.constant 0 : i32
    %dma_wait3A_399 = tpu.memref_slice %arg2[%dma_wait3A_397, %dma_wait3A_398] : memref<10000x128xf32, #tpu.memory_space<hbm>> -> memref<10000x128xf32, #tpu.memory_space<hbm>>
    tpu.wait_indirect_dma semaphore(%arg15 : memref<!tpu.dma_semaphore, #tpu.memory_space<semaphore_mem>>) src(%dma_wait3A_399 : memref<10000x128xf32, #tpu.memory_space<hbm>>) dst(%arg11 : memref<80x128xf32, #tpu.memory_space<vmem>>)
    %dma_start3A_400 = arith.constant 26 : i32
    %dma_start3A_401 = arith.constant 0 : i32
    %dma_start3A_402 = tpu.memref_slice %arg8[%dma_start3A_400, %dma_start3A_401] : memref<48x80xi32, #tpu.memory_space<vmem>> -> memref<1x80xi32, #tpu.memory_space<vmem>>
    %dma_start3A_403 = tpu.memref_squeeze %dma_start3A_402 : memref<1x80xi32, #tpu.memory_space<vmem>> -> memref<80xi32, #tpu.memory_space<vmem>>
    %dma_start3A_404 = arith.constant 0 : i32
    %dma_start3A_405 = arith.constant 0 : i32
    %dma_start3A_406 = tpu.memref_slice %arg12[%dma_start3A_404, %dma_start3A_405] : memref<10240x128xf32, #tpu.memory_space<vmem_shared>> -> memref<10240x128xf32, #tpu.memory_space<vmem_shared>>
    tpu.enqueue_indirect_dma source(%arg11 : memref<80x128xf32, #tpu.memory_space<vmem>>) target(%dma_start3A_406 : memref<10240x128xf32, #tpu.memory_space<vmem_shared>>) offsets(%dma_start3A_403 : memref<80xi32, #tpu.memory_space<vmem>>) semaphore(%arg18 : memref<!tpu.dma_semaphore, #tpu.memory_space<semaphore_mem>>) {add = true}
    %dma_wait3A_407 = arith.constant 24 : i32
    %dma_wait3A_408 = arith.constant 0 : i32
    %dma_wait3A_409 = tpu.memref_slice %arg8[%dma_wait3A_407, %dma_wait3A_408] : memref<48x80xi32, #tpu.memory_space<vmem>> -> memref<1x80xi32, #tpu.memory_space<vmem>>
    %dma_wait3A_410 = tpu.memref_squeeze %dma_wait3A_409 : memref<1x80xi32, #tpu.memory_space<vmem>> -> memref<80xi32, #tpu.memory_space<vmem>>
    %dma_wait3A_411 = arith.constant 0 : i32
    %dma_wait3A_412 = arith.constant 0 : i32
    %dma_wait3A_413 = tpu.memref_slice %arg12[%dma_wait3A_411, %dma_wait3A_412] : memref<10240x128xf32, #tpu.memory_space<vmem_shared>> -> memref<10240x128xf32, #tpu.memory_space<vmem_shared>>
    tpu.wait_indirect_dma semaphore(%arg16 : memref<!tpu.dma_semaphore, #tpu.memory_space<semaphore_mem>>) src(%arg9 : memref<80x128xf32, #tpu.memory_space<vmem>>) dst(%dma_wait3A_413 : memref<10240x128xf32, #tpu.memory_space<vmem_shared>>)
    %dma_start3A_414 = arith.constant 27 : i32
    %dma_start3A_415 = arith.constant 0 : i32
    %dma_start3A_416 = tpu.memref_slice %arg7[%dma_start3A_414, %dma_start3A_415] : memref<48x80xi32, #tpu.memory_space<vmem>> -> memref<1x80xi32, #tpu.memory_space<vmem>>
    %dma_start3A_417 = tpu.memref_squeeze %dma_start3A_416 : memref<1x80xi32, #tpu.memory_space<vmem>> -> memref<80xi32, #tpu.memory_space<vmem>>
    %dma_start3A_418 = arith.constant 0 : i32
    %dma_start3A_419 = arith.constant 0 : i32
    %dma_start3A_420 = tpu.memref_slice %arg2[%dma_start3A_418, %dma_start3A_419] : memref<10000x128xf32, #tpu.memory_space<hbm>> -> memref<10000x128xf32, #tpu.memory_space<hbm>>
    tpu.enqueue_indirect_dma source(%dma_start3A_420 : memref<10000x128xf32, #tpu.memory_space<hbm>>) target(%arg9 : memref<80x128xf32, #tpu.memory_space<vmem>>) offsets(%dma_start3A_417 : memref<80xi32, #tpu.memory_space<vmem>>) semaphore(%arg13 : memref<!tpu.dma_semaphore, #tpu.memory_space<semaphore_mem>>)
    %dma_wait3A_421 = arith.constant 27 : i32
    %dma_wait3A_422 = arith.constant 0 : i32
    %dma_wait3A_423 = tpu.memref_slice %arg7[%dma_wait3A_421, %dma_wait3A_422] : memref<48x80xi32, #tpu.memory_space<vmem>> -> memref<1x80xi32, #tpu.memory_space<vmem>>
    %dma_wait3A_424 = tpu.memref_squeeze %dma_wait3A_423 : memref<1x80xi32, #tpu.memory_space<vmem>> -> memref<80xi32, #tpu.memory_space<vmem>>
    %dma_wait3A_425 = arith.constant 0 : i32
    %dma_wait3A_426 = arith.constant 0 : i32
    %dma_wait3A_427 = tpu.memref_slice %arg2[%dma_wait3A_425, %dma_wait3A_426] : memref<10000x128xf32, #tpu.memory_space<hbm>> -> memref<10000x128xf32, #tpu.memory_space<hbm>>
    tpu.wait_indirect_dma semaphore(%arg13 : memref<!tpu.dma_semaphore, #tpu.memory_space<semaphore_mem>>) src(%dma_wait3A_427 : memref<10000x128xf32, #tpu.memory_space<hbm>>) dst(%arg9 : memref<80x128xf32, #tpu.memory_space<vmem>>)
    %dma_start3A_428 = arith.constant 27 : i32
    %dma_start3A_429 = arith.constant 0 : i32
    %dma_start3A_430 = tpu.memref_slice %arg8[%dma_start3A_428, %dma_start3A_429] : memref<48x80xi32, #tpu.memory_space<vmem>> -> memref<1x80xi32, #tpu.memory_space<vmem>>
    %dma_start3A_431 = tpu.memref_squeeze %dma_start3A_430 : memref<1x80xi32, #tpu.memory_space<vmem>> -> memref<80xi32, #tpu.memory_space<vmem>>
    %dma_start3A_432 = arith.constant 0 : i32
    %dma_start3A_433 = arith.constant 0 : i32
    %dma_start3A_434 = tpu.memref_slice %arg12[%dma_start3A_432, %dma_start3A_433] : memref<10240x128xf32, #tpu.memory_space<vmem_shared>> -> memref<10240x128xf32, #tpu.memory_space<vmem_shared>>
    tpu.enqueue_indirect_dma source(%arg9 : memref<80x128xf32, #tpu.memory_space<vmem>>) target(%dma_start3A_434 : memref<10240x128xf32, #tpu.memory_space<vmem_shared>>) offsets(%dma_start3A_431 : memref<80xi32, #tpu.memory_space<vmem>>) semaphore(%arg16 : memref<!tpu.dma_semaphore, #tpu.memory_space<semaphore_mem>>) {add = true}
    %dma_wait3A_435 = arith.constant 25 : i32
    %dma_wait3A_436 = arith.constant 0 : i32
    %dma_wait3A_437 = tpu.memref_slice %arg8[%dma_wait3A_435, %dma_wait3A_436] : memref<48x80xi32, #tpu.memory_space<vmem>> -> memref<1x80xi32, #tpu.memory_space<vmem>>
    %dma_wait3A_438 = tpu.memref_squeeze %dma_wait3A_437 : memref<1x80xi32, #tpu.memory_space<vmem>> -> memref<80xi32, #tpu.memory_space<vmem>>
    %dma_wait3A_439 = arith.constant 0 : i32
    %dma_wait3A_440 = arith.constant 0 : i32
    %dma_wait3A_441 = tpu.memref_slice %arg12[%dma_wait3A_439, %dma_wait3A_440] : memref<10240x128xf32, #tpu.memory_space<vmem_shared>> -> memref<10240x128xf32, #tpu.memory_space<vmem_shared>>
    tpu.wait_indirect_dma semaphore(%arg17 : memref<!tpu.dma_semaphore, #tpu.memory_space<semaphore_mem>>) src(%arg10 : memref<80x128xf32, #tpu.memory_space<vmem>>) dst(%dma_wait3A_441 : memref<10240x128xf32, #tpu.memory_space<vmem_shared>>)
    %dma_start3A_442 = arith.constant 28 : i32
    %dma_start3A_443 = arith.constant 0 : i32
    %dma_start3A_444 = tpu.memref_slice %arg7[%dma_start3A_442, %dma_start3A_443] : memref<48x80xi32, #tpu.memory_space<vmem>> -> memref<1x80xi32, #tpu.memory_space<vmem>>
    %dma_start3A_445 = tpu.memref_squeeze %dma_start3A_444 : memref<1x80xi32, #tpu.memory_space<vmem>> -> memref<80xi32, #tpu.memory_space<vmem>>
    %dma_start3A_446 = arith.constant 0 : i32
    %dma_start3A_447 = arith.constant 0 : i32
    %dma_start3A_448 = tpu.memref_slice %arg2[%dma_start3A_446, %dma_start3A_447] : memref<10000x128xf32, #tpu.memory_space<hbm>> -> memref<10000x128xf32, #tpu.memory_space<hbm>>
    tpu.enqueue_indirect_dma source(%dma_start3A_448 : memref<10000x128xf32, #tpu.memory_space<hbm>>) target(%arg10 : memref<80x128xf32, #tpu.memory_space<vmem>>) offsets(%dma_start3A_445 : memref<80xi32, #tpu.memory_space<vmem>>) semaphore(%arg14 : memref<!tpu.dma_semaphore, #tpu.memory_space<semaphore_mem>>)
    %dma_wait3A_449 = arith.constant 28 : i32
    %dma_wait3A_450 = arith.constant 0 : i32
    %dma_wait3A_451 = tpu.memref_slice %arg7[%dma_wait3A_449, %dma_wait3A_450] : memref<48x80xi32, #tpu.memory_space<vmem>> -> memref<1x80xi32, #tpu.memory_space<vmem>>
    %dma_wait3A_452 = tpu.memref_squeeze %dma_wait3A_451 : memref<1x80xi32, #tpu.memory_space<vmem>> -> memref<80xi32, #tpu.memory_space<vmem>>
    %dma_wait3A_453 = arith.constant 0 : i32
    %dma_wait3A_454 = arith.constant 0 : i32
    %dma_wait3A_455 = tpu.memref_slice %arg2[%dma_wait3A_453, %dma_wait3A_454] : memref<10000x128xf32, #tpu.memory_space<hbm>> -> memref<10000x128xf32, #tpu.memory_space<hbm>>
    tpu.wait_indirect_dma semaphore(%arg14 : memref<!tpu.dma_semaphore, #tpu.memory_space<semaphore_mem>>) src(%dma_wait3A_455 : memref<10000x128xf32, #tpu.memory_space<hbm>>) dst(%arg10 : memref<80x128xf32, #tpu.memory_space<vmem>>)
    %dma_start3A_456 = arith.constant 28 : i32
    %dma_start3A_457 = arith.constant 0 : i32
    %dma_start3A_458 = tpu.memref_slice %arg8[%dma_start3A_456, %dma_start3A_457] : memref<48x80xi32, #tpu.memory_space<vmem>> -> memref<1x80xi32, #tpu.memory_space<vmem>>
    %dma_start3A_459 = tpu.memref_squeeze %dma_start3A_458 : memref<1x80xi32, #tpu.memory_space<vmem>> -> memref<80xi32, #tpu.memory_space<vmem>>
    %dma_start3A_460 = arith.constant 0 : i32
    %dma_start3A_461 = arith.constant 0 : i32
    %dma_start3A_462 = tpu.memref_slice %arg12[%dma_start3A_460, %dma_start3A_461] : memref<10240x128xf32, #tpu.memory_space<vmem_shared>> -> memref<10240x128xf32, #tpu.memory_space<vmem_shared>>
    tpu.enqueue_indirect_dma source(%arg10 : memref<80x128xf32, #tpu.memory_space<vmem>>) target(%dma_start3A_462 : memref<10240x128xf32, #tpu.memory_space<vmem_shared>>) offsets(%dma_start3A_459 : memref<80xi32, #tpu.memory_space<vmem>>) semaphore(%arg17 : memref<!tpu.dma_semaphore, #tpu.memory_space<semaphore_mem>>) {add = true}
    %dma_wait3A_463 = arith.constant 27 : i32
    %dma_wait3A_464 = arith.constant 0 : i32
    %dma_wait3A_465 = tpu.memref_slice %arg8[%dma_wait3A_463, %dma_wait3A_464] : memref<48x80xi32, #tpu.memory_space<vmem>> -> memref<1x80xi32, #tpu.memory_space<vmem>>
    %dma_wait3A_466 = tpu.memref_squeeze %dma_wait3A_465 : memref<1x80xi32, #tpu.memory_space<vmem>> -> memref<80xi32, #tpu.memory_space<vmem>>
    %dma_wait3A_467 = arith.constant 0 : i32
    %dma_wait3A_468 = arith.constant 0 : i32
    %dma_wait3A_469 = tpu.memref_slice %arg12[%dma_wait3A_467, %dma_wait3A_468] : memref<10240x128xf32, #tpu.memory_space<vmem_shared>> -> memref<10240x128xf32, #tpu.memory_space<vmem_shared>>
    tpu.wait_indirect_dma semaphore(%arg16 : memref<!tpu.dma_semaphore, #tpu.memory_space<semaphore_mem>>) src(%arg9 : memref<80x128xf32, #tpu.memory_space<vmem>>) dst(%dma_wait3A_469 : memref<10240x128xf32, #tpu.memory_space<vmem_shared>>)
    %dma_wait3A_470 = arith.constant 28 : i32
    %dma_wait3A_471 = arith.constant 0 : i32
    %dma_wait3A_472 = tpu.memref_slice %arg8[%dma_wait3A_470, %dma_wait3A_471] : memref<48x80xi32, #tpu.memory_space<vmem>> -> memref<1x80xi32, #tpu.memory_space<vmem>>
    %dma_wait3A_473 = tpu.memref_squeeze %dma_wait3A_472 : memref<1x80xi32, #tpu.memory_space<vmem>> -> memref<80xi32, #tpu.memory_space<vmem>>
    %dma_wait3A_474 = arith.constant 0 : i32
    %dma_wait3A_475 = arith.constant 0 : i32
    %dma_wait3A_476 = tpu.memref_slice %arg12[%dma_wait3A_474, %dma_wait3A_475] : memref<10240x128xf32, #tpu.memory_space<vmem_shared>> -> memref<10240x128xf32, #tpu.memory_space<vmem_shared>>
    tpu.wait_indirect_dma semaphore(%arg17 : memref<!tpu.dma_semaphore, #tpu.memory_space<semaphore_mem>>) src(%arg10 : memref<80x128xf32, #tpu.memory_space<vmem>>) dst(%dma_wait3A_476 : memref<10240x128xf32, #tpu.memory_space<vmem_shared>>)
    %dma_wait3A_477 = arith.constant 26 : i32
    %dma_wait3A_478 = arith.constant 0 : i32
    %dma_wait3A_479 = tpu.memref_slice %arg8[%dma_wait3A_477, %dma_wait3A_478] : memref<48x80xi32, #tpu.memory_space<vmem>> -> memref<1x80xi32, #tpu.memory_space<vmem>>
    %dma_wait3A_480 = tpu.memref_squeeze %dma_wait3A_479 : memref<1x80xi32, #tpu.memory_space<vmem>> -> memref<80xi32, #tpu.memory_space<vmem>>
    %dma_wait3A_481 = arith.constant 0 : i32
    %dma_wait3A_482 = arith.constant 0 : i32
    %dma_wait3A_483 = tpu.memref_slice %arg12[%dma_wait3A_481, %dma_wait3A_482] : memref<10240x128xf32, #tpu.memory_space<vmem_shared>> -> memref<10240x128xf32, #tpu.memory_space<vmem_shared>>
    tpu.wait_indirect_dma semaphore(%arg18 : memref<!tpu.dma_semaphore, #tpu.memory_space<semaphore_mem>>) src(%arg11 : memref<80x128xf32, #tpu.memory_space<vmem>>) dst(%dma_wait3A_483 : memref<10240x128xf32, #tpu.memory_space<vmem_shared>>)
    %barrier3A_484 = arith.constant 0 : index
    tpu.barrier barrier_id(%barrier3A_484)
    %mul3A_485 = arith.constant 8 : i32
    %mul3A_486 = arith.muli %arg1, %mul3A_485 : i32
    %add3A_487 = arith.constant 0 : i32
    %add3A_488 = arith.addi %mul3A_486, %add3A_487 : i32
    %mul3A_489 = arith.constant 80 : i32
    %mul3A_490 = arith.muli %add3A_488, %mul3A_489 : i32
    "tpu.region"() ({
      %run_scoped3A = tpu.sem_alloc : memref<!tpu.dma_semaphore, #tpu.memory_space<semaphore_mem>>
      %dma_start3A_704 = arith.constant 0 : i32
      %dma_start3A_705 = tpu.memref_slice %arg12[%mul3A_490, %dma_start3A_704] : memref<10240x128xf32, #tpu.memory_space<vmem_shared>> -> memref<80x128xf32, #tpu.memory_space<vmem_shared>>
      %dma_start3A_706 = arith.constant 0 : i32
      %dma_start3A_707 = tpu.memref_slice %arg12[%mul3A_490, %dma_start3A_706] : memref<10240x128xf32, #tpu.memory_space<vmem_shared>> -> memref<80x128xf32, #tpu.memory_space<vmem_shared>>
      tpu.enqueue_dma source(%dma_start3A_707 : memref<80x128xf32, #tpu.memory_space<vmem_shared>>) target(%arg9 : memref<80x128xf32, #tpu.memory_space<vmem>>) target_semaphore(%run_scoped3A : memref<!tpu.dma_semaphore, #tpu.memory_space<semaphore_mem>>)
      %dma_wait3A_708 = arith.constant 0 : i32
      %dma_wait3A_709 = tpu.memref_slice %arg12[%mul3A_490, %dma_wait3A_708] : memref<10240x128xf32, #tpu.memory_space<vmem_shared>> -> memref<80x128xf32, #tpu.memory_space<vmem_shared>>
      %dma_wait3A_710 = arith.constant 0 : i32
      %dma_wait3A_711 = tpu.memref_slice %arg12[%mul3A_490, %dma_wait3A_710] : memref<10240x128xf32, #tpu.memory_space<vmem_shared>> -> memref<80x128xf32, #tpu.memory_space<vmem_shared>>
      tpu.wait_dma2 semaphore(%run_scoped3A : memref<!tpu.dma_semaphore, #tpu.memory_space<semaphore_mem>>) src(%dma_wait3A_711 : memref<80x128xf32, #tpu.memory_space<vmem_shared>>) dst(%arg9 : memref<80x128xf32, #tpu.memory_space<vmem>>)
      tpu.yield
    }) : () -> ()
    %mul3A_491 = arith.constant 80 : i32
    %mul3A_492 = arith.muli %add3A_488, %mul3A_491 : i32
    %dma_start3A_493 = arith.constant 0 : i32
    %dma_start3A_494 = tpu.memref_slice %arg6[%arg0, %mul3A_492, %dma_start3A_493] : memref<2x10240x128xf32, #tpu.memory_space<hbm>> -> memref<1x80x128xf32, #tpu.memory_space<hbm>>
    %dma_start3A_495 = tpu.memref_squeeze %dma_start3A_494 : memref<1x80x128xf32, #tpu.memory_space<hbm>> -> memref<80x128xf32, #tpu.memory_space<hbm>>
    %dma_start3A_496 = arith.constant 0 : i32
    %dma_start3A_497 = tpu.memref_slice %arg6[%arg0, %mul3A_492, %dma_start3A_496] : memref<2x10240x128xf32, #tpu.memory_space<hbm>> -> memref<1x80x128xf32, #tpu.memory_space<hbm>>
    %dma_start3A_498 = tpu.memref_squeeze %dma_start3A_497 : memref<1x80x128xf32, #tpu.memory_space<hbm>> -> memref<80x128xf32, #tpu.memory_space<hbm>>
    tpu.enqueue_dma source(%arg9 : memref<80x128xf32, #tpu.memory_space<vmem>>) target(%dma_start3A_498 : memref<80x128xf32, #tpu.memory_space<hbm>>) target_semaphore(%arg13 : memref<!tpu.dma_semaphore, #tpu.memory_space<semaphore_mem>>)
    %mul3A_499 = arith.constant 8 : i32
    %mul3A_500 = arith.muli %arg1, %mul3A_499 : i32
    %add3A_501 = arith.constant 1 : i32
    %add3A_502 = arith.addi %mul3A_500, %add3A_501 : i32
    %mul3A_503 = arith.constant 80 : i32
    %mul3A_504 = arith.muli %add3A_502, %mul3A_503 : i32
    "tpu.region"() ({
      %run_scoped3A = tpu.sem_alloc : memref<!tpu.dma_semaphore, #tpu.memory_space<semaphore_mem>>
      %dma_start3A_704 = arith.constant 0 : i32
      %dma_start3A_705 = tpu.memref_slice %arg12[%mul3A_504, %dma_start3A_704] : memref<10240x128xf32, #tpu.memory_space<vmem_shared>> -> memref<80x128xf32, #tpu.memory_space<vmem_shared>>
      %dma_start3A_706 = arith.constant 0 : i32
      %dma_start3A_707 = tpu.memref_slice %arg12[%mul3A_504, %dma_start3A_706] : memref<10240x128xf32, #tpu.memory_space<vmem_shared>> -> memref<80x128xf32, #tpu.memory_space<vmem_shared>>
      tpu.enqueue_dma source(%dma_start3A_707 : memref<80x128xf32, #tpu.memory_space<vmem_shared>>) target(%arg10 : memref<80x128xf32, #tpu.memory_space<vmem>>) target_semaphore(%run_scoped3A : memref<!tpu.dma_semaphore, #tpu.memory_space<semaphore_mem>>)
      %dma_wait3A_708 = arith.constant 0 : i32
      %dma_wait3A_709 = tpu.memref_slice %arg12[%mul3A_504, %dma_wait3A_708] : memref<10240x128xf32, #tpu.memory_space<vmem_shared>> -> memref<80x128xf32, #tpu.memory_space<vmem_shared>>
      %dma_wait3A_710 = arith.constant 0 : i32
      %dma_wait3A_711 = tpu.memref_slice %arg12[%mul3A_504, %dma_wait3A_710] : memref<10240x128xf32, #tpu.memory_space<vmem_shared>> -> memref<80x128xf32, #tpu.memory_space<vmem_shared>>
      tpu.wait_dma2 semaphore(%run_scoped3A : memref<!tpu.dma_semaphore, #tpu.memory_space<semaphore_mem>>) src(%dma_wait3A_711 : memref<80x128xf32, #tpu.memory_space<vmem_shared>>) dst(%arg10 : memref<80x128xf32, #tpu.memory_space<vmem>>)
      tpu.yield
    }) : () -> ()
    %mul3A_505 = arith.constant 80 : i32
    %mul3A_506 = arith.muli %add3A_502, %mul3A_505 : i32
    %dma_start3A_507 = arith.constant 0 : i32
    %dma_start3A_508 = tpu.memref_slice %arg6[%arg0, %mul3A_506, %dma_start3A_507] : memref<2x10240x128xf32, #tpu.memory_space<hbm>> -> memref<1x80x128xf32, #tpu.memory_space<hbm>>
    %dma_start3A_509 = tpu.memref_squeeze %dma_start3A_508 : memref<1x80x128xf32, #tpu.memory_space<hbm>> -> memref<80x128xf32, #tpu.memory_space<hbm>>
    %dma_start3A_510 = arith.constant 0 : i32
    %dma_start3A_511 = tpu.memref_slice %arg6[%arg0, %mul3A_506, %dma_start3A_510] : memref<2x10240x128xf32, #tpu.memory_space<hbm>> -> memref<1x80x128xf32, #tpu.memory_space<hbm>>
    %dma_start3A_512 = tpu.memref_squeeze %dma_start3A_511 : memref<1x80x128xf32, #tpu.memory_space<hbm>> -> memref<80x128xf32, #tpu.memory_space<hbm>>
    tpu.enqueue_dma source(%arg10 : memref<80x128xf32, #tpu.memory_space<vmem>>) target(%dma_start3A_512 : memref<80x128xf32, #tpu.memory_space<hbm>>) target_semaphore(%arg14 : memref<!tpu.dma_semaphore, #tpu.memory_space<semaphore_mem>>)
    %mul3A_513 = arith.constant 8 : i32
    %mul3A_514 = arith.muli %arg1, %mul3A_513 : i32
    %add3A_515 = arith.constant 2 : i32
    %add3A_516 = arith.addi %mul3A_514, %add3A_515 : i32
    %mul3A_517 = arith.constant 8 : i32
    %mul3A_518 = arith.muli %arg1, %mul3A_517 : i32
    %add3A_519 = arith.constant 2 : i32
    %add3A_520 = arith.addi %mul3A_518, %add3A_519 : i32
    %sub3A = arith.constant 2 : i32
    %sub3A_521 = arith.subi %add3A_520, %sub3A : i32
    %mul3A_522 = arith.constant 80 : i32
    %mul3A_523 = arith.muli %sub3A_521, %mul3A_522 : i32
    %dma_wait3A_524 = arith.constant 0 : i32
    %dma_wait3A_525 = tpu.memref_slice %arg6[%arg0, %mul3A_523, %dma_wait3A_524] : memref<2x10240x128xf32, #tpu.memory_space<hbm>> -> memref<1x80x128xf32, #tpu.memory_space<hbm>>
    %dma_wait3A_526 = tpu.memref_squeeze %dma_wait3A_525 : memref<1x80x128xf32, #tpu.memory_space<hbm>> -> memref<80x128xf32, #tpu.memory_space<hbm>>
    %dma_wait3A_527 = arith.constant 0 : i32
    %dma_wait3A_528 = tpu.memref_slice %arg6[%arg0, %mul3A_523, %dma_wait3A_527] : memref<2x10240x128xf32, #tpu.memory_space<hbm>> -> memref<1x80x128xf32, #tpu.memory_space<hbm>>
    %dma_wait3A_529 = tpu.memref_squeeze %dma_wait3A_528 : memref<1x80x128xf32, #tpu.memory_space<hbm>> -> memref<80x128xf32, #tpu.memory_space<hbm>>
    tpu.wait_dma2 semaphore(%arg13 : memref<!tpu.dma_semaphore, #tpu.memory_space<semaphore_mem>>) src(%arg9 : memref<80x128xf32, #tpu.memory_space<vmem>>) dst(%dma_wait3A_529 : memref<80x128xf32, #tpu.memory_space<hbm>>)
    %mul3A_530 = arith.constant 80 : i32
    %mul3A_531 = arith.muli %add3A_516, %mul3A_530 : i32
    "tpu.region"() ({
      %run_scoped3A = tpu.sem_alloc : memref<!tpu.dma_semaphore, #tpu.memory_space<semaphore_mem>>
      %dma_start3A_704 = arith.constant 0 : i32
      %dma_start3A_705 = tpu.memref_slice %arg12[%mul3A_531, %dma_start3A_704] : memref<10240x128xf32, #tpu.memory_space<vmem_shared>> -> memref<80x128xf32, #tpu.memory_space<vmem_shared>>
      %dma_start3A_706 = arith.constant 0 : i32
      %dma_start3A_707 = tpu.memref_slice %arg12[%mul3A_531, %dma_start3A_706] : memref<10240x128xf32, #tpu.memory_space<vmem_shared>> -> memref<80x128xf32, #tpu.memory_space<vmem_shared>>
      tpu.enqueue_dma source(%dma_start3A_707 : memref<80x128xf32, #tpu.memory_space<vmem_shared>>) target(%arg9 : memref<80x128xf32, #tpu.memory_space<vmem>>) target_semaphore(%run_scoped3A : memref<!tpu.dma_semaphore, #tpu.memory_space<semaphore_mem>>)
      %dma_wait3A_708 = arith.constant 0 : i32
      %dma_wait3A_709 = tpu.memref_slice %arg12[%mul3A_531, %dma_wait3A_708] : memref<10240x128xf32, #tpu.memory_space<vmem_shared>> -> memref<80x128xf32, #tpu.memory_space<vmem_shared>>
      %dma_wait3A_710 = arith.constant 0 : i32
      %dma_wait3A_711 = tpu.memref_slice %arg12[%mul3A_531, %dma_wait3A_710] : memref<10240x128xf32, #tpu.memory_space<vmem_shared>> -> memref<80x128xf32, #tpu.memory_space<vmem_shared>>
      tpu.wait_dma2 semaphore(%run_scoped3A : memref<!tpu.dma_semaphore, #tpu.memory_space<semaphore_mem>>) src(%dma_wait3A_711 : memref<80x128xf32, #tpu.memory_space<vmem_shared>>) dst(%arg9 : memref<80x128xf32, #tpu.memory_space<vmem>>)
      tpu.yield
    }) : () -> ()
    %mul3A_532 = arith.constant 80 : i32
    %mul3A_533 = arith.muli %add3A_516, %mul3A_532 : i32
    %dma_start3A_534 = arith.constant 0 : i32
    %dma_start3A_535 = tpu.memref_slice %arg6[%arg0, %mul3A_533, %dma_start3A_534] : memref<2x10240x128xf32, #tpu.memory_space<hbm>> -> memref<1x80x128xf32, #tpu.memory_space<hbm>>
    %dma_start3A_536 = tpu.memref_squeeze %dma_start3A_535 : memref<1x80x128xf32, #tpu.memory_space<hbm>> -> memref<80x128xf32, #tpu.memory_space<hbm>>
    %dma_start3A_537 = arith.constant 0 : i32
    %dma_start3A_538 = tpu.memref_slice %arg6[%arg0, %mul3A_533, %dma_start3A_537] : memref<2x10240x128xf32, #tpu.memory_space<hbm>> -> memref<1x80x128xf32, #tpu.memory_space<hbm>>
    %dma_start3A_539 = tpu.memref_squeeze %dma_start3A_538 : memref<1x80x128xf32, #tpu.memory_space<hbm>> -> memref<80x128xf32, #tpu.memory_space<hbm>>
    tpu.enqueue_dma source(%arg9 : memref<80x128xf32, #tpu.memory_space<vmem>>) target(%dma_start3A_539 : memref<80x128xf32, #tpu.memory_space<hbm>>) target_semaphore(%arg13 : memref<!tpu.dma_semaphore, #tpu.memory_space<semaphore_mem>>)
    %mul3A_540 = arith.constant 8 : i32
    %mul3A_541 = arith.muli %arg1, %mul3A_540 : i32
    %add3A_542 = arith.constant 3 : i32
    %add3A_543 = arith.addi %mul3A_541, %add3A_542 : i32
    %mul3A_544 = arith.constant 8 : i32
    %mul3A_545 = arith.muli %arg1, %mul3A_544 : i32
    %add3A_546 = arith.constant 3 : i32
    %add3A_547 = arith.addi %mul3A_545, %add3A_546 : i32
    %sub3A_548 = arith.constant 2 : i32
    %sub3A_549 = arith.subi %add3A_547, %sub3A_548 : i32
    %mul3A_550 = arith.constant 80 : i32
    %mul3A_551 = arith.muli %sub3A_549, %mul3A_550 : i32
    %dma_wait3A_552 = arith.constant 0 : i32
    %dma_wait3A_553 = tpu.memref_slice %arg6[%arg0, %mul3A_551, %dma_wait3A_552] : memref<2x10240x128xf32, #tpu.memory_space<hbm>> -> memref<1x80x128xf32, #tpu.memory_space<hbm>>
    %dma_wait3A_554 = tpu.memref_squeeze %dma_wait3A_553 : memref<1x80x128xf32, #tpu.memory_space<hbm>> -> memref<80x128xf32, #tpu.memory_space<hbm>>
    %dma_wait3A_555 = arith.constant 0 : i32
    %dma_wait3A_556 = tpu.memref_slice %arg6[%arg0, %mul3A_551, %dma_wait3A_555] : memref<2x10240x128xf32, #tpu.memory_space<hbm>> -> memref<1x80x128xf32, #tpu.memory_space<hbm>>
    %dma_wait3A_557 = tpu.memref_squeeze %dma_wait3A_556 : memref<1x80x128xf32, #tpu.memory_space<hbm>> -> memref<80x128xf32, #tpu.memory_space<hbm>>
    tpu.wait_dma2 semaphore(%arg14 : memref<!tpu.dma_semaphore, #tpu.memory_space<semaphore_mem>>) src(%arg10 : memref<80x128xf32, #tpu.memory_space<vmem>>) dst(%dma_wait3A_557 : memref<80x128xf32, #tpu.memory_space<hbm>>)
    %mul3A_558 = arith.constant 80 : i32
    %mul3A_559 = arith.muli %add3A_543, %mul3A_558 : i32
    "tpu.region"() ({
      %run_scoped3A = tpu.sem_alloc : memref<!tpu.dma_semaphore, #tpu.memory_space<semaphore_mem>>
      %dma_start3A_704 = arith.constant 0 : i32
      %dma_start3A_705 = tpu.memref_slice %arg12[%mul3A_559, %dma_start3A_704] : memref<10240x128xf32, #tpu.memory_space<vmem_shared>> -> memref<80x128xf32, #tpu.memory_space<vmem_shared>>
      %dma_start3A_706 = arith.constant 0 : i32
      %dma_start3A_707 = tpu.memref_slice %arg12[%mul3A_559, %dma_start3A_706] : memref<10240x128xf32, #tpu.memory_space<vmem_shared>> -> memref<80x128xf32, #tpu.memory_space<vmem_shared>>
      tpu.enqueue_dma source(%dma_start3A_707 : memref<80x128xf32, #tpu.memory_space<vmem_shared>>) target(%arg10 : memref<80x128xf32, #tpu.memory_space<vmem>>) target_semaphore(%run_scoped3A : memref<!tpu.dma_semaphore, #tpu.memory_space<semaphore_mem>>)
      %dma_wait3A_708 = arith.constant 0 : i32
      %dma_wait3A_709 = tpu.memref_slice %arg12[%mul3A_559, %dma_wait3A_708] : memref<10240x128xf32, #tpu.memory_space<vmem_shared>> -> memref<80x128xf32, #tpu.memory_space<vmem_shared>>
      %dma_wait3A_710 = arith.constant 0 : i32
      %dma_wait3A_711 = tpu.memref_slice %arg12[%mul3A_559, %dma_wait3A_710] : memref<10240x128xf32, #tpu.memory_space<vmem_shared>> -> memref<80x128xf32, #tpu.memory_space<vmem_shared>>
      tpu.wait_dma2 semaphore(%run_scoped3A : memref<!tpu.dma_semaphore, #tpu.memory_space<semaphore_mem>>) src(%dma_wait3A_711 : memref<80x128xf32, #tpu.memory_space<vmem_shared>>) dst(%arg10 : memref<80x128xf32, #tpu.memory_space<vmem>>)
      tpu.yield
    }) : () -> ()
    %mul3A_560 = arith.constant 80 : i32
    %mul3A_561 = arith.muli %add3A_543, %mul3A_560 : i32
    %dma_start3A_562 = arith.constant 0 : i32
    %dma_start3A_563 = tpu.memref_slice %arg6[%arg0, %mul3A_561, %dma_start3A_562] : memref<2x10240x128xf32, #tpu.memory_space<hbm>> -> memref<1x80x128xf32, #tpu.memory_space<hbm>>
    %dma_start3A_564 = tpu.memref_squeeze %dma_start3A_563 : memref<1x80x128xf32, #tpu.memory_space<hbm>> -> memref<80x128xf32, #tpu.memory_space<hbm>>
    %dma_start3A_565 = arith.constant 0 : i32
    %dma_start3A_566 = tpu.memref_slice %arg6[%arg0, %mul3A_561, %dma_start3A_565] : memref<2x10240x128xf32, #tpu.memory_space<hbm>> -> memref<1x80x128xf32, #tpu.memory_space<hbm>>
    %dma_start3A_567 = tpu.memref_squeeze %dma_start3A_566 : memref<1x80x128xf32, #tpu.memory_space<hbm>> -> memref<80x128xf32, #tpu.memory_space<hbm>>
    tpu.enqueue_dma source(%arg10 : memref<80x128xf32, #tpu.memory_space<vmem>>) target(%dma_start3A_567 : memref<80x128xf32, #tpu.memory_space<hbm>>) target_semaphore(%arg14 : memref<!tpu.dma_semaphore, #tpu.memory_space<semaphore_mem>>)
    %mul3A_568 = arith.constant 8 : i32
    %mul3A_569 = arith.muli %arg1, %mul3A_568 : i32
    %add3A_570 = arith.constant 4 : i32
    %add3A_571 = arith.addi %mul3A_569, %add3A_570 : i32
    %mul3A_572 = arith.constant 8 : i32
    %mul3A_573 = arith.muli %arg1, %mul3A_572 : i32
    %add3A_574 = arith.constant 4 : i32
    %add3A_575 = arith.addi %mul3A_573, %add3A_574 : i32
    %sub3A_576 = arith.constant 2 : i32
    %sub3A_577 = arith.subi %add3A_575, %sub3A_576 : i32
    %mul3A_578 = arith.constant 80 : i32
    %mul3A_579 = arith.muli %sub3A_577, %mul3A_578 : i32
    %dma_wait3A_580 = arith.constant 0 : i32
    %dma_wait3A_581 = tpu.memref_slice %arg6[%arg0, %mul3A_579, %dma_wait3A_580] : memref<2x10240x128xf32, #tpu.memory_space<hbm>> -> memref<1x80x128xf32, #tpu.memory_space<hbm>>
    %dma_wait3A_582 = tpu.memref_squeeze %dma_wait3A_581 : memref<1x80x128xf32, #tpu.memory_space<hbm>> -> memref<80x128xf32, #tpu.memory_space<hbm>>
    %dma_wait3A_583 = arith.constant 0 : i32
    %dma_wait3A_584 = tpu.memref_slice %arg6[%arg0, %mul3A_579, %dma_wait3A_583] : memref<2x10240x128xf32, #tpu.memory_space<hbm>> -> memref<1x80x128xf32, #tpu.memory_space<hbm>>
    %dma_wait3A_585 = tpu.memref_squeeze %dma_wait3A_584 : memref<1x80x128xf32, #tpu.memory_space<hbm>> -> memref<80x128xf32, #tpu.memory_space<hbm>>
    tpu.wait_dma2 semaphore(%arg13 : memref<!tpu.dma_semaphore, #tpu.memory_space<semaphore_mem>>) src(%arg9 : memref<80x128xf32, #tpu.memory_space<vmem>>) dst(%dma_wait3A_585 : memref<80x128xf32, #tpu.memory_space<hbm>>)
    %mul3A_586 = arith.constant 80 : i32
    %mul3A_587 = arith.muli %add3A_571, %mul3A_586 : i32
    "tpu.region"() ({
      %run_scoped3A = tpu.sem_alloc : memref<!tpu.dma_semaphore, #tpu.memory_space<semaphore_mem>>
      %dma_start3A_704 = arith.constant 0 : i32
      %dma_start3A_705 = tpu.memref_slice %arg12[%mul3A_587, %dma_start3A_704] : memref<10240x128xf32, #tpu.memory_space<vmem_shared>> -> memref<80x128xf32, #tpu.memory_space<vmem_shared>>
      %dma_start3A_706 = arith.constant 0 : i32
      %dma_start3A_707 = tpu.memref_slice %arg12[%mul3A_587, %dma_start3A_706] : memref<10240x128xf32, #tpu.memory_space<vmem_shared>> -> memref<80x128xf32, #tpu.memory_space<vmem_shared>>
      tpu.enqueue_dma source(%dma_start3A_707 : memref<80x128xf32, #tpu.memory_space<vmem_shared>>) target(%arg9 : memref<80x128xf32, #tpu.memory_space<vmem>>) target_semaphore(%run_scoped3A : memref<!tpu.dma_semaphore, #tpu.memory_space<semaphore_mem>>)
      %dma_wait3A_708 = arith.constant 0 : i32
      %dma_wait3A_709 = tpu.memref_slice %arg12[%mul3A_587, %dma_wait3A_708] : memref<10240x128xf32, #tpu.memory_space<vmem_shared>> -> memref<80x128xf32, #tpu.memory_space<vmem_shared>>
      %dma_wait3A_710 = arith.constant 0 : i32
      %dma_wait3A_711 = tpu.memref_slice %arg12[%mul3A_587, %dma_wait3A_710] : memref<10240x128xf32, #tpu.memory_space<vmem_shared>> -> memref<80x128xf32, #tpu.memory_space<vmem_shared>>
      tpu.wait_dma2 semaphore(%run_scoped3A : memref<!tpu.dma_semaphore, #tpu.memory_space<semaphore_mem>>) src(%dma_wait3A_711 : memref<80x128xf32, #tpu.memory_space<vmem_shared>>) dst(%arg9 : memref<80x128xf32, #tpu.memory_space<vmem>>)
      tpu.yield
    }) : () -> ()
    %mul3A_588 = arith.constant 80 : i32
    %mul3A_589 = arith.muli %add3A_571, %mul3A_588 : i32
    %dma_start3A_590 = arith.constant 0 : i32
    %dma_start3A_591 = tpu.memref_slice %arg6[%arg0, %mul3A_589, %dma_start3A_590] : memref<2x10240x128xf32, #tpu.memory_space<hbm>> -> memref<1x80x128xf32, #tpu.memory_space<hbm>>
    %dma_start3A_592 = tpu.memref_squeeze %dma_start3A_591 : memref<1x80x128xf32, #tpu.memory_space<hbm>> -> memref<80x128xf32, #tpu.memory_space<hbm>>
    %dma_start3A_593 = arith.constant 0 : i32
    %dma_start3A_594 = tpu.memref_slice %arg6[%arg0, %mul3A_589, %dma_start3A_593] : memref<2x10240x128xf32, #tpu.memory_space<hbm>> -> memref<1x80x128xf32, #tpu.memory_space<hbm>>
    %dma_start3A_595 = tpu.memref_squeeze %dma_start3A_594 : memref<1x80x128xf32, #tpu.memory_space<hbm>> -> memref<80x128xf32, #tpu.memory_space<hbm>>
    tpu.enqueue_dma source(%arg9 : memref<80x128xf32, #tpu.memory_space<vmem>>) target(%dma_start3A_595 : memref<80x128xf32, #tpu.memory_space<hbm>>) target_semaphore(%arg13 : memref<!tpu.dma_semaphore, #tpu.memory_space<semaphore_mem>>)
    %mul3A_596 = arith.constant 8 : i32
    %mul3A_597 = arith.muli %arg1, %mul3A_596 : i32
    %add3A_598 = arith.constant 5 : i32
    %add3A_599 = arith.addi %mul3A_597, %add3A_598 : i32
    %mul3A_600 = arith.constant 8 : i32
    %mul3A_601 = arith.muli %arg1, %mul3A_600 : i32
    %add3A_602 = arith.constant 5 : i32
    %add3A_603 = arith.addi %mul3A_601, %add3A_602 : i32
    %sub3A_604 = arith.constant 2 : i32
    %sub3A_605 = arith.subi %add3A_603, %sub3A_604 : i32
    %mul3A_606 = arith.constant 80 : i32
    %mul3A_607 = arith.muli %sub3A_605, %mul3A_606 : i32
    %dma_wait3A_608 = arith.constant 0 : i32
    %dma_wait3A_609 = tpu.memref_slice %arg6[%arg0, %mul3A_607, %dma_wait3A_608] : memref<2x10240x128xf32, #tpu.memory_space<hbm>> -> memref<1x80x128xf32, #tpu.memory_space<hbm>>
    %dma_wait3A_610 = tpu.memref_squeeze %dma_wait3A_609 : memref<1x80x128xf32, #tpu.memory_space<hbm>> -> memref<80x128xf32, #tpu.memory_space<hbm>>
    %dma_wait3A_611 = arith.constant 0 : i32
    %dma_wait3A_612 = tpu.memref_slice %arg6[%arg0, %mul3A_607, %dma_wait3A_611] : memref<2x10240x128xf32, #tpu.memory_space<hbm>> -> memref<1x80x128xf32, #tpu.memory_space<hbm>>
    %dma_wait3A_613 = tpu.memref_squeeze %dma_wait3A_612 : memref<1x80x128xf32, #tpu.memory_space<hbm>> -> memref<80x128xf32, #tpu.memory_space<hbm>>
    tpu.wait_dma2 semaphore(%arg14 : memref<!tpu.dma_semaphore, #tpu.memory_space<semaphore_mem>>) src(%arg10 : memref<80x128xf32, #tpu.memory_space<vmem>>) dst(%dma_wait3A_613 : memref<80x128xf32, #tpu.memory_space<hbm>>)
    %mul3A_614 = arith.constant 80 : i32
    %mul3A_615 = arith.muli %add3A_599, %mul3A_614 : i32
    "tpu.region"() ({
      %run_scoped3A = tpu.sem_alloc : memref<!tpu.dma_semaphore, #tpu.memory_space<semaphore_mem>>
      %dma_start3A_704 = arith.constant 0 : i32
      %dma_start3A_705 = tpu.memref_slice %arg12[%mul3A_615, %dma_start3A_704] : memref<10240x128xf32, #tpu.memory_space<vmem_shared>> -> memref<80x128xf32, #tpu.memory_space<vmem_shared>>
      %dma_start3A_706 = arith.constant 0 : i32
      %dma_start3A_707 = tpu.memref_slice %arg12[%mul3A_615, %dma_start3A_706] : memref<10240x128xf32, #tpu.memory_space<vmem_shared>> -> memref<80x128xf32, #tpu.memory_space<vmem_shared>>
      tpu.enqueue_dma source(%dma_start3A_707 : memref<80x128xf32, #tpu.memory_space<vmem_shared>>) target(%arg10 : memref<80x128xf32, #tpu.memory_space<vmem>>) target_semaphore(%run_scoped3A : memref<!tpu.dma_semaphore, #tpu.memory_space<semaphore_mem>>)
      %dma_wait3A_708 = arith.constant 0 : i32
      %dma_wait3A_709 = tpu.memref_slice %arg12[%mul3A_615, %dma_wait3A_708] : memref<10240x128xf32, #tpu.memory_space<vmem_shared>> -> memref<80x128xf32, #tpu.memory_space<vmem_shared>>
      %dma_wait3A_710 = arith.constant 0 : i32
      %dma_wait3A_711 = tpu.memref_slice %arg12[%mul3A_615, %dma_wait3A_710] : memref<10240x128xf32, #tpu.memory_space<vmem_shared>> -> memref<80x128xf32, #tpu.memory_space<vmem_shared>>
      tpu.wait_dma2 semaphore(%run_scoped3A : memref<!tpu.dma_semaphore, #tpu.memory_space<semaphore_mem>>) src(%dma_wait3A_711 : memref<80x128xf32, #tpu.memory_space<vmem_shared>>) dst(%arg10 : memref<80x128xf32, #tpu.memory_space<vmem>>)
      tpu.yield
    }) : () -> ()
    %mul3A_616 = arith.constant 80 : i32
    %mul3A_617 = arith.muli %add3A_599, %mul3A_616 : i32
    %dma_start3A_618 = arith.constant 0 : i32
    %dma_start3A_619 = tpu.memref_slice %arg6[%arg0, %mul3A_617, %dma_start3A_618] : memref<2x10240x128xf32, #tpu.memory_space<hbm>> -> memref<1x80x128xf32, #tpu.memory_space<hbm>>
    %dma_start3A_620 = tpu.memref_squeeze %dma_start3A_619 : memref<1x80x128xf32, #tpu.memory_space<hbm>> -> memref<80x128xf32, #tpu.memory_space<hbm>>
    %dma_start3A_621 = arith.constant 0 : i32
    %dma_start3A_622 = tpu.memref_slice %arg6[%arg0, %mul3A_617, %dma_start3A_621] : memref<2x10240x128xf32, #tpu.memory_space<hbm>> -> memref<1x80x128xf32, #tpu.memory_space<hbm>>
    %dma_start3A_623 = tpu.memref_squeeze %dma_start3A_622 : memref<1x80x128xf32, #tpu.memory_space<hbm>> -> memref<80x128xf32, #tpu.memory_space<hbm>>
    tpu.enqueue_dma source(%arg10 : memref<80x128xf32, #tpu.memory_space<vmem>>) target(%dma_start3A_623 : memref<80x128xf32, #tpu.memory_space<hbm>>) target_semaphore(%arg14 : memref<!tpu.dma_semaphore, #tpu.memory_space<semaphore_mem>>)
    %mul3A_624 = arith.constant 8 : i32
    %mul3A_625 = arith.muli %arg1, %mul3A_624 : i32
    %add3A_626 = arith.constant 6 : i32
    %add3A_627 = arith.addi %mul3A_625, %add3A_626 : i32
    %mul3A_628 = arith.constant 8 : i32
    %mul3A_629 = arith.muli %arg1, %mul3A_628 : i32
    %add3A_630 = arith.constant 6 : i32
    %add3A_631 = arith.addi %mul3A_629, %add3A_630 : i32
    %sub3A_632 = arith.constant 2 : i32
    %sub3A_633 = arith.subi %add3A_631, %sub3A_632 : i32
    %mul3A_634 = arith.constant 80 : i32
    %mul3A_635 = arith.muli %sub3A_633, %mul3A_634 : i32
    %dma_wait3A_636 = arith.constant 0 : i32
    %dma_wait3A_637 = tpu.memref_slice %arg6[%arg0, %mul3A_635, %dma_wait3A_636] : memref<2x10240x128xf32, #tpu.memory_space<hbm>> -> memref<1x80x128xf32, #tpu.memory_space<hbm>>
    %dma_wait3A_638 = tpu.memref_squeeze %dma_wait3A_637 : memref<1x80x128xf32, #tpu.memory_space<hbm>> -> memref<80x128xf32, #tpu.memory_space<hbm>>
    %dma_wait3A_639 = arith.constant 0 : i32
    %dma_wait3A_640 = tpu.memref_slice %arg6[%arg0, %mul3A_635, %dma_wait3A_639] : memref<2x10240x128xf32, #tpu.memory_space<hbm>> -> memref<1x80x128xf32, #tpu.memory_space<hbm>>
    %dma_wait3A_641 = tpu.memref_squeeze %dma_wait3A_640 : memref<1x80x128xf32, #tpu.memory_space<hbm>> -> memref<80x128xf32, #tpu.memory_space<hbm>>
    tpu.wait_dma2 semaphore(%arg13 : memref<!tpu.dma_semaphore, #tpu.memory_space<semaphore_mem>>) src(%arg9 : memref<80x128xf32, #tpu.memory_space<vmem>>) dst(%dma_wait3A_641 : memref<80x128xf32, #tpu.memory_space<hbm>>)
    %mul3A_642 = arith.constant 80 : i32
    %mul3A_643 = arith.muli %add3A_627, %mul3A_642 : i32
    "tpu.region"() ({
      %run_scoped3A = tpu.sem_alloc : memref<!tpu.dma_semaphore, #tpu.memory_space<semaphore_mem>>
      %dma_start3A_704 = arith.constant 0 : i32
      %dma_start3A_705 = tpu.memref_slice %arg12[%mul3A_643, %dma_start3A_704] : memref<10240x128xf32, #tpu.memory_space<vmem_shared>> -> memref<80x128xf32, #tpu.memory_space<vmem_shared>>
      %dma_start3A_706 = arith.constant 0 : i32
      %dma_start3A_707 = tpu.memref_slice %arg12[%mul3A_643, %dma_start3A_706] : memref<10240x128xf32, #tpu.memory_space<vmem_shared>> -> memref<80x128xf32, #tpu.memory_space<vmem_shared>>
      tpu.enqueue_dma source(%dma_start3A_707 : memref<80x128xf32, #tpu.memory_space<vmem_shared>>) target(%arg9 : memref<80x128xf32, #tpu.memory_space<vmem>>) target_semaphore(%run_scoped3A : memref<!tpu.dma_semaphore, #tpu.memory_space<semaphore_mem>>)
      %dma_wait3A_708 = arith.constant 0 : i32
      %dma_wait3A_709 = tpu.memref_slice %arg12[%mul3A_643, %dma_wait3A_708] : memref<10240x128xf32, #tpu.memory_space<vmem_shared>> -> memref<80x128xf32, #tpu.memory_space<vmem_shared>>
      %dma_wait3A_710 = arith.constant 0 : i32
      %dma_wait3A_711 = tpu.memref_slice %arg12[%mul3A_643, %dma_wait3A_710] : memref<10240x128xf32, #tpu.memory_space<vmem_shared>> -> memref<80x128xf32, #tpu.memory_space<vmem_shared>>
      tpu.wait_dma2 semaphore(%run_scoped3A : memref<!tpu.dma_semaphore, #tpu.memory_space<semaphore_mem>>) src(%dma_wait3A_711 : memref<80x128xf32, #tpu.memory_space<vmem_shared>>) dst(%arg9 : memref<80x128xf32, #tpu.memory_space<vmem>>)
      tpu.yield
    }) : () -> ()
    %mul3A_644 = arith.constant 80 : i32
    %mul3A_645 = arith.muli %add3A_627, %mul3A_644 : i32
    %dma_start3A_646 = arith.constant 0 : i32
    %dma_start3A_647 = tpu.memref_slice %arg6[%arg0, %mul3A_645, %dma_start3A_646] : memref<2x10240x128xf32, #tpu.memory_space<hbm>> -> memref<1x80x128xf32, #tpu.memory_space<hbm>>
    %dma_start3A_648 = tpu.memref_squeeze %dma_start3A_647 : memref<1x80x128xf32, #tpu.memory_space<hbm>> -> memref<80x128xf32, #tpu.memory_space<hbm>>
    %dma_start3A_649 = arith.constant 0 : i32
    %dma_start3A_650 = tpu.memref_slice %arg6[%arg0, %mul3A_645, %dma_start3A_649] : memref<2x10240x128xf32, #tpu.memory_space<hbm>> -> memref<1x80x128xf32, #tpu.memory_space<hbm>>
    %dma_start3A_651 = tpu.memref_squeeze %dma_start3A_650 : memref<1x80x128xf32, #tpu.memory_space<hbm>> -> memref<80x128xf32, #tpu.memory_space<hbm>>
    tpu.enqueue_dma source(%arg9 : memref<80x128xf32, #tpu.memory_space<vmem>>) target(%dma_start3A_651 : memref<80x128xf32, #tpu.memory_space<hbm>>) target_semaphore(%arg13 : memref<!tpu.dma_semaphore, #tpu.memory_space<semaphore_mem>>)
    %mul3A_652 = arith.constant 8 : i32
    %mul3A_653 = arith.muli %arg1, %mul3A_652 : i32
    %add3A_654 = arith.constant 7 : i32
    %add3A_655 = arith.addi %mul3A_653, %add3A_654 : i32
    %mul3A_656 = arith.constant 8 : i32
    %mul3A_657 = arith.muli %arg1, %mul3A_656 : i32
    %add3A_658 = arith.constant 7 : i32
    %add3A_659 = arith.addi %mul3A_657, %add3A_658 : i32
    %sub3A_660 = arith.constant 2 : i32
    %sub3A_661 = arith.subi %add3A_659, %sub3A_660 : i32
    %mul3A_662 = arith.constant 80 : i32
    %mul3A_663 = arith.muli %sub3A_661, %mul3A_662 : i32
    %dma_wait3A_664 = arith.constant 0 : i32
    %dma_wait3A_665 = tpu.memref_slice %arg6[%arg0, %mul3A_663, %dma_wait3A_664] : memref<2x10240x128xf32, #tpu.memory_space<hbm>> -> memref<1x80x128xf32, #tpu.memory_space<hbm>>
    %dma_wait3A_666 = tpu.memref_squeeze %dma_wait3A_665 : memref<1x80x128xf32, #tpu.memory_space<hbm>> -> memref<80x128xf32, #tpu.memory_space<hbm>>
    %dma_wait3A_667 = arith.constant 0 : i32
    %dma_wait3A_668 = tpu.memref_slice %arg6[%arg0, %mul3A_663, %dma_wait3A_667] : memref<2x10240x128xf32, #tpu.memory_space<hbm>> -> memref<1x80x128xf32, #tpu.memory_space<hbm>>
    %dma_wait3A_669 = tpu.memref_squeeze %dma_wait3A_668 : memref<1x80x128xf32, #tpu.memory_space<hbm>> -> memref<80x128xf32, #tpu.memory_space<hbm>>
    tpu.wait_dma2 semaphore(%arg14 : memref<!tpu.dma_semaphore, #tpu.memory_space<semaphore_mem>>) src(%arg10 : memref<80x128xf32, #tpu.memory_space<vmem>>) dst(%dma_wait3A_669 : memref<80x128xf32, #tpu.memory_space<hbm>>)
    %mul3A_670 = arith.constant 80 : i32
    %mul3A_671 = arith.muli %add3A_655, %mul3A_670 : i32
    "tpu.region"() ({
      %run_scoped3A = tpu.sem_alloc : memref<!tpu.dma_semaphore, #tpu.memory_space<semaphore_mem>>
      %dma_start3A_704 = arith.constant 0 : i32
      %dma_start3A_705 = tpu.memref_slice %arg12[%mul3A_671, %dma_start3A_704] : memref<10240x128xf32, #tpu.memory_space<vmem_shared>> -> memref<80x128xf32, #tpu.memory_space<vmem_shared>>
      %dma_start3A_706 = arith.constant 0 : i32
      %dma_start3A_707 = tpu.memref_slice %arg12[%mul3A_671, %dma_start3A_706] : memref<10240x128xf32, #tpu.memory_space<vmem_shared>> -> memref<80x128xf32, #tpu.memory_space<vmem_shared>>
      tpu.enqueue_dma source(%dma_start3A_707 : memref<80x128xf32, #tpu.memory_space<vmem_shared>>) target(%arg10 : memref<80x128xf32, #tpu.memory_space<vmem>>) target_semaphore(%run_scoped3A : memref<!tpu.dma_semaphore, #tpu.memory_space<semaphore_mem>>)
      %dma_wait3A_708 = arith.constant 0 : i32
      %dma_wait3A_709 = tpu.memref_slice %arg12[%mul3A_671, %dma_wait3A_708] : memref<10240x128xf32, #tpu.memory_space<vmem_shared>> -> memref<80x128xf32, #tpu.memory_space<vmem_shared>>
      %dma_wait3A_710 = arith.constant 0 : i32
      %dma_wait3A_711 = tpu.memref_slice %arg12[%mul3A_671, %dma_wait3A_710] : memref<10240x128xf32, #tpu.memory_space<vmem_shared>> -> memref<80x128xf32, #tpu.memory_space<vmem_shared>>
      tpu.wait_dma2 semaphore(%run_scoped3A : memref<!tpu.dma_semaphore, #tpu.memory_space<semaphore_mem>>) src(%dma_wait3A_711 : memref<80x128xf32, #tpu.memory_space<vmem_shared>>) dst(%arg10 : memref<80x128xf32, #tpu.memory_space<vmem>>)
      tpu.yield
    }) : () -> ()
    %mul3A_672 = arith.constant 80 : i32
    %mul3A_673 = arith.muli %add3A_655, %mul3A_672 : i32
    %dma_start3A_674 = arith.constant 0 : i32
    %dma_start3A_675 = tpu.memref_slice %arg6[%arg0, %mul3A_673, %dma_start3A_674] : memref<2x10240x128xf32, #tpu.memory_space<hbm>> -> memref<1x80x128xf32, #tpu.memory_space<hbm>>
    %dma_start3A_676 = tpu.memref_squeeze %dma_start3A_675 : memref<1x80x128xf32, #tpu.memory_space<hbm>> -> memref<80x128xf32, #tpu.memory_space<hbm>>
    %dma_start3A_677 = arith.constant 0 : i32
    %dma_start3A_678 = tpu.memref_slice %arg6[%arg0, %mul3A_673, %dma_start3A_677] : memref<2x10240x128xf32, #tpu.memory_space<hbm>> -> memref<1x80x128xf32, #tpu.memory_space<hbm>>
    %dma_start3A_679 = tpu.memref_squeeze %dma_start3A_678 : memref<1x80x128xf32, #tpu.memory_space<hbm>> -> memref<80x128xf32, #tpu.memory_space<hbm>>
    tpu.enqueue_dma source(%arg10 : memref<80x128xf32, #tpu.memory_space<vmem>>) target(%dma_start3A_679 : memref<80x128xf32, #tpu.memory_space<hbm>>) target_semaphore(%arg14 : memref<!tpu.dma_semaphore, #tpu.memory_space<semaphore_mem>>)
    %mul3A_680 = arith.constant 8 : i32
    %mul3A_681 = arith.muli %arg1, %mul3A_680 : i32
    %add3A_682 = arith.constant 6 : i32
    %add3A_683 = arith.addi %mul3A_681, %add3A_682 : i32
    %mul3A_684 = arith.constant 80 : i32
    %mul3A_685 = arith.muli %add3A_683, %mul3A_684 : i32
    %dma_wait3A_686 = arith.constant 0 : i32
    %dma_wait3A_687 = tpu.memref_slice %arg6[%arg0, %mul3A_685, %dma_wait3A_686] : memref<2x10240x128xf32, #tpu.memory_space<hbm>> -> memref<1x80x128xf32, #tpu.memory_space<hbm>>
    %dma_wait3A_688 = tpu.memref_squeeze %dma_wait3A_687 : memref<1x80x128xf32, #tpu.memory_space<hbm>> -> memref<80x128xf32, #tpu.memory_space<hbm>>
    %dma_wait3A_689 = arith.constant 0 : i32
    %dma_wait3A_690 = tpu.memref_slice %arg6[%arg0, %mul3A_685, %dma_wait3A_689] : memref<2x10240x128xf32, #tpu.memory_space<hbm>> -> memref<1x80x128xf32, #tpu.memory_space<hbm>>
    %dma_wait3A_691 = tpu.memref_squeeze %dma_wait3A_690 : memref<1x80x128xf32, #tpu.memory_space<hbm>> -> memref<80x128xf32, #tpu.memory_space<hbm>>
    tpu.wait_dma2 semaphore(%arg13 : memref<!tpu.dma_semaphore, #tpu.memory_space<semaphore_mem>>) src(%arg9 : memref<80x128xf32, #tpu.memory_space<vmem>>) dst(%dma_wait3A_691 : memref<80x128xf32, #tpu.memory_space<hbm>>)
    %mul3A_692 = arith.constant 8 : i32
    %mul3A_693 = arith.muli %arg1, %mul3A_692 : i32
    %add3A_694 = arith.constant 7 : i32
    %add3A_695 = arith.addi %mul3A_693, %add3A_694 : i32
    %mul3A_696 = arith.constant 80 : i32
    %mul3A_697 = arith.muli %add3A_695, %mul3A_696 : i32
    %dma_wait3A_698 = arith.constant 0 : i32
    %dma_wait3A_699 = tpu.memref_slice %arg6[%arg0, %mul3A_697, %dma_wait3A_698] : memref<2x10240x128xf32, #tpu.memory_space<hbm>> -> memref<1x80x128xf32, #tpu.memory_space<hbm>>
    %dma_wait3A_700 = tpu.memref_squeeze %dma_wait3A_699 : memref<1x80x128xf32, #tpu.memory_space<hbm>> -> memref<80x128xf32, #tpu.memory_space<hbm>>
    %dma_wait3A_701 = arith.constant 0 : i32
    %dma_wait3A_702 = tpu.memref_slice %arg6[%arg0, %mul3A_697, %dma_wait3A_701] : memref<2x10240x128xf32, #tpu.memory_space<hbm>> -> memref<1x80x128xf32, #tpu.memory_space<hbm>>
    %dma_wait3A_703 = tpu.memref_squeeze %dma_wait3A_702 : memref<1x80x128xf32, #tpu.memory_space<hbm>> -> memref<80x128xf32, #tpu.memory_space<hbm>>
    tpu.wait_dma2 semaphore(%arg14 : memref<!tpu.dma_semaphore, #tpu.memory_space<semaphore_mem>>) src(%arg10 : memref<80x128xf32, #tpu.memory_space<vmem>>) dst(%dma_wait3A_703 : memref<80x128xf32, #tpu.memory_space<hbm>>)
    return
  }
}

#map = affine_map<(d0, d1) -> (0, 0, 0)>
#map1 = affine_map<(d0, d1) -> (0, 0)>
module attributes {stable_mosaic.version = 14 : i64} {
  func.func @_deg_kernel(%arg0: i32, %arg1: i32, %arg2: memref<32x125x80xi32, #tpu.memory_space<hbm>>, %arg3: memref<80x128xf32, #tpu.memory_space<hbm>>, %arg4: memref<80x128xf32, #tpu.memory_space<hbm>>, %arg5: memref<2x10240x128xf32, #tpu.memory_space<hbm>>, %arg6: memref<125x80xi32, #tpu.memory_space<vmem>>, %arg7: memref<80x128xf32, #tpu.memory_space<vmem>>, %arg8: memref<80x128xf32, #tpu.memory_space<vmem>>, %arg9: memref<10240x128xf32, #tpu.memory_space<vmem_shared>>, %arg10: memref<!tpu.dma_semaphore, #tpu.memory_space<semaphore_mem>>) attributes {dimension_semantics = [#tpu.dimension_semantics<core_parallel>, #tpu.dimension_semantics<subcore_parallel>], iteration_bounds = array<i64: 2, 16>, scalar_prefetch = 0 : i64, scratch_operands = 5 : i64, tpu.core_type = #tpu.core_type<sc_vector_subcore>, window_params = [{transform_indices = #map}, {transform_indices = #map1}, {transform_indices = #map1}, {transform_indices = #map}]} {
    %mul3A = arith.constant 2 : i32
    %mul3A_0 = arith.muli %arg1, %mul3A : i32
    %add3A = arith.addi %mul3A_0, %arg0 : i32
    "tpu.region"() ({
      %run_scoped3A = tpu.sem_alloc : memref<!tpu.dma_semaphore, #tpu.memory_space<semaphore_mem>>
      %dma_start3A_412 = arith.constant 0 : i32
      %dma_start3A_413 = arith.constant 0 : i32
      %dma_start3A_414 = tpu.memref_slice %arg2[%add3A, %dma_start3A_412, %dma_start3A_413] : memref<32x125x80xi32, #tpu.memory_space<hbm>> -> memref<1x125x80xi32, #tpu.memory_space<hbm>>
      %dma_start3A_415 = tpu.memref_squeeze %dma_start3A_414 : memref<1x125x80xi32, #tpu.memory_space<hbm>> -> memref<125x80xi32, #tpu.memory_space<hbm>>
      %dma_start3A_416 = arith.constant 0 : i32
      %dma_start3A_417 = arith.constant 0 : i32
      %dma_start3A_418 = tpu.memref_slice %arg2[%add3A, %dma_start3A_416, %dma_start3A_417] : memref<32x125x80xi32, #tpu.memory_space<hbm>> -> memref<1x125x80xi32, #tpu.memory_space<hbm>>
      %dma_start3A_419 = tpu.memref_squeeze %dma_start3A_418 : memref<1x125x80xi32, #tpu.memory_space<hbm>> -> memref<125x80xi32, #tpu.memory_space<hbm>>
      tpu.enqueue_dma source(%dma_start3A_419 : memref<125x80xi32, #tpu.memory_space<hbm>>) target(%arg6 : memref<125x80xi32, #tpu.memory_space<vmem>>) target_semaphore(%run_scoped3A : memref<!tpu.dma_semaphore, #tpu.memory_space<semaphore_mem>>)
      %dma_wait3A_420 = arith.constant 0 : i32
      %dma_wait3A_421 = arith.constant 0 : i32
      %dma_wait3A_422 = tpu.memref_slice %arg2[%add3A, %dma_wait3A_420, %dma_wait3A_421] : memref<32x125x80xi32, #tpu.memory_space<hbm>> -> memref<1x125x80xi32, #tpu.memory_space<hbm>>
      %dma_wait3A_423 = tpu.memref_squeeze %dma_wait3A_422 : memref<1x125x80xi32, #tpu.memory_space<hbm>> -> memref<125x80xi32, #tpu.memory_space<hbm>>
      %dma_wait3A_424 = arith.constant 0 : i32
      %dma_wait3A_425 = arith.constant 0 : i32
      %dma_wait3A_426 = tpu.memref_slice %arg2[%add3A, %dma_wait3A_424, %dma_wait3A_425] : memref<32x125x80xi32, #tpu.memory_space<hbm>> -> memref<1x125x80xi32, #tpu.memory_space<hbm>>
      %dma_wait3A_427 = tpu.memref_squeeze %dma_wait3A_426 : memref<1x125x80xi32, #tpu.memory_space<hbm>> -> memref<125x80xi32, #tpu.memory_space<hbm>>
      tpu.wait_dma2 semaphore(%run_scoped3A : memref<!tpu.dma_semaphore, #tpu.memory_space<semaphore_mem>>) src(%dma_wait3A_427 : memref<125x80xi32, #tpu.memory_space<hbm>>) dst(%arg6 : memref<125x80xi32, #tpu.memory_space<vmem>>)
      tpu.yield
    }) : () -> ()
    "tpu.region"() ({
      %run_scoped3A = tpu.sem_alloc : memref<!tpu.dma_semaphore, #tpu.memory_space<semaphore_mem>>
      tpu.enqueue_dma source(%arg4 : memref<80x128xf32, #tpu.memory_space<hbm>>) target(%arg7 : memref<80x128xf32, #tpu.memory_space<vmem>>) target_semaphore(%run_scoped3A : memref<!tpu.dma_semaphore, #tpu.memory_space<semaphore_mem>>)
      tpu.wait_dma2 semaphore(%run_scoped3A : memref<!tpu.dma_semaphore, #tpu.memory_space<semaphore_mem>>) src(%arg4 : memref<80x128xf32, #tpu.memory_space<hbm>>) dst(%arg7 : memref<80x128xf32, #tpu.memory_space<vmem>>)
      tpu.yield
    }) : () -> ()
    %mul3A_1 = arith.constant 8 : i32
    %mul3A_2 = arith.muli %arg1, %mul3A_1 : i32
    %add3A_3 = arith.constant 0 : i32
    %add3A_4 = arith.addi %mul3A_2, %add3A_3 : i32
    %mul3A_5 = arith.constant 80 : i32
    %mul3A_6 = arith.muli %add3A_4, %mul3A_5 : i32
    %dma_start3A = arith.constant 0 : i32
    %dma_start3A_7 = tpu.memref_slice %arg9[%mul3A_6, %dma_start3A] : memref<10240x128xf32, #tpu.memory_space<vmem_shared>> -> memref<80x128xf32, #tpu.memory_space<vmem_shared>>
    %dma_start3A_8 = arith.constant 0 : i32
    %dma_start3A_9 = tpu.memref_slice %arg9[%mul3A_6, %dma_start3A_8] : memref<10240x128xf32, #tpu.memory_space<vmem_shared>> -> memref<80x128xf32, #tpu.memory_space<vmem_shared>>
    tpu.enqueue_dma source(%arg7 : memref<80x128xf32, #tpu.memory_space<vmem>>) target(%dma_start3A_9 : memref<80x128xf32, #tpu.memory_space<vmem_shared>>) target_semaphore(%arg10 : memref<!tpu.dma_semaphore, #tpu.memory_space<semaphore_mem>>)
    %mul3A_10 = arith.constant 8 : i32
    %mul3A_11 = arith.muli %arg1, %mul3A_10 : i32
    %add3A_12 = arith.constant 1 : i32
    %add3A_13 = arith.addi %mul3A_11, %add3A_12 : i32
    %mul3A_14 = arith.constant 80 : i32
    %mul3A_15 = arith.muli %add3A_13, %mul3A_14 : i32
    %dma_start3A_16 = arith.constant 0 : i32
    %dma_start3A_17 = tpu.memref_slice %arg9[%mul3A_15, %dma_start3A_16] : memref<10240x128xf32, #tpu.memory_space<vmem_shared>> -> memref<80x128xf32, #tpu.memory_space<vmem_shared>>
    %dma_start3A_18 = arith.constant 0 : i32
    %dma_start3A_19 = tpu.memref_slice %arg9[%mul3A_15, %dma_start3A_18] : memref<10240x128xf32, #tpu.memory_space<vmem_shared>> -> memref<80x128xf32, #tpu.memory_space<vmem_shared>>
    tpu.enqueue_dma source(%arg7 : memref<80x128xf32, #tpu.memory_space<vmem>>) target(%dma_start3A_19 : memref<80x128xf32, #tpu.memory_space<vmem_shared>>) target_semaphore(%arg10 : memref<!tpu.dma_semaphore, #tpu.memory_space<semaphore_mem>>)
    %mul3A_20 = arith.constant 8 : i32
    %mul3A_21 = arith.muli %arg1, %mul3A_20 : i32
    %add3A_22 = arith.constant 2 : i32
    %add3A_23 = arith.addi %mul3A_21, %add3A_22 : i32
    %mul3A_24 = arith.constant 80 : i32
    %mul3A_25 = arith.muli %add3A_23, %mul3A_24 : i32
    %dma_start3A_26 = arith.constant 0 : i32
    %dma_start3A_27 = tpu.memref_slice %arg9[%mul3A_25, %dma_start3A_26] : memref<10240x128xf32, #tpu.memory_space<vmem_shared>> -> memref<80x128xf32, #tpu.memory_space<vmem_shared>>
    %dma_start3A_28 = arith.constant 0 : i32
    %dma_start3A_29 = tpu.memref_slice %arg9[%mul3A_25, %dma_start3A_28] : memref<10240x128xf32, #tpu.memory_space<vmem_shared>> -> memref<80x128xf32, #tpu.memory_space<vmem_shared>>
    tpu.enqueue_dma source(%arg7 : memref<80x128xf32, #tpu.memory_space<vmem>>) target(%dma_start3A_29 : memref<80x128xf32, #tpu.memory_space<vmem_shared>>) target_semaphore(%arg10 : memref<!tpu.dma_semaphore, #tpu.memory_space<semaphore_mem>>)
    %mul3A_30 = arith.constant 8 : i32
    %mul3A_31 = arith.muli %arg1, %mul3A_30 : i32
    %add3A_32 = arith.constant 3 : i32
    %add3A_33 = arith.addi %mul3A_31, %add3A_32 : i32
    %mul3A_34 = arith.constant 80 : i32
    %mul3A_35 = arith.muli %add3A_33, %mul3A_34 : i32
    %dma_start3A_36 = arith.constant 0 : i32
    %dma_start3A_37 = tpu.memref_slice %arg9[%mul3A_35, %dma_start3A_36] : memref<10240x128xf32, #tpu.memory_space<vmem_shared>> -> memref<80x128xf32, #tpu.memory_space<vmem_shared>>
    %dma_start3A_38 = arith.constant 0 : i32
    %dma_start3A_39 = tpu.memref_slice %arg9[%mul3A_35, %dma_start3A_38] : memref<10240x128xf32, #tpu.memory_space<vmem_shared>> -> memref<80x128xf32, #tpu.memory_space<vmem_shared>>
    tpu.enqueue_dma source(%arg7 : memref<80x128xf32, #tpu.memory_space<vmem>>) target(%dma_start3A_39 : memref<80x128xf32, #tpu.memory_space<vmem_shared>>) target_semaphore(%arg10 : memref<!tpu.dma_semaphore, #tpu.memory_space<semaphore_mem>>)
    %mul3A_40 = arith.constant 8 : i32
    %mul3A_41 = arith.muli %arg1, %mul3A_40 : i32
    %add3A_42 = arith.constant 4 : i32
    %add3A_43 = arith.addi %mul3A_41, %add3A_42 : i32
    %mul3A_44 = arith.constant 80 : i32
    %mul3A_45 = arith.muli %add3A_43, %mul3A_44 : i32
    %dma_start3A_46 = arith.constant 0 : i32
    %dma_start3A_47 = tpu.memref_slice %arg9[%mul3A_45, %dma_start3A_46] : memref<10240x128xf32, #tpu.memory_space<vmem_shared>> -> memref<80x128xf32, #tpu.memory_space<vmem_shared>>
    %dma_start3A_48 = arith.constant 0 : i32
    %dma_start3A_49 = tpu.memref_slice %arg9[%mul3A_45, %dma_start3A_48] : memref<10240x128xf32, #tpu.memory_space<vmem_shared>> -> memref<80x128xf32, #tpu.memory_space<vmem_shared>>
    tpu.enqueue_dma source(%arg7 : memref<80x128xf32, #tpu.memory_space<vmem>>) target(%dma_start3A_49 : memref<80x128xf32, #tpu.memory_space<vmem_shared>>) target_semaphore(%arg10 : memref<!tpu.dma_semaphore, #tpu.memory_space<semaphore_mem>>)
    %mul3A_50 = arith.constant 8 : i32
    %mul3A_51 = arith.muli %arg1, %mul3A_50 : i32
    %add3A_52 = arith.constant 5 : i32
    %add3A_53 = arith.addi %mul3A_51, %add3A_52 : i32
    %mul3A_54 = arith.constant 80 : i32
    %mul3A_55 = arith.muli %add3A_53, %mul3A_54 : i32
    %dma_start3A_56 = arith.constant 0 : i32
    %dma_start3A_57 = tpu.memref_slice %arg9[%mul3A_55, %dma_start3A_56] : memref<10240x128xf32, #tpu.memory_space<vmem_shared>> -> memref<80x128xf32, #tpu.memory_space<vmem_shared>>
    %dma_start3A_58 = arith.constant 0 : i32
    %dma_start3A_59 = tpu.memref_slice %arg9[%mul3A_55, %dma_start3A_58] : memref<10240x128xf32, #tpu.memory_space<vmem_shared>> -> memref<80x128xf32, #tpu.memory_space<vmem_shared>>
    tpu.enqueue_dma source(%arg7 : memref<80x128xf32, #tpu.memory_space<vmem>>) target(%dma_start3A_59 : memref<80x128xf32, #tpu.memory_space<vmem_shared>>) target_semaphore(%arg10 : memref<!tpu.dma_semaphore, #tpu.memory_space<semaphore_mem>>)
    %mul3A_60 = arith.constant 8 : i32
    %mul3A_61 = arith.muli %arg1, %mul3A_60 : i32
    %add3A_62 = arith.constant 6 : i32
    %add3A_63 = arith.addi %mul3A_61, %add3A_62 : i32
    %mul3A_64 = arith.constant 80 : i32
    %mul3A_65 = arith.muli %add3A_63, %mul3A_64 : i32
    %dma_start3A_66 = arith.constant 0 : i32
    %dma_start3A_67 = tpu.memref_slice %arg9[%mul3A_65, %dma_start3A_66] : memref<10240x128xf32, #tpu.memory_space<vmem_shared>> -> memref<80x128xf32, #tpu.memory_space<vmem_shared>>
    %dma_start3A_68 = arith.constant 0 : i32
    %dma_start3A_69 = tpu.memref_slice %arg9[%mul3A_65, %dma_start3A_68] : memref<10240x128xf32, #tpu.memory_space<vmem_shared>> -> memref<80x128xf32, #tpu.memory_space<vmem_shared>>
    tpu.enqueue_dma source(%arg7 : memref<80x128xf32, #tpu.memory_space<vmem>>) target(%dma_start3A_69 : memref<80x128xf32, #tpu.memory_space<vmem_shared>>) target_semaphore(%arg10 : memref<!tpu.dma_semaphore, #tpu.memory_space<semaphore_mem>>)
    %mul3A_70 = arith.constant 8 : i32
    %mul3A_71 = arith.muli %arg1, %mul3A_70 : i32
    %add3A_72 = arith.constant 7 : i32
    %add3A_73 = arith.addi %mul3A_71, %add3A_72 : i32
    %mul3A_74 = arith.constant 80 : i32
    %mul3A_75 = arith.muli %add3A_73, %mul3A_74 : i32
    %dma_start3A_76 = arith.constant 0 : i32
    %dma_start3A_77 = tpu.memref_slice %arg9[%mul3A_75, %dma_start3A_76] : memref<10240x128xf32, #tpu.memory_space<vmem_shared>> -> memref<80x128xf32, #tpu.memory_space<vmem_shared>>
    %dma_start3A_78 = arith.constant 0 : i32
    %dma_start3A_79 = tpu.memref_slice %arg9[%mul3A_75, %dma_start3A_78] : memref<10240x128xf32, #tpu.memory_space<vmem_shared>> -> memref<80x128xf32, #tpu.memory_space<vmem_shared>>
    tpu.enqueue_dma source(%arg7 : memref<80x128xf32, #tpu.memory_space<vmem>>) target(%dma_start3A_79 : memref<80x128xf32, #tpu.memory_space<vmem_shared>>) target_semaphore(%arg10 : memref<!tpu.dma_semaphore, #tpu.memory_space<semaphore_mem>>)
    %mul3A_80 = arith.constant 8 : i32
    %mul3A_81 = arith.muli %arg1, %mul3A_80 : i32
    %add3A_82 = arith.constant 0 : i32
    %add3A_83 = arith.addi %mul3A_81, %add3A_82 : i32
    %mul3A_84 = arith.constant 80 : i32
    %mul3A_85 = arith.muli %add3A_83, %mul3A_84 : i32
    %dma_wait3A = arith.constant 0 : i32
    %dma_wait3A_86 = tpu.memref_slice %arg9[%mul3A_85, %dma_wait3A] : memref<10240x128xf32, #tpu.memory_space<vmem_shared>> -> memref<80x128xf32, #tpu.memory_space<vmem_shared>>
    %dma_wait3A_87 = arith.constant 0 : i32
    %dma_wait3A_88 = tpu.memref_slice %arg9[%mul3A_85, %dma_wait3A_87] : memref<10240x128xf32, #tpu.memory_space<vmem_shared>> -> memref<80x128xf32, #tpu.memory_space<vmem_shared>>
    tpu.wait_dma2 semaphore(%arg10 : memref<!tpu.dma_semaphore, #tpu.memory_space<semaphore_mem>>) src(%arg7 : memref<80x128xf32, #tpu.memory_space<vmem>>) dst(%dma_wait3A_88 : memref<80x128xf32, #tpu.memory_space<vmem_shared>>)
    %mul3A_89 = arith.constant 8 : i32
    %mul3A_90 = arith.muli %arg1, %mul3A_89 : i32
    %add3A_91 = arith.constant 1 : i32
    %add3A_92 = arith.addi %mul3A_90, %add3A_91 : i32
    %mul3A_93 = arith.constant 80 : i32
    %mul3A_94 = arith.muli %add3A_92, %mul3A_93 : i32
    %dma_wait3A_95 = arith.constant 0 : i32
    %dma_wait3A_96 = tpu.memref_slice %arg9[%mul3A_94, %dma_wait3A_95] : memref<10240x128xf32, #tpu.memory_space<vmem_shared>> -> memref<80x128xf32, #tpu.memory_space<vmem_shared>>
    %dma_wait3A_97 = arith.constant 0 : i32
    %dma_wait3A_98 = tpu.memref_slice %arg9[%mul3A_94, %dma_wait3A_97] : memref<10240x128xf32, #tpu.memory_space<vmem_shared>> -> memref<80x128xf32, #tpu.memory_space<vmem_shared>>
    tpu.wait_dma2 semaphore(%arg10 : memref<!tpu.dma_semaphore, #tpu.memory_space<semaphore_mem>>) src(%arg7 : memref<80x128xf32, #tpu.memory_space<vmem>>) dst(%dma_wait3A_98 : memref<80x128xf32, #tpu.memory_space<vmem_shared>>)
    %mul3A_99 = arith.constant 8 : i32
    %mul3A_100 = arith.muli %arg1, %mul3A_99 : i32
    %add3A_101 = arith.constant 2 : i32
    %add3A_102 = arith.addi %mul3A_100, %add3A_101 : i32
    %mul3A_103 = arith.constant 80 : i32
    %mul3A_104 = arith.muli %add3A_102, %mul3A_103 : i32
    %dma_wait3A_105 = arith.constant 0 : i32
    %dma_wait3A_106 = tpu.memref_slice %arg9[%mul3A_104, %dma_wait3A_105] : memref<10240x128xf32, #tpu.memory_space<vmem_shared>> -> memref<80x128xf32, #tpu.memory_space<vmem_shared>>
    %dma_wait3A_107 = arith.constant 0 : i32
    %dma_wait3A_108 = tpu.memref_slice %arg9[%mul3A_104, %dma_wait3A_107] : memref<10240x128xf32, #tpu.memory_space<vmem_shared>> -> memref<80x128xf32, #tpu.memory_space<vmem_shared>>
    tpu.wait_dma2 semaphore(%arg10 : memref<!tpu.dma_semaphore, #tpu.memory_space<semaphore_mem>>) src(%arg7 : memref<80x128xf32, #tpu.memory_space<vmem>>) dst(%dma_wait3A_108 : memref<80x128xf32, #tpu.memory_space<vmem_shared>>)
    %mul3A_109 = arith.constant 8 : i32
    %mul3A_110 = arith.muli %arg1, %mul3A_109 : i32
    %add3A_111 = arith.constant 3 : i32
    %add3A_112 = arith.addi %mul3A_110, %add3A_111 : i32
    %mul3A_113 = arith.constant 80 : i32
    %mul3A_114 = arith.muli %add3A_112, %mul3A_113 : i32
    %dma_wait3A_115 = arith.constant 0 : i32
    %dma_wait3A_116 = tpu.memref_slice %arg9[%mul3A_114, %dma_wait3A_115] : memref<10240x128xf32, #tpu.memory_space<vmem_shared>> -> memref<80x128xf32, #tpu.memory_space<vmem_shared>>
    %dma_wait3A_117 = arith.constant 0 : i32
    %dma_wait3A_118 = tpu.memref_slice %arg9[%mul3A_114, %dma_wait3A_117] : memref<10240x128xf32, #tpu.memory_space<vmem_shared>> -> memref<80x128xf32, #tpu.memory_space<vmem_shared>>
    tpu.wait_dma2 semaphore(%arg10 : memref<!tpu.dma_semaphore, #tpu.memory_space<semaphore_mem>>) src(%arg7 : memref<80x128xf32, #tpu.memory_space<vmem>>) dst(%dma_wait3A_118 : memref<80x128xf32, #tpu.memory_space<vmem_shared>>)
    %mul3A_119 = arith.constant 8 : i32
    %mul3A_120 = arith.muli %arg1, %mul3A_119 : i32
    %add3A_121 = arith.constant 4 : i32
    %add3A_122 = arith.addi %mul3A_120, %add3A_121 : i32
    %mul3A_123 = arith.constant 80 : i32
    %mul3A_124 = arith.muli %add3A_122, %mul3A_123 : i32
    %dma_wait3A_125 = arith.constant 0 : i32
    %dma_wait3A_126 = tpu.memref_slice %arg9[%mul3A_124, %dma_wait3A_125] : memref<10240x128xf32, #tpu.memory_space<vmem_shared>> -> memref<80x128xf32, #tpu.memory_space<vmem_shared>>
    %dma_wait3A_127 = arith.constant 0 : i32
    %dma_wait3A_128 = tpu.memref_slice %arg9[%mul3A_124, %dma_wait3A_127] : memref<10240x128xf32, #tpu.memory_space<vmem_shared>> -> memref<80x128xf32, #tpu.memory_space<vmem_shared>>
    tpu.wait_dma2 semaphore(%arg10 : memref<!tpu.dma_semaphore, #tpu.memory_space<semaphore_mem>>) src(%arg7 : memref<80x128xf32, #tpu.memory_space<vmem>>) dst(%dma_wait3A_128 : memref<80x128xf32, #tpu.memory_space<vmem_shared>>)
    %mul3A_129 = arith.constant 8 : i32
    %mul3A_130 = arith.muli %arg1, %mul3A_129 : i32
    %add3A_131 = arith.constant 5 : i32
    %add3A_132 = arith.addi %mul3A_130, %add3A_131 : i32
    %mul3A_133 = arith.constant 80 : i32
    %mul3A_134 = arith.muli %add3A_132, %mul3A_133 : i32
    %dma_wait3A_135 = arith.constant 0 : i32
    %dma_wait3A_136 = tpu.memref_slice %arg9[%mul3A_134, %dma_wait3A_135] : memref<10240x128xf32, #tpu.memory_space<vmem_shared>> -> memref<80x128xf32, #tpu.memory_space<vmem_shared>>
    %dma_wait3A_137 = arith.constant 0 : i32
    %dma_wait3A_138 = tpu.memref_slice %arg9[%mul3A_134, %dma_wait3A_137] : memref<10240x128xf32, #tpu.memory_space<vmem_shared>> -> memref<80x128xf32, #tpu.memory_space<vmem_shared>>
    tpu.wait_dma2 semaphore(%arg10 : memref<!tpu.dma_semaphore, #tpu.memory_space<semaphore_mem>>) src(%arg7 : memref<80x128xf32, #tpu.memory_space<vmem>>) dst(%dma_wait3A_138 : memref<80x128xf32, #tpu.memory_space<vmem_shared>>)
    %mul3A_139 = arith.constant 8 : i32
    %mul3A_140 = arith.muli %arg1, %mul3A_139 : i32
    %add3A_141 = arith.constant 6 : i32
    %add3A_142 = arith.addi %mul3A_140, %add3A_141 : i32
    %mul3A_143 = arith.constant 80 : i32
    %mul3A_144 = arith.muli %add3A_142, %mul3A_143 : i32
    %dma_wait3A_145 = arith.constant 0 : i32
    %dma_wait3A_146 = tpu.memref_slice %arg9[%mul3A_144, %dma_wait3A_145] : memref<10240x128xf32, #tpu.memory_space<vmem_shared>> -> memref<80x128xf32, #tpu.memory_space<vmem_shared>>
    %dma_wait3A_147 = arith.constant 0 : i32
    %dma_wait3A_148 = tpu.memref_slice %arg9[%mul3A_144, %dma_wait3A_147] : memref<10240x128xf32, #tpu.memory_space<vmem_shared>> -> memref<80x128xf32, #tpu.memory_space<vmem_shared>>
    tpu.wait_dma2 semaphore(%arg10 : memref<!tpu.dma_semaphore, #tpu.memory_space<semaphore_mem>>) src(%arg7 : memref<80x128xf32, #tpu.memory_space<vmem>>) dst(%dma_wait3A_148 : memref<80x128xf32, #tpu.memory_space<vmem_shared>>)
    %mul3A_149 = arith.constant 8 : i32
    %mul3A_150 = arith.muli %arg1, %mul3A_149 : i32
    %add3A_151 = arith.constant 7 : i32
    %add3A_152 = arith.addi %mul3A_150, %add3A_151 : i32
    %mul3A_153 = arith.constant 80 : i32
    %mul3A_154 = arith.muli %add3A_152, %mul3A_153 : i32
    %dma_wait3A_155 = arith.constant 0 : i32
    %dma_wait3A_156 = tpu.memref_slice %arg9[%mul3A_154, %dma_wait3A_155] : memref<10240x128xf32, #tpu.memory_space<vmem_shared>> -> memref<80x128xf32, #tpu.memory_space<vmem_shared>>
    %dma_wait3A_157 = arith.constant 0 : i32
    %dma_wait3A_158 = tpu.memref_slice %arg9[%mul3A_154, %dma_wait3A_157] : memref<10240x128xf32, #tpu.memory_space<vmem_shared>> -> memref<80x128xf32, #tpu.memory_space<vmem_shared>>
    tpu.wait_dma2 semaphore(%arg10 : memref<!tpu.dma_semaphore, #tpu.memory_space<semaphore_mem>>) src(%arg7 : memref<80x128xf32, #tpu.memory_space<vmem>>) dst(%dma_wait3A_158 : memref<80x128xf32, #tpu.memory_space<vmem_shared>>)
    "tpu.region"() ({
      %run_scoped3A = tpu.sem_alloc : memref<!tpu.dma_semaphore, #tpu.memory_space<semaphore_mem>>
      tpu.enqueue_dma source(%arg3 : memref<80x128xf32, #tpu.memory_space<hbm>>) target(%arg7 : memref<80x128xf32, #tpu.memory_space<vmem>>) target_semaphore(%run_scoped3A : memref<!tpu.dma_semaphore, #tpu.memory_space<semaphore_mem>>)
      tpu.wait_dma2 semaphore(%run_scoped3A : memref<!tpu.dma_semaphore, #tpu.memory_space<semaphore_mem>>) src(%arg3 : memref<80x128xf32, #tpu.memory_space<hbm>>) dst(%arg7 : memref<80x128xf32, #tpu.memory_space<vmem>>)
      tpu.yield
    }) : () -> ()
    %barrier3A = arith.constant 0 : index
    tpu.barrier barrier_id(%barrier3A)
    %dma_start3A_159 = arith.constant 0 : i32
    %dma_start3A_160 = arith.constant 0 : i32
    %dma_start3A_161 = tpu.memref_slice %arg6[%dma_start3A_159, %dma_start3A_160] : memref<125x80xi32, #tpu.memory_space<vmem>> -> memref<1x80xi32, #tpu.memory_space<vmem>>
    %dma_start3A_162 = tpu.memref_squeeze %dma_start3A_161 : memref<1x80xi32, #tpu.memory_space<vmem>> -> memref<80xi32, #tpu.memory_space<vmem>>
    %dma_start3A_163 = arith.constant 0 : i32
    %dma_start3A_164 = arith.constant 0 : i32
    %dma_start3A_165 = tpu.memref_slice %arg9[%dma_start3A_163, %dma_start3A_164] : memref<10240x128xf32, #tpu.memory_space<vmem_shared>> -> memref<10240x128xf32, #tpu.memory_space<vmem_shared>>
    tpu.enqueue_indirect_dma source(%arg7 : memref<80x128xf32, #tpu.memory_space<vmem>>) target(%dma_start3A_165 : memref<10240x128xf32, #tpu.memory_space<vmem_shared>>) offsets(%dma_start3A_162 : memref<80xi32, #tpu.memory_space<vmem>>) semaphore(%arg10 : memref<!tpu.dma_semaphore, #tpu.memory_space<semaphore_mem>>) {add = true}
    %dma_start3A_166 = arith.constant 1 : i32
    %dma_start3A_167 = arith.constant 0 : i32
    %dma_start3A_168 = tpu.memref_slice %arg6[%dma_start3A_166, %dma_start3A_167] : memref<125x80xi32, #tpu.memory_space<vmem>> -> memref<1x80xi32, #tpu.memory_space<vmem>>
    %dma_start3A_169 = tpu.memref_squeeze %dma_start3A_168 : memref<1x80xi32, #tpu.memory_space<vmem>> -> memref<80xi32, #tpu.memory_space<vmem>>
    %dma_start3A_170 = arith.constant 0 : i32
    %dma_start3A_171 = arith.constant 0 : i32
    %dma_start3A_172 = tpu.memref_slice %arg9[%dma_start3A_170, %dma_start3A_171] : memref<10240x128xf32, #tpu.memory_space<vmem_shared>> -> memref<10240x128xf32, #tpu.memory_space<vmem_shared>>
    tpu.enqueue_indirect_dma source(%arg7 : memref<80x128xf32, #tpu.memory_space<vmem>>) target(%dma_start3A_172 : memref<10240x128xf32, #tpu.memory_space<vmem_shared>>) offsets(%dma_start3A_169 : memref<80xi32, #tpu.memory_space<vmem>>) semaphore(%arg10 : memref<!tpu.dma_semaphore, #tpu.memory_space<semaphore_mem>>) {add = true}
    %scan3A = arith.constant 0 : i32
    %scan3A_173 = arith.constant 0 : i32
    %scan3A_174 = arith.constant 123 : i32
    %scan3A_175 = arith.addi %scan3A_173, %scan3A_174 : i32
    %scan3A_176 = arith.constant 1 : i32
    scf.for %scan3A_412 = %scan3A_173 to %scan3A_175 step %scan3A_176  : i32 {
      %dma_wait3A_413 = arith.constant 0 : i32
      %dma_wait3A_414 = tpu.memref_slice %arg6[%scan3A_412, %dma_wait3A_413] : memref<125x80xi32, #tpu.memory_space<vmem>> -> memref<1x80xi32, #tpu.memory_space<vmem>>
      %dma_wait3A_415 = tpu.memref_squeeze %dma_wait3A_414 : memref<1x80xi32, #tpu.memory_space<vmem>> -> memref<80xi32, #tpu.memory_space<vmem>>
      %dma_wait3A_416 = arith.constant 0 : i32
      %dma_wait3A_417 = arith.constant 0 : i32
      %dma_wait3A_418 = tpu.memref_slice %arg9[%dma_wait3A_416, %dma_wait3A_417] : memref<10240x128xf32, #tpu.memory_space<vmem_shared>> -> memref<10240x128xf32, #tpu.memory_space<vmem_shared>>
      tpu.wait_indirect_dma semaphore(%arg10 : memref<!tpu.dma_semaphore, #tpu.memory_space<semaphore_mem>>) src(%arg7 : memref<80x128xf32, #tpu.memory_space<vmem>>) dst(%dma_wait3A_418 : memref<10240x128xf32, #tpu.memory_space<vmem_shared>>)
      %add3A_419 = arith.constant 2 : i32
      %add3A_420 = arith.addi %scan3A_412, %add3A_419 : i32
      %dma_start3A_421 = arith.constant 0 : i32
      %dma_start3A_422 = tpu.memref_slice %arg6[%add3A_420, %dma_start3A_421] : memref<125x80xi32, #tpu.memory_space<vmem>> -> memref<1x80xi32, #tpu.memory_space<vmem>>
      %dma_start3A_423 = tpu.memref_squeeze %dma_start3A_422 : memref<1x80xi32, #tpu.memory_space<vmem>> -> memref<80xi32, #tpu.memory_space<vmem>>
      %dma_start3A_424 = arith.constant 0 : i32
      %dma_start3A_425 = arith.constant 0 : i32
      %dma_start3A_426 = tpu.memref_slice %arg9[%dma_start3A_424, %dma_start3A_425] : memref<10240x128xf32, #tpu.memory_space<vmem_shared>> -> memref<10240x128xf32, #tpu.memory_space<vmem_shared>>
      tpu.enqueue_indirect_dma source(%arg7 : memref<80x128xf32, #tpu.memory_space<vmem>>) target(%dma_start3A_426 : memref<10240x128xf32, #tpu.memory_space<vmem_shared>>) offsets(%dma_start3A_423 : memref<80xi32, #tpu.memory_space<vmem>>) semaphore(%arg10 : memref<!tpu.dma_semaphore, #tpu.memory_space<semaphore_mem>>) {add = true}
    }
    %scan3A_177 = arith.constant 123 : i32
    %dma_wait3A_178 = arith.constant 123 : i32
    %dma_wait3A_179 = arith.constant 0 : i32
    %dma_wait3A_180 = tpu.memref_slice %arg6[%dma_wait3A_178, %dma_wait3A_179] : memref<125x80xi32, #tpu.memory_space<vmem>> -> memref<1x80xi32, #tpu.memory_space<vmem>>
    %dma_wait3A_181 = tpu.memref_squeeze %dma_wait3A_180 : memref<1x80xi32, #tpu.memory_space<vmem>> -> memref<80xi32, #tpu.memory_space<vmem>>
    %dma_wait3A_182 = arith.constant 0 : i32
    %dma_wait3A_183 = arith.constant 0 : i32
    %dma_wait3A_184 = tpu.memref_slice %arg9[%dma_wait3A_182, %dma_wait3A_183] : memref<10240x128xf32, #tpu.memory_space<vmem_shared>> -> memref<10240x128xf32, #tpu.memory_space<vmem_shared>>
    tpu.wait_indirect_dma semaphore(%arg10 : memref<!tpu.dma_semaphore, #tpu.memory_space<semaphore_mem>>) src(%arg7 : memref<80x128xf32, #tpu.memory_space<vmem>>) dst(%dma_wait3A_184 : memref<10240x128xf32, #tpu.memory_space<vmem_shared>>)
    %dma_wait3A_185 = arith.constant 124 : i32
    %dma_wait3A_186 = arith.constant 0 : i32
    %dma_wait3A_187 = tpu.memref_slice %arg6[%dma_wait3A_185, %dma_wait3A_186] : memref<125x80xi32, #tpu.memory_space<vmem>> -> memref<1x80xi32, #tpu.memory_space<vmem>>
    %dma_wait3A_188 = tpu.memref_squeeze %dma_wait3A_187 : memref<1x80xi32, #tpu.memory_space<vmem>> -> memref<80xi32, #tpu.memory_space<vmem>>
    %dma_wait3A_189 = arith.constant 0 : i32
    %dma_wait3A_190 = arith.constant 0 : i32
    %dma_wait3A_191 = tpu.memref_slice %arg9[%dma_wait3A_189, %dma_wait3A_190] : memref<10240x128xf32, #tpu.memory_space<vmem_shared>> -> memref<10240x128xf32, #tpu.memory_space<vmem_shared>>
    tpu.wait_indirect_dma semaphore(%arg10 : memref<!tpu.dma_semaphore, #tpu.memory_space<semaphore_mem>>) src(%arg7 : memref<80x128xf32, #tpu.memory_space<vmem>>) dst(%dma_wait3A_191 : memref<10240x128xf32, #tpu.memory_space<vmem_shared>>)
    %barrier3A_192 = arith.constant 0 : index
    tpu.barrier barrier_id(%barrier3A_192)
    %mul3A_193 = arith.constant 8 : i32
    %mul3A_194 = arith.muli %arg1, %mul3A_193 : i32
    %add3A_195 = arith.constant 0 : i32
    %add3A_196 = arith.addi %mul3A_194, %add3A_195 : i32
    %mul3A_197 = arith.constant 80 : i32
    %mul3A_198 = arith.muli %add3A_196, %mul3A_197 : i32
    "tpu.region"() ({
      %run_scoped3A = tpu.sem_alloc : memref<!tpu.dma_semaphore, #tpu.memory_space<semaphore_mem>>
      %dma_start3A_412 = arith.constant 0 : i32
      %dma_start3A_413 = tpu.memref_slice %arg9[%mul3A_198, %dma_start3A_412] : memref<10240x128xf32, #tpu.memory_space<vmem_shared>> -> memref<80x128xf32, #tpu.memory_space<vmem_shared>>
      %dma_start3A_414 = arith.constant 0 : i32
      %dma_start3A_415 = tpu.memref_slice %arg9[%mul3A_198, %dma_start3A_414] : memref<10240x128xf32, #tpu.memory_space<vmem_shared>> -> memref<80x128xf32, #tpu.memory_space<vmem_shared>>
      tpu.enqueue_dma source(%dma_start3A_415 : memref<80x128xf32, #tpu.memory_space<vmem_shared>>) target(%arg7 : memref<80x128xf32, #tpu.memory_space<vmem>>) target_semaphore(%run_scoped3A : memref<!tpu.dma_semaphore, #tpu.memory_space<semaphore_mem>>)
      %dma_wait3A_416 = arith.constant 0 : i32
      %dma_wait3A_417 = tpu.memref_slice %arg9[%mul3A_198, %dma_wait3A_416] : memref<10240x128xf32, #tpu.memory_space<vmem_shared>> -> memref<80x128xf32, #tpu.memory_space<vmem_shared>>
      %dma_wait3A_418 = arith.constant 0 : i32
      %dma_wait3A_419 = tpu.memref_slice %arg9[%mul3A_198, %dma_wait3A_418] : memref<10240x128xf32, #tpu.memory_space<vmem_shared>> -> memref<80x128xf32, #tpu.memory_space<vmem_shared>>
      tpu.wait_dma2 semaphore(%run_scoped3A : memref<!tpu.dma_semaphore, #tpu.memory_space<semaphore_mem>>) src(%dma_wait3A_419 : memref<80x128xf32, #tpu.memory_space<vmem_shared>>) dst(%arg7 : memref<80x128xf32, #tpu.memory_space<vmem>>)
      tpu.yield
    }) : () -> ()
    %mul3A_199 = arith.constant 80 : i32
    %mul3A_200 = arith.muli %add3A_196, %mul3A_199 : i32
    %dma_start3A_201 = arith.constant 0 : i32
    %dma_start3A_202 = tpu.memref_slice %arg5[%arg0, %mul3A_200, %dma_start3A_201] : memref<2x10240x128xf32, #tpu.memory_space<hbm>> -> memref<1x80x128xf32, #tpu.memory_space<hbm>>
    %dma_start3A_203 = tpu.memref_squeeze %dma_start3A_202 : memref<1x80x128xf32, #tpu.memory_space<hbm>> -> memref<80x128xf32, #tpu.memory_space<hbm>>
    %dma_start3A_204 = arith.constant 0 : i32
    %dma_start3A_205 = tpu.memref_slice %arg5[%arg0, %mul3A_200, %dma_start3A_204] : memref<2x10240x128xf32, #tpu.memory_space<hbm>> -> memref<1x80x128xf32, #tpu.memory_space<hbm>>
    %dma_start3A_206 = tpu.memref_squeeze %dma_start3A_205 : memref<1x80x128xf32, #tpu.memory_space<hbm>> -> memref<80x128xf32, #tpu.memory_space<hbm>>
    tpu.enqueue_dma source(%arg7 : memref<80x128xf32, #tpu.memory_space<vmem>>) target(%dma_start3A_206 : memref<80x128xf32, #tpu.memory_space<hbm>>) target_semaphore(%arg10 : memref<!tpu.dma_semaphore, #tpu.memory_space<semaphore_mem>>)
    %mul3A_207 = arith.constant 8 : i32
    %mul3A_208 = arith.muli %arg1, %mul3A_207 : i32
    %add3A_209 = arith.constant 1 : i32
    %add3A_210 = arith.addi %mul3A_208, %add3A_209 : i32
    %mul3A_211 = arith.constant 80 : i32
    %mul3A_212 = arith.muli %add3A_210, %mul3A_211 : i32
    "tpu.region"() ({
      %run_scoped3A = tpu.sem_alloc : memref<!tpu.dma_semaphore, #tpu.memory_space<semaphore_mem>>
      %dma_start3A_412 = arith.constant 0 : i32
      %dma_start3A_413 = tpu.memref_slice %arg9[%mul3A_212, %dma_start3A_412] : memref<10240x128xf32, #tpu.memory_space<vmem_shared>> -> memref<80x128xf32, #tpu.memory_space<vmem_shared>>
      %dma_start3A_414 = arith.constant 0 : i32
      %dma_start3A_415 = tpu.memref_slice %arg9[%mul3A_212, %dma_start3A_414] : memref<10240x128xf32, #tpu.memory_space<vmem_shared>> -> memref<80x128xf32, #tpu.memory_space<vmem_shared>>
      tpu.enqueue_dma source(%dma_start3A_415 : memref<80x128xf32, #tpu.memory_space<vmem_shared>>) target(%arg8 : memref<80x128xf32, #tpu.memory_space<vmem>>) target_semaphore(%run_scoped3A : memref<!tpu.dma_semaphore, #tpu.memory_space<semaphore_mem>>)
      %dma_wait3A_416 = arith.constant 0 : i32
      %dma_wait3A_417 = tpu.memref_slice %arg9[%mul3A_212, %dma_wait3A_416] : memref<10240x128xf32, #tpu.memory_space<vmem_shared>> -> memref<80x128xf32, #tpu.memory_space<vmem_shared>>
      %dma_wait3A_418 = arith.constant 0 : i32
      %dma_wait3A_419 = tpu.memref_slice %arg9[%mul3A_212, %dma_wait3A_418] : memref<10240x128xf32, #tpu.memory_space<vmem_shared>> -> memref<80x128xf32, #tpu.memory_space<vmem_shared>>
      tpu.wait_dma2 semaphore(%run_scoped3A : memref<!tpu.dma_semaphore, #tpu.memory_space<semaphore_mem>>) src(%dma_wait3A_419 : memref<80x128xf32, #tpu.memory_space<vmem_shared>>) dst(%arg8 : memref<80x128xf32, #tpu.memory_space<vmem>>)
      tpu.yield
    }) : () -> ()
    %mul3A_213 = arith.constant 80 : i32
    %mul3A_214 = arith.muli %add3A_210, %mul3A_213 : i32
    %dma_start3A_215 = arith.constant 0 : i32
    %dma_start3A_216 = tpu.memref_slice %arg5[%arg0, %mul3A_214, %dma_start3A_215] : memref<2x10240x128xf32, #tpu.memory_space<hbm>> -> memref<1x80x128xf32, #tpu.memory_space<hbm>>
    %dma_start3A_217 = tpu.memref_squeeze %dma_start3A_216 : memref<1x80x128xf32, #tpu.memory_space<hbm>> -> memref<80x128xf32, #tpu.memory_space<hbm>>
    %dma_start3A_218 = arith.constant 0 : i32
    %dma_start3A_219 = tpu.memref_slice %arg5[%arg0, %mul3A_214, %dma_start3A_218] : memref<2x10240x128xf32, #tpu.memory_space<hbm>> -> memref<1x80x128xf32, #tpu.memory_space<hbm>>
    %dma_start3A_220 = tpu.memref_squeeze %dma_start3A_219 : memref<1x80x128xf32, #tpu.memory_space<hbm>> -> memref<80x128xf32, #tpu.memory_space<hbm>>
    tpu.enqueue_dma source(%arg8 : memref<80x128xf32, #tpu.memory_space<vmem>>) target(%dma_start3A_220 : memref<80x128xf32, #tpu.memory_space<hbm>>) target_semaphore(%arg10 : memref<!tpu.dma_semaphore, #tpu.memory_space<semaphore_mem>>)
    %mul3A_221 = arith.constant 8 : i32
    %mul3A_222 = arith.muli %arg1, %mul3A_221 : i32
    %add3A_223 = arith.constant 2 : i32
    %add3A_224 = arith.addi %mul3A_222, %add3A_223 : i32
    %mul3A_225 = arith.constant 8 : i32
    %mul3A_226 = arith.muli %arg1, %mul3A_225 : i32
    %add3A_227 = arith.constant 2 : i32
    %add3A_228 = arith.addi %mul3A_226, %add3A_227 : i32
    %sub3A = arith.constant 2 : i32
    %sub3A_229 = arith.subi %add3A_228, %sub3A : i32
    %mul3A_230 = arith.constant 80 : i32
    %mul3A_231 = arith.muli %sub3A_229, %mul3A_230 : i32
    %dma_wait3A_232 = arith.constant 0 : i32
    %dma_wait3A_233 = tpu.memref_slice %arg5[%arg0, %mul3A_231, %dma_wait3A_232] : memref<2x10240x128xf32, #tpu.memory_space<hbm>> -> memref<1x80x128xf32, #tpu.memory_space<hbm>>
    %dma_wait3A_234 = tpu.memref_squeeze %dma_wait3A_233 : memref<1x80x128xf32, #tpu.memory_space<hbm>> -> memref<80x128xf32, #tpu.memory_space<hbm>>
    %dma_wait3A_235 = arith.constant 0 : i32
    %dma_wait3A_236 = tpu.memref_slice %arg5[%arg0, %mul3A_231, %dma_wait3A_235] : memref<2x10240x128xf32, #tpu.memory_space<hbm>> -> memref<1x80x128xf32, #tpu.memory_space<hbm>>
    %dma_wait3A_237 = tpu.memref_squeeze %dma_wait3A_236 : memref<1x80x128xf32, #tpu.memory_space<hbm>> -> memref<80x128xf32, #tpu.memory_space<hbm>>
    tpu.wait_dma2 semaphore(%arg10 : memref<!tpu.dma_semaphore, #tpu.memory_space<semaphore_mem>>) src(%arg7 : memref<80x128xf32, #tpu.memory_space<vmem>>) dst(%dma_wait3A_237 : memref<80x128xf32, #tpu.memory_space<hbm>>)
    %mul3A_238 = arith.constant 80 : i32
    %mul3A_239 = arith.muli %add3A_224, %mul3A_238 : i32
    "tpu.region"() ({
      %run_scoped3A = tpu.sem_alloc : memref<!tpu.dma_semaphore, #tpu.memory_space<semaphore_mem>>
      %dma_start3A_412 = arith.constant 0 : i32
      %dma_start3A_413 = tpu.memref_slice %arg9[%mul3A_239, %dma_start3A_412] : memref<10240x128xf32, #tpu.memory_space<vmem_shared>> -> memref<80x128xf32, #tpu.memory_space<vmem_shared>>
      %dma_start3A_414 = arith.constant 0 : i32
      %dma_start3A_415 = tpu.memref_slice %arg9[%mul3A_239, %dma_start3A_414] : memref<10240x128xf32, #tpu.memory_space<vmem_shared>> -> memref<80x128xf32, #tpu.memory_space<vmem_shared>>
      tpu.enqueue_dma source(%dma_start3A_415 : memref<80x128xf32, #tpu.memory_space<vmem_shared>>) target(%arg7 : memref<80x128xf32, #tpu.memory_space<vmem>>) target_semaphore(%run_scoped3A : memref<!tpu.dma_semaphore, #tpu.memory_space<semaphore_mem>>)
      %dma_wait3A_416 = arith.constant 0 : i32
      %dma_wait3A_417 = tpu.memref_slice %arg9[%mul3A_239, %dma_wait3A_416] : memref<10240x128xf32, #tpu.memory_space<vmem_shared>> -> memref<80x128xf32, #tpu.memory_space<vmem_shared>>
      %dma_wait3A_418 = arith.constant 0 : i32
      %dma_wait3A_419 = tpu.memref_slice %arg9[%mul3A_239, %dma_wait3A_418] : memref<10240x128xf32, #tpu.memory_space<vmem_shared>> -> memref<80x128xf32, #tpu.memory_space<vmem_shared>>
      tpu.wait_dma2 semaphore(%run_scoped3A : memref<!tpu.dma_semaphore, #tpu.memory_space<semaphore_mem>>) src(%dma_wait3A_419 : memref<80x128xf32, #tpu.memory_space<vmem_shared>>) dst(%arg7 : memref<80x128xf32, #tpu.memory_space<vmem>>)
      tpu.yield
    }) : () -> ()
    %mul3A_240 = arith.constant 80 : i32
    %mul3A_241 = arith.muli %add3A_224, %mul3A_240 : i32
    %dma_start3A_242 = arith.constant 0 : i32
    %dma_start3A_243 = tpu.memref_slice %arg5[%arg0, %mul3A_241, %dma_start3A_242] : memref<2x10240x128xf32, #tpu.memory_space<hbm>> -> memref<1x80x128xf32, #tpu.memory_space<hbm>>
    %dma_start3A_244 = tpu.memref_squeeze %dma_start3A_243 : memref<1x80x128xf32, #tpu.memory_space<hbm>> -> memref<80x128xf32, #tpu.memory_space<hbm>>
    %dma_start3A_245 = arith.constant 0 : i32
    %dma_start3A_246 = tpu.memref_slice %arg5[%arg0, %mul3A_241, %dma_start3A_245] : memref<2x10240x128xf32, #tpu.memory_space<hbm>> -> memref<1x80x128xf32, #tpu.memory_space<hbm>>
    %dma_start3A_247 = tpu.memref_squeeze %dma_start3A_246 : memref<1x80x128xf32, #tpu.memory_space<hbm>> -> memref<80x128xf32, #tpu.memory_space<hbm>>
    tpu.enqueue_dma source(%arg7 : memref<80x128xf32, #tpu.memory_space<vmem>>) target(%dma_start3A_247 : memref<80x128xf32, #tpu.memory_space<hbm>>) target_semaphore(%arg10 : memref<!tpu.dma_semaphore, #tpu.memory_space<semaphore_mem>>)
    %mul3A_248 = arith.constant 8 : i32
    %mul3A_249 = arith.muli %arg1, %mul3A_248 : i32
    %add3A_250 = arith.constant 3 : i32
    %add3A_251 = arith.addi %mul3A_249, %add3A_250 : i32
    %mul3A_252 = arith.constant 8 : i32
    %mul3A_253 = arith.muli %arg1, %mul3A_252 : i32
    %add3A_254 = arith.constant 3 : i32
    %add3A_255 = arith.addi %mul3A_253, %add3A_254 : i32
    %sub3A_256 = arith.constant 2 : i32
    %sub3A_257 = arith.subi %add3A_255, %sub3A_256 : i32
    %mul3A_258 = arith.constant 80 : i32
    %mul3A_259 = arith.muli %sub3A_257, %mul3A_258 : i32
    %dma_wait3A_260 = arith.constant 0 : i32
    %dma_wait3A_261 = tpu.memref_slice %arg5[%arg0, %mul3A_259, %dma_wait3A_260] : memref<2x10240x128xf32, #tpu.memory_space<hbm>> -> memref<1x80x128xf32, #tpu.memory_space<hbm>>
    %dma_wait3A_262 = tpu.memref_squeeze %dma_wait3A_261 : memref<1x80x128xf32, #tpu.memory_space<hbm>> -> memref<80x128xf32, #tpu.memory_space<hbm>>
    %dma_wait3A_263 = arith.constant 0 : i32
    %dma_wait3A_264 = tpu.memref_slice %arg5[%arg0, %mul3A_259, %dma_wait3A_263] : memref<2x10240x128xf32, #tpu.memory_space<hbm>> -> memref<1x80x128xf32, #tpu.memory_space<hbm>>
    %dma_wait3A_265 = tpu.memref_squeeze %dma_wait3A_264 : memref<1x80x128xf32, #tpu.memory_space<hbm>> -> memref<80x128xf32, #tpu.memory_space<hbm>>
    tpu.wait_dma2 semaphore(%arg10 : memref<!tpu.dma_semaphore, #tpu.memory_space<semaphore_mem>>) src(%arg8 : memref<80x128xf32, #tpu.memory_space<vmem>>) dst(%dma_wait3A_265 : memref<80x128xf32, #tpu.memory_space<hbm>>)
    %mul3A_266 = arith.constant 80 : i32
    %mul3A_267 = arith.muli %add3A_251, %mul3A_266 : i32
    "tpu.region"() ({
      %run_scoped3A = tpu.sem_alloc : memref<!tpu.dma_semaphore, #tpu.memory_space<semaphore_mem>>
      %dma_start3A_412 = arith.constant 0 : i32
      %dma_start3A_413 = tpu.memref_slice %arg9[%mul3A_267, %dma_start3A_412] : memref<10240x128xf32, #tpu.memory_space<vmem_shared>> -> memref<80x128xf32, #tpu.memory_space<vmem_shared>>
      %dma_start3A_414 = arith.constant 0 : i32
      %dma_start3A_415 = tpu.memref_slice %arg9[%mul3A_267, %dma_start3A_414] : memref<10240x128xf32, #tpu.memory_space<vmem_shared>> -> memref<80x128xf32, #tpu.memory_space<vmem_shared>>
      tpu.enqueue_dma source(%dma_start3A_415 : memref<80x128xf32, #tpu.memory_space<vmem_shared>>) target(%arg8 : memref<80x128xf32, #tpu.memory_space<vmem>>) target_semaphore(%run_scoped3A : memref<!tpu.dma_semaphore, #tpu.memory_space<semaphore_mem>>)
      %dma_wait3A_416 = arith.constant 0 : i32
      %dma_wait3A_417 = tpu.memref_slice %arg9[%mul3A_267, %dma_wait3A_416] : memref<10240x128xf32, #tpu.memory_space<vmem_shared>> -> memref<80x128xf32, #tpu.memory_space<vmem_shared>>
      %dma_wait3A_418 = arith.constant 0 : i32
      %dma_wait3A_419 = tpu.memref_slice %arg9[%mul3A_267, %dma_wait3A_418] : memref<10240x128xf32, #tpu.memory_space<vmem_shared>> -> memref<80x128xf32, #tpu.memory_space<vmem_shared>>
      tpu.wait_dma2 semaphore(%run_scoped3A : memref<!tpu.dma_semaphore, #tpu.memory_space<semaphore_mem>>) src(%dma_wait3A_419 : memref<80x128xf32, #tpu.memory_space<vmem_shared>>) dst(%arg8 : memref<80x128xf32, #tpu.memory_space<vmem>>)
      tpu.yield
    }) : () -> ()
    %mul3A_268 = arith.constant 80 : i32
    %mul3A_269 = arith.muli %add3A_251, %mul3A_268 : i32
    %dma_start3A_270 = arith.constant 0 : i32
    %dma_start3A_271 = tpu.memref_slice %arg5[%arg0, %mul3A_269, %dma_start3A_270] : memref<2x10240x128xf32, #tpu.memory_space<hbm>> -> memref<1x80x128xf32, #tpu.memory_space<hbm>>
    %dma_start3A_272 = tpu.memref_squeeze %dma_start3A_271 : memref<1x80x128xf32, #tpu.memory_space<hbm>> -> memref<80x128xf32, #tpu.memory_space<hbm>>
    %dma_start3A_273 = arith.constant 0 : i32
    %dma_start3A_274 = tpu.memref_slice %arg5[%arg0, %mul3A_269, %dma_start3A_273] : memref<2x10240x128xf32, #tpu.memory_space<hbm>> -> memref<1x80x128xf32, #tpu.memory_space<hbm>>
    %dma_start3A_275 = tpu.memref_squeeze %dma_start3A_274 : memref<1x80x128xf32, #tpu.memory_space<hbm>> -> memref<80x128xf32, #tpu.memory_space<hbm>>
    tpu.enqueue_dma source(%arg8 : memref<80x128xf32, #tpu.memory_space<vmem>>) target(%dma_start3A_275 : memref<80x128xf32, #tpu.memory_space<hbm>>) target_semaphore(%arg10 : memref<!tpu.dma_semaphore, #tpu.memory_space<semaphore_mem>>)
    %mul3A_276 = arith.constant 8 : i32
    %mul3A_277 = arith.muli %arg1, %mul3A_276 : i32
    %add3A_278 = arith.constant 4 : i32
    %add3A_279 = arith.addi %mul3A_277, %add3A_278 : i32
    %mul3A_280 = arith.constant 8 : i32
    %mul3A_281 = arith.muli %arg1, %mul3A_280 : i32
    %add3A_282 = arith.constant 4 : i32
    %add3A_283 = arith.addi %mul3A_281, %add3A_282 : i32
    %sub3A_284 = arith.constant 2 : i32
    %sub3A_285 = arith.subi %add3A_283, %sub3A_284 : i32
    %mul3A_286 = arith.constant 80 : i32
    %mul3A_287 = arith.muli %sub3A_285, %mul3A_286 : i32
    %dma_wait3A_288 = arith.constant 0 : i32
    %dma_wait3A_289 = tpu.memref_slice %arg5[%arg0, %mul3A_287, %dma_wait3A_288] : memref<2x10240x128xf32, #tpu.memory_space<hbm>> -> memref<1x80x128xf32, #tpu.memory_space<hbm>>
    %dma_wait3A_290 = tpu.memref_squeeze %dma_wait3A_289 : memref<1x80x128xf32, #tpu.memory_space<hbm>> -> memref<80x128xf32, #tpu.memory_space<hbm>>
    %dma_wait3A_291 = arith.constant 0 : i32
    %dma_wait3A_292 = tpu.memref_slice %arg5[%arg0, %mul3A_287, %dma_wait3A_291] : memref<2x10240x128xf32, #tpu.memory_space<hbm>> -> memref<1x80x128xf32, #tpu.memory_space<hbm>>
    %dma_wait3A_293 = tpu.memref_squeeze %dma_wait3A_292 : memref<1x80x128xf32, #tpu.memory_space<hbm>> -> memref<80x128xf32, #tpu.memory_space<hbm>>
    tpu.wait_dma2 semaphore(%arg10 : memref<!tpu.dma_semaphore, #tpu.memory_space<semaphore_mem>>) src(%arg7 : memref<80x128xf32, #tpu.memory_space<vmem>>) dst(%dma_wait3A_293 : memref<80x128xf32, #tpu.memory_space<hbm>>)
    %mul3A_294 = arith.constant 80 : i32
    %mul3A_295 = arith.muli %add3A_279, %mul3A_294 : i32
    "tpu.region"() ({
      %run_scoped3A = tpu.sem_alloc : memref<!tpu.dma_semaphore, #tpu.memory_space<semaphore_mem>>
      %dma_start3A_412 = arith.constant 0 : i32
      %dma_start3A_413 = tpu.memref_slice %arg9[%mul3A_295, %dma_start3A_412] : memref<10240x128xf32, #tpu.memory_space<vmem_shared>> -> memref<80x128xf32, #tpu.memory_space<vmem_shared>>
      %dma_start3A_414 = arith.constant 0 : i32
      %dma_start3A_415 = tpu.memref_slice %arg9[%mul3A_295, %dma_start3A_414] : memref<10240x128xf32, #tpu.memory_space<vmem_shared>> -> memref<80x128xf32, #tpu.memory_space<vmem_shared>>
      tpu.enqueue_dma source(%dma_start3A_415 : memref<80x128xf32, #tpu.memory_space<vmem_shared>>) target(%arg7 : memref<80x128xf32, #tpu.memory_space<vmem>>) target_semaphore(%run_scoped3A : memref<!tpu.dma_semaphore, #tpu.memory_space<semaphore_mem>>)
      %dma_wait3A_416 = arith.constant 0 : i32
      %dma_wait3A_417 = tpu.memref_slice %arg9[%mul3A_295, %dma_wait3A_416] : memref<10240x128xf32, #tpu.memory_space<vmem_shared>> -> memref<80x128xf32, #tpu.memory_space<vmem_shared>>
      %dma_wait3A_418 = arith.constant 0 : i32
      %dma_wait3A_419 = tpu.memref_slice %arg9[%mul3A_295, %dma_wait3A_418] : memref<10240x128xf32, #tpu.memory_space<vmem_shared>> -> memref<80x128xf32, #tpu.memory_space<vmem_shared>>
      tpu.wait_dma2 semaphore(%run_scoped3A : memref<!tpu.dma_semaphore, #tpu.memory_space<semaphore_mem>>) src(%dma_wait3A_419 : memref<80x128xf32, #tpu.memory_space<vmem_shared>>) dst(%arg7 : memref<80x128xf32, #tpu.memory_space<vmem>>)
      tpu.yield
    }) : () -> ()
    %mul3A_296 = arith.constant 80 : i32
    %mul3A_297 = arith.muli %add3A_279, %mul3A_296 : i32
    %dma_start3A_298 = arith.constant 0 : i32
    %dma_start3A_299 = tpu.memref_slice %arg5[%arg0, %mul3A_297, %dma_start3A_298] : memref<2x10240x128xf32, #tpu.memory_space<hbm>> -> memref<1x80x128xf32, #tpu.memory_space<hbm>>
    %dma_start3A_300 = tpu.memref_squeeze %dma_start3A_299 : memref<1x80x128xf32, #tpu.memory_space<hbm>> -> memref<80x128xf32, #tpu.memory_space<hbm>>
    %dma_start3A_301 = arith.constant 0 : i32
    %dma_start3A_302 = tpu.memref_slice %arg5[%arg0, %mul3A_297, %dma_start3A_301] : memref<2x10240x128xf32, #tpu.memory_space<hbm>> -> memref<1x80x128xf32, #tpu.memory_space<hbm>>
    %dma_start3A_303 = tpu.memref_squeeze %dma_start3A_302 : memref<1x80x128xf32, #tpu.memory_space<hbm>> -> memref<80x128xf32, #tpu.memory_space<hbm>>
    tpu.enqueue_dma source(%arg7 : memref<80x128xf32, #tpu.memory_space<vmem>>) target(%dma_start3A_303 : memref<80x128xf32, #tpu.memory_space<hbm>>) target_semaphore(%arg10 : memref<!tpu.dma_semaphore, #tpu.memory_space<semaphore_mem>>)
    %mul3A_304 = arith.constant 8 : i32
    %mul3A_305 = arith.muli %arg1, %mul3A_304 : i32
    %add3A_306 = arith.constant 5 : i32
    %add3A_307 = arith.addi %mul3A_305, %add3A_306 : i32
    %mul3A_308 = arith.constant 8 : i32
    %mul3A_309 = arith.muli %arg1, %mul3A_308 : i32
    %add3A_310 = arith.constant 5 : i32
    %add3A_311 = arith.addi %mul3A_309, %add3A_310 : i32
    %sub3A_312 = arith.constant 2 : i32
    %sub3A_313 = arith.subi %add3A_311, %sub3A_312 : i32
    %mul3A_314 = arith.constant 80 : i32
    %mul3A_315 = arith.muli %sub3A_313, %mul3A_314 : i32
    %dma_wait3A_316 = arith.constant 0 : i32
    %dma_wait3A_317 = tpu.memref_slice %arg5[%arg0, %mul3A_315, %dma_wait3A_316] : memref<2x10240x128xf32, #tpu.memory_space<hbm>> -> memref<1x80x128xf32, #tpu.memory_space<hbm>>
    %dma_wait3A_318 = tpu.memref_squeeze %dma_wait3A_317 : memref<1x80x128xf32, #tpu.memory_space<hbm>> -> memref<80x128xf32, #tpu.memory_space<hbm>>
    %dma_wait3A_319 = arith.constant 0 : i32
    %dma_wait3A_320 = tpu.memref_slice %arg5[%arg0, %mul3A_315, %dma_wait3A_319] : memref<2x10240x128xf32, #tpu.memory_space<hbm>> -> memref<1x80x128xf32, #tpu.memory_space<hbm>>
    %dma_wait3A_321 = tpu.memref_squeeze %dma_wait3A_320 : memref<1x80x128xf32, #tpu.memory_space<hbm>> -> memref<80x128xf32, #tpu.memory_space<hbm>>
    tpu.wait_dma2 semaphore(%arg10 : memref<!tpu.dma_semaphore, #tpu.memory_space<semaphore_mem>>) src(%arg8 : memref<80x128xf32, #tpu.memory_space<vmem>>) dst(%dma_wait3A_321 : memref<80x128xf32, #tpu.memory_space<hbm>>)
    %mul3A_322 = arith.constant 80 : i32
    %mul3A_323 = arith.muli %add3A_307, %mul3A_322 : i32
    "tpu.region"() ({
      %run_scoped3A = tpu.sem_alloc : memref<!tpu.dma_semaphore, #tpu.memory_space<semaphore_mem>>
      %dma_start3A_412 = arith.constant 0 : i32
      %dma_start3A_413 = tpu.memref_slice %arg9[%mul3A_323, %dma_start3A_412] : memref<10240x128xf32, #tpu.memory_space<vmem_shared>> -> memref<80x128xf32, #tpu.memory_space<vmem_shared>>
      %dma_start3A_414 = arith.constant 0 : i32
      %dma_start3A_415 = tpu.memref_slice %arg9[%mul3A_323, %dma_start3A_414] : memref<10240x128xf32, #tpu.memory_space<vmem_shared>> -> memref<80x128xf32, #tpu.memory_space<vmem_shared>>
      tpu.enqueue_dma source(%dma_start3A_415 : memref<80x128xf32, #tpu.memory_space<vmem_shared>>) target(%arg8 : memref<80x128xf32, #tpu.memory_space<vmem>>) target_semaphore(%run_scoped3A : memref<!tpu.dma_semaphore, #tpu.memory_space<semaphore_mem>>)
      %dma_wait3A_416 = arith.constant 0 : i32
      %dma_wait3A_417 = tpu.memref_slice %arg9[%mul3A_323, %dma_wait3A_416] : memref<10240x128xf32, #tpu.memory_space<vmem_shared>> -> memref<80x128xf32, #tpu.memory_space<vmem_shared>>
      %dma_wait3A_418 = arith.constant 0 : i32
      %dma_wait3A_419 = tpu.memref_slice %arg9[%mul3A_323, %dma_wait3A_418] : memref<10240x128xf32, #tpu.memory_space<vmem_shared>> -> memref<80x128xf32, #tpu.memory_space<vmem_shared>>
      tpu.wait_dma2 semaphore(%run_scoped3A : memref<!tpu.dma_semaphore, #tpu.memory_space<semaphore_mem>>) src(%dma_wait3A_419 : memref<80x128xf32, #tpu.memory_space<vmem_shared>>) dst(%arg8 : memref<80x128xf32, #tpu.memory_space<vmem>>)
      tpu.yield
    }) : () -> ()
    %mul3A_324 = arith.constant 80 : i32
    %mul3A_325 = arith.muli %add3A_307, %mul3A_324 : i32
    %dma_start3A_326 = arith.constant 0 : i32
    %dma_start3A_327 = tpu.memref_slice %arg5[%arg0, %mul3A_325, %dma_start3A_326] : memref<2x10240x128xf32, #tpu.memory_space<hbm>> -> memref<1x80x128xf32, #tpu.memory_space<hbm>>
    %dma_start3A_328 = tpu.memref_squeeze %dma_start3A_327 : memref<1x80x128xf32, #tpu.memory_space<hbm>> -> memref<80x128xf32, #tpu.memory_space<hbm>>
    %dma_start3A_329 = arith.constant 0 : i32
    %dma_start3A_330 = tpu.memref_slice %arg5[%arg0, %mul3A_325, %dma_start3A_329] : memref<2x10240x128xf32, #tpu.memory_space<hbm>> -> memref<1x80x128xf32, #tpu.memory_space<hbm>>
    %dma_start3A_331 = tpu.memref_squeeze %dma_start3A_330 : memref<1x80x128xf32, #tpu.memory_space<hbm>> -> memref<80x128xf32, #tpu.memory_space<hbm>>
    tpu.enqueue_dma source(%arg8 : memref<80x128xf32, #tpu.memory_space<vmem>>) target(%dma_start3A_331 : memref<80x128xf32, #tpu.memory_space<hbm>>) target_semaphore(%arg10 : memref<!tpu.dma_semaphore, #tpu.memory_space<semaphore_mem>>)
    %mul3A_332 = arith.constant 8 : i32
    %mul3A_333 = arith.muli %arg1, %mul3A_332 : i32
    %add3A_334 = arith.constant 6 : i32
    %add3A_335 = arith.addi %mul3A_333, %add3A_334 : i32
    %mul3A_336 = arith.constant 8 : i32
    %mul3A_337 = arith.muli %arg1, %mul3A_336 : i32
    %add3A_338 = arith.constant 6 : i32
    %add3A_339 = arith.addi %mul3A_337, %add3A_338 : i32
    %sub3A_340 = arith.constant 2 : i32
    %sub3A_341 = arith.subi %add3A_339, %sub3A_340 : i32
    %mul3A_342 = arith.constant 80 : i32
    %mul3A_343 = arith.muli %sub3A_341, %mul3A_342 : i32
    %dma_wait3A_344 = arith.constant 0 : i32
    %dma_wait3A_345 = tpu.memref_slice %arg5[%arg0, %mul3A_343, %dma_wait3A_344] : memref<2x10240x128xf32, #tpu.memory_space<hbm>> -> memref<1x80x128xf32, #tpu.memory_space<hbm>>
    %dma_wait3A_346 = tpu.memref_squeeze %dma_wait3A_345 : memref<1x80x128xf32, #tpu.memory_space<hbm>> -> memref<80x128xf32, #tpu.memory_space<hbm>>
    %dma_wait3A_347 = arith.constant 0 : i32
    %dma_wait3A_348 = tpu.memref_slice %arg5[%arg0, %mul3A_343, %dma_wait3A_347] : memref<2x10240x128xf32, #tpu.memory_space<hbm>> -> memref<1x80x128xf32, #tpu.memory_space<hbm>>
    %dma_wait3A_349 = tpu.memref_squeeze %dma_wait3A_348 : memref<1x80x128xf32, #tpu.memory_space<hbm>> -> memref<80x128xf32, #tpu.memory_space<hbm>>
    tpu.wait_dma2 semaphore(%arg10 : memref<!tpu.dma_semaphore, #tpu.memory_space<semaphore_mem>>) src(%arg7 : memref<80x128xf32, #tpu.memory_space<vmem>>) dst(%dma_wait3A_349 : memref<80x128xf32, #tpu.memory_space<hbm>>)
    %mul3A_350 = arith.constant 80 : i32
    %mul3A_351 = arith.muli %add3A_335, %mul3A_350 : i32
    "tpu.region"() ({
      %run_scoped3A = tpu.sem_alloc : memref<!tpu.dma_semaphore, #tpu.memory_space<semaphore_mem>>
      %dma_start3A_412 = arith.constant 0 : i32
      %dma_start3A_413 = tpu.memref_slice %arg9[%mul3A_351, %dma_start3A_412] : memref<10240x128xf32, #tpu.memory_space<vmem_shared>> -> memref<80x128xf32, #tpu.memory_space<vmem_shared>>
      %dma_start3A_414 = arith.constant 0 : i32
      %dma_start3A_415 = tpu.memref_slice %arg9[%mul3A_351, %dma_start3A_414] : memref<10240x128xf32, #tpu.memory_space<vmem_shared>> -> memref<80x128xf32, #tpu.memory_space<vmem_shared>>
      tpu.enqueue_dma source(%dma_start3A_415 : memref<80x128xf32, #tpu.memory_space<vmem_shared>>) target(%arg7 : memref<80x128xf32, #tpu.memory_space<vmem>>) target_semaphore(%run_scoped3A : memref<!tpu.dma_semaphore, #tpu.memory_space<semaphore_mem>>)
      %dma_wait3A_416 = arith.constant 0 : i32
      %dma_wait3A_417 = tpu.memref_slice %arg9[%mul3A_351, %dma_wait3A_416] : memref<10240x128xf32, #tpu.memory_space<vmem_shared>> -> memref<80x128xf32, #tpu.memory_space<vmem_shared>>
      %dma_wait3A_418 = arith.constant 0 : i32
      %dma_wait3A_419 = tpu.memref_slice %arg9[%mul3A_351, %dma_wait3A_418] : memref<10240x128xf32, #tpu.memory_space<vmem_shared>> -> memref<80x128xf32, #tpu.memory_space<vmem_shared>>
      tpu.wait_dma2 semaphore(%run_scoped3A : memref<!tpu.dma_semaphore, #tpu.memory_space<semaphore_mem>>) src(%dma_wait3A_419 : memref<80x128xf32, #tpu.memory_space<vmem_shared>>) dst(%arg7 : memref<80x128xf32, #tpu.memory_space<vmem>>)
      tpu.yield
    }) : () -> ()
    %mul3A_352 = arith.constant 80 : i32
    %mul3A_353 = arith.muli %add3A_335, %mul3A_352 : i32
    %dma_start3A_354 = arith.constant 0 : i32
    %dma_start3A_355 = tpu.memref_slice %arg5[%arg0, %mul3A_353, %dma_start3A_354] : memref<2x10240x128xf32, #tpu.memory_space<hbm>> -> memref<1x80x128xf32, #tpu.memory_space<hbm>>
    %dma_start3A_356 = tpu.memref_squeeze %dma_start3A_355 : memref<1x80x128xf32, #tpu.memory_space<hbm>> -> memref<80x128xf32, #tpu.memory_space<hbm>>
    %dma_start3A_357 = arith.constant 0 : i32
    %dma_start3A_358 = tpu.memref_slice %arg5[%arg0, %mul3A_353, %dma_start3A_357] : memref<2x10240x128xf32, #tpu.memory_space<hbm>> -> memref<1x80x128xf32, #tpu.memory_space<hbm>>
    %dma_start3A_359 = tpu.memref_squeeze %dma_start3A_358 : memref<1x80x128xf32, #tpu.memory_space<hbm>> -> memref<80x128xf32, #tpu.memory_space<hbm>>
    tpu.enqueue_dma source(%arg7 : memref<80x128xf32, #tpu.memory_space<vmem>>) target(%dma_start3A_359 : memref<80x128xf32, #tpu.memory_space<hbm>>) target_semaphore(%arg10 : memref<!tpu.dma_semaphore, #tpu.memory_space<semaphore_mem>>)
    %mul3A_360 = arith.constant 8 : i32
    %mul3A_361 = arith.muli %arg1, %mul3A_360 : i32
    %add3A_362 = arith.constant 7 : i32
    %add3A_363 = arith.addi %mul3A_361, %add3A_362 : i32
    %mul3A_364 = arith.constant 8 : i32
    %mul3A_365 = arith.muli %arg1, %mul3A_364 : i32
    %add3A_366 = arith.constant 7 : i32
    %add3A_367 = arith.addi %mul3A_365, %add3A_366 : i32
    %sub3A_368 = arith.constant 2 : i32
    %sub3A_369 = arith.subi %add3A_367, %sub3A_368 : i32
    %mul3A_370 = arith.constant 80 : i32
    %mul3A_371 = arith.muli %sub3A_369, %mul3A_370 : i32
    %dma_wait3A_372 = arith.constant 0 : i32
    %dma_wait3A_373 = tpu.memref_slice %arg5[%arg0, %mul3A_371, %dma_wait3A_372] : memref<2x10240x128xf32, #tpu.memory_space<hbm>> -> memref<1x80x128xf32, #tpu.memory_space<hbm>>
    %dma_wait3A_374 = tpu.memref_squeeze %dma_wait3A_373 : memref<1x80x128xf32, #tpu.memory_space<hbm>> -> memref<80x128xf32, #tpu.memory_space<hbm>>
    %dma_wait3A_375 = arith.constant 0 : i32
    %dma_wait3A_376 = tpu.memref_slice %arg5[%arg0, %mul3A_371, %dma_wait3A_375] : memref<2x10240x128xf32, #tpu.memory_space<hbm>> -> memref<1x80x128xf32, #tpu.memory_space<hbm>>
    %dma_wait3A_377 = tpu.memref_squeeze %dma_wait3A_376 : memref<1x80x128xf32, #tpu.memory_space<hbm>> -> memref<80x128xf32, #tpu.memory_space<hbm>>
    tpu.wait_dma2 semaphore(%arg10 : memref<!tpu.dma_semaphore, #tpu.memory_space<semaphore_mem>>) src(%arg8 : memref<80x128xf32, #tpu.memory_space<vmem>>) dst(%dma_wait3A_377 : memref<80x128xf32, #tpu.memory_space<hbm>>)
    %mul3A_378 = arith.constant 80 : i32
    %mul3A_379 = arith.muli %add3A_363, %mul3A_378 : i32
    "tpu.region"() ({
      %run_scoped3A = tpu.sem_alloc : memref<!tpu.dma_semaphore, #tpu.memory_space<semaphore_mem>>
      %dma_start3A_412 = arith.constant 0 : i32
      %dma_start3A_413 = tpu.memref_slice %arg9[%mul3A_379, %dma_start3A_412] : memref<10240x128xf32, #tpu.memory_space<vmem_shared>> -> memref<80x128xf32, #tpu.memory_space<vmem_shared>>
      %dma_start3A_414 = arith.constant 0 : i32
      %dma_start3A_415 = tpu.memref_slice %arg9[%mul3A_379, %dma_start3A_414] : memref<10240x128xf32, #tpu.memory_space<vmem_shared>> -> memref<80x128xf32, #tpu.memory_space<vmem_shared>>
      tpu.enqueue_dma source(%dma_start3A_415 : memref<80x128xf32, #tpu.memory_space<vmem_shared>>) target(%arg8 : memref<80x128xf32, #tpu.memory_space<vmem>>) target_semaphore(%run_scoped3A : memref<!tpu.dma_semaphore, #tpu.memory_space<semaphore_mem>>)
      %dma_wait3A_416 = arith.constant 0 : i32
      %dma_wait3A_417 = tpu.memref_slice %arg9[%mul3A_379, %dma_wait3A_416] : memref<10240x128xf32, #tpu.memory_space<vmem_shared>> -> memref<80x128xf32, #tpu.memory_space<vmem_shared>>
      %dma_wait3A_418 = arith.constant 0 : i32
      %dma_wait3A_419 = tpu.memref_slice %arg9[%mul3A_379, %dma_wait3A_418] : memref<10240x128xf32, #tpu.memory_space<vmem_shared>> -> memref<80x128xf32, #tpu.memory_space<vmem_shared>>
      tpu.wait_dma2 semaphore(%run_scoped3A : memref<!tpu.dma_semaphore, #tpu.memory_space<semaphore_mem>>) src(%dma_wait3A_419 : memref<80x128xf32, #tpu.memory_space<vmem_shared>>) dst(%arg8 : memref<80x128xf32, #tpu.memory_space<vmem>>)
      tpu.yield
    }) : () -> ()
    %mul3A_380 = arith.constant 80 : i32
    %mul3A_381 = arith.muli %add3A_363, %mul3A_380 : i32
    %dma_start3A_382 = arith.constant 0 : i32
    %dma_start3A_383 = tpu.memref_slice %arg5[%arg0, %mul3A_381, %dma_start3A_382] : memref<2x10240x128xf32, #tpu.memory_space<hbm>> -> memref<1x80x128xf32, #tpu.memory_space<hbm>>
    %dma_start3A_384 = tpu.memref_squeeze %dma_start3A_383 : memref<1x80x128xf32, #tpu.memory_space<hbm>> -> memref<80x128xf32, #tpu.memory_space<hbm>>
    %dma_start3A_385 = arith.constant 0 : i32
    %dma_start3A_386 = tpu.memref_slice %arg5[%arg0, %mul3A_381, %dma_start3A_385] : memref<2x10240x128xf32, #tpu.memory_space<hbm>> -> memref<1x80x128xf32, #tpu.memory_space<hbm>>
    %dma_start3A_387 = tpu.memref_squeeze %dma_start3A_386 : memref<1x80x128xf32, #tpu.memory_space<hbm>> -> memref<80x128xf32, #tpu.memory_space<hbm>>
    tpu.enqueue_dma source(%arg8 : memref<80x128xf32, #tpu.memory_space<vmem>>) target(%dma_start3A_387 : memref<80x128xf32, #tpu.memory_space<hbm>>) target_semaphore(%arg10 : memref<!tpu.dma_semaphore, #tpu.memory_space<semaphore_mem>>)
    %mul3A_388 = arith.constant 8 : i32
    %mul3A_389 = arith.muli %arg1, %mul3A_388 : i32
    %add3A_390 = arith.constant 6 : i32
    %add3A_391 = arith.addi %mul3A_389, %add3A_390 : i32
    %mul3A_392 = arith.constant 80 : i32
    %mul3A_393 = arith.muli %add3A_391, %mul3A_392 : i32
    %dma_wait3A_394 = arith.constant 0 : i32
    %dma_wait3A_395 = tpu.memref_slice %arg5[%arg0, %mul3A_393, %dma_wait3A_394] : memref<2x10240x128xf32, #tpu.memory_space<hbm>> -> memref<1x80x128xf32, #tpu.memory_space<hbm>>
    %dma_wait3A_396 = tpu.memref_squeeze %dma_wait3A_395 : memref<1x80x128xf32, #tpu.memory_space<hbm>> -> memref<80x128xf32, #tpu.memory_space<hbm>>
    %dma_wait3A_397 = arith.constant 0 : i32
    %dma_wait3A_398 = tpu.memref_slice %arg5[%arg0, %mul3A_393, %dma_wait3A_397] : memref<2x10240x128xf32, #tpu.memory_space<hbm>> -> memref<1x80x128xf32, #tpu.memory_space<hbm>>
    %dma_wait3A_399 = tpu.memref_squeeze %dma_wait3A_398 : memref<1x80x128xf32, #tpu.memory_space<hbm>> -> memref<80x128xf32, #tpu.memory_space<hbm>>
    tpu.wait_dma2 semaphore(%arg10 : memref<!tpu.dma_semaphore, #tpu.memory_space<semaphore_mem>>) src(%arg7 : memref<80x128xf32, #tpu.memory_space<vmem>>) dst(%dma_wait3A_399 : memref<80x128xf32, #tpu.memory_space<hbm>>)
    %mul3A_400 = arith.constant 8 : i32
    %mul3A_401 = arith.muli %arg1, %mul3A_400 : i32
    %add3A_402 = arith.constant 7 : i32
    %add3A_403 = arith.addi %mul3A_401, %add3A_402 : i32
    %mul3A_404 = arith.constant 80 : i32
    %mul3A_405 = arith.muli %add3A_403, %mul3A_404 : i32
    %dma_wait3A_406 = arith.constant 0 : i32
    %dma_wait3A_407 = tpu.memref_slice %arg5[%arg0, %mul3A_405, %dma_wait3A_406] : memref<2x10240x128xf32, #tpu.memory_space<hbm>> -> memref<1x80x128xf32, #tpu.memory_space<hbm>>
    %dma_wait3A_408 = tpu.memref_squeeze %dma_wait3A_407 : memref<1x80x128xf32, #tpu.memory_space<hbm>> -> memref<80x128xf32, #tpu.memory_space<hbm>>
    %dma_wait3A_409 = arith.constant 0 : i32
    %dma_wait3A_410 = tpu.memref_slice %arg5[%arg0, %mul3A_405, %dma_wait3A_409] : memref<2x10240x128xf32, #tpu.memory_space<hbm>> -> memref<1x80x128xf32, #tpu.memory_space<hbm>>
    %dma_wait3A_411 = tpu.memref_squeeze %dma_wait3A_410 : memref<1x80x128xf32, #tpu.memory_space<hbm>> -> memref<80x128xf32, #tpu.memory_space<hbm>>
    tpu.wait_dma2 semaphore(%arg10 : memref<!tpu.dma_semaphore, #tpu.memory_space<semaphore_mem>>) src(%arg8 : memref<80x128xf32, #tpu.memory_space<vmem>>) dst(%dma_wait3A_411 : memref<80x128xf32, #tpu.memory_space<hbm>>)
    return
  }
}

#map = affine_map<(d0, d1) -> (0, 0)>
#map1 = affine_map<(d0, d1) -> (0, 0, 0)>
module attributes {stable_mosaic.version = 14 : i64} {
  func.func @_agg_kernel(%arg0: i32, %arg1: i32, %arg2: memref<10000x128xf32, #tpu.memory_space<hbm>>, %arg3: memref<32x125x80xi32, #tpu.memory_space<hbm>>, %arg4: memref<32x125x80xi32, #tpu.memory_space<hbm>>, %arg5: memref<80x128xf32, #tpu.memory_space<hbm>>, %arg6: memref<2x10240x128xf32, #tpu.memory_space<hbm>>, %arg7: memref<48x80xi32, #tpu.memory_space<vmem>>, %arg8: memref<48x80xi32, #tpu.memory_space<vmem>>, %arg9: memref<80x128xf32, #tpu.memory_space<vmem>>, %arg10: memref<80x128xf32, #tpu.memory_space<vmem>>, %arg11: memref<80x128xf32, #tpu.memory_space<vmem>>, %arg12: memref<10240x128xf32, #tpu.memory_space<vmem_shared>>, %arg13: memref<!tpu.dma_semaphore, #tpu.memory_space<semaphore_mem>>, %arg14: memref<!tpu.dma_semaphore, #tpu.memory_space<semaphore_mem>>, %arg15: memref<!tpu.dma_semaphore, #tpu.memory_space<semaphore_mem>>, %arg16: memref<!tpu.dma_semaphore, #tpu.memory_space<semaphore_mem>>, %arg17: memref<!tpu.dma_semaphore, #tpu.memory_space<semaphore_mem>>, %arg18: memref<!tpu.dma_semaphore, #tpu.memory_space<semaphore_mem>>) attributes {dimension_semantics = [#tpu.dimension_semantics<core_parallel>, #tpu.dimension_semantics<subcore_parallel>], iteration_bounds = array<i64: 2, 16>, scalar_prefetch = 0 : i64, scratch_operands = 12 : i64, tpu.core_type = #tpu.core_type<sc_vector_subcore>, window_params = [{transform_indices = #map}, {transform_indices = #map1}, {transform_indices = #map1}, {transform_indices = #map}, {transform_indices = #map1}]} {
    %mul3A = arith.constant 2 : i32
    %mul3A_0 = arith.muli %arg1, %mul3A : i32
    %add3A = arith.addi %mul3A_0, %arg0 : i32
    "tpu.region"() ({
      %run_scoped3A = tpu.sem_alloc : memref<!tpu.dma_semaphore, #tpu.memory_space<semaphore_mem>>
      %dma_start3A_704 = arith.constant 0 : i32
      %dma_start3A_705 = arith.constant 0 : i32
      %dma_start3A_706 = tpu.memref_slice %arg7[%dma_start3A_704, %dma_start3A_705] : memref<48x80xi32, #tpu.memory_space<vmem>> -> memref<48x80xi32, #tpu.memory_space<vmem>>
      %dma_start3A_707 = arith.constant 0 : i32
      %dma_start3A_708 = arith.constant 0 : i32
      %dma_start3A_709 = tpu.memref_slice %arg3[%add3A, %dma_start3A_707, %dma_start3A_708] : memref<32x125x80xi32, #tpu.memory_space<hbm>> -> memref<1x48x80xi32, #tpu.memory_space<hbm>>
      %dma_start3A_710 = tpu.memref_squeeze %dma_start3A_709 : memref<1x48x80xi32, #tpu.memory_space<hbm>> -> memref<48x80xi32, #tpu.memory_space<hbm>>
      %dma_start3A_711 = arith.constant 0 : i32
      %dma_start3A_712 = arith.constant 0 : i32
      %dma_start3A_713 = tpu.memref_slice %arg7[%dma_start3A_711, %dma_start3A_712] : memref<48x80xi32, #tpu.memory_space<vmem>> -> memref<48x80xi32, #tpu.memory_space<vmem>>
      %dma_start3A_714 = arith.constant 0 : i32
      %dma_start3A_715 = arith.constant 0 : i32
      %dma_start3A_716 = tpu.memref_slice %arg3[%add3A, %dma_start3A_714, %dma_start3A_715] : memref<32x125x80xi32, #tpu.memory_space<hbm>> -> memref<1x48x80xi32, #tpu.memory_space<hbm>>
      %dma_start3A_717 = tpu.memref_squeeze %dma_start3A_716 : memref<1x48x80xi32, #tpu.memory_space<hbm>> -> memref<48x80xi32, #tpu.memory_space<hbm>>
      tpu.enqueue_dma source(%dma_start3A_717 : memref<48x80xi32, #tpu.memory_space<hbm>>) target(%dma_start3A_713 : memref<48x80xi32, #tpu.memory_space<vmem>>) target_semaphore(%run_scoped3A : memref<!tpu.dma_semaphore, #tpu.memory_space<semaphore_mem>>)
      %dma_wait3A_718 = arith.constant 0 : i32
      %dma_wait3A_719 = arith.constant 0 : i32
      %dma_wait3A_720 = tpu.memref_slice %arg7[%dma_wait3A_718, %dma_wait3A_719] : memref<48x80xi32, #tpu.memory_space<vmem>> -> memref<48x80xi32, #tpu.memory_space<vmem>>
      %dma_wait3A_721 = arith.constant 0 : i32
      %dma_wait3A_722 = arith.constant 0 : i32
      %dma_wait3A_723 = tpu.memref_slice %arg3[%add3A, %dma_wait3A_721, %dma_wait3A_722] : memref<32x125x80xi32, #tpu.memory_space<hbm>> -> memref<1x48x80xi32, #tpu.memory_space<hbm>>
      %dma_wait3A_724 = tpu.memref_squeeze %dma_wait3A_723 : memref<1x48x80xi32, #tpu.memory_space<hbm>> -> memref<48x80xi32, #tpu.memory_space<hbm>>
      %dma_wait3A_725 = arith.constant 0 : i32
      %dma_wait3A_726 = arith.constant 0 : i32
      %dma_wait3A_727 = tpu.memref_slice %arg7[%dma_wait3A_725, %dma_wait3A_726] : memref<48x80xi32, #tpu.memory_space<vmem>> -> memref<48x80xi32, #tpu.memory_space<vmem>>
      %dma_wait3A_728 = arith.constant 0 : i32
      %dma_wait3A_729 = arith.constant 0 : i32
      %dma_wait3A_730 = tpu.memref_slice %arg3[%add3A, %dma_wait3A_728, %dma_wait3A_729] : memref<32x125x80xi32, #tpu.memory_space<hbm>> -> memref<1x48x80xi32, #tpu.memory_space<hbm>>
      %dma_wait3A_731 = tpu.memref_squeeze %dma_wait3A_730 : memref<1x48x80xi32, #tpu.memory_space<hbm>> -> memref<48x80xi32, #tpu.memory_space<hbm>>
      tpu.wait_dma2 semaphore(%run_scoped3A : memref<!tpu.dma_semaphore, #tpu.memory_space<semaphore_mem>>) src(%dma_wait3A_731 : memref<48x80xi32, #tpu.memory_space<hbm>>) dst(%dma_wait3A_727 : memref<48x80xi32, #tpu.memory_space<vmem>>)
      tpu.yield
    }) : () -> ()
    "tpu.region"() ({
      %run_scoped3A = tpu.sem_alloc : memref<!tpu.dma_semaphore, #tpu.memory_space<semaphore_mem>>
      %dma_start3A_704 = arith.constant 0 : i32
      %dma_start3A_705 = arith.constant 0 : i32
      %dma_start3A_706 = tpu.memref_slice %arg8[%dma_start3A_704, %dma_start3A_705] : memref<48x80xi32, #tpu.memory_space<vmem>> -> memref<48x80xi32, #tpu.memory_space<vmem>>
      %dma_start3A_707 = arith.constant 0 : i32
      %dma_start3A_708 = arith.constant 0 : i32
      %dma_start3A_709 = tpu.memref_slice %arg4[%add3A, %dma_start3A_707, %dma_start3A_708] : memref<32x125x80xi32, #tpu.memory_space<hbm>> -> memref<1x48x80xi32, #tpu.memory_space<hbm>>
      %dma_start3A_710 = tpu.memref_squeeze %dma_start3A_709 : memref<1x48x80xi32, #tpu.memory_space<hbm>> -> memref<48x80xi32, #tpu.memory_space<hbm>>
      %dma_start3A_711 = arith.constant 0 : i32
      %dma_start3A_712 = arith.constant 0 : i32
      %dma_start3A_713 = tpu.memref_slice %arg8[%dma_start3A_711, %dma_start3A_712] : memref<48x80xi32, #tpu.memory_space<vmem>> -> memref<48x80xi32, #tpu.memory_space<vmem>>
      %dma_start3A_714 = arith.constant 0 : i32
      %dma_start3A_715 = arith.constant 0 : i32
      %dma_start3A_716 = tpu.memref_slice %arg4[%add3A, %dma_start3A_714, %dma_start3A_715] : memref<32x125x80xi32, #tpu.memory_space<hbm>> -> memref<1x48x80xi32, #tpu.memory_space<hbm>>
      %dma_start3A_717 = tpu.memref_squeeze %dma_start3A_716 : memref<1x48x80xi32, #tpu.memory_space<hbm>> -> memref<48x80xi32, #tpu.memory_space<hbm>>
      tpu.enqueue_dma source(%dma_start3A_717 : memref<48x80xi32, #tpu.memory_space<hbm>>) target(%dma_start3A_713 : memref<48x80xi32, #tpu.memory_space<vmem>>) target_semaphore(%run_scoped3A : memref<!tpu.dma_semaphore, #tpu.memory_space<semaphore_mem>>)
      %dma_wait3A_718 = arith.constant 0 : i32
      %dma_wait3A_719 = arith.constant 0 : i32
      %dma_wait3A_720 = tpu.memref_slice %arg8[%dma_wait3A_718, %dma_wait3A_719] : memref<48x80xi32, #tpu.memory_space<vmem>> -> memref<48x80xi32, #tpu.memory_space<vmem>>
      %dma_wait3A_721 = arith.constant 0 : i32
      %dma_wait3A_722 = arith.constant 0 : i32
      %dma_wait3A_723 = tpu.memref_slice %arg4[%add3A, %dma_wait3A_721, %dma_wait3A_722] : memref<32x125x80xi32, #tpu.memory_space<hbm>> -> memref<1x48x80xi32, #tpu.memory_space<hbm>>
      %dma_wait3A_724 = tpu.memref_squeeze %dma_wait3A_723 : memref<1x48x80xi32, #tpu.memory_space<hbm>> -> memref<48x80xi32, #tpu.memory_space<hbm>>
      %dma_wait3A_725 = arith.constant 0 : i32
      %dma_wait3A_726 = arith.constant 0 : i32
      %dma_wait3A_727 = tpu.memref_slice %arg8[%dma_wait3A_725, %dma_wait3A_726] : memref<48x80xi32, #tpu.memory_space<vmem>> -> memref<48x80xi32, #tpu.memory_space<vmem>>
      %dma_wait3A_728 = arith.constant 0 : i32
      %dma_wait3A_729 = arith.constant 0 : i32
      %dma_wait3A_730 = tpu.memref_slice %arg4[%add3A, %dma_wait3A_728, %dma_wait3A_729] : memref<32x125x80xi32, #tpu.memory_space<hbm>> -> memref<1x48x80xi32, #tpu.memory_space<hbm>>
      %dma_wait3A_731 = tpu.memref_squeeze %dma_wait3A_730 : memref<1x48x80xi32, #tpu.memory_space<hbm>> -> memref<48x80xi32, #tpu.memory_space<hbm>>
      tpu.wait_dma2 semaphore(%run_scoped3A : memref<!tpu.dma_semaphore, #tpu.memory_space<semaphore_mem>>) src(%dma_wait3A_731 : memref<48x80xi32, #tpu.memory_space<hbm>>) dst(%dma_wait3A_727 : memref<48x80xi32, #tpu.memory_space<vmem>>)
      tpu.yield
    }) : () -> ()
    "tpu.region"() ({
      %run_scoped3A = tpu.sem_alloc : memref<!tpu.dma_semaphore, #tpu.memory_space<semaphore_mem>>
      tpu.enqueue_dma source(%arg5 : memref<80x128xf32, #tpu.memory_space<hbm>>) target(%arg9 : memref<80x128xf32, #tpu.memory_space<vmem>>) target_semaphore(%run_scoped3A : memref<!tpu.dma_semaphore, #tpu.memory_space<semaphore_mem>>)
      tpu.wait_dma2 semaphore(%run_scoped3A : memref<!tpu.dma_semaphore, #tpu.memory_space<semaphore_mem>>) src(%arg5 : memref<80x128xf32, #tpu.memory_space<hbm>>) dst(%arg9 : memref<80x128xf32, #tpu.memory_space<vmem>>)
      tpu.yield
    }) : () -> ()
    %mul3A_1 = arith.constant 8 : i32
    %mul3A_2 = arith.muli %arg1, %mul3A_1 : i32
    %add3A_3 = arith.constant 0 : i32
    %add3A_4 = arith.addi %mul3A_2, %add3A_3 : i32
    %mul3A_5 = arith.constant 80 : i32
    %mul3A_6 = arith.muli %add3A_4, %mul3A_5 : i32
    %dma_start3A = arith.constant 0 : i32
    %dma_start3A_7 = tpu.memref_slice %arg12[%mul3A_6, %dma_start3A] : memref<10240x128xf32, #tpu.memory_space<vmem_shared>> -> memref<80x128xf32, #tpu.memory_space<vmem_shared>>
    %dma_start3A_8 = arith.constant 0 : i32
    %dma_start3A_9 = tpu.memref_slice %arg12[%mul3A_6, %dma_start3A_8] : memref<10240x128xf32, #tpu.memory_space<vmem_shared>> -> memref<80x128xf32, #tpu.memory_space<vmem_shared>>
    tpu.enqueue_dma source(%arg9 : memref<80x128xf32, #tpu.memory_space<vmem>>) target(%dma_start3A_9 : memref<80x128xf32, #tpu.memory_space<vmem_shared>>) target_semaphore(%arg16 : memref<!tpu.dma_semaphore, #tpu.memory_space<semaphore_mem>>)
    %mul3A_10 = arith.constant 8 : i32
    %mul3A_11 = arith.muli %arg1, %mul3A_10 : i32
    %add3A_12 = arith.constant 1 : i32
    %add3A_13 = arith.addi %mul3A_11, %add3A_12 : i32
    %mul3A_14 = arith.constant 80 : i32
    %mul3A_15 = arith.muli %add3A_13, %mul3A_14 : i32
    %dma_start3A_16 = arith.constant 0 : i32
    %dma_start3A_17 = tpu.memref_slice %arg12[%mul3A_15, %dma_start3A_16] : memref<10240x128xf32, #tpu.memory_space<vmem_shared>> -> memref<80x128xf32, #tpu.memory_space<vmem_shared>>
    %dma_start3A_18 = arith.constant 0 : i32
    %dma_start3A_19 = tpu.memref_slice %arg12[%mul3A_15, %dma_start3A_18] : memref<10240x128xf32, #tpu.memory_space<vmem_shared>> -> memref<80x128xf32, #tpu.memory_space<vmem_shared>>
    tpu.enqueue_dma source(%arg9 : memref<80x128xf32, #tpu.memory_space<vmem>>) target(%dma_start3A_19 : memref<80x128xf32, #tpu.memory_space<vmem_shared>>) target_semaphore(%arg16 : memref<!tpu.dma_semaphore, #tpu.memory_space<semaphore_mem>>)
    %mul3A_20 = arith.constant 8 : i32
    %mul3A_21 = arith.muli %arg1, %mul3A_20 : i32
    %add3A_22 = arith.constant 2 : i32
    %add3A_23 = arith.addi %mul3A_21, %add3A_22 : i32
    %mul3A_24 = arith.constant 80 : i32
    %mul3A_25 = arith.muli %add3A_23, %mul3A_24 : i32
    %dma_start3A_26 = arith.constant 0 : i32
    %dma_start3A_27 = tpu.memref_slice %arg12[%mul3A_25, %dma_start3A_26] : memref<10240x128xf32, #tpu.memory_space<vmem_shared>> -> memref<80x128xf32, #tpu.memory_space<vmem_shared>>
    %dma_start3A_28 = arith.constant 0 : i32
    %dma_start3A_29 = tpu.memref_slice %arg12[%mul3A_25, %dma_start3A_28] : memref<10240x128xf32, #tpu.memory_space<vmem_shared>> -> memref<80x128xf32, #tpu.memory_space<vmem_shared>>
    tpu.enqueue_dma source(%arg9 : memref<80x128xf32, #tpu.memory_space<vmem>>) target(%dma_start3A_29 : memref<80x128xf32, #tpu.memory_space<vmem_shared>>) target_semaphore(%arg16 : memref<!tpu.dma_semaphore, #tpu.memory_space<semaphore_mem>>)
    %mul3A_30 = arith.constant 8 : i32
    %mul3A_31 = arith.muli %arg1, %mul3A_30 : i32
    %add3A_32 = arith.constant 3 : i32
    %add3A_33 = arith.addi %mul3A_31, %add3A_32 : i32
    %mul3A_34 = arith.constant 80 : i32
    %mul3A_35 = arith.muli %add3A_33, %mul3A_34 : i32
    %dma_start3A_36 = arith.constant 0 : i32
    %dma_start3A_37 = tpu.memref_slice %arg12[%mul3A_35, %dma_start3A_36] : memref<10240x128xf32, #tpu.memory_space<vmem_shared>> -> memref<80x128xf32, #tpu.memory_space<vmem_shared>>
    %dma_start3A_38 = arith.constant 0 : i32
    %dma_start3A_39 = tpu.memref_slice %arg12[%mul3A_35, %dma_start3A_38] : memref<10240x128xf32, #tpu.memory_space<vmem_shared>> -> memref<80x128xf32, #tpu.memory_space<vmem_shared>>
    tpu.enqueue_dma source(%arg9 : memref<80x128xf32, #tpu.memory_space<vmem>>) target(%dma_start3A_39 : memref<80x128xf32, #tpu.memory_space<vmem_shared>>) target_semaphore(%arg16 : memref<!tpu.dma_semaphore, #tpu.memory_space<semaphore_mem>>)
    %mul3A_40 = arith.constant 8 : i32
    %mul3A_41 = arith.muli %arg1, %mul3A_40 : i32
    %add3A_42 = arith.constant 4 : i32
    %add3A_43 = arith.addi %mul3A_41, %add3A_42 : i32
    %mul3A_44 = arith.constant 80 : i32
    %mul3A_45 = arith.muli %add3A_43, %mul3A_44 : i32
    %dma_start3A_46 = arith.constant 0 : i32
    %dma_start3A_47 = tpu.memref_slice %arg12[%mul3A_45, %dma_start3A_46] : memref<10240x128xf32, #tpu.memory_space<vmem_shared>> -> memref<80x128xf32, #tpu.memory_space<vmem_shared>>
    %dma_start3A_48 = arith.constant 0 : i32
    %dma_start3A_49 = tpu.memref_slice %arg12[%mul3A_45, %dma_start3A_48] : memref<10240x128xf32, #tpu.memory_space<vmem_shared>> -> memref<80x128xf32, #tpu.memory_space<vmem_shared>>
    tpu.enqueue_dma source(%arg9 : memref<80x128xf32, #tpu.memory_space<vmem>>) target(%dma_start3A_49 : memref<80x128xf32, #tpu.memory_space<vmem_shared>>) target_semaphore(%arg16 : memref<!tpu.dma_semaphore, #tpu.memory_space<semaphore_mem>>)
    %mul3A_50 = arith.constant 8 : i32
    %mul3A_51 = arith.muli %arg1, %mul3A_50 : i32
    %add3A_52 = arith.constant 5 : i32
    %add3A_53 = arith.addi %mul3A_51, %add3A_52 : i32
    %mul3A_54 = arith.constant 80 : i32
    %mul3A_55 = arith.muli %add3A_53, %mul3A_54 : i32
    %dma_start3A_56 = arith.constant 0 : i32
    %dma_start3A_57 = tpu.memref_slice %arg12[%mul3A_55, %dma_start3A_56] : memref<10240x128xf32, #tpu.memory_space<vmem_shared>> -> memref<80x128xf32, #tpu.memory_space<vmem_shared>>
    %dma_start3A_58 = arith.constant 0 : i32
    %dma_start3A_59 = tpu.memref_slice %arg12[%mul3A_55, %dma_start3A_58] : memref<10240x128xf32, #tpu.memory_space<vmem_shared>> -> memref<80x128xf32, #tpu.memory_space<vmem_shared>>
    tpu.enqueue_dma source(%arg9 : memref<80x128xf32, #tpu.memory_space<vmem>>) target(%dma_start3A_59 : memref<80x128xf32, #tpu.memory_space<vmem_shared>>) target_semaphore(%arg16 : memref<!tpu.dma_semaphore, #tpu.memory_space<semaphore_mem>>)
    %mul3A_60 = arith.constant 8 : i32
    %mul3A_61 = arith.muli %arg1, %mul3A_60 : i32
    %add3A_62 = arith.constant 6 : i32
    %add3A_63 = arith.addi %mul3A_61, %add3A_62 : i32
    %mul3A_64 = arith.constant 80 : i32
    %mul3A_65 = arith.muli %add3A_63, %mul3A_64 : i32
    %dma_start3A_66 = arith.constant 0 : i32
    %dma_start3A_67 = tpu.memref_slice %arg12[%mul3A_65, %dma_start3A_66] : memref<10240x128xf32, #tpu.memory_space<vmem_shared>> -> memref<80x128xf32, #tpu.memory_space<vmem_shared>>
    %dma_start3A_68 = arith.constant 0 : i32
    %dma_start3A_69 = tpu.memref_slice %arg12[%mul3A_65, %dma_start3A_68] : memref<10240x128xf32, #tpu.memory_space<vmem_shared>> -> memref<80x128xf32, #tpu.memory_space<vmem_shared>>
    tpu.enqueue_dma source(%arg9 : memref<80x128xf32, #tpu.memory_space<vmem>>) target(%dma_start3A_69 : memref<80x128xf32, #tpu.memory_space<vmem_shared>>) target_semaphore(%arg16 : memref<!tpu.dma_semaphore, #tpu.memory_space<semaphore_mem>>)
    %mul3A_70 = arith.constant 8 : i32
    %mul3A_71 = arith.muli %arg1, %mul3A_70 : i32
    %add3A_72 = arith.constant 7 : i32
    %add3A_73 = arith.addi %mul3A_71, %add3A_72 : i32
    %mul3A_74 = arith.constant 80 : i32
    %mul3A_75 = arith.muli %add3A_73, %mul3A_74 : i32
    %dma_start3A_76 = arith.constant 0 : i32
    %dma_start3A_77 = tpu.memref_slice %arg12[%mul3A_75, %dma_start3A_76] : memref<10240x128xf32, #tpu.memory_space<vmem_shared>> -> memref<80x128xf32, #tpu.memory_space<vmem_shared>>
    %dma_start3A_78 = arith.constant 0 : i32
    %dma_start3A_79 = tpu.memref_slice %arg12[%mul3A_75, %dma_start3A_78] : memref<10240x128xf32, #tpu.memory_space<vmem_shared>> -> memref<80x128xf32, #tpu.memory_space<vmem_shared>>
    tpu.enqueue_dma source(%arg9 : memref<80x128xf32, #tpu.memory_space<vmem>>) target(%dma_start3A_79 : memref<80x128xf32, #tpu.memory_space<vmem_shared>>) target_semaphore(%arg16 : memref<!tpu.dma_semaphore, #tpu.memory_space<semaphore_mem>>)
    %mul3A_80 = arith.constant 8 : i32
    %mul3A_81 = arith.muli %arg1, %mul3A_80 : i32
    %add3A_82 = arith.constant 0 : i32
    %add3A_83 = arith.addi %mul3A_81, %add3A_82 : i32
    %mul3A_84 = arith.constant 80 : i32
    %mul3A_85 = arith.muli %add3A_83, %mul3A_84 : i32
    %dma_wait3A = arith.constant 0 : i32
    %dma_wait3A_86 = tpu.memref_slice %arg12[%mul3A_85, %dma_wait3A] : memref<10240x128xf32, #tpu.memory_space<vmem_shared>> -> memref<80x128xf32, #tpu.memory_space<vmem_shared>>
    %dma_wait3A_87 = arith.constant 0 : i32
    %dma_wait3A_88 = tpu.memref_slice %arg12[%mul3A_85, %dma_wait3A_87] : memref<10240x128xf32, #tpu.memory_space<vmem_shared>> -> memref<80x128xf32, #tpu.memory_space<vmem_shared>>
    tpu.wait_dma2 semaphore(%arg16 : memref<!tpu.dma_semaphore, #tpu.memory_space<semaphore_mem>>) src(%arg9 : memref<80x128xf32, #tpu.memory_space<vmem>>) dst(%dma_wait3A_88 : memref<80x128xf32, #tpu.memory_space<vmem_shared>>)
    %mul3A_89 = arith.constant 8 : i32
    %mul3A_90 = arith.muli %arg1, %mul3A_89 : i32
    %add3A_91 = arith.constant 1 : i32
    %add3A_92 = arith.addi %mul3A_90, %add3A_91 : i32
    %mul3A_93 = arith.constant 80 : i32
    %mul3A_94 = arith.muli %add3A_92, %mul3A_93 : i32
    %dma_wait3A_95 = arith.constant 0 : i32
    %dma_wait3A_96 = tpu.memref_slice %arg12[%mul3A_94, %dma_wait3A_95] : memref<10240x128xf32, #tpu.memory_space<vmem_shared>> -> memref<80x128xf32, #tpu.memory_space<vmem_shared>>
    %dma_wait3A_97 = arith.constant 0 : i32
    %dma_wait3A_98 = tpu.memref_slice %arg12[%mul3A_94, %dma_wait3A_97] : memref<10240x128xf32, #tpu.memory_space<vmem_shared>> -> memref<80x128xf32, #tpu.memory_space<vmem_shared>>
    tpu.wait_dma2 semaphore(%arg16 : memref<!tpu.dma_semaphore, #tpu.memory_space<semaphore_mem>>) src(%arg9 : memref<80x128xf32, #tpu.memory_space<vmem>>) dst(%dma_wait3A_98 : memref<80x128xf32, #tpu.memory_space<vmem_shared>>)
    %mul3A_99 = arith.constant 8 : i32
    %mul3A_100 = arith.muli %arg1, %mul3A_99 : i32
    %add3A_101 = arith.constant 2 : i32
    %add3A_102 = arith.addi %mul3A_100, %add3A_101 : i32
    %mul3A_103 = arith.constant 80 : i32
    %mul3A_104 = arith.muli %add3A_102, %mul3A_103 : i32
    %dma_wait3A_105 = arith.constant 0 : i32
    %dma_wait3A_106 = tpu.memref_slice %arg12[%mul3A_104, %dma_wait3A_105] : memref<10240x128xf32, #tpu.memory_space<vmem_shared>> -> memref<80x128xf32, #tpu.memory_space<vmem_shared>>
    %dma_wait3A_107 = arith.constant 0 : i32
    %dma_wait3A_108 = tpu.memref_slice %arg12[%mul3A_104, %dma_wait3A_107] : memref<10240x128xf32, #tpu.memory_space<vmem_shared>> -> memref<80x128xf32, #tpu.memory_space<vmem_shared>>
    tpu.wait_dma2 semaphore(%arg16 : memref<!tpu.dma_semaphore, #tpu.memory_space<semaphore_mem>>) src(%arg9 : memref<80x128xf32, #tpu.memory_space<vmem>>) dst(%dma_wait3A_108 : memref<80x128xf32, #tpu.memory_space<vmem_shared>>)
    %mul3A_109 = arith.constant 8 : i32
    %mul3A_110 = arith.muli %arg1, %mul3A_109 : i32
    %add3A_111 = arith.constant 3 : i32
    %add3A_112 = arith.addi %mul3A_110, %add3A_111 : i32
    %mul3A_113 = arith.constant 80 : i32
    %mul3A_114 = arith.muli %add3A_112, %mul3A_113 : i32
    %dma_wait3A_115 = arith.constant 0 : i32
    %dma_wait3A_116 = tpu.memref_slice %arg12[%mul3A_114, %dma_wait3A_115] : memref<10240x128xf32, #tpu.memory_space<vmem_shared>> -> memref<80x128xf32, #tpu.memory_space<vmem_shared>>
    %dma_wait3A_117 = arith.constant 0 : i32
    %dma_wait3A_118 = tpu.memref_slice %arg12[%mul3A_114, %dma_wait3A_117] : memref<10240x128xf32, #tpu.memory_space<vmem_shared>> -> memref<80x128xf32, #tpu.memory_space<vmem_shared>>
    tpu.wait_dma2 semaphore(%arg16 : memref<!tpu.dma_semaphore, #tpu.memory_space<semaphore_mem>>) src(%arg9 : memref<80x128xf32, #tpu.memory_space<vmem>>) dst(%dma_wait3A_118 : memref<80x128xf32, #tpu.memory_space<vmem_shared>>)
    %mul3A_119 = arith.constant 8 : i32
    %mul3A_120 = arith.muli %arg1, %mul3A_119 : i32
    %add3A_121 = arith.constant 4 : i32
    %add3A_122 = arith.addi %mul3A_120, %add3A_121 : i32
    %mul3A_123 = arith.constant 80 : i32
    %mul3A_124 = arith.muli %add3A_122, %mul3A_123 : i32
    %dma_wait3A_125 = arith.constant 0 : i32
    %dma_wait3A_126 = tpu.memref_slice %arg12[%mul3A_124, %dma_wait3A_125] : memref<10240x128xf32, #tpu.memory_space<vmem_shared>> -> memref<80x128xf32, #tpu.memory_space<vmem_shared>>
    %dma_wait3A_127 = arith.constant 0 : i32
    %dma_wait3A_128 = tpu.memref_slice %arg12[%mul3A_124, %dma_wait3A_127] : memref<10240x128xf32, #tpu.memory_space<vmem_shared>> -> memref<80x128xf32, #tpu.memory_space<vmem_shared>>
    tpu.wait_dma2 semaphore(%arg16 : memref<!tpu.dma_semaphore, #tpu.memory_space<semaphore_mem>>) src(%arg9 : memref<80x128xf32, #tpu.memory_space<vmem>>) dst(%dma_wait3A_128 : memref<80x128xf32, #tpu.memory_space<vmem_shared>>)
    %mul3A_129 = arith.constant 8 : i32
    %mul3A_130 = arith.muli %arg1, %mul3A_129 : i32
    %add3A_131 = arith.constant 5 : i32
    %add3A_132 = arith.addi %mul3A_130, %add3A_131 : i32
    %mul3A_133 = arith.constant 80 : i32
    %mul3A_134 = arith.muli %add3A_132, %mul3A_133 : i32
    %dma_wait3A_135 = arith.constant 0 : i32
    %dma_wait3A_136 = tpu.memref_slice %arg12[%mul3A_134, %dma_wait3A_135] : memref<10240x128xf32, #tpu.memory_space<vmem_shared>> -> memref<80x128xf32, #tpu.memory_space<vmem_shared>>
    %dma_wait3A_137 = arith.constant 0 : i32
    %dma_wait3A_138 = tpu.memref_slice %arg12[%mul3A_134, %dma_wait3A_137] : memref<10240x128xf32, #tpu.memory_space<vmem_shared>> -> memref<80x128xf32, #tpu.memory_space<vmem_shared>>
    tpu.wait_dma2 semaphore(%arg16 : memref<!tpu.dma_semaphore, #tpu.memory_space<semaphore_mem>>) src(%arg9 : memref<80x128xf32, #tpu.memory_space<vmem>>) dst(%dma_wait3A_138 : memref<80x128xf32, #tpu.memory_space<vmem_shared>>)
    %mul3A_139 = arith.constant 8 : i32
    %mul3A_140 = arith.muli %arg1, %mul3A_139 : i32
    %add3A_141 = arith.constant 6 : i32
    %add3A_142 = arith.addi %mul3A_140, %add3A_141 : i32
    %mul3A_143 = arith.constant 80 : i32
    %mul3A_144 = arith.muli %add3A_142, %mul3A_143 : i32
    %dma_wait3A_145 = arith.constant 0 : i32
    %dma_wait3A_146 = tpu.memref_slice %arg12[%mul3A_144, %dma_wait3A_145] : memref<10240x128xf32, #tpu.memory_space<vmem_shared>> -> memref<80x128xf32, #tpu.memory_space<vmem_shared>>
    %dma_wait3A_147 = arith.constant 0 : i32
    %dma_wait3A_148 = tpu.memref_slice %arg12[%mul3A_144, %dma_wait3A_147] : memref<10240x128xf32, #tpu.memory_space<vmem_shared>> -> memref<80x128xf32, #tpu.memory_space<vmem_shared>>
    tpu.wait_dma2 semaphore(%arg16 : memref<!tpu.dma_semaphore, #tpu.memory_space<semaphore_mem>>) src(%arg9 : memref<80x128xf32, #tpu.memory_space<vmem>>) dst(%dma_wait3A_148 : memref<80x128xf32, #tpu.memory_space<vmem_shared>>)
    %mul3A_149 = arith.constant 8 : i32
    %mul3A_150 = arith.muli %arg1, %mul3A_149 : i32
    %add3A_151 = arith.constant 7 : i32
    %add3A_152 = arith.addi %mul3A_150, %add3A_151 : i32
    %mul3A_153 = arith.constant 80 : i32
    %mul3A_154 = arith.muli %add3A_152, %mul3A_153 : i32
    %dma_wait3A_155 = arith.constant 0 : i32
    %dma_wait3A_156 = tpu.memref_slice %arg12[%mul3A_154, %dma_wait3A_155] : memref<10240x128xf32, #tpu.memory_space<vmem_shared>> -> memref<80x128xf32, #tpu.memory_space<vmem_shared>>
    %dma_wait3A_157 = arith.constant 0 : i32
    %dma_wait3A_158 = tpu.memref_slice %arg12[%mul3A_154, %dma_wait3A_157] : memref<10240x128xf32, #tpu.memory_space<vmem_shared>> -> memref<80x128xf32, #tpu.memory_space<vmem_shared>>
    tpu.wait_dma2 semaphore(%arg16 : memref<!tpu.dma_semaphore, #tpu.memory_space<semaphore_mem>>) src(%arg9 : memref<80x128xf32, #tpu.memory_space<vmem>>) dst(%dma_wait3A_158 : memref<80x128xf32, #tpu.memory_space<vmem_shared>>)
    %barrier3A = arith.constant 0 : index
    tpu.barrier barrier_id(%barrier3A)
    %dma_start3A_159 = arith.constant 0 : i32
    %dma_start3A_160 = arith.constant 0 : i32
    %dma_start3A_161 = tpu.memref_slice %arg7[%dma_start3A_159, %dma_start3A_160] : memref<48x80xi32, #tpu.memory_space<vmem>> -> memref<1x80xi32, #tpu.memory_space<vmem>>
    %dma_start3A_162 = tpu.memref_squeeze %dma_start3A_161 : memref<1x80xi32, #tpu.memory_space<vmem>> -> memref<80xi32, #tpu.memory_space<vmem>>
    %dma_start3A_163 = arith.constant 0 : i32
    %dma_start3A_164 = arith.constant 0 : i32
    %dma_start3A_165 = tpu.memref_slice %arg2[%dma_start3A_163, %dma_start3A_164] : memref<10000x128xf32, #tpu.memory_space<hbm>> -> memref<10000x128xf32, #tpu.memory_space<hbm>>
    tpu.enqueue_indirect_dma source(%dma_start3A_165 : memref<10000x128xf32, #tpu.memory_space<hbm>>) target(%arg9 : memref<80x128xf32, #tpu.memory_space<vmem>>) offsets(%dma_start3A_162 : memref<80xi32, #tpu.memory_space<vmem>>) semaphore(%arg13 : memref<!tpu.dma_semaphore, #tpu.memory_space<semaphore_mem>>)
    %dma_start3A_166 = arith.constant 1 : i32
    %dma_start3A_167 = arith.constant 0 : i32
    %dma_start3A_168 = tpu.memref_slice %arg7[%dma_start3A_166, %dma_start3A_167] : memref<48x80xi32, #tpu.memory_space<vmem>> -> memref<1x80xi32, #tpu.memory_space<vmem>>
    %dma_start3A_169 = tpu.memref_squeeze %dma_start3A_168 : memref<1x80xi32, #tpu.memory_space<vmem>> -> memref<80xi32, #tpu.memory_space<vmem>>
    %dma_start3A_170 = arith.constant 0 : i32
    %dma_start3A_171 = arith.constant 0 : i32
    %dma_start3A_172 = tpu.memref_slice %arg2[%dma_start3A_170, %dma_start3A_171] : memref<10000x128xf32, #tpu.memory_space<hbm>> -> memref<10000x128xf32, #tpu.memory_space<hbm>>
    tpu.enqueue_indirect_dma source(%dma_start3A_172 : memref<10000x128xf32, #tpu.memory_space<hbm>>) target(%arg10 : memref<80x128xf32, #tpu.memory_space<vmem>>) offsets(%dma_start3A_169 : memref<80xi32, #tpu.memory_space<vmem>>) semaphore(%arg14 : memref<!tpu.dma_semaphore, #tpu.memory_space<semaphore_mem>>)
    %dma_start3A_173 = arith.constant 2 : i32
    %dma_start3A_174 = arith.constant 0 : i32
    %dma_start3A_175 = tpu.memref_slice %arg7[%dma_start3A_173, %dma_start3A_174] : memref<48x80xi32, #tpu.memory_space<vmem>> -> memref<1x80xi32, #tpu.memory_space<vmem>>
    %dma_start3A_176 = tpu.memref_squeeze %dma_start3A_175 : memref<1x80xi32, #tpu.memory_space<vmem>> -> memref<80xi32, #tpu.memory_space<vmem>>
    %dma_start3A_177 = arith.constant 0 : i32
    %dma_start3A_178 = arith.constant 0 : i32
    %dma_start3A_179 = tpu.memref_slice %arg2[%dma_start3A_177, %dma_start3A_178] : memref<10000x128xf32, #tpu.memory_space<hbm>> -> memref<10000x128xf32, #tpu.memory_space<hbm>>
    tpu.enqueue_indirect_dma source(%dma_start3A_179 : memref<10000x128xf32, #tpu.memory_space<hbm>>) target(%arg11 : memref<80x128xf32, #tpu.memory_space<vmem>>) offsets(%dma_start3A_176 : memref<80xi32, #tpu.memory_space<vmem>>) semaphore(%arg15 : memref<!tpu.dma_semaphore, #tpu.memory_space<semaphore_mem>>)
    %scan3A = arith.constant 0 : i32
    %scan3A_180 = arith.constant 0 : i32
    %scan3A_181 = arith.constant 15 : i32
    %scan3A_182 = arith.addi %scan3A_180, %scan3A_181 : i32
    %scan3A_183 = arith.constant 1 : i32
    scf.for %scan3A_704 = %scan3A_180 to %scan3A_182 step %scan3A_183  : i32 {
      %mul3A_705 = arith.constant 3 : i32
      %mul3A_706 = arith.muli %mul3A_705, %scan3A_704 : i32
      %add3A_707 = arith.constant 0 : i32
      %add3A_708 = arith.addi %mul3A_706, %add3A_707 : i32
      %dma_wait3A_709 = arith.constant 0 : i32
      %dma_wait3A_710 = tpu.memref_slice %arg7[%add3A_708, %dma_wait3A_709] : memref<48x80xi32, #tpu.memory_space<vmem>> -> memref<1x80xi32, #tpu.memory_space<vmem>>
      %dma_wait3A_711 = tpu.memref_squeeze %dma_wait3A_710 : memref<1x80xi32, #tpu.memory_space<vmem>> -> memref<80xi32, #tpu.memory_space<vmem>>
      %dma_wait3A_712 = arith.constant 0 : i32
      %dma_wait3A_713 = arith.constant 0 : i32
      %dma_wait3A_714 = tpu.memref_slice %arg2[%dma_wait3A_712, %dma_wait3A_713] : memref<10000x128xf32, #tpu.memory_space<hbm>> -> memref<10000x128xf32, #tpu.memory_space<hbm>>
      tpu.wait_indirect_dma semaphore(%arg13 : memref<!tpu.dma_semaphore, #tpu.memory_space<semaphore_mem>>) src(%dma_wait3A_714 : memref<10000x128xf32, #tpu.memory_space<hbm>>) dst(%arg9 : memref<80x128xf32, #tpu.memory_space<vmem>>)
      %dma_start3A_715 = arith.constant 0 : i32
      %dma_start3A_716 = tpu.memref_slice %arg8[%add3A_708, %dma_start3A_715] : memref<48x80xi32, #tpu.memory_space<vmem>> -> memref<1x80xi32, #tpu.memory_space<vmem>>
      %dma_start3A_717 = tpu.memref_squeeze %dma_start3A_716 : memref<1x80xi32, #tpu.memory_space<vmem>> -> memref<80xi32, #tpu.memory_space<vmem>>
      %dma_start3A_718 = arith.constant 0 : i32
      %dma_start3A_719 = arith.constant 0 : i32
      %dma_start3A_720 = tpu.memref_slice %arg12[%dma_start3A_718, %dma_start3A_719] : memref<10240x128xf32, #tpu.memory_space<vmem_shared>> -> memref<10240x128xf32, #tpu.memory_space<vmem_shared>>
      tpu.enqueue_indirect_dma source(%arg9 : memref<80x128xf32, #tpu.memory_space<vmem>>) target(%dma_start3A_720 : memref<10240x128xf32, #tpu.memory_space<vmem_shared>>) offsets(%dma_start3A_717 : memref<80xi32, #tpu.memory_space<vmem>>) semaphore(%arg16 : memref<!tpu.dma_semaphore, #tpu.memory_space<semaphore_mem>>) {add = true}
      %add3A_721 = arith.constant 1 : i32
      %add3A_722 = arith.addi %mul3A_706, %add3A_721 : i32
      %dma_wait3A_723 = arith.constant 0 : i32
      %dma_wait3A_724 = tpu.memref_slice %arg7[%add3A_722, %dma_wait3A_723] : memref<48x80xi32, #tpu.memory_space<vmem>> -> memref<1x80xi32, #tpu.memory_space<vmem>>
      %dma_wait3A_725 = tpu.memref_squeeze %dma_wait3A_724 : memref<1x80xi32, #tpu.memory_space<vmem>> -> memref<80xi32, #tpu.memory_space<vmem>>
      %dma_wait3A_726 = arith.constant 0 : i32
      %dma_wait3A_727 = arith.constant 0 : i32
      %dma_wait3A_728 = tpu.memref_slice %arg2[%dma_wait3A_726, %dma_wait3A_727] : memref<10000x128xf32, #tpu.memory_space<hbm>> -> memref<10000x128xf32, #tpu.memory_space<hbm>>
      tpu.wait_indirect_dma semaphore(%arg14 : memref<!tpu.dma_semaphore, #tpu.memory_space<semaphore_mem>>) src(%dma_wait3A_728 : memref<10000x128xf32, #tpu.memory_space<hbm>>) dst(%arg10 : memref<80x128xf32, #tpu.memory_space<vmem>>)
      %dma_start3A_729 = arith.constant 0 : i32
      %dma_start3A_730 = tpu.memref_slice %arg8[%add3A_722, %dma_start3A_729] : memref<48x80xi32, #tpu.memory_space<vmem>> -> memref<1x80xi32, #tpu.memory_space<vmem>>
      %dma_start3A_731 = tpu.memref_squeeze %dma_start3A_730 : memref<1x80xi32, #tpu.memory_space<vmem>> -> memref<80xi32, #tpu.memory_space<vmem>>
      %dma_start3A_732 = arith.constant 0 : i32
      %dma_start3A_733 = arith.constant 0 : i32
      %dma_start3A_734 = tpu.memref_slice %arg12[%dma_start3A_732, %dma_start3A_733] : memref<10240x128xf32, #tpu.memory_space<vmem_shared>> -> memref<10240x128xf32, #tpu.memory_space<vmem_shared>>
      tpu.enqueue_indirect_dma source(%arg10 : memref<80x128xf32, #tpu.memory_space<vmem>>) target(%dma_start3A_734 : memref<10240x128xf32, #tpu.memory_space<vmem_shared>>) offsets(%dma_start3A_731 : memref<80xi32, #tpu.memory_space<vmem>>) semaphore(%arg17 : memref<!tpu.dma_semaphore, #tpu.memory_space<semaphore_mem>>) {add = true}
      %add3A_735 = arith.constant 2 : i32
      %add3A_736 = arith.addi %mul3A_706, %add3A_735 : i32
      %dma_wait3A_737 = arith.constant 0 : i32
      %dma_wait3A_738 = tpu.memref_slice %arg7[%add3A_736, %dma_wait3A_737] : memref<48x80xi32, #tpu.memory_space<vmem>> -> memref<1x80xi32, #tpu.memory_space<vmem>>
      %dma_wait3A_739 = tpu.memref_squeeze %dma_wait3A_738 : memref<1x80xi32, #tpu.memory_space<vmem>> -> memref<80xi32, #tpu.memory_space<vmem>>
      %dma_wait3A_740 = arith.constant 0 : i32
      %dma_wait3A_741 = arith.constant 0 : i32
      %dma_wait3A_742 = tpu.memref_slice %arg2[%dma_wait3A_740, %dma_wait3A_741] : memref<10000x128xf32, #tpu.memory_space<hbm>> -> memref<10000x128xf32, #tpu.memory_space<hbm>>
      tpu.wait_indirect_dma semaphore(%arg15 : memref<!tpu.dma_semaphore, #tpu.memory_space<semaphore_mem>>) src(%dma_wait3A_742 : memref<10000x128xf32, #tpu.memory_space<hbm>>) dst(%arg11 : memref<80x128xf32, #tpu.memory_space<vmem>>)
      %dma_start3A_743 = arith.constant 0 : i32
      %dma_start3A_744 = tpu.memref_slice %arg8[%add3A_736, %dma_start3A_743] : memref<48x80xi32, #tpu.memory_space<vmem>> -> memref<1x80xi32, #tpu.memory_space<vmem>>
      %dma_start3A_745 = tpu.memref_squeeze %dma_start3A_744 : memref<1x80xi32, #tpu.memory_space<vmem>> -> memref<80xi32, #tpu.memory_space<vmem>>
      %dma_start3A_746 = arith.constant 0 : i32
      %dma_start3A_747 = arith.constant 0 : i32
      %dma_start3A_748 = tpu.memref_slice %arg12[%dma_start3A_746, %dma_start3A_747] : memref<10240x128xf32, #tpu.memory_space<vmem_shared>> -> memref<10240x128xf32, #tpu.memory_space<vmem_shared>>
      tpu.enqueue_indirect_dma source(%arg11 : memref<80x128xf32, #tpu.memory_space<vmem>>) target(%dma_start3A_748 : memref<10240x128xf32, #tpu.memory_space<vmem_shared>>) offsets(%dma_start3A_745 : memref<80xi32, #tpu.memory_space<vmem>>) semaphore(%arg18 : memref<!tpu.dma_semaphore, #tpu.memory_space<semaphore_mem>>) {add = true}
      %add3A_749 = arith.constant 0 : i32
      %add3A_750 = arith.addi %mul3A_706, %add3A_749 : i32
      %dma_wait3A_751 = arith.constant 0 : i32
      %dma_wait3A_752 = tpu.memref_slice %arg8[%add3A_750, %dma_wait3A_751] : memref<48x80xi32, #tpu.memory_space<vmem>> -> memref<1x80xi32, #tpu.memory_space<vmem>>
      %dma_wait3A_753 = tpu.memref_squeeze %dma_wait3A_752 : memref<1x80xi32, #tpu.memory_space<vmem>> -> memref<80xi32, #tpu.memory_space<vmem>>
      %dma_wait3A_754 = arith.constant 0 : i32
      %dma_wait3A_755 = arith.constant 0 : i32
      %dma_wait3A_756 = tpu.memref_slice %arg12[%dma_wait3A_754, %dma_wait3A_755] : memref<10240x128xf32, #tpu.memory_space<vmem_shared>> -> memref<10240x128xf32, #tpu.memory_space<vmem_shared>>
      tpu.wait_indirect_dma semaphore(%arg16 : memref<!tpu.dma_semaphore, #tpu.memory_space<semaphore_mem>>) src(%arg9 : memref<80x128xf32, #tpu.memory_space<vmem>>) dst(%dma_wait3A_756 : memref<10240x128xf32, #tpu.memory_space<vmem_shared>>)
      %add3A_757 = arith.constant 3 : i32
      %add3A_758 = arith.addi %add3A_750, %add3A_757 : i32
      %dma_start3A_759 = arith.constant 0 : i32
      %dma_start3A_760 = tpu.memref_slice %arg7[%add3A_758, %dma_start3A_759] : memref<48x80xi32, #tpu.memory_space<vmem>> -> memref<1x80xi32, #tpu.memory_space<vmem>>
      %dma_start3A_761 = tpu.memref_squeeze %dma_start3A_760 : memref<1x80xi32, #tpu.memory_space<vmem>> -> memref<80xi32, #tpu.memory_space<vmem>>
      %dma_start3A_762 = arith.constant 0 : i32
      %dma_start3A_763 = arith.constant 0 : i32
      %dma_start3A_764 = tpu.memref_slice %arg2[%dma_start3A_762, %dma_start3A_763] : memref<10000x128xf32, #tpu.memory_space<hbm>> -> memref<10000x128xf32, #tpu.memory_space<hbm>>
      tpu.enqueue_indirect_dma source(%dma_start3A_764 : memref<10000x128xf32, #tpu.memory_space<hbm>>) target(%arg9 : memref<80x128xf32, #tpu.memory_space<vmem>>) offsets(%dma_start3A_761 : memref<80xi32, #tpu.memory_space<vmem>>) semaphore(%arg13 : memref<!tpu.dma_semaphore, #tpu.memory_space<semaphore_mem>>)
      %add3A_765 = arith.constant 1 : i32
      %add3A_766 = arith.addi %mul3A_706, %add3A_765 : i32
      %dma_wait3A_767 = arith.constant 0 : i32
      %dma_wait3A_768 = tpu.memref_slice %arg8[%add3A_766, %dma_wait3A_767] : memref<48x80xi32, #tpu.memory_space<vmem>> -> memref<1x80xi32, #tpu.memory_space<vmem>>
      %dma_wait3A_769 = tpu.memref_squeeze %dma_wait3A_768 : memref<1x80xi32, #tpu.memory_space<vmem>> -> memref<80xi32, #tpu.memory_space<vmem>>
      %dma_wait3A_770 = arith.constant 0 : i32
      %dma_wait3A_771 = arith.constant 0 : i32
      %dma_wait3A_772 = tpu.memref_slice %arg12[%dma_wait3A_770, %dma_wait3A_771] : memref<10240x128xf32, #tpu.memory_space<vmem_shared>> -> memref<10240x128xf32, #tpu.memory_space<vmem_shared>>
      tpu.wait_indirect_dma semaphore(%arg17 : memref<!tpu.dma_semaphore, #tpu.memory_space<semaphore_mem>>) src(%arg10 : memref<80x128xf32, #tpu.memory_space<vmem>>) dst(%dma_wait3A_772 : memref<10240x128xf32, #tpu.memory_space<vmem_shared>>)
      %add3A_773 = arith.constant 3 : i32
      %add3A_774 = arith.addi %add3A_766, %add3A_773 : i32
      %dma_start3A_775 = arith.constant 0 : i32
      %dma_start3A_776 = tpu.memref_slice %arg7[%add3A_774, %dma_start3A_775] : memref<48x80xi32, #tpu.memory_space<vmem>> -> memref<1x80xi32, #tpu.memory_space<vmem>>
      %dma_start3A_777 = tpu.memref_squeeze %dma_start3A_776 : memref<1x80xi32, #tpu.memory_space<vmem>> -> memref<80xi32, #tpu.memory_space<vmem>>
      %dma_start3A_778 = arith.constant 0 : i32
      %dma_start3A_779 = arith.constant 0 : i32
      %dma_start3A_780 = tpu.memref_slice %arg2[%dma_start3A_778, %dma_start3A_779] : memref<10000x128xf32, #tpu.memory_space<hbm>> -> memref<10000x128xf32, #tpu.memory_space<hbm>>
      tpu.enqueue_indirect_dma source(%dma_start3A_780 : memref<10000x128xf32, #tpu.memory_space<hbm>>) target(%arg10 : memref<80x128xf32, #tpu.memory_space<vmem>>) offsets(%dma_start3A_777 : memref<80xi32, #tpu.memory_space<vmem>>) semaphore(%arg14 : memref<!tpu.dma_semaphore, #tpu.memory_space<semaphore_mem>>)
      %add3A_781 = arith.constant 2 : i32
      %add3A_782 = arith.addi %mul3A_706, %add3A_781 : i32
      %dma_wait3A_783 = arith.constant 0 : i32
      %dma_wait3A_784 = tpu.memref_slice %arg8[%add3A_782, %dma_wait3A_783] : memref<48x80xi32, #tpu.memory_space<vmem>> -> memref<1x80xi32, #tpu.memory_space<vmem>>
      %dma_wait3A_785 = tpu.memref_squeeze %dma_wait3A_784 : memref<1x80xi32, #tpu.memory_space<vmem>> -> memref<80xi32, #tpu.memory_space<vmem>>
      %dma_wait3A_786 = arith.constant 0 : i32
      %dma_wait3A_787 = arith.constant 0 : i32
      %dma_wait3A_788 = tpu.memref_slice %arg12[%dma_wait3A_786, %dma_wait3A_787] : memref<10240x128xf32, #tpu.memory_space<vmem_shared>> -> memref<10240x128xf32, #tpu.memory_space<vmem_shared>>
      tpu.wait_indirect_dma semaphore(%arg18 : memref<!tpu.dma_semaphore, #tpu.memory_space<semaphore_mem>>) src(%arg11 : memref<80x128xf32, #tpu.memory_space<vmem>>) dst(%dma_wait3A_788 : memref<10240x128xf32, #tpu.memory_space<vmem_shared>>)
      %add3A_789 = arith.constant 3 : i32
      %add3A_790 = arith.addi %add3A_782, %add3A_789 : i32
      %dma_start3A_791 = arith.constant 0 : i32
      %dma_start3A_792 = tpu.memref_slice %arg7[%add3A_790, %dma_start3A_791] : memref<48x80xi32, #tpu.memory_space<vmem>> -> memref<1x80xi32, #tpu.memory_space<vmem>>
      %dma_start3A_793 = tpu.memref_squeeze %dma_start3A_792 : memref<1x80xi32, #tpu.memory_space<vmem>> -> memref<80xi32, #tpu.memory_space<vmem>>
      %dma_start3A_794 = arith.constant 0 : i32
      %dma_start3A_795 = arith.constant 0 : i32
      %dma_start3A_796 = tpu.memref_slice %arg2[%dma_start3A_794, %dma_start3A_795] : memref<10000x128xf32, #tpu.memory_space<hbm>> -> memref<10000x128xf32, #tpu.memory_space<hbm>>
      tpu.enqueue_indirect_dma source(%dma_start3A_796 : memref<10000x128xf32, #tpu.memory_space<hbm>>) target(%arg11 : memref<80x128xf32, #tpu.memory_space<vmem>>) offsets(%dma_start3A_793 : memref<80xi32, #tpu.memory_space<vmem>>) semaphore(%arg15 : memref<!tpu.dma_semaphore, #tpu.memory_space<semaphore_mem>>)
    }
    %scan3A_184 = arith.constant 15 : i32
    %dma_wait3A_185 = arith.constant 45 : i32
    %dma_wait3A_186 = arith.constant 0 : i32
    %dma_wait3A_187 = tpu.memref_slice %arg7[%dma_wait3A_185, %dma_wait3A_186] : memref<48x80xi32, #tpu.memory_space<vmem>> -> memref<1x80xi32, #tpu.memory_space<vmem>>
    %dma_wait3A_188 = tpu.memref_squeeze %dma_wait3A_187 : memref<1x80xi32, #tpu.memory_space<vmem>> -> memref<80xi32, #tpu.memory_space<vmem>>
    %dma_wait3A_189 = arith.constant 0 : i32
    %dma_wait3A_190 = arith.constant 0 : i32
    %dma_wait3A_191 = tpu.memref_slice %arg2[%dma_wait3A_189, %dma_wait3A_190] : memref<10000x128xf32, #tpu.memory_space<hbm>> -> memref<10000x128xf32, #tpu.memory_space<hbm>>
    tpu.wait_indirect_dma semaphore(%arg13 : memref<!tpu.dma_semaphore, #tpu.memory_space<semaphore_mem>>) src(%dma_wait3A_191 : memref<10000x128xf32, #tpu.memory_space<hbm>>) dst(%arg9 : memref<80x128xf32, #tpu.memory_space<vmem>>)
    %dma_start3A_192 = arith.constant 45 : i32
    %dma_start3A_193 = arith.constant 0 : i32
    %dma_start3A_194 = tpu.memref_slice %arg8[%dma_start3A_192, %dma_start3A_193] : memref<48x80xi32, #tpu.memory_space<vmem>> -> memref<1x80xi32, #tpu.memory_space<vmem>>
    %dma_start3A_195 = tpu.memref_squeeze %dma_start3A_194 : memref<1x80xi32, #tpu.memory_space<vmem>> -> memref<80xi32, #tpu.memory_space<vmem>>
    %dma_start3A_196 = arith.constant 0 : i32
    %dma_start3A_197 = arith.constant 0 : i32
    %dma_start3A_198 = tpu.memref_slice %arg12[%dma_start3A_196, %dma_start3A_197] : memref<10240x128xf32, #tpu.memory_space<vmem_shared>> -> memref<10240x128xf32, #tpu.memory_space<vmem_shared>>
    tpu.enqueue_indirect_dma source(%arg9 : memref<80x128xf32, #tpu.memory_space<vmem>>) target(%dma_start3A_198 : memref<10240x128xf32, #tpu.memory_space<vmem_shared>>) offsets(%dma_start3A_195 : memref<80xi32, #tpu.memory_space<vmem>>) semaphore(%arg16 : memref<!tpu.dma_semaphore, #tpu.memory_space<semaphore_mem>>) {add = true}
    %dma_wait3A_199 = arith.constant 46 : i32
    %dma_wait3A_200 = arith.constant 0 : i32
    %dma_wait3A_201 = tpu.memref_slice %arg7[%dma_wait3A_199, %dma_wait3A_200] : memref<48x80xi32, #tpu.memory_space<vmem>> -> memref<1x80xi32, #tpu.memory_space<vmem>>
    %dma_wait3A_202 = tpu.memref_squeeze %dma_wait3A_201 : memref<1x80xi32, #tpu.memory_space<vmem>> -> memref<80xi32, #tpu.memory_space<vmem>>
    %dma_wait3A_203 = arith.constant 0 : i32
    %dma_wait3A_204 = arith.constant 0 : i32
    %dma_wait3A_205 = tpu.memref_slice %arg2[%dma_wait3A_203, %dma_wait3A_204] : memref<10000x128xf32, #tpu.memory_space<hbm>> -> memref<10000x128xf32, #tpu.memory_space<hbm>>
    tpu.wait_indirect_dma semaphore(%arg14 : memref<!tpu.dma_semaphore, #tpu.memory_space<semaphore_mem>>) src(%dma_wait3A_205 : memref<10000x128xf32, #tpu.memory_space<hbm>>) dst(%arg10 : memref<80x128xf32, #tpu.memory_space<vmem>>)
    %dma_start3A_206 = arith.constant 46 : i32
    %dma_start3A_207 = arith.constant 0 : i32
    %dma_start3A_208 = tpu.memref_slice %arg8[%dma_start3A_206, %dma_start3A_207] : memref<48x80xi32, #tpu.memory_space<vmem>> -> memref<1x80xi32, #tpu.memory_space<vmem>>
    %dma_start3A_209 = tpu.memref_squeeze %dma_start3A_208 : memref<1x80xi32, #tpu.memory_space<vmem>> -> memref<80xi32, #tpu.memory_space<vmem>>
    %dma_start3A_210 = arith.constant 0 : i32
    %dma_start3A_211 = arith.constant 0 : i32
    %dma_start3A_212 = tpu.memref_slice %arg12[%dma_start3A_210, %dma_start3A_211] : memref<10240x128xf32, #tpu.memory_space<vmem_shared>> -> memref<10240x128xf32, #tpu.memory_space<vmem_shared>>
    tpu.enqueue_indirect_dma source(%arg10 : memref<80x128xf32, #tpu.memory_space<vmem>>) target(%dma_start3A_212 : memref<10240x128xf32, #tpu.memory_space<vmem_shared>>) offsets(%dma_start3A_209 : memref<80xi32, #tpu.memory_space<vmem>>) semaphore(%arg17 : memref<!tpu.dma_semaphore, #tpu.memory_space<semaphore_mem>>) {add = true}
    %dma_wait3A_213 = arith.constant 47 : i32
    %dma_wait3A_214 = arith.constant 0 : i32
    %dma_wait3A_215 = tpu.memref_slice %arg7[%dma_wait3A_213, %dma_wait3A_214] : memref<48x80xi32, #tpu.memory_space<vmem>> -> memref<1x80xi32, #tpu.memory_space<vmem>>
    %dma_wait3A_216 = tpu.memref_squeeze %dma_wait3A_215 : memref<1x80xi32, #tpu.memory_space<vmem>> -> memref<80xi32, #tpu.memory_space<vmem>>
    %dma_wait3A_217 = arith.constant 0 : i32
    %dma_wait3A_218 = arith.constant 0 : i32
    %dma_wait3A_219 = tpu.memref_slice %arg2[%dma_wait3A_217, %dma_wait3A_218] : memref<10000x128xf32, #tpu.memory_space<hbm>> -> memref<10000x128xf32, #tpu.memory_space<hbm>>
    tpu.wait_indirect_dma semaphore(%arg15 : memref<!tpu.dma_semaphore, #tpu.memory_space<semaphore_mem>>) src(%dma_wait3A_219 : memref<10000x128xf32, #tpu.memory_space<hbm>>) dst(%arg11 : memref<80x128xf32, #tpu.memory_space<vmem>>)
    %dma_start3A_220 = arith.constant 47 : i32
    %dma_start3A_221 = arith.constant 0 : i32
    %dma_start3A_222 = tpu.memref_slice %arg8[%dma_start3A_220, %dma_start3A_221] : memref<48x80xi32, #tpu.memory_space<vmem>> -> memref<1x80xi32, #tpu.memory_space<vmem>>
    %dma_start3A_223 = tpu.memref_squeeze %dma_start3A_222 : memref<1x80xi32, #tpu.memory_space<vmem>> -> memref<80xi32, #tpu.memory_space<vmem>>
    %dma_start3A_224 = arith.constant 0 : i32
    %dma_start3A_225 = arith.constant 0 : i32
    %dma_start3A_226 = tpu.memref_slice %arg12[%dma_start3A_224, %dma_start3A_225] : memref<10240x128xf32, #tpu.memory_space<vmem_shared>> -> memref<10240x128xf32, #tpu.memory_space<vmem_shared>>
    tpu.enqueue_indirect_dma source(%arg11 : memref<80x128xf32, #tpu.memory_space<vmem>>) target(%dma_start3A_226 : memref<10240x128xf32, #tpu.memory_space<vmem_shared>>) offsets(%dma_start3A_223 : memref<80xi32, #tpu.memory_space<vmem>>) semaphore(%arg18 : memref<!tpu.dma_semaphore, #tpu.memory_space<semaphore_mem>>) {add = true}
    %dma_wait3A_227 = arith.constant 45 : i32
    %dma_wait3A_228 = arith.constant 0 : i32
    %dma_wait3A_229 = tpu.memref_slice %arg8[%dma_wait3A_227, %dma_wait3A_228] : memref<48x80xi32, #tpu.memory_space<vmem>> -> memref<1x80xi32, #tpu.memory_space<vmem>>
    %dma_wait3A_230 = tpu.memref_squeeze %dma_wait3A_229 : memref<1x80xi32, #tpu.memory_space<vmem>> -> memref<80xi32, #tpu.memory_space<vmem>>
    %dma_wait3A_231 = arith.constant 0 : i32
    %dma_wait3A_232 = arith.constant 0 : i32
    %dma_wait3A_233 = tpu.memref_slice %arg12[%dma_wait3A_231, %dma_wait3A_232] : memref<10240x128xf32, #tpu.memory_space<vmem_shared>> -> memref<10240x128xf32, #tpu.memory_space<vmem_shared>>
    tpu.wait_indirect_dma semaphore(%arg16 : memref<!tpu.dma_semaphore, #tpu.memory_space<semaphore_mem>>) src(%arg9 : memref<80x128xf32, #tpu.memory_space<vmem>>) dst(%dma_wait3A_233 : memref<10240x128xf32, #tpu.memory_space<vmem_shared>>)
    %dma_wait3A_234 = arith.constant 46 : i32
    %dma_wait3A_235 = arith.constant 0 : i32
    %dma_wait3A_236 = tpu.memref_slice %arg8[%dma_wait3A_234, %dma_wait3A_235] : memref<48x80xi32, #tpu.memory_space<vmem>> -> memref<1x80xi32, #tpu.memory_space<vmem>>
    %dma_wait3A_237 = tpu.memref_squeeze %dma_wait3A_236 : memref<1x80xi32, #tpu.memory_space<vmem>> -> memref<80xi32, #tpu.memory_space<vmem>>
    %dma_wait3A_238 = arith.constant 0 : i32
    %dma_wait3A_239 = arith.constant 0 : i32
    %dma_wait3A_240 = tpu.memref_slice %arg12[%dma_wait3A_238, %dma_wait3A_239] : memref<10240x128xf32, #tpu.memory_space<vmem_shared>> -> memref<10240x128xf32, #tpu.memory_space<vmem_shared>>
    tpu.wait_indirect_dma semaphore(%arg17 : memref<!tpu.dma_semaphore, #tpu.memory_space<semaphore_mem>>) src(%arg10 : memref<80x128xf32, #tpu.memory_space<vmem>>) dst(%dma_wait3A_240 : memref<10240x128xf32, #tpu.memory_space<vmem_shared>>)
    %dma_wait3A_241 = arith.constant 47 : i32
    %dma_wait3A_242 = arith.constant 0 : i32
    %dma_wait3A_243 = tpu.memref_slice %arg8[%dma_wait3A_241, %dma_wait3A_242] : memref<48x80xi32, #tpu.memory_space<vmem>> -> memref<1x80xi32, #tpu.memory_space<vmem>>
    %dma_wait3A_244 = tpu.memref_squeeze %dma_wait3A_243 : memref<1x80xi32, #tpu.memory_space<vmem>> -> memref<80xi32, #tpu.memory_space<vmem>>
    %dma_wait3A_245 = arith.constant 0 : i32
    %dma_wait3A_246 = arith.constant 0 : i32
    %dma_wait3A_247 = tpu.memref_slice %arg12[%dma_wait3A_245, %dma_wait3A_246] : memref<10240x128xf32, #tpu.memory_space<vmem_shared>> -> memref<10240x128xf32, #tpu.memory_space<vmem_shared>>
    tpu.wait_indirect_dma semaphore(%arg18 : memref<!tpu.dma_semaphore, #tpu.memory_space<semaphore_mem>>) src(%arg11 : memref<80x128xf32, #tpu.memory_space<vmem>>) dst(%dma_wait3A_247 : memref<10240x128xf32, #tpu.memory_space<vmem_shared>>)
    "tpu.region"() ({
      %run_scoped3A = tpu.sem_alloc : memref<!tpu.dma_semaphore, #tpu.memory_space<semaphore_mem>>
      %dma_start3A_704 = arith.constant 0 : i32
      %dma_start3A_705 = arith.constant 0 : i32
      %dma_start3A_706 = tpu.memref_slice %arg7[%dma_start3A_704, %dma_start3A_705] : memref<48x80xi32, #tpu.memory_space<vmem>> -> memref<48x80xi32, #tpu.memory_space<vmem>>
      %dma_start3A_707 = arith.constant 48 : i32
      %dma_start3A_708 = arith.constant 0 : i32
      %dma_start3A_709 = tpu.memref_slice %arg3[%add3A, %dma_start3A_707, %dma_start3A_708] : memref<32x125x80xi32, #tpu.memory_space<hbm>> -> memref<1x48x80xi32, #tpu.memory_space<hbm>>
      %dma_start3A_710 = tpu.memref_squeeze %dma_start3A_709 : memref<1x48x80xi32, #tpu.memory_space<hbm>> -> memref<48x80xi32, #tpu.memory_space<hbm>>
      %dma_start3A_711 = arith.constant 0 : i32
      %dma_start3A_712 = arith.constant 0 : i32
      %dma_start3A_713 = tpu.memref_slice %arg7[%dma_start3A_711, %dma_start3A_712] : memref<48x80xi32, #tpu.memory_space<vmem>> -> memref<48x80xi32, #tpu.memory_space<vmem>>
      %dma_start3A_714 = arith.constant 48 : i32
      %dma_start3A_715 = arith.constant 0 : i32
      %dma_start3A_716 = tpu.memref_slice %arg3[%add3A, %dma_start3A_714, %dma_start3A_715] : memref<32x125x80xi32, #tpu.memory_space<hbm>> -> memref<1x48x80xi32, #tpu.memory_space<hbm>>
      %dma_start3A_717 = tpu.memref_squeeze %dma_start3A_716 : memref<1x48x80xi32, #tpu.memory_space<hbm>> -> memref<48x80xi32, #tpu.memory_space<hbm>>
      tpu.enqueue_dma source(%dma_start3A_717 : memref<48x80xi32, #tpu.memory_space<hbm>>) target(%dma_start3A_713 : memref<48x80xi32, #tpu.memory_space<vmem>>) target_semaphore(%run_scoped3A : memref<!tpu.dma_semaphore, #tpu.memory_space<semaphore_mem>>)
      %dma_wait3A_718 = arith.constant 0 : i32
      %dma_wait3A_719 = arith.constant 0 : i32
      %dma_wait3A_720 = tpu.memref_slice %arg7[%dma_wait3A_718, %dma_wait3A_719] : memref<48x80xi32, #tpu.memory_space<vmem>> -> memref<48x80xi32, #tpu.memory_space<vmem>>
      %dma_wait3A_721 = arith.constant 48 : i32
      %dma_wait3A_722 = arith.constant 0 : i32
      %dma_wait3A_723 = tpu.memref_slice %arg3[%add3A, %dma_wait3A_721, %dma_wait3A_722] : memref<32x125x80xi32, #tpu.memory_space<hbm>> -> memref<1x48x80xi32, #tpu.memory_space<hbm>>
      %dma_wait3A_724 = tpu.memref_squeeze %dma_wait3A_723 : memref<1x48x80xi32, #tpu.memory_space<hbm>> -> memref<48x80xi32, #tpu.memory_space<hbm>>
      %dma_wait3A_725 = arith.constant 0 : i32
      %dma_wait3A_726 = arith.constant 0 : i32
      %dma_wait3A_727 = tpu.memref_slice %arg7[%dma_wait3A_725, %dma_wait3A_726] : memref<48x80xi32, #tpu.memory_space<vmem>> -> memref<48x80xi32, #tpu.memory_space<vmem>>
      %dma_wait3A_728 = arith.constant 48 : i32
      %dma_wait3A_729 = arith.constant 0 : i32
      %dma_wait3A_730 = tpu.memref_slice %arg3[%add3A, %dma_wait3A_728, %dma_wait3A_729] : memref<32x125x80xi32, #tpu.memory_space<hbm>> -> memref<1x48x80xi32, #tpu.memory_space<hbm>>
      %dma_wait3A_731 = tpu.memref_squeeze %dma_wait3A_730 : memref<1x48x80xi32, #tpu.memory_space<hbm>> -> memref<48x80xi32, #tpu.memory_space<hbm>>
      tpu.wait_dma2 semaphore(%run_scoped3A : memref<!tpu.dma_semaphore, #tpu.memory_space<semaphore_mem>>) src(%dma_wait3A_731 : memref<48x80xi32, #tpu.memory_space<hbm>>) dst(%dma_wait3A_727 : memref<48x80xi32, #tpu.memory_space<vmem>>)
      tpu.yield
    }) : () -> ()
    "tpu.region"() ({
      %run_scoped3A = tpu.sem_alloc : memref<!tpu.dma_semaphore, #tpu.memory_space<semaphore_mem>>
      %dma_start3A_704 = arith.constant 0 : i32
      %dma_start3A_705 = arith.constant 0 : i32
      %dma_start3A_706 = tpu.memref_slice %arg8[%dma_start3A_704, %dma_start3A_705] : memref<48x80xi32, #tpu.memory_space<vmem>> -> memref<48x80xi32, #tpu.memory_space<vmem>>
      %dma_start3A_707 = arith.constant 48 : i32
      %dma_start3A_708 = arith.constant 0 : i32
      %dma_start3A_709 = tpu.memref_slice %arg4[%add3A, %dma_start3A_707, %dma_start3A_708] : memref<32x125x80xi32, #tpu.memory_space<hbm>> -> memref<1x48x80xi32, #tpu.memory_space<hbm>>
      %dma_start3A_710 = tpu.memref_squeeze %dma_start3A_709 : memref<1x48x80xi32, #tpu.memory_space<hbm>> -> memref<48x80xi32, #tpu.memory_space<hbm>>
      %dma_start3A_711 = arith.constant 0 : i32
      %dma_start3A_712 = arith.constant 0 : i32
      %dma_start3A_713 = tpu.memref_slice %arg8[%dma_start3A_711, %dma_start3A_712] : memref<48x80xi32, #tpu.memory_space<vmem>> -> memref<48x80xi32, #tpu.memory_space<vmem>>
      %dma_start3A_714 = arith.constant 48 : i32
      %dma_start3A_715 = arith.constant 0 : i32
      %dma_start3A_716 = tpu.memref_slice %arg4[%add3A, %dma_start3A_714, %dma_start3A_715] : memref<32x125x80xi32, #tpu.memory_space<hbm>> -> memref<1x48x80xi32, #tpu.memory_space<hbm>>
      %dma_start3A_717 = tpu.memref_squeeze %dma_start3A_716 : memref<1x48x80xi32, #tpu.memory_space<hbm>> -> memref<48x80xi32, #tpu.memory_space<hbm>>
      tpu.enqueue_dma source(%dma_start3A_717 : memref<48x80xi32, #tpu.memory_space<hbm>>) target(%dma_start3A_713 : memref<48x80xi32, #tpu.memory_space<vmem>>) target_semaphore(%run_scoped3A : memref<!tpu.dma_semaphore, #tpu.memory_space<semaphore_mem>>)
      %dma_wait3A_718 = arith.constant 0 : i32
      %dma_wait3A_719 = arith.constant 0 : i32
      %dma_wait3A_720 = tpu.memref_slice %arg8[%dma_wait3A_718, %dma_wait3A_719] : memref<48x80xi32, #tpu.memory_space<vmem>> -> memref<48x80xi32, #tpu.memory_space<vmem>>
      %dma_wait3A_721 = arith.constant 48 : i32
      %dma_wait3A_722 = arith.constant 0 : i32
      %dma_wait3A_723 = tpu.memref_slice %arg4[%add3A, %dma_wait3A_721, %dma_wait3A_722] : memref<32x125x80xi32, #tpu.memory_space<hbm>> -> memref<1x48x80xi32, #tpu.memory_space<hbm>>
      %dma_wait3A_724 = tpu.memref_squeeze %dma_wait3A_723 : memref<1x48x80xi32, #tpu.memory_space<hbm>> -> memref<48x80xi32, #tpu.memory_space<hbm>>
      %dma_wait3A_725 = arith.constant 0 : i32
      %dma_wait3A_726 = arith.constant 0 : i32
      %dma_wait3A_727 = tpu.memref_slice %arg8[%dma_wait3A_725, %dma_wait3A_726] : memref<48x80xi32, #tpu.memory_space<vmem>> -> memref<48x80xi32, #tpu.memory_space<vmem>>
      %dma_wait3A_728 = arith.constant 48 : i32
      %dma_wait3A_729 = arith.constant 0 : i32
      %dma_wait3A_730 = tpu.memref_slice %arg4[%add3A, %dma_wait3A_728, %dma_wait3A_729] : memref<32x125x80xi32, #tpu.memory_space<hbm>> -> memref<1x48x80xi32, #tpu.memory_space<hbm>>
      %dma_wait3A_731 = tpu.memref_squeeze %dma_wait3A_730 : memref<1x48x80xi32, #tpu.memory_space<hbm>> -> memref<48x80xi32, #tpu.memory_space<hbm>>
      tpu.wait_dma2 semaphore(%run_scoped3A : memref<!tpu.dma_semaphore, #tpu.memory_space<semaphore_mem>>) src(%dma_wait3A_731 : memref<48x80xi32, #tpu.memory_space<hbm>>) dst(%dma_wait3A_727 : memref<48x80xi32, #tpu.memory_space<vmem>>)
      tpu.yield
    }) : () -> ()
    %dma_start3A_248 = arith.constant 0 : i32
    %dma_start3A_249 = arith.constant 0 : i32
    %dma_start3A_250 = tpu.memref_slice %arg7[%dma_start3A_248, %dma_start3A_249] : memref<48x80xi32, #tpu.memory_space<vmem>> -> memref<1x80xi32, #tpu.memory_space<vmem>>
    %dma_start3A_251 = tpu.memref_squeeze %dma_start3A_250 : memref<1x80xi32, #tpu.memory_space<vmem>> -> memref<80xi32, #tpu.memory_space<vmem>>
    %dma_start3A_252 = arith.constant 0 : i32
    %dma_start3A_253 = arith.constant 0 : i32
    %dma_start3A_254 = tpu.memref_slice %arg2[%dma_start3A_252, %dma_start3A_253] : memref<10000x128xf32, #tpu.memory_space<hbm>> -> memref<10000x128xf32, #tpu.memory_space<hbm>>
    tpu.enqueue_indirect_dma source(%dma_start3A_254 : memref<10000x128xf32, #tpu.memory_space<hbm>>) target(%arg9 : memref<80x128xf32, #tpu.memory_space<vmem>>) offsets(%dma_start3A_251 : memref<80xi32, #tpu.memory_space<vmem>>) semaphore(%arg13 : memref<!tpu.dma_semaphore, #tpu.memory_space<semaphore_mem>>)
    %dma_start3A_255 = arith.constant 1 : i32
    %dma_start3A_256 = arith.constant 0 : i32
    %dma_start3A_257 = tpu.memref_slice %arg7[%dma_start3A_255, %dma_start3A_256] : memref<48x80xi32, #tpu.memory_space<vmem>> -> memref<1x80xi32, #tpu.memory_space<vmem>>
    %dma_start3A_258 = tpu.memref_squeeze %dma_start3A_257 : memref<1x80xi32, #tpu.memory_space<vmem>> -> memref<80xi32, #tpu.memory_space<vmem>>
    %dma_start3A_259 = arith.constant 0 : i32
    %dma_start3A_260 = arith.constant 0 : i32
    %dma_start3A_261 = tpu.memref_slice %arg2[%dma_start3A_259, %dma_start3A_260] : memref<10000x128xf32, #tpu.memory_space<hbm>> -> memref<10000x128xf32, #tpu.memory_space<hbm>>
    tpu.enqueue_indirect_dma source(%dma_start3A_261 : memref<10000x128xf32, #tpu.memory_space<hbm>>) target(%arg10 : memref<80x128xf32, #tpu.memory_space<vmem>>) offsets(%dma_start3A_258 : memref<80xi32, #tpu.memory_space<vmem>>) semaphore(%arg14 : memref<!tpu.dma_semaphore, #tpu.memory_space<semaphore_mem>>)
    %dma_start3A_262 = arith.constant 2 : i32
    %dma_start3A_263 = arith.constant 0 : i32
    %dma_start3A_264 = tpu.memref_slice %arg7[%dma_start3A_262, %dma_start3A_263] : memref<48x80xi32, #tpu.memory_space<vmem>> -> memref<1x80xi32, #tpu.memory_space<vmem>>
    %dma_start3A_265 = tpu.memref_squeeze %dma_start3A_264 : memref<1x80xi32, #tpu.memory_space<vmem>> -> memref<80xi32, #tpu.memory_space<vmem>>
    %dma_start3A_266 = arith.constant 0 : i32
    %dma_start3A_267 = arith.constant 0 : i32
    %dma_start3A_268 = tpu.memref_slice %arg2[%dma_start3A_266, %dma_start3A_267] : memref<10000x128xf32, #tpu.memory_space<hbm>> -> memref<10000x128xf32, #tpu.memory_space<hbm>>
    tpu.enqueue_indirect_dma source(%dma_start3A_268 : memref<10000x128xf32, #tpu.memory_space<hbm>>) target(%arg11 : memref<80x128xf32, #tpu.memory_space<vmem>>) offsets(%dma_start3A_265 : memref<80xi32, #tpu.memory_space<vmem>>) semaphore(%arg15 : memref<!tpu.dma_semaphore, #tpu.memory_space<semaphore_mem>>)
    %scan3A_269 = arith.constant 0 : i32
    %scan3A_270 = arith.constant 0 : i32
    %scan3A_271 = arith.constant 15 : i32
    %scan3A_272 = arith.addi %scan3A_270, %scan3A_271 : i32
    %scan3A_273 = arith.constant 1 : i32
    scf.for %scan3A_704 = %scan3A_270 to %scan3A_272 step %scan3A_273  : i32 {
      %mul3A_705 = arith.constant 3 : i32
      %mul3A_706 = arith.muli %mul3A_705, %scan3A_704 : i32
      %add3A_707 = arith.constant 0 : i32
      %add3A_708 = arith.addi %mul3A_706, %add3A_707 : i32
      %dma_wait3A_709 = arith.constant 0 : i32
      %dma_wait3A_710 = tpu.memref_slice %arg7[%add3A_708, %dma_wait3A_709] : memref<48x80xi32, #tpu.memory_space<vmem>> -> memref<1x80xi32, #tpu.memory_space<vmem>>
      %dma_wait3A_711 = tpu.memref_squeeze %dma_wait3A_710 : memref<1x80xi32, #tpu.memory_space<vmem>> -> memref<80xi32, #tpu.memory_space<vmem>>
      %dma_wait3A_712 = arith.constant 0 : i32
      %dma_wait3A_713 = arith.constant 0 : i32
      %dma_wait3A_714 = tpu.memref_slice %arg2[%dma_wait3A_712, %dma_wait3A_713] : memref<10000x128xf32, #tpu.memory_space<hbm>> -> memref<10000x128xf32, #tpu.memory_space<hbm>>
      tpu.wait_indirect_dma semaphore(%arg13 : memref<!tpu.dma_semaphore, #tpu.memory_space<semaphore_mem>>) src(%dma_wait3A_714 : memref<10000x128xf32, #tpu.memory_space<hbm>>) dst(%arg9 : memref<80x128xf32, #tpu.memory_space<vmem>>)
      %dma_start3A_715 = arith.constant 0 : i32
      %dma_start3A_716 = tpu.memref_slice %arg8[%add3A_708, %dma_start3A_715] : memref<48x80xi32, #tpu.memory_space<vmem>> -> memref<1x80xi32, #tpu.memory_space<vmem>>
      %dma_start3A_717 = tpu.memref_squeeze %dma_start3A_716 : memref<1x80xi32, #tpu.memory_space<vmem>> -> memref<80xi32, #tpu.memory_space<vmem>>
      %dma_start3A_718 = arith.constant 0 : i32
      %dma_start3A_719 = arith.constant 0 : i32
      %dma_start3A_720 = tpu.memref_slice %arg12[%dma_start3A_718, %dma_start3A_719] : memref<10240x128xf32, #tpu.memory_space<vmem_shared>> -> memref<10240x128xf32, #tpu.memory_space<vmem_shared>>
      tpu.enqueue_indirect_dma source(%arg9 : memref<80x128xf32, #tpu.memory_space<vmem>>) target(%dma_start3A_720 : memref<10240x128xf32, #tpu.memory_space<vmem_shared>>) offsets(%dma_start3A_717 : memref<80xi32, #tpu.memory_space<vmem>>) semaphore(%arg16 : memref<!tpu.dma_semaphore, #tpu.memory_space<semaphore_mem>>) {add = true}
      %add3A_721 = arith.constant 1 : i32
      %add3A_722 = arith.addi %mul3A_706, %add3A_721 : i32
      %dma_wait3A_723 = arith.constant 0 : i32
      %dma_wait3A_724 = tpu.memref_slice %arg7[%add3A_722, %dma_wait3A_723] : memref<48x80xi32, #tpu.memory_space<vmem>> -> memref<1x80xi32, #tpu.memory_space<vmem>>
      %dma_wait3A_725 = tpu.memref_squeeze %dma_wait3A_724 : memref<1x80xi32, #tpu.memory_space<vmem>> -> memref<80xi32, #tpu.memory_space<vmem>>
      %dma_wait3A_726 = arith.constant 0 : i32
      %dma_wait3A_727 = arith.constant 0 : i32
      %dma_wait3A_728 = tpu.memref_slice %arg2[%dma_wait3A_726, %dma_wait3A_727] : memref<10000x128xf32, #tpu.memory_space<hbm>> -> memref<10000x128xf32, #tpu.memory_space<hbm>>
      tpu.wait_indirect_dma semaphore(%arg14 : memref<!tpu.dma_semaphore, #tpu.memory_space<semaphore_mem>>) src(%dma_wait3A_728 : memref<10000x128xf32, #tpu.memory_space<hbm>>) dst(%arg10 : memref<80x128xf32, #tpu.memory_space<vmem>>)
      %dma_start3A_729 = arith.constant 0 : i32
      %dma_start3A_730 = tpu.memref_slice %arg8[%add3A_722, %dma_start3A_729] : memref<48x80xi32, #tpu.memory_space<vmem>> -> memref<1x80xi32, #tpu.memory_space<vmem>>
      %dma_start3A_731 = tpu.memref_squeeze %dma_start3A_730 : memref<1x80xi32, #tpu.memory_space<vmem>> -> memref<80xi32, #tpu.memory_space<vmem>>
      %dma_start3A_732 = arith.constant 0 : i32
      %dma_start3A_733 = arith.constant 0 : i32
      %dma_start3A_734 = tpu.memref_slice %arg12[%dma_start3A_732, %dma_start3A_733] : memref<10240x128xf32, #tpu.memory_space<vmem_shared>> -> memref<10240x128xf32, #tpu.memory_space<vmem_shared>>
      tpu.enqueue_indirect_dma source(%arg10 : memref<80x128xf32, #tpu.memory_space<vmem>>) target(%dma_start3A_734 : memref<10240x128xf32, #tpu.memory_space<vmem_shared>>) offsets(%dma_start3A_731 : memref<80xi32, #tpu.memory_space<vmem>>) semaphore(%arg17 : memref<!tpu.dma_semaphore, #tpu.memory_space<semaphore_mem>>) {add = true}
      %add3A_735 = arith.constant 2 : i32
      %add3A_736 = arith.addi %mul3A_706, %add3A_735 : i32
      %dma_wait3A_737 = arith.constant 0 : i32
      %dma_wait3A_738 = tpu.memref_slice %arg7[%add3A_736, %dma_wait3A_737] : memref<48x80xi32, #tpu.memory_space<vmem>> -> memref<1x80xi32, #tpu.memory_space<vmem>>
      %dma_wait3A_739 = tpu.memref_squeeze %dma_wait3A_738 : memref<1x80xi32, #tpu.memory_space<vmem>> -> memref<80xi32, #tpu.memory_space<vmem>>
      %dma_wait3A_740 = arith.constant 0 : i32
      %dma_wait3A_741 = arith.constant 0 : i32
      %dma_wait3A_742 = tpu.memref_slice %arg2[%dma_wait3A_740, %dma_wait3A_741] : memref<10000x128xf32, #tpu.memory_space<hbm>> -> memref<10000x128xf32, #tpu.memory_space<hbm>>
      tpu.wait_indirect_dma semaphore(%arg15 : memref<!tpu.dma_semaphore, #tpu.memory_space<semaphore_mem>>) src(%dma_wait3A_742 : memref<10000x128xf32, #tpu.memory_space<hbm>>) dst(%arg11 : memref<80x128xf32, #tpu.memory_space<vmem>>)
      %dma_start3A_743 = arith.constant 0 : i32
      %dma_start3A_744 = tpu.memref_slice %arg8[%add3A_736, %dma_start3A_743] : memref<48x80xi32, #tpu.memory_space<vmem>> -> memref<1x80xi32, #tpu.memory_space<vmem>>
      %dma_start3A_745 = tpu.memref_squeeze %dma_start3A_744 : memref<1x80xi32, #tpu.memory_space<vmem>> -> memref<80xi32, #tpu.memory_space<vmem>>
      %dma_start3A_746 = arith.constant 0 : i32
      %dma_start3A_747 = arith.constant 0 : i32
      %dma_start3A_748 = tpu.memref_slice %arg12[%dma_start3A_746, %dma_start3A_747] : memref<10240x128xf32, #tpu.memory_space<vmem_shared>> -> memref<10240x128xf32, #tpu.memory_space<vmem_shared>>
      tpu.enqueue_indirect_dma source(%arg11 : memref<80x128xf32, #tpu.memory_space<vmem>>) target(%dma_start3A_748 : memref<10240x128xf32, #tpu.memory_space<vmem_shared>>) offsets(%dma_start3A_745 : memref<80xi32, #tpu.memory_space<vmem>>) semaphore(%arg18 : memref<!tpu.dma_semaphore, #tpu.memory_space<semaphore_mem>>) {add = true}
      %add3A_749 = arith.constant 0 : i32
      %add3A_750 = arith.addi %mul3A_706, %add3A_749 : i32
      %dma_wait3A_751 = arith.constant 0 : i32
      %dma_wait3A_752 = tpu.memref_slice %arg8[%add3A_750, %dma_wait3A_751] : memref<48x80xi32, #tpu.memory_space<vmem>> -> memref<1x80xi32, #tpu.memory_space<vmem>>
      %dma_wait3A_753 = tpu.memref_squeeze %dma_wait3A_752 : memref<1x80xi32, #tpu.memory_space<vmem>> -> memref<80xi32, #tpu.memory_space<vmem>>
      %dma_wait3A_754 = arith.constant 0 : i32
      %dma_wait3A_755 = arith.constant 0 : i32
      %dma_wait3A_756 = tpu.memref_slice %arg12[%dma_wait3A_754, %dma_wait3A_755] : memref<10240x128xf32, #tpu.memory_space<vmem_shared>> -> memref<10240x128xf32, #tpu.memory_space<vmem_shared>>
      tpu.wait_indirect_dma semaphore(%arg16 : memref<!tpu.dma_semaphore, #tpu.memory_space<semaphore_mem>>) src(%arg9 : memref<80x128xf32, #tpu.memory_space<vmem>>) dst(%dma_wait3A_756 : memref<10240x128xf32, #tpu.memory_space<vmem_shared>>)
      %add3A_757 = arith.constant 3 : i32
      %add3A_758 = arith.addi %add3A_750, %add3A_757 : i32
      %dma_start3A_759 = arith.constant 0 : i32
      %dma_start3A_760 = tpu.memref_slice %arg7[%add3A_758, %dma_start3A_759] : memref<48x80xi32, #tpu.memory_space<vmem>> -> memref<1x80xi32, #tpu.memory_space<vmem>>
      %dma_start3A_761 = tpu.memref_squeeze %dma_start3A_760 : memref<1x80xi32, #tpu.memory_space<vmem>> -> memref<80xi32, #tpu.memory_space<vmem>>
      %dma_start3A_762 = arith.constant 0 : i32
      %dma_start3A_763 = arith.constant 0 : i32
      %dma_start3A_764 = tpu.memref_slice %arg2[%dma_start3A_762, %dma_start3A_763] : memref<10000x128xf32, #tpu.memory_space<hbm>> -> memref<10000x128xf32, #tpu.memory_space<hbm>>
      tpu.enqueue_indirect_dma source(%dma_start3A_764 : memref<10000x128xf32, #tpu.memory_space<hbm>>) target(%arg9 : memref<80x128xf32, #tpu.memory_space<vmem>>) offsets(%dma_start3A_761 : memref<80xi32, #tpu.memory_space<vmem>>) semaphore(%arg13 : memref<!tpu.dma_semaphore, #tpu.memory_space<semaphore_mem>>)
      %add3A_765 = arith.constant 1 : i32
      %add3A_766 = arith.addi %mul3A_706, %add3A_765 : i32
      %dma_wait3A_767 = arith.constant 0 : i32
      %dma_wait3A_768 = tpu.memref_slice %arg8[%add3A_766, %dma_wait3A_767] : memref<48x80xi32, #tpu.memory_space<vmem>> -> memref<1x80xi32, #tpu.memory_space<vmem>>
      %dma_wait3A_769 = tpu.memref_squeeze %dma_wait3A_768 : memref<1x80xi32, #tpu.memory_space<vmem>> -> memref<80xi32, #tpu.memory_space<vmem>>
      %dma_wait3A_770 = arith.constant 0 : i32
      %dma_wait3A_771 = arith.constant 0 : i32
      %dma_wait3A_772 = tpu.memref_slice %arg12[%dma_wait3A_770, %dma_wait3A_771] : memref<10240x128xf32, #tpu.memory_space<vmem_shared>> -> memref<10240x128xf32, #tpu.memory_space<vmem_shared>>
      tpu.wait_indirect_dma semaphore(%arg17 : memref<!tpu.dma_semaphore, #tpu.memory_space<semaphore_mem>>) src(%arg10 : memref<80x128xf32, #tpu.memory_space<vmem>>) dst(%dma_wait3A_772 : memref<10240x128xf32, #tpu.memory_space<vmem_shared>>)
      %add3A_773 = arith.constant 3 : i32
      %add3A_774 = arith.addi %add3A_766, %add3A_773 : i32
      %dma_start3A_775 = arith.constant 0 : i32
      %dma_start3A_776 = tpu.memref_slice %arg7[%add3A_774, %dma_start3A_775] : memref<48x80xi32, #tpu.memory_space<vmem>> -> memref<1x80xi32, #tpu.memory_space<vmem>>
      %dma_start3A_777 = tpu.memref_squeeze %dma_start3A_776 : memref<1x80xi32, #tpu.memory_space<vmem>> -> memref<80xi32, #tpu.memory_space<vmem>>
      %dma_start3A_778 = arith.constant 0 : i32
      %dma_start3A_779 = arith.constant 0 : i32
      %dma_start3A_780 = tpu.memref_slice %arg2[%dma_start3A_778, %dma_start3A_779] : memref<10000x128xf32, #tpu.memory_space<hbm>> -> memref<10000x128xf32, #tpu.memory_space<hbm>>
      tpu.enqueue_indirect_dma source(%dma_start3A_780 : memref<10000x128xf32, #tpu.memory_space<hbm>>) target(%arg10 : memref<80x128xf32, #tpu.memory_space<vmem>>) offsets(%dma_start3A_777 : memref<80xi32, #tpu.memory_space<vmem>>) semaphore(%arg14 : memref<!tpu.dma_semaphore, #tpu.memory_space<semaphore_mem>>)
      %add3A_781 = arith.constant 2 : i32
      %add3A_782 = arith.addi %mul3A_706, %add3A_781 : i32
      %dma_wait3A_783 = arith.constant 0 : i32
      %dma_wait3A_784 = tpu.memref_slice %arg8[%add3A_782, %dma_wait3A_783] : memref<48x80xi32, #tpu.memory_space<vmem>> -> memref<1x80xi32, #tpu.memory_space<vmem>>
      %dma_wait3A_785 = tpu.memref_squeeze %dma_wait3A_784 : memref<1x80xi32, #tpu.memory_space<vmem>> -> memref<80xi32, #tpu.memory_space<vmem>>
      %dma_wait3A_786 = arith.constant 0 : i32
      %dma_wait3A_787 = arith.constant 0 : i32
      %dma_wait3A_788 = tpu.memref_slice %arg12[%dma_wait3A_786, %dma_wait3A_787] : memref<10240x128xf32, #tpu.memory_space<vmem_shared>> -> memref<10240x128xf32, #tpu.memory_space<vmem_shared>>
      tpu.wait_indirect_dma semaphore(%arg18 : memref<!tpu.dma_semaphore, #tpu.memory_space<semaphore_mem>>) src(%arg11 : memref<80x128xf32, #tpu.memory_space<vmem>>) dst(%dma_wait3A_788 : memref<10240x128xf32, #tpu.memory_space<vmem_shared>>)
      %add3A_789 = arith.constant 3 : i32
      %add3A_790 = arith.addi %add3A_782, %add3A_789 : i32
      %dma_start3A_791 = arith.constant 0 : i32
      %dma_start3A_792 = tpu.memref_slice %arg7[%add3A_790, %dma_start3A_791] : memref<48x80xi32, #tpu.memory_space<vmem>> -> memref<1x80xi32, #tpu.memory_space<vmem>>
      %dma_start3A_793 = tpu.memref_squeeze %dma_start3A_792 : memref<1x80xi32, #tpu.memory_space<vmem>> -> memref<80xi32, #tpu.memory_space<vmem>>
      %dma_start3A_794 = arith.constant 0 : i32
      %dma_start3A_795 = arith.constant 0 : i32
      %dma_start3A_796 = tpu.memref_slice %arg2[%dma_start3A_794, %dma_start3A_795] : memref<10000x128xf32, #tpu.memory_space<hbm>> -> memref<10000x128xf32, #tpu.memory_space<hbm>>
      tpu.enqueue_indirect_dma source(%dma_start3A_796 : memref<10000x128xf32, #tpu.memory_space<hbm>>) target(%arg11 : memref<80x128xf32, #tpu.memory_space<vmem>>) offsets(%dma_start3A_793 : memref<80xi32, #tpu.memory_space<vmem>>) semaphore(%arg15 : memref<!tpu.dma_semaphore, #tpu.memory_space<semaphore_mem>>)
    }
    %scan3A_274 = arith.constant 15 : i32
    %dma_wait3A_275 = arith.constant 45 : i32
    %dma_wait3A_276 = arith.constant 0 : i32
    %dma_wait3A_277 = tpu.memref_slice %arg7[%dma_wait3A_275, %dma_wait3A_276] : memref<48x80xi32, #tpu.memory_space<vmem>> -> memref<1x80xi32, #tpu.memory_space<vmem>>
    %dma_wait3A_278 = tpu.memref_squeeze %dma_wait3A_277 : memref<1x80xi32, #tpu.memory_space<vmem>> -> memref<80xi32, #tpu.memory_space<vmem>>
    %dma_wait3A_279 = arith.constant 0 : i32
    %dma_wait3A_280 = arith.constant 0 : i32
    %dma_wait3A_281 = tpu.memref_slice %arg2[%dma_wait3A_279, %dma_wait3A_280] : memref<10000x128xf32, #tpu.memory_space<hbm>> -> memref<10000x128xf32, #tpu.memory_space<hbm>>
    tpu.wait_indirect_dma semaphore(%arg13 : memref<!tpu.dma_semaphore, #tpu.memory_space<semaphore_mem>>) src(%dma_wait3A_281 : memref<10000x128xf32, #tpu.memory_space<hbm>>) dst(%arg9 : memref<80x128xf32, #tpu.memory_space<vmem>>)
    %dma_start3A_282 = arith.constant 45 : i32
    %dma_start3A_283 = arith.constant 0 : i32
    %dma_start3A_284 = tpu.memref_slice %arg8[%dma_start3A_282, %dma_start3A_283] : memref<48x80xi32, #tpu.memory_space<vmem>> -> memref<1x80xi32, #tpu.memory_space<vmem>>
    %dma_start3A_285 = tpu.memref_squeeze %dma_start3A_284 : memref<1x80xi32, #tpu.memory_space<vmem>> -> memref<80xi32, #tpu.memory_space<vmem>>
    %dma_start3A_286 = arith.constant 0 : i32
    %dma_start3A_287 = arith.constant 0 : i32
    %dma_start3A_288 = tpu.memref_slice %arg12[%dma_start3A_286, %dma_start3A_287] : memref<10240x128xf32, #tpu.memory_space<vmem_shared>> -> memref<10240x128xf32, #tpu.memory_space<vmem_shared>>
    tpu.enqueue_indirect_dma source(%arg9 : memref<80x128xf32, #tpu.memory_space<vmem>>) target(%dma_start3A_288 : memref<10240x128xf32, #tpu.memory_space<vmem_shared>>) offsets(%dma_start3A_285 : memref<80xi32, #tpu.memory_space<vmem>>) semaphore(%arg16 : memref<!tpu.dma_semaphore, #tpu.memory_space<semaphore_mem>>) {add = true}
    %dma_wait3A_289 = arith.constant 46 : i32
    %dma_wait3A_290 = arith.constant 0 : i32
    %dma_wait3A_291 = tpu.memref_slice %arg7[%dma_wait3A_289, %dma_wait3A_290] : memref<48x80xi32, #tpu.memory_space<vmem>> -> memref<1x80xi32, #tpu.memory_space<vmem>>
    %dma_wait3A_292 = tpu.memref_squeeze %dma_wait3A_291 : memref<1x80xi32, #tpu.memory_space<vmem>> -> memref<80xi32, #tpu.memory_space<vmem>>
    %dma_wait3A_293 = arith.constant 0 : i32
    %dma_wait3A_294 = arith.constant 0 : i32
    %dma_wait3A_295 = tpu.memref_slice %arg2[%dma_wait3A_293, %dma_wait3A_294] : memref<10000x128xf32, #tpu.memory_space<hbm>> -> memref<10000x128xf32, #tpu.memory_space<hbm>>
    tpu.wait_indirect_dma semaphore(%arg14 : memref<!tpu.dma_semaphore, #tpu.memory_space<semaphore_mem>>) src(%dma_wait3A_295 : memref<10000x128xf32, #tpu.memory_space<hbm>>) dst(%arg10 : memref<80x128xf32, #tpu.memory_space<vmem>>)
    %dma_start3A_296 = arith.constant 46 : i32
    %dma_start3A_297 = arith.constant 0 : i32
    %dma_start3A_298 = tpu.memref_slice %arg8[%dma_start3A_296, %dma_start3A_297] : memref<48x80xi32, #tpu.memory_space<vmem>> -> memref<1x80xi32, #tpu.memory_space<vmem>>
    %dma_start3A_299 = tpu.memref_squeeze %dma_start3A_298 : memref<1x80xi32, #tpu.memory_space<vmem>> -> memref<80xi32, #tpu.memory_space<vmem>>
    %dma_start3A_300 = arith.constant 0 : i32
    %dma_start3A_301 = arith.constant 0 : i32
    %dma_start3A_302 = tpu.memref_slice %arg12[%dma_start3A_300, %dma_start3A_301] : memref<10240x128xf32, #tpu.memory_space<vmem_shared>> -> memref<10240x128xf32, #tpu.memory_space<vmem_shared>>
    tpu.enqueue_indirect_dma source(%arg10 : memref<80x128xf32, #tpu.memory_space<vmem>>) target(%dma_start3A_302 : memref<10240x128xf32, #tpu.memory_space<vmem_shared>>) offsets(%dma_start3A_299 : memref<80xi32, #tpu.memory_space<vmem>>) semaphore(%arg17 : memref<!tpu.dma_semaphore, #tpu.memory_space<semaphore_mem>>) {add = true}
    %dma_wait3A_303 = arith.constant 47 : i32
    %dma_wait3A_304 = arith.constant 0 : i32
    %dma_wait3A_305 = tpu.memref_slice %arg7[%dma_wait3A_303, %dma_wait3A_304] : memref<48x80xi32, #tpu.memory_space<vmem>> -> memref<1x80xi32, #tpu.memory_space<vmem>>
    %dma_wait3A_306 = tpu.memref_squeeze %dma_wait3A_305 : memref<1x80xi32, #tpu.memory_space<vmem>> -> memref<80xi32, #tpu.memory_space<vmem>>
    %dma_wait3A_307 = arith.constant 0 : i32
    %dma_wait3A_308 = arith.constant 0 : i32
    %dma_wait3A_309 = tpu.memref_slice %arg2[%dma_wait3A_307, %dma_wait3A_308] : memref<10000x128xf32, #tpu.memory_space<hbm>> -> memref<10000x128xf32, #tpu.memory_space<hbm>>
    tpu.wait_indirect_dma semaphore(%arg15 : memref<!tpu.dma_semaphore, #tpu.memory_space<semaphore_mem>>) src(%dma_wait3A_309 : memref<10000x128xf32, #tpu.memory_space<hbm>>) dst(%arg11 : memref<80x128xf32, #tpu.memory_space<vmem>>)
    %dma_start3A_310 = arith.constant 47 : i32
    %dma_start3A_311 = arith.constant 0 : i32
    %dma_start3A_312 = tpu.memref_slice %arg8[%dma_start3A_310, %dma_start3A_311] : memref<48x80xi32, #tpu.memory_space<vmem>> -> memref<1x80xi32, #tpu.memory_space<vmem>>
    %dma_start3A_313 = tpu.memref_squeeze %dma_start3A_312 : memref<1x80xi32, #tpu.memory_space<vmem>> -> memref<80xi32, #tpu.memory_space<vmem>>
    %dma_start3A_314 = arith.constant 0 : i32
    %dma_start3A_315 = arith.constant 0 : i32
    %dma_start3A_316 = tpu.memref_slice %arg12[%dma_start3A_314, %dma_start3A_315] : memref<10240x128xf32, #tpu.memory_space<vmem_shared>> -> memref<10240x128xf32, #tpu.memory_space<vmem_shared>>
    tpu.enqueue_indirect_dma source(%arg11 : memref<80x128xf32, #tpu.memory_space<vmem>>) target(%dma_start3A_316 : memref<10240x128xf32, #tpu.memory_space<vmem_shared>>) offsets(%dma_start3A_313 : memref<80xi32, #tpu.memory_space<vmem>>) semaphore(%arg18 : memref<!tpu.dma_semaphore, #tpu.memory_space<semaphore_mem>>) {add = true}
    %dma_wait3A_317 = arith.constant 45 : i32
    %dma_wait3A_318 = arith.constant 0 : i32
    %dma_wait3A_319 = tpu.memref_slice %arg8[%dma_wait3A_317, %dma_wait3A_318] : memref<48x80xi32, #tpu.memory_space<vmem>> -> memref<1x80xi32, #tpu.memory_space<vmem>>
    %dma_wait3A_320 = tpu.memref_squeeze %dma_wait3A_319 : memref<1x80xi32, #tpu.memory_space<vmem>> -> memref<80xi32, #tpu.memory_space<vmem>>
    %dma_wait3A_321 = arith.constant 0 : i32
    %dma_wait3A_322 = arith.constant 0 : i32
    %dma_wait3A_323 = tpu.memref_slice %arg12[%dma_wait3A_321, %dma_wait3A_322] : memref<10240x128xf32, #tpu.memory_space<vmem_shared>> -> memref<10240x128xf32, #tpu.memory_space<vmem_shared>>
    tpu.wait_indirect_dma semaphore(%arg16 : memref<!tpu.dma_semaphore, #tpu.memory_space<semaphore_mem>>) src(%arg9 : memref<80x128xf32, #tpu.memory_space<vmem>>) dst(%dma_wait3A_323 : memref<10240x128xf32, #tpu.memory_space<vmem_shared>>)
    %dma_wait3A_324 = arith.constant 46 : i32
    %dma_wait3A_325 = arith.constant 0 : i32
    %dma_wait3A_326 = tpu.memref_slice %arg8[%dma_wait3A_324, %dma_wait3A_325] : memref<48x80xi32, #tpu.memory_space<vmem>> -> memref<1x80xi32, #tpu.memory_space<vmem>>
    %dma_wait3A_327 = tpu.memref_squeeze %dma_wait3A_326 : memref<1x80xi32, #tpu.memory_space<vmem>> -> memref<80xi32, #tpu.memory_space<vmem>>
    %dma_wait3A_328 = arith.constant 0 : i32
    %dma_wait3A_329 = arith.constant 0 : i32
    %dma_wait3A_330 = tpu.memref_slice %arg12[%dma_wait3A_328, %dma_wait3A_329] : memref<10240x128xf32, #tpu.memory_space<vmem_shared>> -> memref<10240x128xf32, #tpu.memory_space<vmem_shared>>
    tpu.wait_indirect_dma semaphore(%arg17 : memref<!tpu.dma_semaphore, #tpu.memory_space<semaphore_mem>>) src(%arg10 : memref<80x128xf32, #tpu.memory_space<vmem>>) dst(%dma_wait3A_330 : memref<10240x128xf32, #tpu.memory_space<vmem_shared>>)
    %dma_wait3A_331 = arith.constant 47 : i32
    %dma_wait3A_332 = arith.constant 0 : i32
    %dma_wait3A_333 = tpu.memref_slice %arg8[%dma_wait3A_331, %dma_wait3A_332] : memref<48x80xi32, #tpu.memory_space<vmem>> -> memref<1x80xi32, #tpu.memory_space<vmem>>
    %dma_wait3A_334 = tpu.memref_squeeze %dma_wait3A_333 : memref<1x80xi32, #tpu.memory_space<vmem>> -> memref<80xi32, #tpu.memory_space<vmem>>
    %dma_wait3A_335 = arith.constant 0 : i32
    %dma_wait3A_336 = arith.constant 0 : i32
    %dma_wait3A_337 = tpu.memref_slice %arg12[%dma_wait3A_335, %dma_wait3A_336] : memref<10240x128xf32, #tpu.memory_space<vmem_shared>> -> memref<10240x128xf32, #tpu.memory_space<vmem_shared>>
    tpu.wait_indirect_dma semaphore(%arg18 : memref<!tpu.dma_semaphore, #tpu.memory_space<semaphore_mem>>) src(%arg11 : memref<80x128xf32, #tpu.memory_space<vmem>>) dst(%dma_wait3A_337 : memref<10240x128xf32, #tpu.memory_space<vmem_shared>>)
    "tpu.region"() ({
      %run_scoped3A = tpu.sem_alloc : memref<!tpu.dma_semaphore, #tpu.memory_space<semaphore_mem>>
      %dma_start3A_704 = arith.constant 0 : i32
      %dma_start3A_705 = arith.constant 0 : i32
      %dma_start3A_706 = tpu.memref_slice %arg7[%dma_start3A_704, %dma_start3A_705] : memref<48x80xi32, #tpu.memory_space<vmem>> -> memref<29x80xi32, #tpu.memory_space<vmem>>
      %dma_start3A_707 = arith.constant 96 : i32
      %dma_start3A_708 = arith.constant 0 : i32
      %dma_start3A_709 = tpu.memref_slice %arg3[%add3A, %dma_start3A_707, %dma_start3A_708] : memref<32x125x80xi32, #tpu.memory_space<hbm>> -> memref<1x29x80xi32, #tpu.memory_space<hbm>>
      %dma_start3A_710 = tpu.memref_squeeze %dma_start3A_709 : memref<1x29x80xi32, #tpu.memory_space<hbm>> -> memref<29x80xi32, #tpu.memory_space<hbm>>
      %dma_start3A_711 = arith.constant 0 : i32
      %dma_start3A_712 = arith.constant 0 : i32
      %dma_start3A_713 = tpu.memref_slice %arg7[%dma_start3A_711, %dma_start3A_712] : memref<48x80xi32, #tpu.memory_space<vmem>> -> memref<29x80xi32, #tpu.memory_space<vmem>>
      %dma_start3A_714 = arith.constant 96 : i32
      %dma_start3A_715 = arith.constant 0 : i32
      %dma_start3A_716 = tpu.memref_slice %arg3[%add3A, %dma_start3A_714, %dma_start3A_715] : memref<32x125x80xi32, #tpu.memory_space<hbm>> -> memref<1x29x80xi32, #tpu.memory_space<hbm>>
      %dma_start3A_717 = tpu.memref_squeeze %dma_start3A_716 : memref<1x29x80xi32, #tpu.memory_space<hbm>> -> memref<29x80xi32, #tpu.memory_space<hbm>>
      tpu.enqueue_dma source(%dma_start3A_717 : memref<29x80xi32, #tpu.memory_space<hbm>>) target(%dma_start3A_713 : memref<29x80xi32, #tpu.memory_space<vmem>>) target_semaphore(%run_scoped3A : memref<!tpu.dma_semaphore, #tpu.memory_space<semaphore_mem>>)
      %dma_wait3A_718 = arith.constant 0 : i32
      %dma_wait3A_719 = arith.constant 0 : i32
      %dma_wait3A_720 = tpu.memref_slice %arg7[%dma_wait3A_718, %dma_wait3A_719] : memref<48x80xi32, #tpu.memory_space<vmem>> -> memref<29x80xi32, #tpu.memory_space<vmem>>
      %dma_wait3A_721 = arith.constant 96 : i32
      %dma_wait3A_722 = arith.constant 0 : i32
      %dma_wait3A_723 = tpu.memref_slice %arg3[%add3A, %dma_wait3A_721, %dma_wait3A_722] : memref<32x125x80xi32, #tpu.memory_space<hbm>> -> memref<1x29x80xi32, #tpu.memory_space<hbm>>
      %dma_wait3A_724 = tpu.memref_squeeze %dma_wait3A_723 : memref<1x29x80xi32, #tpu.memory_space<hbm>> -> memref<29x80xi32, #tpu.memory_space<hbm>>
      %dma_wait3A_725 = arith.constant 0 : i32
      %dma_wait3A_726 = arith.constant 0 : i32
      %dma_wait3A_727 = tpu.memref_slice %arg7[%dma_wait3A_725, %dma_wait3A_726] : memref<48x80xi32, #tpu.memory_space<vmem>> -> memref<29x80xi32, #tpu.memory_space<vmem>>
      %dma_wait3A_728 = arith.constant 96 : i32
      %dma_wait3A_729 = arith.constant 0 : i32
      %dma_wait3A_730 = tpu.memref_slice %arg3[%add3A, %dma_wait3A_728, %dma_wait3A_729] : memref<32x125x80xi32, #tpu.memory_space<hbm>> -> memref<1x29x80xi32, #tpu.memory_space<hbm>>
      %dma_wait3A_731 = tpu.memref_squeeze %dma_wait3A_730 : memref<1x29x80xi32, #tpu.memory_space<hbm>> -> memref<29x80xi32, #tpu.memory_space<hbm>>
      tpu.wait_dma2 semaphore(%run_scoped3A : memref<!tpu.dma_semaphore, #tpu.memory_space<semaphore_mem>>) src(%dma_wait3A_731 : memref<29x80xi32, #tpu.memory_space<hbm>>) dst(%dma_wait3A_727 : memref<29x80xi32, #tpu.memory_space<vmem>>)
      tpu.yield
    }) : () -> ()
    "tpu.region"() ({
      %run_scoped3A = tpu.sem_alloc : memref<!tpu.dma_semaphore, #tpu.memory_space<semaphore_mem>>
      %dma_start3A_704 = arith.constant 0 : i32
      %dma_start3A_705 = arith.constant 0 : i32
      %dma_start3A_706 = tpu.memref_slice %arg8[%dma_start3A_704, %dma_start3A_705] : memref<48x80xi32, #tpu.memory_space<vmem>> -> memref<29x80xi32, #tpu.memory_space<vmem>>
      %dma_start3A_707 = arith.constant 96 : i32
      %dma_start3A_708 = arith.constant 0 : i32
      %dma_start3A_709 = tpu.memref_slice %arg4[%add3A, %dma_start3A_707, %dma_start3A_708] : memref<32x125x80xi32, #tpu.memory_space<hbm>> -> memref<1x29x80xi32, #tpu.memory_space<hbm>>
      %dma_start3A_710 = tpu.memref_squeeze %dma_start3A_709 : memref<1x29x80xi32, #tpu.memory_space<hbm>> -> memref<29x80xi32, #tpu.memory_space<hbm>>
      %dma_start3A_711 = arith.constant 0 : i32
      %dma_start3A_712 = arith.constant 0 : i32
      %dma_start3A_713 = tpu.memref_slice %arg8[%dma_start3A_711, %dma_start3A_712] : memref<48x80xi32, #tpu.memory_space<vmem>> -> memref<29x80xi32, #tpu.memory_space<vmem>>
      %dma_start3A_714 = arith.constant 96 : i32
      %dma_start3A_715 = arith.constant 0 : i32
      %dma_start3A_716 = tpu.memref_slice %arg4[%add3A, %dma_start3A_714, %dma_start3A_715] : memref<32x125x80xi32, #tpu.memory_space<hbm>> -> memref<1x29x80xi32, #tpu.memory_space<hbm>>
      %dma_start3A_717 = tpu.memref_squeeze %dma_start3A_716 : memref<1x29x80xi32, #tpu.memory_space<hbm>> -> memref<29x80xi32, #tpu.memory_space<hbm>>
      tpu.enqueue_dma source(%dma_start3A_717 : memref<29x80xi32, #tpu.memory_space<hbm>>) target(%dma_start3A_713 : memref<29x80xi32, #tpu.memory_space<vmem>>) target_semaphore(%run_scoped3A : memref<!tpu.dma_semaphore, #tpu.memory_space<semaphore_mem>>)
      %dma_wait3A_718 = arith.constant 0 : i32
      %dma_wait3A_719 = arith.constant 0 : i32
      %dma_wait3A_720 = tpu.memref_slice %arg8[%dma_wait3A_718, %dma_wait3A_719] : memref<48x80xi32, #tpu.memory_space<vmem>> -> memref<29x80xi32, #tpu.memory_space<vmem>>
      %dma_wait3A_721 = arith.constant 96 : i32
      %dma_wait3A_722 = arith.constant 0 : i32
      %dma_wait3A_723 = tpu.memref_slice %arg4[%add3A, %dma_wait3A_721, %dma_wait3A_722] : memref<32x125x80xi32, #tpu.memory_space<hbm>> -> memref<1x29x80xi32, #tpu.memory_space<hbm>>
      %dma_wait3A_724 = tpu.memref_squeeze %dma_wait3A_723 : memref<1x29x80xi32, #tpu.memory_space<hbm>> -> memref<29x80xi32, #tpu.memory_space<hbm>>
      %dma_wait3A_725 = arith.constant 0 : i32
      %dma_wait3A_726 = arith.constant 0 : i32
      %dma_wait3A_727 = tpu.memref_slice %arg8[%dma_wait3A_725, %dma_wait3A_726] : memref<48x80xi32, #tpu.memory_space<vmem>> -> memref<29x80xi32, #tpu.memory_space<vmem>>
      %dma_wait3A_728 = arith.constant 96 : i32
      %dma_wait3A_729 = arith.constant 0 : i32
      %dma_wait3A_730 = tpu.memref_slice %arg4[%add3A, %dma_wait3A_728, %dma_wait3A_729] : memref<32x125x80xi32, #tpu.memory_space<hbm>> -> memref<1x29x80xi32, #tpu.memory_space<hbm>>
      %dma_wait3A_731 = tpu.memref_squeeze %dma_wait3A_730 : memref<1x29x80xi32, #tpu.memory_space<hbm>> -> memref<29x80xi32, #tpu.memory_space<hbm>>
      tpu.wait_dma2 semaphore(%run_scoped3A : memref<!tpu.dma_semaphore, #tpu.memory_space<semaphore_mem>>) src(%dma_wait3A_731 : memref<29x80xi32, #tpu.memory_space<hbm>>) dst(%dma_wait3A_727 : memref<29x80xi32, #tpu.memory_space<vmem>>)
      tpu.yield
    }) : () -> ()
    %dma_start3A_338 = arith.constant 0 : i32
    %dma_start3A_339 = arith.constant 0 : i32
    %dma_start3A_340 = tpu.memref_slice %arg7[%dma_start3A_338, %dma_start3A_339] : memref<48x80xi32, #tpu.memory_space<vmem>> -> memref<1x80xi32, #tpu.memory_space<vmem>>
    %dma_start3A_341 = tpu.memref_squeeze %dma_start3A_340 : memref<1x80xi32, #tpu.memory_space<vmem>> -> memref<80xi32, #tpu.memory_space<vmem>>
    %dma_start3A_342 = arith.constant 0 : i32
    %dma_start3A_343 = arith.constant 0 : i32
    %dma_start3A_344 = tpu.memref_slice %arg2[%dma_start3A_342, %dma_start3A_343] : memref<10000x128xf32, #tpu.memory_space<hbm>> -> memref<10000x128xf32, #tpu.memory_space<hbm>>
    tpu.enqueue_indirect_dma source(%dma_start3A_344 : memref<10000x128xf32, #tpu.memory_space<hbm>>) target(%arg9 : memref<80x128xf32, #tpu.memory_space<vmem>>) offsets(%dma_start3A_341 : memref<80xi32, #tpu.memory_space<vmem>>) semaphore(%arg13 : memref<!tpu.dma_semaphore, #tpu.memory_space<semaphore_mem>>)
    %dma_start3A_345 = arith.constant 1 : i32
    %dma_start3A_346 = arith.constant 0 : i32
    %dma_start3A_347 = tpu.memref_slice %arg7[%dma_start3A_345, %dma_start3A_346] : memref<48x80xi32, #tpu.memory_space<vmem>> -> memref<1x80xi32, #tpu.memory_space<vmem>>
    %dma_start3A_348 = tpu.memref_squeeze %dma_start3A_347 : memref<1x80xi32, #tpu.memory_space<vmem>> -> memref<80xi32, #tpu.memory_space<vmem>>
    %dma_start3A_349 = arith.constant 0 : i32
    %dma_start3A_350 = arith.constant 0 : i32
    %dma_start3A_351 = tpu.memref_slice %arg2[%dma_start3A_349, %dma_start3A_350] : memref<10000x128xf32, #tpu.memory_space<hbm>> -> memref<10000x128xf32, #tpu.memory_space<hbm>>
    tpu.enqueue_indirect_dma source(%dma_start3A_351 : memref<10000x128xf32, #tpu.memory_space<hbm>>) target(%arg10 : memref<80x128xf32, #tpu.memory_space<vmem>>) offsets(%dma_start3A_348 : memref<80xi32, #tpu.memory_space<vmem>>) semaphore(%arg14 : memref<!tpu.dma_semaphore, #tpu.memory_space<semaphore_mem>>)
    %dma_start3A_352 = arith.constant 2 : i32
    %dma_start3A_353 = arith.constant 0 : i32
    %dma_start3A_354 = tpu.memref_slice %arg7[%dma_start3A_352, %dma_start3A_353] : memref<48x80xi32, #tpu.memory_space<vmem>> -> memref<1x80xi32, #tpu.memory_space<vmem>>
    %dma_start3A_355 = tpu.memref_squeeze %dma_start3A_354 : memref<1x80xi32, #tpu.memory_space<vmem>> -> memref<80xi32, #tpu.memory_space<vmem>>
    %dma_start3A_356 = arith.constant 0 : i32
    %dma_start3A_357 = arith.constant 0 : i32
    %dma_start3A_358 = tpu.memref_slice %arg2[%dma_start3A_356, %dma_start3A_357] : memref<10000x128xf32, #tpu.memory_space<hbm>> -> memref<10000x128xf32, #tpu.memory_space<hbm>>
    tpu.enqueue_indirect_dma source(%dma_start3A_358 : memref<10000x128xf32, #tpu.memory_space<hbm>>) target(%arg11 : memref<80x128xf32, #tpu.memory_space<vmem>>) offsets(%dma_start3A_355 : memref<80xi32, #tpu.memory_space<vmem>>) semaphore(%arg15 : memref<!tpu.dma_semaphore, #tpu.memory_space<semaphore_mem>>)
    %scan3A_359 = arith.constant 0 : i32
    %scan3A_360 = arith.constant 0 : i32
    %scan3A_361 = arith.constant 8 : i32
    %scan3A_362 = arith.addi %scan3A_360, %scan3A_361 : i32
    %scan3A_363 = arith.constant 1 : i32
    scf.for %scan3A_704 = %scan3A_360 to %scan3A_362 step %scan3A_363  : i32 {
      %mul3A_705 = arith.constant 3 : i32
      %mul3A_706 = arith.muli %mul3A_705, %scan3A_704 : i32
      %add3A_707 = arith.constant 0 : i32
      %add3A_708 = arith.addi %mul3A_706, %add3A_707 : i32
      %dma_wait3A_709 = arith.constant 0 : i32
      %dma_wait3A_710 = tpu.memref_slice %arg7[%add3A_708, %dma_wait3A_709] : memref<48x80xi32, #tpu.memory_space<vmem>> -> memref<1x80xi32, #tpu.memory_space<vmem>>
      %dma_wait3A_711 = tpu.memref_squeeze %dma_wait3A_710 : memref<1x80xi32, #tpu.memory_space<vmem>> -> memref<80xi32, #tpu.memory_space<vmem>>
      %dma_wait3A_712 = arith.constant 0 : i32
      %dma_wait3A_713 = arith.constant 0 : i32
      %dma_wait3A_714 = tpu.memref_slice %arg2[%dma_wait3A_712, %dma_wait3A_713] : memref<10000x128xf32, #tpu.memory_space<hbm>> -> memref<10000x128xf32, #tpu.memory_space<hbm>>
      tpu.wait_indirect_dma semaphore(%arg13 : memref<!tpu.dma_semaphore, #tpu.memory_space<semaphore_mem>>) src(%dma_wait3A_714 : memref<10000x128xf32, #tpu.memory_space<hbm>>) dst(%arg9 : memref<80x128xf32, #tpu.memory_space<vmem>>)
      %dma_start3A_715 = arith.constant 0 : i32
      %dma_start3A_716 = tpu.memref_slice %arg8[%add3A_708, %dma_start3A_715] : memref<48x80xi32, #tpu.memory_space<vmem>> -> memref<1x80xi32, #tpu.memory_space<vmem>>
      %dma_start3A_717 = tpu.memref_squeeze %dma_start3A_716 : memref<1x80xi32, #tpu.memory_space<vmem>> -> memref<80xi32, #tpu.memory_space<vmem>>
      %dma_start3A_718 = arith.constant 0 : i32
      %dma_start3A_719 = arith.constant 0 : i32
      %dma_start3A_720 = tpu.memref_slice %arg12[%dma_start3A_718, %dma_start3A_719] : memref<10240x128xf32, #tpu.memory_space<vmem_shared>> -> memref<10240x128xf32, #tpu.memory_space<vmem_shared>>
      tpu.enqueue_indirect_dma source(%arg9 : memref<80x128xf32, #tpu.memory_space<vmem>>) target(%dma_start3A_720 : memref<10240x128xf32, #tpu.memory_space<vmem_shared>>) offsets(%dma_start3A_717 : memref<80xi32, #tpu.memory_space<vmem>>) semaphore(%arg16 : memref<!tpu.dma_semaphore, #tpu.memory_space<semaphore_mem>>) {add = true}
      %add3A_721 = arith.constant 1 : i32
      %add3A_722 = arith.addi %mul3A_706, %add3A_721 : i32
      %dma_wait3A_723 = arith.constant 0 : i32
      %dma_wait3A_724 = tpu.memref_slice %arg7[%add3A_722, %dma_wait3A_723] : memref<48x80xi32, #tpu.memory_space<vmem>> -> memref<1x80xi32, #tpu.memory_space<vmem>>
      %dma_wait3A_725 = tpu.memref_squeeze %dma_wait3A_724 : memref<1x80xi32, #tpu.memory_space<vmem>> -> memref<80xi32, #tpu.memory_space<vmem>>
      %dma_wait3A_726 = arith.constant 0 : i32
      %dma_wait3A_727 = arith.constant 0 : i32
      %dma_wait3A_728 = tpu.memref_slice %arg2[%dma_wait3A_726, %dma_wait3A_727] : memref<10000x128xf32, #tpu.memory_space<hbm>> -> memref<10000x128xf32, #tpu.memory_space<hbm>>
      tpu.wait_indirect_dma semaphore(%arg14 : memref<!tpu.dma_semaphore, #tpu.memory_space<semaphore_mem>>) src(%dma_wait3A_728 : memref<10000x128xf32, #tpu.memory_space<hbm>>) dst(%arg10 : memref<80x128xf32, #tpu.memory_space<vmem>>)
      %dma_start3A_729 = arith.constant 0 : i32
      %dma_start3A_730 = tpu.memref_slice %arg8[%add3A_722, %dma_start3A_729] : memref<48x80xi32, #tpu.memory_space<vmem>> -> memref<1x80xi32, #tpu.memory_space<vmem>>
      %dma_start3A_731 = tpu.memref_squeeze %dma_start3A_730 : memref<1x80xi32, #tpu.memory_space<vmem>> -> memref<80xi32, #tpu.memory_space<vmem>>
      %dma_start3A_732 = arith.constant 0 : i32
      %dma_start3A_733 = arith.constant 0 : i32
      %dma_start3A_734 = tpu.memref_slice %arg12[%dma_start3A_732, %dma_start3A_733] : memref<10240x128xf32, #tpu.memory_space<vmem_shared>> -> memref<10240x128xf32, #tpu.memory_space<vmem_shared>>
      tpu.enqueue_indirect_dma source(%arg10 : memref<80x128xf32, #tpu.memory_space<vmem>>) target(%dma_start3A_734 : memref<10240x128xf32, #tpu.memory_space<vmem_shared>>) offsets(%dma_start3A_731 : memref<80xi32, #tpu.memory_space<vmem>>) semaphore(%arg17 : memref<!tpu.dma_semaphore, #tpu.memory_space<semaphore_mem>>) {add = true}
      %add3A_735 = arith.constant 2 : i32
      %add3A_736 = arith.addi %mul3A_706, %add3A_735 : i32
      %dma_wait3A_737 = arith.constant 0 : i32
      %dma_wait3A_738 = tpu.memref_slice %arg7[%add3A_736, %dma_wait3A_737] : memref<48x80xi32, #tpu.memory_space<vmem>> -> memref<1x80xi32, #tpu.memory_space<vmem>>
      %dma_wait3A_739 = tpu.memref_squeeze %dma_wait3A_738 : memref<1x80xi32, #tpu.memory_space<vmem>> -> memref<80xi32, #tpu.memory_space<vmem>>
      %dma_wait3A_740 = arith.constant 0 : i32
      %dma_wait3A_741 = arith.constant 0 : i32
      %dma_wait3A_742 = tpu.memref_slice %arg2[%dma_wait3A_740, %dma_wait3A_741] : memref<10000x128xf32, #tpu.memory_space<hbm>> -> memref<10000x128xf32, #tpu.memory_space<hbm>>
      tpu.wait_indirect_dma semaphore(%arg15 : memref<!tpu.dma_semaphore, #tpu.memory_space<semaphore_mem>>) src(%dma_wait3A_742 : memref<10000x128xf32, #tpu.memory_space<hbm>>) dst(%arg11 : memref<80x128xf32, #tpu.memory_space<vmem>>)
      %dma_start3A_743 = arith.constant 0 : i32
      %dma_start3A_744 = tpu.memref_slice %arg8[%add3A_736, %dma_start3A_743] : memref<48x80xi32, #tpu.memory_space<vmem>> -> memref<1x80xi32, #tpu.memory_space<vmem>>
      %dma_start3A_745 = tpu.memref_squeeze %dma_start3A_744 : memref<1x80xi32, #tpu.memory_space<vmem>> -> memref<80xi32, #tpu.memory_space<vmem>>
      %dma_start3A_746 = arith.constant 0 : i32
      %dma_start3A_747 = arith.constant 0 : i32
      %dma_start3A_748 = tpu.memref_slice %arg12[%dma_start3A_746, %dma_start3A_747] : memref<10240x128xf32, #tpu.memory_space<vmem_shared>> -> memref<10240x128xf32, #tpu.memory_space<vmem_shared>>
      tpu.enqueue_indirect_dma source(%arg11 : memref<80x128xf32, #tpu.memory_space<vmem>>) target(%dma_start3A_748 : memref<10240x128xf32, #tpu.memory_space<vmem_shared>>) offsets(%dma_start3A_745 : memref<80xi32, #tpu.memory_space<vmem>>) semaphore(%arg18 : memref<!tpu.dma_semaphore, #tpu.memory_space<semaphore_mem>>) {add = true}
      %add3A_749 = arith.constant 0 : i32
      %add3A_750 = arith.addi %mul3A_706, %add3A_749 : i32
      %dma_wait3A_751 = arith.constant 0 : i32
      %dma_wait3A_752 = tpu.memref_slice %arg8[%add3A_750, %dma_wait3A_751] : memref<48x80xi32, #tpu.memory_space<vmem>> -> memref<1x80xi32, #tpu.memory_space<vmem>>
      %dma_wait3A_753 = tpu.memref_squeeze %dma_wait3A_752 : memref<1x80xi32, #tpu.memory_space<vmem>> -> memref<80xi32, #tpu.memory_space<vmem>>
      %dma_wait3A_754 = arith.constant 0 : i32
      %dma_wait3A_755 = arith.constant 0 : i32
      %dma_wait3A_756 = tpu.memref_slice %arg12[%dma_wait3A_754, %dma_wait3A_755] : memref<10240x128xf32, #tpu.memory_space<vmem_shared>> -> memref<10240x128xf32, #tpu.memory_space<vmem_shared>>
      tpu.wait_indirect_dma semaphore(%arg16 : memref<!tpu.dma_semaphore, #tpu.memory_space<semaphore_mem>>) src(%arg9 : memref<80x128xf32, #tpu.memory_space<vmem>>) dst(%dma_wait3A_756 : memref<10240x128xf32, #tpu.memory_space<vmem_shared>>)
      %add3A_757 = arith.constant 3 : i32
      %add3A_758 = arith.addi %add3A_750, %add3A_757 : i32
      %dma_start3A_759 = arith.constant 0 : i32
      %dma_start3A_760 = tpu.memref_slice %arg7[%add3A_758, %dma_start3A_759] : memref<48x80xi32, #tpu.memory_space<vmem>> -> memref<1x80xi32, #tpu.memory_space<vmem>>
      %dma_start3A_761 = tpu.memref_squeeze %dma_start3A_760 : memref<1x80xi32, #tpu.memory_space<vmem>> -> memref<80xi32, #tpu.memory_space<vmem>>
      %dma_start3A_762 = arith.constant 0 : i32
      %dma_start3A_763 = arith.constant 0 : i32
      %dma_start3A_764 = tpu.memref_slice %arg2[%dma_start3A_762, %dma_start3A_763] : memref<10000x128xf32, #tpu.memory_space<hbm>> -> memref<10000x128xf32, #tpu.memory_space<hbm>>
      tpu.enqueue_indirect_dma source(%dma_start3A_764 : memref<10000x128xf32, #tpu.memory_space<hbm>>) target(%arg9 : memref<80x128xf32, #tpu.memory_space<vmem>>) offsets(%dma_start3A_761 : memref<80xi32, #tpu.memory_space<vmem>>) semaphore(%arg13 : memref<!tpu.dma_semaphore, #tpu.memory_space<semaphore_mem>>)
      %add3A_765 = arith.constant 1 : i32
      %add3A_766 = arith.addi %mul3A_706, %add3A_765 : i32
      %dma_wait3A_767 = arith.constant 0 : i32
      %dma_wait3A_768 = tpu.memref_slice %arg8[%add3A_766, %dma_wait3A_767] : memref<48x80xi32, #tpu.memory_space<vmem>> -> memref<1x80xi32, #tpu.memory_space<vmem>>
      %dma_wait3A_769 = tpu.memref_squeeze %dma_wait3A_768 : memref<1x80xi32, #tpu.memory_space<vmem>> -> memref<80xi32, #tpu.memory_space<vmem>>
      %dma_wait3A_770 = arith.constant 0 : i32
      %dma_wait3A_771 = arith.constant 0 : i32
      %dma_wait3A_772 = tpu.memref_slice %arg12[%dma_wait3A_770, %dma_wait3A_771] : memref<10240x128xf32, #tpu.memory_space<vmem_shared>> -> memref<10240x128xf32, #tpu.memory_space<vmem_shared>>
      tpu.wait_indirect_dma semaphore(%arg17 : memref<!tpu.dma_semaphore, #tpu.memory_space<semaphore_mem>>) src(%arg10 : memref<80x128xf32, #tpu.memory_space<vmem>>) dst(%dma_wait3A_772 : memref<10240x128xf32, #tpu.memory_space<vmem_shared>>)
      %add3A_773 = arith.constant 3 : i32
      %add3A_774 = arith.addi %add3A_766, %add3A_773 : i32
      %dma_start3A_775 = arith.constant 0 : i32
      %dma_start3A_776 = tpu.memref_slice %arg7[%add3A_774, %dma_start3A_775] : memref<48x80xi32, #tpu.memory_space<vmem>> -> memref<1x80xi32, #tpu.memory_space<vmem>>
      %dma_start3A_777 = tpu.memref_squeeze %dma_start3A_776 : memref<1x80xi32, #tpu.memory_space<vmem>> -> memref<80xi32, #tpu.memory_space<vmem>>
      %dma_start3A_778 = arith.constant 0 : i32
      %dma_start3A_779 = arith.constant 0 : i32
      %dma_start3A_780 = tpu.memref_slice %arg2[%dma_start3A_778, %dma_start3A_779] : memref<10000x128xf32, #tpu.memory_space<hbm>> -> memref<10000x128xf32, #tpu.memory_space<hbm>>
      tpu.enqueue_indirect_dma source(%dma_start3A_780 : memref<10000x128xf32, #tpu.memory_space<hbm>>) target(%arg10 : memref<80x128xf32, #tpu.memory_space<vmem>>) offsets(%dma_start3A_777 : memref<80xi32, #tpu.memory_space<vmem>>) semaphore(%arg14 : memref<!tpu.dma_semaphore, #tpu.memory_space<semaphore_mem>>)
      %add3A_781 = arith.constant 2 : i32
      %add3A_782 = arith.addi %mul3A_706, %add3A_781 : i32
      %dma_wait3A_783 = arith.constant 0 : i32
      %dma_wait3A_784 = tpu.memref_slice %arg8[%add3A_782, %dma_wait3A_783] : memref<48x80xi32, #tpu.memory_space<vmem>> -> memref<1x80xi32, #tpu.memory_space<vmem>>
      %dma_wait3A_785 = tpu.memref_squeeze %dma_wait3A_784 : memref<1x80xi32, #tpu.memory_space<vmem>> -> memref<80xi32, #tpu.memory_space<vmem>>
      %dma_wait3A_786 = arith.constant 0 : i32
      %dma_wait3A_787 = arith.constant 0 : i32
      %dma_wait3A_788 = tpu.memref_slice %arg12[%dma_wait3A_786, %dma_wait3A_787] : memref<10240x128xf32, #tpu.memory_space<vmem_shared>> -> memref<10240x128xf32, #tpu.memory_space<vmem_shared>>
      tpu.wait_indirect_dma semaphore(%arg18 : memref<!tpu.dma_semaphore, #tpu.memory_space<semaphore_mem>>) src(%arg11 : memref<80x128xf32, #tpu.memory_space<vmem>>) dst(%dma_wait3A_788 : memref<10240x128xf32, #tpu.memory_space<vmem_shared>>)
      %add3A_789 = arith.constant 3 : i32
      %add3A_790 = arith.addi %add3A_782, %add3A_789 : i32
      %dma_start3A_791 = arith.constant 0 : i32
      %dma_start3A_792 = tpu.memref_slice %arg7[%add3A_790, %dma_start3A_791] : memref<48x80xi32, #tpu.memory_space<vmem>> -> memref<1x80xi32, #tpu.memory_space<vmem>>
      %dma_start3A_793 = tpu.memref_squeeze %dma_start3A_792 : memref<1x80xi32, #tpu.memory_space<vmem>> -> memref<80xi32, #tpu.memory_space<vmem>>
      %dma_start3A_794 = arith.constant 0 : i32
      %dma_start3A_795 = arith.constant 0 : i32
      %dma_start3A_796 = tpu.memref_slice %arg2[%dma_start3A_794, %dma_start3A_795] : memref<10000x128xf32, #tpu.memory_space<hbm>> -> memref<10000x128xf32, #tpu.memory_space<hbm>>
      tpu.enqueue_indirect_dma source(%dma_start3A_796 : memref<10000x128xf32, #tpu.memory_space<hbm>>) target(%arg11 : memref<80x128xf32, #tpu.memory_space<vmem>>) offsets(%dma_start3A_793 : memref<80xi32, #tpu.memory_space<vmem>>) semaphore(%arg15 : memref<!tpu.dma_semaphore, #tpu.memory_space<semaphore_mem>>)
    }
    %scan3A_364 = arith.constant 8 : i32
    %dma_wait3A_365 = arith.constant 24 : i32
    %dma_wait3A_366 = arith.constant 0 : i32
    %dma_wait3A_367 = tpu.memref_slice %arg7[%dma_wait3A_365, %dma_wait3A_366] : memref<48x80xi32, #tpu.memory_space<vmem>> -> memref<1x80xi32, #tpu.memory_space<vmem>>
    %dma_wait3A_368 = tpu.memref_squeeze %dma_wait3A_367 : memref<1x80xi32, #tpu.memory_space<vmem>> -> memref<80xi32, #tpu.memory_space<vmem>>
    %dma_wait3A_369 = arith.constant 0 : i32
    %dma_wait3A_370 = arith.constant 0 : i32
    %dma_wait3A_371 = tpu.memref_slice %arg2[%dma_wait3A_369, %dma_wait3A_370] : memref<10000x128xf32, #tpu.memory_space<hbm>> -> memref<10000x128xf32, #tpu.memory_space<hbm>>
    tpu.wait_indirect_dma semaphore(%arg13 : memref<!tpu.dma_semaphore, #tpu.memory_space<semaphore_mem>>) src(%dma_wait3A_371 : memref<10000x128xf32, #tpu.memory_space<hbm>>) dst(%arg9 : memref<80x128xf32, #tpu.memory_space<vmem>>)
    %dma_start3A_372 = arith.constant 24 : i32
    %dma_start3A_373 = arith.constant 0 : i32
    %dma_start3A_374 = tpu.memref_slice %arg8[%dma_start3A_372, %dma_start3A_373] : memref<48x80xi32, #tpu.memory_space<vmem>> -> memref<1x80xi32, #tpu.memory_space<vmem>>
    %dma_start3A_375 = tpu.memref_squeeze %dma_start3A_374 : memref<1x80xi32, #tpu.memory_space<vmem>> -> memref<80xi32, #tpu.memory_space<vmem>>
    %dma_start3A_376 = arith.constant 0 : i32
    %dma_start3A_377 = arith.constant 0 : i32
    %dma_start3A_378 = tpu.memref_slice %arg12[%dma_start3A_376, %dma_start3A_377] : memref<10240x128xf32, #tpu.memory_space<vmem_shared>> -> memref<10240x128xf32, #tpu.memory_space<vmem_shared>>
    tpu.enqueue_indirect_dma source(%arg9 : memref<80x128xf32, #tpu.memory_space<vmem>>) target(%dma_start3A_378 : memref<10240x128xf32, #tpu.memory_space<vmem_shared>>) offsets(%dma_start3A_375 : memref<80xi32, #tpu.memory_space<vmem>>) semaphore(%arg16 : memref<!tpu.dma_semaphore, #tpu.memory_space<semaphore_mem>>) {add = true}
    %dma_wait3A_379 = arith.constant 25 : i32
    %dma_wait3A_380 = arith.constant 0 : i32
    %dma_wait3A_381 = tpu.memref_slice %arg7[%dma_wait3A_379, %dma_wait3A_380] : memref<48x80xi32, #tpu.memory_space<vmem>> -> memref<1x80xi32, #tpu.memory_space<vmem>>
    %dma_wait3A_382 = tpu.memref_squeeze %dma_wait3A_381 : memref<1x80xi32, #tpu.memory_space<vmem>> -> memref<80xi32, #tpu.memory_space<vmem>>
    %dma_wait3A_383 = arith.constant 0 : i32
    %dma_wait3A_384 = arith.constant 0 : i32
    %dma_wait3A_385 = tpu.memref_slice %arg2[%dma_wait3A_383, %dma_wait3A_384] : memref<10000x128xf32, #tpu.memory_space<hbm>> -> memref<10000x128xf32, #tpu.memory_space<hbm>>
    tpu.wait_indirect_dma semaphore(%arg14 : memref<!tpu.dma_semaphore, #tpu.memory_space<semaphore_mem>>) src(%dma_wait3A_385 : memref<10000x128xf32, #tpu.memory_space<hbm>>) dst(%arg10 : memref<80x128xf32, #tpu.memory_space<vmem>>)
    %dma_start3A_386 = arith.constant 25 : i32
    %dma_start3A_387 = arith.constant 0 : i32
    %dma_start3A_388 = tpu.memref_slice %arg8[%dma_start3A_386, %dma_start3A_387] : memref<48x80xi32, #tpu.memory_space<vmem>> -> memref<1x80xi32, #tpu.memory_space<vmem>>
    %dma_start3A_389 = tpu.memref_squeeze %dma_start3A_388 : memref<1x80xi32, #tpu.memory_space<vmem>> -> memref<80xi32, #tpu.memory_space<vmem>>
    %dma_start3A_390 = arith.constant 0 : i32
    %dma_start3A_391 = arith.constant 0 : i32
    %dma_start3A_392 = tpu.memref_slice %arg12[%dma_start3A_390, %dma_start3A_391] : memref<10240x128xf32, #tpu.memory_space<vmem_shared>> -> memref<10240x128xf32, #tpu.memory_space<vmem_shared>>
    tpu.enqueue_indirect_dma source(%arg10 : memref<80x128xf32, #tpu.memory_space<vmem>>) target(%dma_start3A_392 : memref<10240x128xf32, #tpu.memory_space<vmem_shared>>) offsets(%dma_start3A_389 : memref<80xi32, #tpu.memory_space<vmem>>) semaphore(%arg17 : memref<!tpu.dma_semaphore, #tpu.memory_space<semaphore_mem>>) {add = true}
    %dma_wait3A_393 = arith.constant 26 : i32
    %dma_wait3A_394 = arith.constant 0 : i32
    %dma_wait3A_395 = tpu.memref_slice %arg7[%dma_wait3A_393, %dma_wait3A_394] : memref<48x80xi32, #tpu.memory_space<vmem>> -> memref<1x80xi32, #tpu.memory_space<vmem>>
    %dma_wait3A_396 = tpu.memref_squeeze %dma_wait3A_395 : memref<1x80xi32, #tpu.memory_space<vmem>> -> memref<80xi32, #tpu.memory_space<vmem>>
    %dma_wait3A_397 = arith.constant 0 : i32
    %dma_wait3A_398 = arith.constant 0 : i32
    %dma_wait3A_399 = tpu.memref_slice %arg2[%dma_wait3A_397, %dma_wait3A_398] : memref<10000x128xf32, #tpu.memory_space<hbm>> -> memref<10000x128xf32, #tpu.memory_space<hbm>>
    tpu.wait_indirect_dma semaphore(%arg15 : memref<!tpu.dma_semaphore, #tpu.memory_space<semaphore_mem>>) src(%dma_wait3A_399 : memref<10000x128xf32, #tpu.memory_space<hbm>>) dst(%arg11 : memref<80x128xf32, #tpu.memory_space<vmem>>)
    %dma_start3A_400 = arith.constant 26 : i32
    %dma_start3A_401 = arith.constant 0 : i32
    %dma_start3A_402 = tpu.memref_slice %arg8[%dma_start3A_400, %dma_start3A_401] : memref<48x80xi32, #tpu.memory_space<vmem>> -> memref<1x80xi32, #tpu.memory_space<vmem>>
    %dma_start3A_403 = tpu.memref_squeeze %dma_start3A_402 : memref<1x80xi32, #tpu.memory_space<vmem>> -> memref<80xi32, #tpu.memory_space<vmem>>
    %dma_start3A_404 = arith.constant 0 : i32
    %dma_start3A_405 = arith.constant 0 : i32
    %dma_start3A_406 = tpu.memref_slice %arg12[%dma_start3A_404, %dma_start3A_405] : memref<10240x128xf32, #tpu.memory_space<vmem_shared>> -> memref<10240x128xf32, #tpu.memory_space<vmem_shared>>
    tpu.enqueue_indirect_dma source(%arg11 : memref<80x128xf32, #tpu.memory_space<vmem>>) target(%dma_start3A_406 : memref<10240x128xf32, #tpu.memory_space<vmem_shared>>) offsets(%dma_start3A_403 : memref<80xi32, #tpu.memory_space<vmem>>) semaphore(%arg18 : memref<!tpu.dma_semaphore, #tpu.memory_space<semaphore_mem>>) {add = true}
    %dma_wait3A_407 = arith.constant 24 : i32
    %dma_wait3A_408 = arith.constant 0 : i32
    %dma_wait3A_409 = tpu.memref_slice %arg8[%dma_wait3A_407, %dma_wait3A_408] : memref<48x80xi32, #tpu.memory_space<vmem>> -> memref<1x80xi32, #tpu.memory_space<vmem>>
    %dma_wait3A_410 = tpu.memref_squeeze %dma_wait3A_409 : memref<1x80xi32, #tpu.memory_space<vmem>> -> memref<80xi32, #tpu.memory_space<vmem>>
    %dma_wait3A_411 = arith.constant 0 : i32
    %dma_wait3A_412 = arith.constant 0 : i32
    %dma_wait3A_413 = tpu.memref_slice %arg12[%dma_wait3A_411, %dma_wait3A_412] : memref<10240x128xf32, #tpu.memory_space<vmem_shared>> -> memref<10240x128xf32, #tpu.memory_space<vmem_shared>>
    tpu.wait_indirect_dma semaphore(%arg16 : memref<!tpu.dma_semaphore, #tpu.memory_space<semaphore_mem>>) src(%arg9 : memref<80x128xf32, #tpu.memory_space<vmem>>) dst(%dma_wait3A_413 : memref<10240x128xf32, #tpu.memory_space<vmem_shared>>)
    %dma_start3A_414 = arith.constant 27 : i32
    %dma_start3A_415 = arith.constant 0 : i32
    %dma_start3A_416 = tpu.memref_slice %arg7[%dma_start3A_414, %dma_start3A_415] : memref<48x80xi32, #tpu.memory_space<vmem>> -> memref<1x80xi32, #tpu.memory_space<vmem>>
    %dma_start3A_417 = tpu.memref_squeeze %dma_start3A_416 : memref<1x80xi32, #tpu.memory_space<vmem>> -> memref<80xi32, #tpu.memory_space<vmem>>
    %dma_start3A_418 = arith.constant 0 : i32
    %dma_start3A_419 = arith.constant 0 : i32
    %dma_start3A_420 = tpu.memref_slice %arg2[%dma_start3A_418, %dma_start3A_419] : memref<10000x128xf32, #tpu.memory_space<hbm>> -> memref<10000x128xf32, #tpu.memory_space<hbm>>
    tpu.enqueue_indirect_dma source(%dma_start3A_420 : memref<10000x128xf32, #tpu.memory_space<hbm>>) target(%arg9 : memref<80x128xf32, #tpu.memory_space<vmem>>) offsets(%dma_start3A_417 : memref<80xi32, #tpu.memory_space<vmem>>) semaphore(%arg13 : memref<!tpu.dma_semaphore, #tpu.memory_space<semaphore_mem>>)
    %dma_wait3A_421 = arith.constant 27 : i32
    %dma_wait3A_422 = arith.constant 0 : i32
    %dma_wait3A_423 = tpu.memref_slice %arg7[%dma_wait3A_421, %dma_wait3A_422] : memref<48x80xi32, #tpu.memory_space<vmem>> -> memref<1x80xi32, #tpu.memory_space<vmem>>
    %dma_wait3A_424 = tpu.memref_squeeze %dma_wait3A_423 : memref<1x80xi32, #tpu.memory_space<vmem>> -> memref<80xi32, #tpu.memory_space<vmem>>
    %dma_wait3A_425 = arith.constant 0 : i32
    %dma_wait3A_426 = arith.constant 0 : i32
    %dma_wait3A_427 = tpu.memref_slice %arg2[%dma_wait3A_425, %dma_wait3A_426] : memref<10000x128xf32, #tpu.memory_space<hbm>> -> memref<10000x128xf32, #tpu.memory_space<hbm>>
    tpu.wait_indirect_dma semaphore(%arg13 : memref<!tpu.dma_semaphore, #tpu.memory_space<semaphore_mem>>) src(%dma_wait3A_427 : memref<10000x128xf32, #tpu.memory_space<hbm>>) dst(%arg9 : memref<80x128xf32, #tpu.memory_space<vmem>>)
    %dma_start3A_428 = arith.constant 27 : i32
    %dma_start3A_429 = arith.constant 0 : i32
    %dma_start3A_430 = tpu.memref_slice %arg8[%dma_start3A_428, %dma_start3A_429] : memref<48x80xi32, #tpu.memory_space<vmem>> -> memref<1x80xi32, #tpu.memory_space<vmem>>
    %dma_start3A_431 = tpu.memref_squeeze %dma_start3A_430 : memref<1x80xi32, #tpu.memory_space<vmem>> -> memref<80xi32, #tpu.memory_space<vmem>>
    %dma_start3A_432 = arith.constant 0 : i32
    %dma_start3A_433 = arith.constant 0 : i32
    %dma_start3A_434 = tpu.memref_slice %arg12[%dma_start3A_432, %dma_start3A_433] : memref<10240x128xf32, #tpu.memory_space<vmem_shared>> -> memref<10240x128xf32, #tpu.memory_space<vmem_shared>>
    tpu.enqueue_indirect_dma source(%arg9 : memref<80x128xf32, #tpu.memory_space<vmem>>) target(%dma_start3A_434 : memref<10240x128xf32, #tpu.memory_space<vmem_shared>>) offsets(%dma_start3A_431 : memref<80xi32, #tpu.memory_space<vmem>>) semaphore(%arg16 : memref<!tpu.dma_semaphore, #tpu.memory_space<semaphore_mem>>) {add = true}
    %dma_wait3A_435 = arith.constant 25 : i32
    %dma_wait3A_436 = arith.constant 0 : i32
    %dma_wait3A_437 = tpu.memref_slice %arg8[%dma_wait3A_435, %dma_wait3A_436] : memref<48x80xi32, #tpu.memory_space<vmem>> -> memref<1x80xi32, #tpu.memory_space<vmem>>
    %dma_wait3A_438 = tpu.memref_squeeze %dma_wait3A_437 : memref<1x80xi32, #tpu.memory_space<vmem>> -> memref<80xi32, #tpu.memory_space<vmem>>
    %dma_wait3A_439 = arith.constant 0 : i32
    %dma_wait3A_440 = arith.constant 0 : i32
    %dma_wait3A_441 = tpu.memref_slice %arg12[%dma_wait3A_439, %dma_wait3A_440] : memref<10240x128xf32, #tpu.memory_space<vmem_shared>> -> memref<10240x128xf32, #tpu.memory_space<vmem_shared>>
    tpu.wait_indirect_dma semaphore(%arg17 : memref<!tpu.dma_semaphore, #tpu.memory_space<semaphore_mem>>) src(%arg10 : memref<80x128xf32, #tpu.memory_space<vmem>>) dst(%dma_wait3A_441 : memref<10240x128xf32, #tpu.memory_space<vmem_shared>>)
    %dma_start3A_442 = arith.constant 28 : i32
    %dma_start3A_443 = arith.constant 0 : i32
    %dma_start3A_444 = tpu.memref_slice %arg7[%dma_start3A_442, %dma_start3A_443] : memref<48x80xi32, #tpu.memory_space<vmem>> -> memref<1x80xi32, #tpu.memory_space<vmem>>
    %dma_start3A_445 = tpu.memref_squeeze %dma_start3A_444 : memref<1x80xi32, #tpu.memory_space<vmem>> -> memref<80xi32, #tpu.memory_space<vmem>>
    %dma_start3A_446 = arith.constant 0 : i32
    %dma_start3A_447 = arith.constant 0 : i32
    %dma_start3A_448 = tpu.memref_slice %arg2[%dma_start3A_446, %dma_start3A_447] : memref<10000x128xf32, #tpu.memory_space<hbm>> -> memref<10000x128xf32, #tpu.memory_space<hbm>>
    tpu.enqueue_indirect_dma source(%dma_start3A_448 : memref<10000x128xf32, #tpu.memory_space<hbm>>) target(%arg10 : memref<80x128xf32, #tpu.memory_space<vmem>>) offsets(%dma_start3A_445 : memref<80xi32, #tpu.memory_space<vmem>>) semaphore(%arg14 : memref<!tpu.dma_semaphore, #tpu.memory_space<semaphore_mem>>)
    %dma_wait3A_449 = arith.constant 28 : i32
    %dma_wait3A_450 = arith.constant 0 : i32
    %dma_wait3A_451 = tpu.memref_slice %arg7[%dma_wait3A_449, %dma_wait3A_450] : memref<48x80xi32, #tpu.memory_space<vmem>> -> memref<1x80xi32, #tpu.memory_space<vmem>>
    %dma_wait3A_452 = tpu.memref_squeeze %dma_wait3A_451 : memref<1x80xi32, #tpu.memory_space<vmem>> -> memref<80xi32, #tpu.memory_space<vmem>>
    %dma_wait3A_453 = arith.constant 0 : i32
    %dma_wait3A_454 = arith.constant 0 : i32
    %dma_wait3A_455 = tpu.memref_slice %arg2[%dma_wait3A_453, %dma_wait3A_454] : memref<10000x128xf32, #tpu.memory_space<hbm>> -> memref<10000x128xf32, #tpu.memory_space<hbm>>
    tpu.wait_indirect_dma semaphore(%arg14 : memref<!tpu.dma_semaphore, #tpu.memory_space<semaphore_mem>>) src(%dma_wait3A_455 : memref<10000x128xf32, #tpu.memory_space<hbm>>) dst(%arg10 : memref<80x128xf32, #tpu.memory_space<vmem>>)
    %dma_start3A_456 = arith.constant 28 : i32
    %dma_start3A_457 = arith.constant 0 : i32
    %dma_start3A_458 = tpu.memref_slice %arg8[%dma_start3A_456, %dma_start3A_457] : memref<48x80xi32, #tpu.memory_space<vmem>> -> memref<1x80xi32, #tpu.memory_space<vmem>>
    %dma_start3A_459 = tpu.memref_squeeze %dma_start3A_458 : memref<1x80xi32, #tpu.memory_space<vmem>> -> memref<80xi32, #tpu.memory_space<vmem>>
    %dma_start3A_460 = arith.constant 0 : i32
    %dma_start3A_461 = arith.constant 0 : i32
    %dma_start3A_462 = tpu.memref_slice %arg12[%dma_start3A_460, %dma_start3A_461] : memref<10240x128xf32, #tpu.memory_space<vmem_shared>> -> memref<10240x128xf32, #tpu.memory_space<vmem_shared>>
    tpu.enqueue_indirect_dma source(%arg10 : memref<80x128xf32, #tpu.memory_space<vmem>>) target(%dma_start3A_462 : memref<10240x128xf32, #tpu.memory_space<vmem_shared>>) offsets(%dma_start3A_459 : memref<80xi32, #tpu.memory_space<vmem>>) semaphore(%arg17 : memref<!tpu.dma_semaphore, #tpu.memory_space<semaphore_mem>>) {add = true}
    %dma_wait3A_463 = arith.constant 27 : i32
    %dma_wait3A_464 = arith.constant 0 : i32
    %dma_wait3A_465 = tpu.memref_slice %arg8[%dma_wait3A_463, %dma_wait3A_464] : memref<48x80xi32, #tpu.memory_space<vmem>> -> memref<1x80xi32, #tpu.memory_space<vmem>>
    %dma_wait3A_466 = tpu.memref_squeeze %dma_wait3A_465 : memref<1x80xi32, #tpu.memory_space<vmem>> -> memref<80xi32, #tpu.memory_space<vmem>>
    %dma_wait3A_467 = arith.constant 0 : i32
    %dma_wait3A_468 = arith.constant 0 : i32
    %dma_wait3A_469 = tpu.memref_slice %arg12[%dma_wait3A_467, %dma_wait3A_468] : memref<10240x128xf32, #tpu.memory_space<vmem_shared>> -> memref<10240x128xf32, #tpu.memory_space<vmem_shared>>
    tpu.wait_indirect_dma semaphore(%arg16 : memref<!tpu.dma_semaphore, #tpu.memory_space<semaphore_mem>>) src(%arg9 : memref<80x128xf32, #tpu.memory_space<vmem>>) dst(%dma_wait3A_469 : memref<10240x128xf32, #tpu.memory_space<vmem_shared>>)
    %dma_wait3A_470 = arith.constant 28 : i32
    %dma_wait3A_471 = arith.constant 0 : i32
    %dma_wait3A_472 = tpu.memref_slice %arg8[%dma_wait3A_470, %dma_wait3A_471] : memref<48x80xi32, #tpu.memory_space<vmem>> -> memref<1x80xi32, #tpu.memory_space<vmem>>
    %dma_wait3A_473 = tpu.memref_squeeze %dma_wait3A_472 : memref<1x80xi32, #tpu.memory_space<vmem>> -> memref<80xi32, #tpu.memory_space<vmem>>
    %dma_wait3A_474 = arith.constant 0 : i32
    %dma_wait3A_475 = arith.constant 0 : i32
    %dma_wait3A_476 = tpu.memref_slice %arg12[%dma_wait3A_474, %dma_wait3A_475] : memref<10240x128xf32, #tpu.memory_space<vmem_shared>> -> memref<10240x128xf32, #tpu.memory_space<vmem_shared>>
    tpu.wait_indirect_dma semaphore(%arg17 : memref<!tpu.dma_semaphore, #tpu.memory_space<semaphore_mem>>) src(%arg10 : memref<80x128xf32, #tpu.memory_space<vmem>>) dst(%dma_wait3A_476 : memref<10240x128xf32, #tpu.memory_space<vmem_shared>>)
    %dma_wait3A_477 = arith.constant 26 : i32
    %dma_wait3A_478 = arith.constant 0 : i32
    %dma_wait3A_479 = tpu.memref_slice %arg8[%dma_wait3A_477, %dma_wait3A_478] : memref<48x80xi32, #tpu.memory_space<vmem>> -> memref<1x80xi32, #tpu.memory_space<vmem>>
    %dma_wait3A_480 = tpu.memref_squeeze %dma_wait3A_479 : memref<1x80xi32, #tpu.memory_space<vmem>> -> memref<80xi32, #tpu.memory_space<vmem>>
    %dma_wait3A_481 = arith.constant 0 : i32
    %dma_wait3A_482 = arith.constant 0 : i32
    %dma_wait3A_483 = tpu.memref_slice %arg12[%dma_wait3A_481, %dma_wait3A_482] : memref<10240x128xf32, #tpu.memory_space<vmem_shared>> -> memref<10240x128xf32, #tpu.memory_space<vmem_shared>>
    tpu.wait_indirect_dma semaphore(%arg18 : memref<!tpu.dma_semaphore, #tpu.memory_space<semaphore_mem>>) src(%arg11 : memref<80x128xf32, #tpu.memory_space<vmem>>) dst(%dma_wait3A_483 : memref<10240x128xf32, #tpu.memory_space<vmem_shared>>)
    %barrier3A_484 = arith.constant 0 : index
    tpu.barrier barrier_id(%barrier3A_484)
    %mul3A_485 = arith.constant 8 : i32
    %mul3A_486 = arith.muli %arg1, %mul3A_485 : i32
    %add3A_487 = arith.constant 0 : i32
    %add3A_488 = arith.addi %mul3A_486, %add3A_487 : i32
    %mul3A_489 = arith.constant 80 : i32
    %mul3A_490 = arith.muli %add3A_488, %mul3A_489 : i32
    "tpu.region"() ({
      %run_scoped3A = tpu.sem_alloc : memref<!tpu.dma_semaphore, #tpu.memory_space<semaphore_mem>>
      %dma_start3A_704 = arith.constant 0 : i32
      %dma_start3A_705 = tpu.memref_slice %arg12[%mul3A_490, %dma_start3A_704] : memref<10240x128xf32, #tpu.memory_space<vmem_shared>> -> memref<80x128xf32, #tpu.memory_space<vmem_shared>>
      %dma_start3A_706 = arith.constant 0 : i32
      %dma_start3A_707 = tpu.memref_slice %arg12[%mul3A_490, %dma_start3A_706] : memref<10240x128xf32, #tpu.memory_space<vmem_shared>> -> memref<80x128xf32, #tpu.memory_space<vmem_shared>>
      tpu.enqueue_dma source(%dma_start3A_707 : memref<80x128xf32, #tpu.memory_space<vmem_shared>>) target(%arg9 : memref<80x128xf32, #tpu.memory_space<vmem>>) target_semaphore(%run_scoped3A : memref<!tpu.dma_semaphore, #tpu.memory_space<semaphore_mem>>)
      %dma_wait3A_708 = arith.constant 0 : i32
      %dma_wait3A_709 = tpu.memref_slice %arg12[%mul3A_490, %dma_wait3A_708] : memref<10240x128xf32, #tpu.memory_space<vmem_shared>> -> memref<80x128xf32, #tpu.memory_space<vmem_shared>>
      %dma_wait3A_710 = arith.constant 0 : i32
      %dma_wait3A_711 = tpu.memref_slice %arg12[%mul3A_490, %dma_wait3A_710] : memref<10240x128xf32, #tpu.memory_space<vmem_shared>> -> memref<80x128xf32, #tpu.memory_space<vmem_shared>>
      tpu.wait_dma2 semaphore(%run_scoped3A : memref<!tpu.dma_semaphore, #tpu.memory_space<semaphore_mem>>) src(%dma_wait3A_711 : memref<80x128xf32, #tpu.memory_space<vmem_shared>>) dst(%arg9 : memref<80x128xf32, #tpu.memory_space<vmem>>)
      tpu.yield
    }) : () -> ()
    %mul3A_491 = arith.constant 80 : i32
    %mul3A_492 = arith.muli %add3A_488, %mul3A_491 : i32
    %dma_start3A_493 = arith.constant 0 : i32
    %dma_start3A_494 = tpu.memref_slice %arg6[%arg0, %mul3A_492, %dma_start3A_493] : memref<2x10240x128xf32, #tpu.memory_space<hbm>> -> memref<1x80x128xf32, #tpu.memory_space<hbm>>
    %dma_start3A_495 = tpu.memref_squeeze %dma_start3A_494 : memref<1x80x128xf32, #tpu.memory_space<hbm>> -> memref<80x128xf32, #tpu.memory_space<hbm>>
    %dma_start3A_496 = arith.constant 0 : i32
    %dma_start3A_497 = tpu.memref_slice %arg6[%arg0, %mul3A_492, %dma_start3A_496] : memref<2x10240x128xf32, #tpu.memory_space<hbm>> -> memref<1x80x128xf32, #tpu.memory_space<hbm>>
    %dma_start3A_498 = tpu.memref_squeeze %dma_start3A_497 : memref<1x80x128xf32, #tpu.memory_space<hbm>> -> memref<80x128xf32, #tpu.memory_space<hbm>>
    tpu.enqueue_dma source(%arg9 : memref<80x128xf32, #tpu.memory_space<vmem>>) target(%dma_start3A_498 : memref<80x128xf32, #tpu.memory_space<hbm>>) target_semaphore(%arg13 : memref<!tpu.dma_semaphore, #tpu.memory_space<semaphore_mem>>)
    %mul3A_499 = arith.constant 8 : i32
    %mul3A_500 = arith.muli %arg1, %mul3A_499 : i32
    %add3A_501 = arith.constant 1 : i32
    %add3A_502 = arith.addi %mul3A_500, %add3A_501 : i32
    %mul3A_503 = arith.constant 80 : i32
    %mul3A_504 = arith.muli %add3A_502, %mul3A_503 : i32
    "tpu.region"() ({
      %run_scoped3A = tpu.sem_alloc : memref<!tpu.dma_semaphore, #tpu.memory_space<semaphore_mem>>
      %dma_start3A_704 = arith.constant 0 : i32
      %dma_start3A_705 = tpu.memref_slice %arg12[%mul3A_504, %dma_start3A_704] : memref<10240x128xf32, #tpu.memory_space<vmem_shared>> -> memref<80x128xf32, #tpu.memory_space<vmem_shared>>
      %dma_start3A_706 = arith.constant 0 : i32
      %dma_start3A_707 = tpu.memref_slice %arg12[%mul3A_504, %dma_start3A_706] : memref<10240x128xf32, #tpu.memory_space<vmem_shared>> -> memref<80x128xf32, #tpu.memory_space<vmem_shared>>
      tpu.enqueue_dma source(%dma_start3A_707 : memref<80x128xf32, #tpu.memory_space<vmem_shared>>) target(%arg10 : memref<80x128xf32, #tpu.memory_space<vmem>>) target_semaphore(%run_scoped3A : memref<!tpu.dma_semaphore, #tpu.memory_space<semaphore_mem>>)
      %dma_wait3A_708 = arith.constant 0 : i32
      %dma_wait3A_709 = tpu.memref_slice %arg12[%mul3A_504, %dma_wait3A_708] : memref<10240x128xf32, #tpu.memory_space<vmem_shared>> -> memref<80x128xf32, #tpu.memory_space<vmem_shared>>
      %dma_wait3A_710 = arith.constant 0 : i32
      %dma_wait3A_711 = tpu.memref_slice %arg12[%mul3A_504, %dma_wait3A_710] : memref<10240x128xf32, #tpu.memory_space<vmem_shared>> -> memref<80x128xf32, #tpu.memory_space<vmem_shared>>
      tpu.wait_dma2 semaphore(%run_scoped3A : memref<!tpu.dma_semaphore, #tpu.memory_space<semaphore_mem>>) src(%dma_wait3A_711 : memref<80x128xf32, #tpu.memory_space<vmem_shared>>) dst(%arg10 : memref<80x128xf32, #tpu.memory_space<vmem>>)
      tpu.yield
    }) : () -> ()
    %mul3A_505 = arith.constant 80 : i32
    %mul3A_506 = arith.muli %add3A_502, %mul3A_505 : i32
    %dma_start3A_507 = arith.constant 0 : i32
    %dma_start3A_508 = tpu.memref_slice %arg6[%arg0, %mul3A_506, %dma_start3A_507] : memref<2x10240x128xf32, #tpu.memory_space<hbm>> -> memref<1x80x128xf32, #tpu.memory_space<hbm>>
    %dma_start3A_509 = tpu.memref_squeeze %dma_start3A_508 : memref<1x80x128xf32, #tpu.memory_space<hbm>> -> memref<80x128xf32, #tpu.memory_space<hbm>>
    %dma_start3A_510 = arith.constant 0 : i32
    %dma_start3A_511 = tpu.memref_slice %arg6[%arg0, %mul3A_506, %dma_start3A_510] : memref<2x10240x128xf32, #tpu.memory_space<hbm>> -> memref<1x80x128xf32, #tpu.memory_space<hbm>>
    %dma_start3A_512 = tpu.memref_squeeze %dma_start3A_511 : memref<1x80x128xf32, #tpu.memory_space<hbm>> -> memref<80x128xf32, #tpu.memory_space<hbm>>
    tpu.enqueue_dma source(%arg10 : memref<80x128xf32, #tpu.memory_space<vmem>>) target(%dma_start3A_512 : memref<80x128xf32, #tpu.memory_space<hbm>>) target_semaphore(%arg14 : memref<!tpu.dma_semaphore, #tpu.memory_space<semaphore_mem>>)
    %mul3A_513 = arith.constant 8 : i32
    %mul3A_514 = arith.muli %arg1, %mul3A_513 : i32
    %add3A_515 = arith.constant 2 : i32
    %add3A_516 = arith.addi %mul3A_514, %add3A_515 : i32
    %mul3A_517 = arith.constant 8 : i32
    %mul3A_518 = arith.muli %arg1, %mul3A_517 : i32
    %add3A_519 = arith.constant 2 : i32
    %add3A_520 = arith.addi %mul3A_518, %add3A_519 : i32
    %sub3A = arith.constant 2 : i32
    %sub3A_521 = arith.subi %add3A_520, %sub3A : i32
    %mul3A_522 = arith.constant 80 : i32
    %mul3A_523 = arith.muli %sub3A_521, %mul3A_522 : i32
    %dma_wait3A_524 = arith.constant 0 : i32
    %dma_wait3A_525 = tpu.memref_slice %arg6[%arg0, %mul3A_523, %dma_wait3A_524] : memref<2x10240x128xf32, #tpu.memory_space<hbm>> -> memref<1x80x128xf32, #tpu.memory_space<hbm>>
    %dma_wait3A_526 = tpu.memref_squeeze %dma_wait3A_525 : memref<1x80x128xf32, #tpu.memory_space<hbm>> -> memref<80x128xf32, #tpu.memory_space<hbm>>
    %dma_wait3A_527 = arith.constant 0 : i32
    %dma_wait3A_528 = tpu.memref_slice %arg6[%arg0, %mul3A_523, %dma_wait3A_527] : memref<2x10240x128xf32, #tpu.memory_space<hbm>> -> memref<1x80x128xf32, #tpu.memory_space<hbm>>
    %dma_wait3A_529 = tpu.memref_squeeze %dma_wait3A_528 : memref<1x80x128xf32, #tpu.memory_space<hbm>> -> memref<80x128xf32, #tpu.memory_space<hbm>>
    tpu.wait_dma2 semaphore(%arg13 : memref<!tpu.dma_semaphore, #tpu.memory_space<semaphore_mem>>) src(%arg9 : memref<80x128xf32, #tpu.memory_space<vmem>>) dst(%dma_wait3A_529 : memref<80x128xf32, #tpu.memory_space<hbm>>)
    %mul3A_530 = arith.constant 80 : i32
    %mul3A_531 = arith.muli %add3A_516, %mul3A_530 : i32
    "tpu.region"() ({
      %run_scoped3A = tpu.sem_alloc : memref<!tpu.dma_semaphore, #tpu.memory_space<semaphore_mem>>
      %dma_start3A_704 = arith.constant 0 : i32
      %dma_start3A_705 = tpu.memref_slice %arg12[%mul3A_531, %dma_start3A_704] : memref<10240x128xf32, #tpu.memory_space<vmem_shared>> -> memref<80x128xf32, #tpu.memory_space<vmem_shared>>
      %dma_start3A_706 = arith.constant 0 : i32
      %dma_start3A_707 = tpu.memref_slice %arg12[%mul3A_531, %dma_start3A_706] : memref<10240x128xf32, #tpu.memory_space<vmem_shared>> -> memref<80x128xf32, #tpu.memory_space<vmem_shared>>
      tpu.enqueue_dma source(%dma_start3A_707 : memref<80x128xf32, #tpu.memory_space<vmem_shared>>) target(%arg9 : memref<80x128xf32, #tpu.memory_space<vmem>>) target_semaphore(%run_scoped3A : memref<!tpu.dma_semaphore, #tpu.memory_space<semaphore_mem>>)
      %dma_wait3A_708 = arith.constant 0 : i32
      %dma_wait3A_709 = tpu.memref_slice %arg12[%mul3A_531, %dma_wait3A_708] : memref<10240x128xf32, #tpu.memory_space<vmem_shared>> -> memref<80x128xf32, #tpu.memory_space<vmem_shared>>
      %dma_wait3A_710 = arith.constant 0 : i32
      %dma_wait3A_711 = tpu.memref_slice %arg12[%mul3A_531, %dma_wait3A_710] : memref<10240x128xf32, #tpu.memory_space<vmem_shared>> -> memref<80x128xf32, #tpu.memory_space<vmem_shared>>
      tpu.wait_dma2 semaphore(%run_scoped3A : memref<!tpu.dma_semaphore, #tpu.memory_space<semaphore_mem>>) src(%dma_wait3A_711 : memref<80x128xf32, #tpu.memory_space<vmem_shared>>) dst(%arg9 : memref<80x128xf32, #tpu.memory_space<vmem>>)
      tpu.yield
    }) : () -> ()
    %mul3A_532 = arith.constant 80 : i32
    %mul3A_533 = arith.muli %add3A_516, %mul3A_532 : i32
    %dma_start3A_534 = arith.constant 0 : i32
    %dma_start3A_535 = tpu.memref_slice %arg6[%arg0, %mul3A_533, %dma_start3A_534] : memref<2x10240x128xf32, #tpu.memory_space<hbm>> -> memref<1x80x128xf32, #tpu.memory_space<hbm>>
    %dma_start3A_536 = tpu.memref_squeeze %dma_start3A_535 : memref<1x80x128xf32, #tpu.memory_space<hbm>> -> memref<80x128xf32, #tpu.memory_space<hbm>>
    %dma_start3A_537 = arith.constant 0 : i32
    %dma_start3A_538 = tpu.memref_slice %arg6[%arg0, %mul3A_533, %dma_start3A_537] : memref<2x10240x128xf32, #tpu.memory_space<hbm>> -> memref<1x80x128xf32, #tpu.memory_space<hbm>>
    %dma_start3A_539 = tpu.memref_squeeze %dma_start3A_538 : memref<1x80x128xf32, #tpu.memory_space<hbm>> -> memref<80x128xf32, #tpu.memory_space<hbm>>
    tpu.enqueue_dma source(%arg9 : memref<80x128xf32, #tpu.memory_space<vmem>>) target(%dma_start3A_539 : memref<80x128xf32, #tpu.memory_space<hbm>>) target_semaphore(%arg13 : memref<!tpu.dma_semaphore, #tpu.memory_space<semaphore_mem>>)
    %mul3A_540 = arith.constant 8 : i32
    %mul3A_541 = arith.muli %arg1, %mul3A_540 : i32
    %add3A_542 = arith.constant 3 : i32
    %add3A_543 = arith.addi %mul3A_541, %add3A_542 : i32
    %mul3A_544 = arith.constant 8 : i32
    %mul3A_545 = arith.muli %arg1, %mul3A_544 : i32
    %add3A_546 = arith.constant 3 : i32
    %add3A_547 = arith.addi %mul3A_545, %add3A_546 : i32
    %sub3A_548 = arith.constant 2 : i32
    %sub3A_549 = arith.subi %add3A_547, %sub3A_548 : i32
    %mul3A_550 = arith.constant 80 : i32
    %mul3A_551 = arith.muli %sub3A_549, %mul3A_550 : i32
    %dma_wait3A_552 = arith.constant 0 : i32
    %dma_wait3A_553 = tpu.memref_slice %arg6[%arg0, %mul3A_551, %dma_wait3A_552] : memref<2x10240x128xf32, #tpu.memory_space<hbm>> -> memref<1x80x128xf32, #tpu.memory_space<hbm>>
    %dma_wait3A_554 = tpu.memref_squeeze %dma_wait3A_553 : memref<1x80x128xf32, #tpu.memory_space<hbm>> -> memref<80x128xf32, #tpu.memory_space<hbm>>
    %dma_wait3A_555 = arith.constant 0 : i32
    %dma_wait3A_556 = tpu.memref_slice %arg6[%arg0, %mul3A_551, %dma_wait3A_555] : memref<2x10240x128xf32, #tpu.memory_space<hbm>> -> memref<1x80x128xf32, #tpu.memory_space<hbm>>
    %dma_wait3A_557 = tpu.memref_squeeze %dma_wait3A_556 : memref<1x80x128xf32, #tpu.memory_space<hbm>> -> memref<80x128xf32, #tpu.memory_space<hbm>>
    tpu.wait_dma2 semaphore(%arg14 : memref<!tpu.dma_semaphore, #tpu.memory_space<semaphore_mem>>) src(%arg10 : memref<80x128xf32, #tpu.memory_space<vmem>>) dst(%dma_wait3A_557 : memref<80x128xf32, #tpu.memory_space<hbm>>)
    %mul3A_558 = arith.constant 80 : i32
    %mul3A_559 = arith.muli %add3A_543, %mul3A_558 : i32
    "tpu.region"() ({
      %run_scoped3A = tpu.sem_alloc : memref<!tpu.dma_semaphore, #tpu.memory_space<semaphore_mem>>
      %dma_start3A_704 = arith.constant 0 : i32
      %dma_start3A_705 = tpu.memref_slice %arg12[%mul3A_559, %dma_start3A_704] : memref<10240x128xf32, #tpu.memory_space<vmem_shared>> -> memref<80x128xf32, #tpu.memory_space<vmem_shared>>
      %dma_start3A_706 = arith.constant 0 : i32
      %dma_start3A_707 = tpu.memref_slice %arg12[%mul3A_559, %dma_start3A_706] : memref<10240x128xf32, #tpu.memory_space<vmem_shared>> -> memref<80x128xf32, #tpu.memory_space<vmem_shared>>
      tpu.enqueue_dma source(%dma_start3A_707 : memref<80x128xf32, #tpu.memory_space<vmem_shared>>) target(%arg10 : memref<80x128xf32, #tpu.memory_space<vmem>>) target_semaphore(%run_scoped3A : memref<!tpu.dma_semaphore, #tpu.memory_space<semaphore_mem>>)
      %dma_wait3A_708 = arith.constant 0 : i32
      %dma_wait3A_709 = tpu.memref_slice %arg12[%mul3A_559, %dma_wait3A_708] : memref<10240x128xf32, #tpu.memory_space<vmem_shared>> -> memref<80x128xf32, #tpu.memory_space<vmem_shared>>
      %dma_wait3A_710 = arith.constant 0 : i32
      %dma_wait3A_711 = tpu.memref_slice %arg12[%mul3A_559, %dma_wait3A_710] : memref<10240x128xf32, #tpu.memory_space<vmem_shared>> -> memref<80x128xf32, #tpu.memory_space<vmem_shared>>
      tpu.wait_dma2 semaphore(%run_scoped3A : memref<!tpu.dma_semaphore, #tpu.memory_space<semaphore_mem>>) src(%dma_wait3A_711 : memref<80x128xf32, #tpu.memory_space<vmem_shared>>) dst(%arg10 : memref<80x128xf32, #tpu.memory_space<vmem>>)
      tpu.yield
    }) : () -> ()
    %mul3A_560 = arith.constant 80 : i32
    %mul3A_561 = arith.muli %add3A_543, %mul3A_560 : i32
    %dma_start3A_562 = arith.constant 0 : i32
    %dma_start3A_563 = tpu.memref_slice %arg6[%arg0, %mul3A_561, %dma_start3A_562] : memref<2x10240x128xf32, #tpu.memory_space<hbm>> -> memref<1x80x128xf32, #tpu.memory_space<hbm>>
    %dma_start3A_564 = tpu.memref_squeeze %dma_start3A_563 : memref<1x80x128xf32, #tpu.memory_space<hbm>> -> memref<80x128xf32, #tpu.memory_space<hbm>>
    %dma_start3A_565 = arith.constant 0 : i32
    %dma_start3A_566 = tpu.memref_slice %arg6[%arg0, %mul3A_561, %dma_start3A_565] : memref<2x10240x128xf32, #tpu.memory_space<hbm>> -> memref<1x80x128xf32, #tpu.memory_space<hbm>>
    %dma_start3A_567 = tpu.memref_squeeze %dma_start3A_566 : memref<1x80x128xf32, #tpu.memory_space<hbm>> -> memref<80x128xf32, #tpu.memory_space<hbm>>
    tpu.enqueue_dma source(%arg10 : memref<80x128xf32, #tpu.memory_space<vmem>>) target(%dma_start3A_567 : memref<80x128xf32, #tpu.memory_space<hbm>>) target_semaphore(%arg14 : memref<!tpu.dma_semaphore, #tpu.memory_space<semaphore_mem>>)
    %mul3A_568 = arith.constant 8 : i32
    %mul3A_569 = arith.muli %arg1, %mul3A_568 : i32
    %add3A_570 = arith.constant 4 : i32
    %add3A_571 = arith.addi %mul3A_569, %add3A_570 : i32
    %mul3A_572 = arith.constant 8 : i32
    %mul3A_573 = arith.muli %arg1, %mul3A_572 : i32
    %add3A_574 = arith.constant 4 : i32
    %add3A_575 = arith.addi %mul3A_573, %add3A_574 : i32
    %sub3A_576 = arith.constant 2 : i32
    %sub3A_577 = arith.subi %add3A_575, %sub3A_576 : i32
    %mul3A_578 = arith.constant 80 : i32
    %mul3A_579 = arith.muli %sub3A_577, %mul3A_578 : i32
    %dma_wait3A_580 = arith.constant 0 : i32
    %dma_wait3A_581 = tpu.memref_slice %arg6[%arg0, %mul3A_579, %dma_wait3A_580] : memref<2x10240x128xf32, #tpu.memory_space<hbm>> -> memref<1x80x128xf32, #tpu.memory_space<hbm>>
    %dma_wait3A_582 = tpu.memref_squeeze %dma_wait3A_581 : memref<1x80x128xf32, #tpu.memory_space<hbm>> -> memref<80x128xf32, #tpu.memory_space<hbm>>
    %dma_wait3A_583 = arith.constant 0 : i32
    %dma_wait3A_584 = tpu.memref_slice %arg6[%arg0, %mul3A_579, %dma_wait3A_583] : memref<2x10240x128xf32, #tpu.memory_space<hbm>> -> memref<1x80x128xf32, #tpu.memory_space<hbm>>
    %dma_wait3A_585 = tpu.memref_squeeze %dma_wait3A_584 : memref<1x80x128xf32, #tpu.memory_space<hbm>> -> memref<80x128xf32, #tpu.memory_space<hbm>>
    tpu.wait_dma2 semaphore(%arg13 : memref<!tpu.dma_semaphore, #tpu.memory_space<semaphore_mem>>) src(%arg9 : memref<80x128xf32, #tpu.memory_space<vmem>>) dst(%dma_wait3A_585 : memref<80x128xf32, #tpu.memory_space<hbm>>)
    %mul3A_586 = arith.constant 80 : i32
    %mul3A_587 = arith.muli %add3A_571, %mul3A_586 : i32
    "tpu.region"() ({
      %run_scoped3A = tpu.sem_alloc : memref<!tpu.dma_semaphore, #tpu.memory_space<semaphore_mem>>
      %dma_start3A_704 = arith.constant 0 : i32
      %dma_start3A_705 = tpu.memref_slice %arg12[%mul3A_587, %dma_start3A_704] : memref<10240x128xf32, #tpu.memory_space<vmem_shared>> -> memref<80x128xf32, #tpu.memory_space<vmem_shared>>
      %dma_start3A_706 = arith.constant 0 : i32
      %dma_start3A_707 = tpu.memref_slice %arg12[%mul3A_587, %dma_start3A_706] : memref<10240x128xf32, #tpu.memory_space<vmem_shared>> -> memref<80x128xf32, #tpu.memory_space<vmem_shared>>
      tpu.enqueue_dma source(%dma_start3A_707 : memref<80x128xf32, #tpu.memory_space<vmem_shared>>) target(%arg9 : memref<80x128xf32, #tpu.memory_space<vmem>>) target_semaphore(%run_scoped3A : memref<!tpu.dma_semaphore, #tpu.memory_space<semaphore_mem>>)
      %dma_wait3A_708 = arith.constant 0 : i32
      %dma_wait3A_709 = tpu.memref_slice %arg12[%mul3A_587, %dma_wait3A_708] : memref<10240x128xf32, #tpu.memory_space<vmem_shared>> -> memref<80x128xf32, #tpu.memory_space<vmem_shared>>
      %dma_wait3A_710 = arith.constant 0 : i32
      %dma_wait3A_711 = tpu.memref_slice %arg12[%mul3A_587, %dma_wait3A_710] : memref<10240x128xf32, #tpu.memory_space<vmem_shared>> -> memref<80x128xf32, #tpu.memory_space<vmem_shared>>
      tpu.wait_dma2 semaphore(%run_scoped3A : memref<!tpu.dma_semaphore, #tpu.memory_space<semaphore_mem>>) src(%dma_wait3A_711 : memref<80x128xf32, #tpu.memory_space<vmem_shared>>) dst(%arg9 : memref<80x128xf32, #tpu.memory_space<vmem>>)
      tpu.yield
    }) : () -> ()
    %mul3A_588 = arith.constant 80 : i32
    %mul3A_589 = arith.muli %add3A_571, %mul3A_588 : i32
    %dma_start3A_590 = arith.constant 0 : i32
    %dma_start3A_591 = tpu.memref_slice %arg6[%arg0, %mul3A_589, %dma_start3A_590] : memref<2x10240x128xf32, #tpu.memory_space<hbm>> -> memref<1x80x128xf32, #tpu.memory_space<hbm>>
    %dma_start3A_592 = tpu.memref_squeeze %dma_start3A_591 : memref<1x80x128xf32, #tpu.memory_space<hbm>> -> memref<80x128xf32, #tpu.memory_space<hbm>>
    %dma_start3A_593 = arith.constant 0 : i32
    %dma_start3A_594 = tpu.memref_slice %arg6[%arg0, %mul3A_589, %dma_start3A_593] : memref<2x10240x128xf32, #tpu.memory_space<hbm>> -> memref<1x80x128xf32, #tpu.memory_space<hbm>>
    %dma_start3A_595 = tpu.memref_squeeze %dma_start3A_594 : memref<1x80x128xf32, #tpu.memory_space<hbm>> -> memref<80x128xf32, #tpu.memory_space<hbm>>
    tpu.enqueue_dma source(%arg9 : memref<80x128xf32, #tpu.memory_space<vmem>>) target(%dma_start3A_595 : memref<80x128xf32, #tpu.memory_space<hbm>>) target_semaphore(%arg13 : memref<!tpu.dma_semaphore, #tpu.memory_space<semaphore_mem>>)
    %mul3A_596 = arith.constant 8 : i32
    %mul3A_597 = arith.muli %arg1, %mul3A_596 : i32
    %add3A_598 = arith.constant 5 : i32
    %add3A_599 = arith.addi %mul3A_597, %add3A_598 : i32
    %mul3A_600 = arith.constant 8 : i32
    %mul3A_601 = arith.muli %arg1, %mul3A_600 : i32
    %add3A_602 = arith.constant 5 : i32
    %add3A_603 = arith.addi %mul3A_601, %add3A_602 : i32
    %sub3A_604 = arith.constant 2 : i32
    %sub3A_605 = arith.subi %add3A_603, %sub3A_604 : i32
    %mul3A_606 = arith.constant 80 : i32
    %mul3A_607 = arith.muli %sub3A_605, %mul3A_606 : i32
    %dma_wait3A_608 = arith.constant 0 : i32
    %dma_wait3A_609 = tpu.memref_slice %arg6[%arg0, %mul3A_607, %dma_wait3A_608] : memref<2x10240x128xf32, #tpu.memory_space<hbm>> -> memref<1x80x128xf32, #tpu.memory_space<hbm>>
    %dma_wait3A_610 = tpu.memref_squeeze %dma_wait3A_609 : memref<1x80x128xf32, #tpu.memory_space<hbm>> -> memref<80x128xf32, #tpu.memory_space<hbm>>
    %dma_wait3A_611 = arith.constant 0 : i32
    %dma_wait3A_612 = tpu.memref_slice %arg6[%arg0, %mul3A_607, %dma_wait3A_611] : memref<2x10240x128xf32, #tpu.memory_space<hbm>> -> memref<1x80x128xf32, #tpu.memory_space<hbm>>
    %dma_wait3A_613 = tpu.memref_squeeze %dma_wait3A_612 : memref<1x80x128xf32, #tpu.memory_space<hbm>> -> memref<80x128xf32, #tpu.memory_space<hbm>>
    tpu.wait_dma2 semaphore(%arg14 : memref<!tpu.dma_semaphore, #tpu.memory_space<semaphore_mem>>) src(%arg10 : memref<80x128xf32, #tpu.memory_space<vmem>>) dst(%dma_wait3A_613 : memref<80x128xf32, #tpu.memory_space<hbm>>)
    %mul3A_614 = arith.constant 80 : i32
    %mul3A_615 = arith.muli %add3A_599, %mul3A_614 : i32
    "tpu.region"() ({
      %run_scoped3A = tpu.sem_alloc : memref<!tpu.dma_semaphore, #tpu.memory_space<semaphore_mem>>
      %dma_start3A_704 = arith.constant 0 : i32
      %dma_start3A_705 = tpu.memref_slice %arg12[%mul3A_615, %dma_start3A_704] : memref<10240x128xf32, #tpu.memory_space<vmem_shared>> -> memref<80x128xf32, #tpu.memory_space<vmem_shared>>
      %dma_start3A_706 = arith.constant 0 : i32
      %dma_start3A_707 = tpu.memref_slice %arg12[%mul3A_615, %dma_start3A_706] : memref<10240x128xf32, #tpu.memory_space<vmem_shared>> -> memref<80x128xf32, #tpu.memory_space<vmem_shared>>
      tpu.enqueue_dma source(%dma_start3A_707 : memref<80x128xf32, #tpu.memory_space<vmem_shared>>) target(%arg10 : memref<80x128xf32, #tpu.memory_space<vmem>>) target_semaphore(%run_scoped3A : memref<!tpu.dma_semaphore, #tpu.memory_space<semaphore_mem>>)
      %dma_wait3A_708 = arith.constant 0 : i32
      %dma_wait3A_709 = tpu.memref_slice %arg12[%mul3A_615, %dma_wait3A_708] : memref<10240x128xf32, #tpu.memory_space<vmem_shared>> -> memref<80x128xf32, #tpu.memory_space<vmem_shared>>
      %dma_wait3A_710 = arith.constant 0 : i32
      %dma_wait3A_711 = tpu.memref_slice %arg12[%mul3A_615, %dma_wait3A_710] : memref<10240x128xf32, #tpu.memory_space<vmem_shared>> -> memref<80x128xf32, #tpu.memory_space<vmem_shared>>
      tpu.wait_dma2 semaphore(%run_scoped3A : memref<!tpu.dma_semaphore, #tpu.memory_space<semaphore_mem>>) src(%dma_wait3A_711 : memref<80x128xf32, #tpu.memory_space<vmem_shared>>) dst(%arg10 : memref<80x128xf32, #tpu.memory_space<vmem>>)
      tpu.yield
    }) : () -> ()
    %mul3A_616 = arith.constant 80 : i32
    %mul3A_617 = arith.muli %add3A_599, %mul3A_616 : i32
    %dma_start3A_618 = arith.constant 0 : i32
    %dma_start3A_619 = tpu.memref_slice %arg6[%arg0, %mul3A_617, %dma_start3A_618] : memref<2x10240x128xf32, #tpu.memory_space<hbm>> -> memref<1x80x128xf32, #tpu.memory_space<hbm>>
    %dma_start3A_620 = tpu.memref_squeeze %dma_start3A_619 : memref<1x80x128xf32, #tpu.memory_space<hbm>> -> memref<80x128xf32, #tpu.memory_space<hbm>>
    %dma_start3A_621 = arith.constant 0 : i32
    %dma_start3A_622 = tpu.memref_slice %arg6[%arg0, %mul3A_617, %dma_start3A_621] : memref<2x10240x128xf32, #tpu.memory_space<hbm>> -> memref<1x80x128xf32, #tpu.memory_space<hbm>>
    %dma_start3A_623 = tpu.memref_squeeze %dma_start3A_622 : memref<1x80x128xf32, #tpu.memory_space<hbm>> -> memref<80x128xf32, #tpu.memory_space<hbm>>
    tpu.enqueue_dma source(%arg10 : memref<80x128xf32, #tpu.memory_space<vmem>>) target(%dma_start3A_623 : memref<80x128xf32, #tpu.memory_space<hbm>>) target_semaphore(%arg14 : memref<!tpu.dma_semaphore, #tpu.memory_space<semaphore_mem>>)
    %mul3A_624 = arith.constant 8 : i32
    %mul3A_625 = arith.muli %arg1, %mul3A_624 : i32
    %add3A_626 = arith.constant 6 : i32
    %add3A_627 = arith.addi %mul3A_625, %add3A_626 : i32
    %mul3A_628 = arith.constant 8 : i32
    %mul3A_629 = arith.muli %arg1, %mul3A_628 : i32
    %add3A_630 = arith.constant 6 : i32
    %add3A_631 = arith.addi %mul3A_629, %add3A_630 : i32
    %sub3A_632 = arith.constant 2 : i32
    %sub3A_633 = arith.subi %add3A_631, %sub3A_632 : i32
    %mul3A_634 = arith.constant 80 : i32
    %mul3A_635 = arith.muli %sub3A_633, %mul3A_634 : i32
    %dma_wait3A_636 = arith.constant 0 : i32
    %dma_wait3A_637 = tpu.memref_slice %arg6[%arg0, %mul3A_635, %dma_wait3A_636] : memref<2x10240x128xf32, #tpu.memory_space<hbm>> -> memref<1x80x128xf32, #tpu.memory_space<hbm>>
    %dma_wait3A_638 = tpu.memref_squeeze %dma_wait3A_637 : memref<1x80x128xf32, #tpu.memory_space<hbm>> -> memref<80x128xf32, #tpu.memory_space<hbm>>
    %dma_wait3A_639 = arith.constant 0 : i32
    %dma_wait3A_640 = tpu.memref_slice %arg6[%arg0, %mul3A_635, %dma_wait3A_639] : memref<2x10240x128xf32, #tpu.memory_space<hbm>> -> memref<1x80x128xf32, #tpu.memory_space<hbm>>
    %dma_wait3A_641 = tpu.memref_squeeze %dma_wait3A_640 : memref<1x80x128xf32, #tpu.memory_space<hbm>> -> memref<80x128xf32, #tpu.memory_space<hbm>>
    tpu.wait_dma2 semaphore(%arg13 : memref<!tpu.dma_semaphore, #tpu.memory_space<semaphore_mem>>) src(%arg9 : memref<80x128xf32, #tpu.memory_space<vmem>>) dst(%dma_wait3A_641 : memref<80x128xf32, #tpu.memory_space<hbm>>)
    %mul3A_642 = arith.constant 80 : i32
    %mul3A_643 = arith.muli %add3A_627, %mul3A_642 : i32
    "tpu.region"() ({
      %run_scoped3A = tpu.sem_alloc : memref<!tpu.dma_semaphore, #tpu.memory_space<semaphore_mem>>
      %dma_start3A_704 = arith.constant 0 : i32
      %dma_start3A_705 = tpu.memref_slice %arg12[%mul3A_643, %dma_start3A_704] : memref<10240x128xf32, #tpu.memory_space<vmem_shared>> -> memref<80x128xf32, #tpu.memory_space<vmem_shared>>
      %dma_start3A_706 = arith.constant 0 : i32
      %dma_start3A_707 = tpu.memref_slice %arg12[%mul3A_643, %dma_start3A_706] : memref<10240x128xf32, #tpu.memory_space<vmem_shared>> -> memref<80x128xf32, #tpu.memory_space<vmem_shared>>
      tpu.enqueue_dma source(%dma_start3A_707 : memref<80x128xf32, #tpu.memory_space<vmem_shared>>) target(%arg9 : memref<80x128xf32, #tpu.memory_space<vmem>>) target_semaphore(%run_scoped3A : memref<!tpu.dma_semaphore, #tpu.memory_space<semaphore_mem>>)
      %dma_wait3A_708 = arith.constant 0 : i32
      %dma_wait3A_709 = tpu.memref_slice %arg12[%mul3A_643, %dma_wait3A_708] : memref<10240x128xf32, #tpu.memory_space<vmem_shared>> -> memref<80x128xf32, #tpu.memory_space<vmem_shared>>
      %dma_wait3A_710 = arith.constant 0 : i32
      %dma_wait3A_711 = tpu.memref_slice %arg12[%mul3A_643, %dma_wait3A_710] : memref<10240x128xf32, #tpu.memory_space<vmem_shared>> -> memref<80x128xf32, #tpu.memory_space<vmem_shared>>
      tpu.wait_dma2 semaphore(%run_scoped3A : memref<!tpu.dma_semaphore, #tpu.memory_space<semaphore_mem>>) src(%dma_wait3A_711 : memref<80x128xf32, #tpu.memory_space<vmem_shared>>) dst(%arg9 : memref<80x128xf32, #tpu.memory_space<vmem>>)
      tpu.yield
    }) : () -> ()
    %mul3A_644 = arith.constant 80 : i32
    %mul3A_645 = arith.muli %add3A_627, %mul3A_644 : i32
    %dma_start3A_646 = arith.constant 0 : i32
    %dma_start3A_647 = tpu.memref_slice %arg6[%arg0, %mul3A_645, %dma_start3A_646] : memref<2x10240x128xf32, #tpu.memory_space<hbm>> -> memref<1x80x128xf32, #tpu.memory_space<hbm>>
    %dma_start3A_648 = tpu.memref_squeeze %dma_start3A_647 : memref<1x80x128xf32, #tpu.memory_space<hbm>> -> memref<80x128xf32, #tpu.memory_space<hbm>>
    %dma_start3A_649 = arith.constant 0 : i32
    %dma_start3A_650 = tpu.memref_slice %arg6[%arg0, %mul3A_645, %dma_start3A_649] : memref<2x10240x128xf32, #tpu.memory_space<hbm>> -> memref<1x80x128xf32, #tpu.memory_space<hbm>>
    %dma_start3A_651 = tpu.memref_squeeze %dma_start3A_650 : memref<1x80x128xf32, #tpu.memory_space<hbm>> -> memref<80x128xf32, #tpu.memory_space<hbm>>
    tpu.enqueue_dma source(%arg9 : memref<80x128xf32, #tpu.memory_space<vmem>>) target(%dma_start3A_651 : memref<80x128xf32, #tpu.memory_space<hbm>>) target_semaphore(%arg13 : memref<!tpu.dma_semaphore, #tpu.memory_space<semaphore_mem>>)
    %mul3A_652 = arith.constant 8 : i32
    %mul3A_653 = arith.muli %arg1, %mul3A_652 : i32
    %add3A_654 = arith.constant 7 : i32
    %add3A_655 = arith.addi %mul3A_653, %add3A_654 : i32
    %mul3A_656 = arith.constant 8 : i32
    %mul3A_657 = arith.muli %arg1, %mul3A_656 : i32
    %add3A_658 = arith.constant 7 : i32
    %add3A_659 = arith.addi %mul3A_657, %add3A_658 : i32
    %sub3A_660 = arith.constant 2 : i32
    %sub3A_661 = arith.subi %add3A_659, %sub3A_660 : i32
    %mul3A_662 = arith.constant 80 : i32
    %mul3A_663 = arith.muli %sub3A_661, %mul3A_662 : i32
    %dma_wait3A_664 = arith.constant 0 : i32
    %dma_wait3A_665 = tpu.memref_slice %arg6[%arg0, %mul3A_663, %dma_wait3A_664] : memref<2x10240x128xf32, #tpu.memory_space<hbm>> -> memref<1x80x128xf32, #tpu.memory_space<hbm>>
    %dma_wait3A_666 = tpu.memref_squeeze %dma_wait3A_665 : memref<1x80x128xf32, #tpu.memory_space<hbm>> -> memref<80x128xf32, #tpu.memory_space<hbm>>
    %dma_wait3A_667 = arith.constant 0 : i32
    %dma_wait3A_668 = tpu.memref_slice %arg6[%arg0, %mul3A_663, %dma_wait3A_667] : memref<2x10240x128xf32, #tpu.memory_space<hbm>> -> memref<1x80x128xf32, #tpu.memory_space<hbm>>
    %dma_wait3A_669 = tpu.memref_squeeze %dma_wait3A_668 : memref<1x80x128xf32, #tpu.memory_space<hbm>> -> memref<80x128xf32, #tpu.memory_space<hbm>>
    tpu.wait_dma2 semaphore(%arg14 : memref<!tpu.dma_semaphore, #tpu.memory_space<semaphore_mem>>) src(%arg10 : memref<80x128xf32, #tpu.memory_space<vmem>>) dst(%dma_wait3A_669 : memref<80x128xf32, #tpu.memory_space<hbm>>)
    %mul3A_670 = arith.constant 80 : i32
    %mul3A_671 = arith.muli %add3A_655, %mul3A_670 : i32
    "tpu.region"() ({
      %run_scoped3A = tpu.sem_alloc : memref<!tpu.dma_semaphore, #tpu.memory_space<semaphore_mem>>
      %dma_start3A_704 = arith.constant 0 : i32
      %dma_start3A_705 = tpu.memref_slice %arg12[%mul3A_671, %dma_start3A_704] : memref<10240x128xf32, #tpu.memory_space<vmem_shared>> -> memref<80x128xf32, #tpu.memory_space<vmem_shared>>
      %dma_start3A_706 = arith.constant 0 : i32
      %dma_start3A_707 = tpu.memref_slice %arg12[%mul3A_671, %dma_start3A_706] : memref<10240x128xf32, #tpu.memory_space<vmem_shared>> -> memref<80x128xf32, #tpu.memory_space<vmem_shared>>
      tpu.enqueue_dma source(%dma_start3A_707 : memref<80x128xf32, #tpu.memory_space<vmem_shared>>) target(%arg10 : memref<80x128xf32, #tpu.memory_space<vmem>>) target_semaphore(%run_scoped3A : memref<!tpu.dma_semaphore, #tpu.memory_space<semaphore_mem>>)
      %dma_wait3A_708 = arith.constant 0 : i32
      %dma_wait3A_709 = tpu.memref_slice %arg12[%mul3A_671, %dma_wait3A_708] : memref<10240x128xf32, #tpu.memory_space<vmem_shared>> -> memref<80x128xf32, #tpu.memory_space<vmem_shared>>
      %dma_wait3A_710 = arith.constant 0 : i32
      %dma_wait3A_711 = tpu.memref_slice %arg12[%mul3A_671, %dma_wait3A_710] : memref<10240x128xf32, #tpu.memory_space<vmem_shared>> -> memref<80x128xf32, #tpu.memory_space<vmem_shared>>
      tpu.wait_dma2 semaphore(%run_scoped3A : memref<!tpu.dma_semaphore, #tpu.memory_space<semaphore_mem>>) src(%dma_wait3A_711 : memref<80x128xf32, #tpu.memory_space<vmem_shared>>) dst(%arg10 : memref<80x128xf32, #tpu.memory_space<vmem>>)
      tpu.yield
    }) : () -> ()
    %mul3A_672 = arith.constant 80 : i32
    %mul3A_673 = arith.muli %add3A_655, %mul3A_672 : i32
    %dma_start3A_674 = arith.constant 0 : i32
    %dma_start3A_675 = tpu.memref_slice %arg6[%arg0, %mul3A_673, %dma_start3A_674] : memref<2x10240x128xf32, #tpu.memory_space<hbm>> -> memref<1x80x128xf32, #tpu.memory_space<hbm>>
    %dma_start3A_676 = tpu.memref_squeeze %dma_start3A_675 : memref<1x80x128xf32, #tpu.memory_space<hbm>> -> memref<80x128xf32, #tpu.memory_space<hbm>>
    %dma_start3A_677 = arith.constant 0 : i32
    %dma_start3A_678 = tpu.memref_slice %arg6[%arg0, %mul3A_673, %dma_start3A_677] : memref<2x10240x128xf32, #tpu.memory_space<hbm>> -> memref<1x80x128xf32, #tpu.memory_space<hbm>>
    %dma_start3A_679 = tpu.memref_squeeze %dma_start3A_678 : memref<1x80x128xf32, #tpu.memory_space<hbm>> -> memref<80x128xf32, #tpu.memory_space<hbm>>
    tpu.enqueue_dma source(%arg10 : memref<80x128xf32, #tpu.memory_space<vmem>>) target(%dma_start3A_679 : memref<80x128xf32, #tpu.memory_space<hbm>>) target_semaphore(%arg14 : memref<!tpu.dma_semaphore, #tpu.memory_space<semaphore_mem>>)
    %mul3A_680 = arith.constant 8 : i32
    %mul3A_681 = arith.muli %arg1, %mul3A_680 : i32
    %add3A_682 = arith.constant 6 : i32
    %add3A_683 = arith.addi %mul3A_681, %add3A_682 : i32
    %mul3A_684 = arith.constant 80 : i32
    %mul3A_685 = arith.muli %add3A_683, %mul3A_684 : i32
    %dma_wait3A_686 = arith.constant 0 : i32
    %dma_wait3A_687 = tpu.memref_slice %arg6[%arg0, %mul3A_685, %dma_wait3A_686] : memref<2x10240x128xf32, #tpu.memory_space<hbm>> -> memref<1x80x128xf32, #tpu.memory_space<hbm>>
    %dma_wait3A_688 = tpu.memref_squeeze %dma_wait3A_687 : memref<1x80x128xf32, #tpu.memory_space<hbm>> -> memref<80x128xf32, #tpu.memory_space<hbm>>
    %dma_wait3A_689 = arith.constant 0 : i32
    %dma_wait3A_690 = tpu.memref_slice %arg6[%arg0, %mul3A_685, %dma_wait3A_689] : memref<2x10240x128xf32, #tpu.memory_space<hbm>> -> memref<1x80x128xf32, #tpu.memory_space<hbm>>
    %dma_wait3A_691 = tpu.memref_squeeze %dma_wait3A_690 : memref<1x80x128xf32, #tpu.memory_space<hbm>> -> memref<80x128xf32, #tpu.memory_space<hbm>>
    tpu.wait_dma2 semaphore(%arg13 : memref<!tpu.dma_semaphore, #tpu.memory_space<semaphore_mem>>) src(%arg9 : memref<80x128xf32, #tpu.memory_space<vmem>>) dst(%dma_wait3A_691 : memref<80x128xf32, #tpu.memory_space<hbm>>)
    %mul3A_692 = arith.constant 8 : i32
    %mul3A_693 = arith.muli %arg1, %mul3A_692 : i32
    %add3A_694 = arith.constant 7 : i32
    %add3A_695 = arith.addi %mul3A_693, %add3A_694 : i32
    %mul3A_696 = arith.constant 80 : i32
    %mul3A_697 = arith.muli %add3A_695, %mul3A_696 : i32
    %dma_wait3A_698 = arith.constant 0 : i32
    %dma_wait3A_699 = tpu.memref_slice %arg6[%arg0, %mul3A_697, %dma_wait3A_698] : memref<2x10240x128xf32, #tpu.memory_space<hbm>> -> memref<1x80x128xf32, #tpu.memory_space<hbm>>
    %dma_wait3A_700 = tpu.memref_squeeze %dma_wait3A_699 : memref<1x80x128xf32, #tpu.memory_space<hbm>> -> memref<80x128xf32, #tpu.memory_space<hbm>>
    %dma_wait3A_701 = arith.constant 0 : i32
    %dma_wait3A_702 = tpu.memref_slice %arg6[%arg0, %mul3A_697, %dma_wait3A_701] : memref<2x10240x128xf32, #tpu.memory_space<hbm>> -> memref<1x80x128xf32, #tpu.memory_space<hbm>>
    %dma_wait3A_703 = tpu.memref_squeeze %dma_wait3A_702 : memref<1x80x128xf32, #tpu.memory_space<hbm>> -> memref<80x128xf32, #tpu.memory_space<hbm>>
    tpu.wait_dma2 semaphore(%arg14 : memref<!tpu.dma_semaphore, #tpu.memory_space<semaphore_mem>>) src(%arg10 : memref<80x128xf32, #tpu.memory_space<vmem>>) dst(%dma_wait3A_703 : memref<80x128xf32, #tpu.memory_space<hbm>>)
    return
  }
}

module attributes {stable_mosaic.version = 14 : i64} {
  func.func @_tc1_body(%arg0: i32, %arg1: memref<2x1000x1xf32, #tpu.memory_space<vmem>>, %arg2: memref<1000x128xf32, #tpu.memory_space<vmem>>, %arg3: memref<128x128xf32, #tpu.memory_space<vmem>>, %arg4: memref<1000x128xf32, #tpu.memory_space<vmem>>) attributes {dimension_semantics = [#tpu.dimension_semantics<arbitrary>], iteration_bounds = array<i64: 10>, scalar_prefetch = 0 : i64, scratch_operands = 0 : i64, tpu.core_type = #tpu.core_type<tc>, window_params = [{transform_indices = @transform_0, window_bounds = array<i64: 2, 1000, 1>}, {transform_indices = @transform_1, window_bounds = array<i64: 1000, 128>}, {pipeline_mode = #tpu.pipeline_mode<synchronous>, transform_indices = @transform_2, window_bounds = array<i64: 128, 128>}, {transform_indices = @transform_3, window_bounds = array<i64: 1000, 128>}]} {
    %get3A = arith.constant 0 : index
    %get3A_0 = arith.constant 0 : index
    %get3A_1 = arith.constant 0 : index
    %get3A_2 = vector.load %arg1[%get3A, %get3A_0, %get3A_1] : memref<2x1000x1xf32, #tpu.memory_space<vmem>>, vector<1x1000x1xf32>
    %get3A_3 = vector.shape_cast %get3A_2 : vector<1x1000x1xf32> to vector<1000x1xf32>
    %get3A_4 = arith.constant 1 : index
    %get3A_5 = arith.constant 0 : index
    %get3A_6 = arith.constant 0 : index
    %get3A_7 = vector.load %arg1[%get3A_4, %get3A_5, %get3A_6] : memref<2x1000x1xf32, #tpu.memory_space<vmem>>, vector<1x1000x1xf32>
    %get3A_8 = vector.shape_cast %get3A_7 : vector<1x1000x1xf32> to vector<1000x1xf32>
    %add3A = arith.addf %get3A_3, %get3A_8 : vector<1000x1xf32>
    %add3A_9 = arith.constant 1.000000e+00 : f32
    %add3A_10 = vector.broadcast %add3A_9 : f32 to vector<1000x1xf32>
    %add3A_11 = arith.addf %add3A, %add3A_10 : vector<1000x1xf32>
    %gt3A = arith.constant 0.000000e+00 : f32
    %gt3A_12 = vector.broadcast %gt3A : f32 to vector<1000x1xf32>
    %gt3A_13 = arith.cmpf ogt, %add3A_11, %gt3A_12 : vector<1000x1xf32>
    %rsqrt3A = math.rsqrt %add3A_11 : vector<1000x1xf32>
    %jit3A = arith.constant 0.000000e+00 : f32
    %broadcast_in_dim3A = vector.broadcast %jit3A : f32 to vector<1000x1xf32>
    %select_n3A = arith.select %gt3A_13, %rsqrt3A, %broadcast_in_dim3A : vector<1000x1xi1>, vector<1000x1xf32>
    %get3A_14 = arith.constant 0 : index
    %get3A_15 = arith.constant 0 : index
    %get3A_16 = vector.load %arg2[%get3A_14, %get3A_15] : memref<1000x128xf32, #tpu.memory_space<vmem>>, vector<1000x128xf32>
    %get3A_17 = arith.constant 0 : index
    %get3A_18 = arith.constant 0 : index
    %get3A_19 = vector.load %arg3[%get3A_17, %get3A_18] : memref<128x128xf32, #tpu.memory_space<vmem>>, vector<128x128xf32>
    %dot_general3A = arith.constant dense<0.000000e+00> : vector<1000x128xf32>
    %dot_general3A_20 = tpu.matmul %get3A_16, %get3A_19, %dot_general3A {dimension_numbers = #tpu.dot_dimension_numbers<[1], [0], [0], [1], [0, 0, 1, 1], [], []>, transpose_lhs_hint = false} : vector<1000x128xf32>, vector<128x128xf32>, vector<1000x128xf32> -> vector<1000x128xf32>
    %mul3A = vector.broadcast %select_n3A : vector<1000x1xf32> to vector<1000x128xf32>
    %mul3A_21 = arith.mulf %mul3A, %dot_general3A_20 : vector<1000x128xf32>
    %swap3A = arith.constant 0 : index
    %swap3A_22 = arith.constant 0 : index
    %swap3A_23 = vector.load %arg4[%swap3A, %swap3A_22] : memref<1000x128xf32, #tpu.memory_space<vmem>>, vector<1000x128xf32>
    tpu.vector_store %arg4[%swap3A, %swap3A_22], %mul3A_21 {strides = array<i32>} : memref<1000x128xf32, #tpu.memory_space<vmem>>, vector<1000x128xf32>,
    return
  }
  func.func @transform_0(%arg0: i32) -> (i32, i32, i32) {
    %c0_i32 = arith.constant 0 : i32
    %c0_i32_0 = arith.constant 0 : i32
    %c0_i32_1 = arith.constant 0 : i32
    return %c0_i32, %arg0, %c0_i32_0 : i32, i32, i32
  }
  func.func @transform_1(%arg0: i32) -> (i32, i32) {
    %c0_i32 = arith.constant 0 : i32
    %c0_i32_0 = arith.constant 0 : i32
    return %arg0, %c0_i32 : i32, i32
  }
  func.func @transform_2(%arg0: i32) -> (i32, i32) {
    %c0_i32 = arith.constant 0 : i32
    %c0_i32_0 = arith.constant 0 : i32
    %c0_i32_1 = arith.constant 0 : i32
    return %c0_i32, %c0_i32_0 : i32, i32
  }
  func.func @transform_3(%arg0: i32) -> (i32, i32) {
    %c0_i32 = arith.constant 0 : i32
    %c0_i32_0 = arith.constant 0 : i32
    return %arg0, %c0_i32 : i32, i32
  }
}

module attributes {stable_mosaic.version = 14 : i64} {
  func.func @_tc2_body(%arg0: i32, %arg1: memref<2x1000x1xf32, #tpu.memory_space<vmem>>, %arg2: memref<2x1000x128xf32, #tpu.memory_space<vmem>>, %arg3: memref<1000x128xf32, #tpu.memory_space<vmem>>, %arg4: memref<1x128xf32, #tpu.memory_space<vmem>>, %arg5: memref<128x128xf32, #tpu.memory_space<vmem>>, %arg6: memref<1000x128xf32, #tpu.memory_space<vmem>>) attributes {dimension_semantics = [#tpu.dimension_semantics<arbitrary>], iteration_bounds = array<i64: 10>, scalar_prefetch = 0 : i64, scratch_operands = 0 : i64, tpu.core_type = #tpu.core_type<tc>, window_params = [{transform_indices = @transform_0, window_bounds = array<i64: 2, 1000, 1>}, {transform_indices = @transform_1, window_bounds = array<i64: 2, 1000, 128>}, {transform_indices = @transform_2, window_bounds = array<i64: 1000, 128>}, {pipeline_mode = #tpu.pipeline_mode<synchronous>, transform_indices = @transform_3, window_bounds = array<i64: 1, 128>}, {pipeline_mode = #tpu.pipeline_mode<synchronous>, transform_indices = @transform_4, window_bounds = array<i64: 128, 128>}, {transform_indices = @transform_5, window_bounds = array<i64: 1000, 128>}]} {
    %get3A = arith.constant 0 : index
    %get3A_0 = arith.constant 0 : index
    %get3A_1 = arith.constant 0 : index
    %get3A_2 = vector.load %arg1[%get3A, %get3A_0, %get3A_1] : memref<2x1000x1xf32, #tpu.memory_space<vmem>>, vector<1x1000x1xf32>
    %get3A_3 = vector.shape_cast %get3A_2 : vector<1x1000x1xf32> to vector<1000x1xf32>
    %get3A_4 = arith.constant 1 : index
    %get3A_5 = arith.constant 0 : index
    %get3A_6 = arith.constant 0 : index
    %get3A_7 = vector.load %arg1[%get3A_4, %get3A_5, %get3A_6] : memref<2x1000x1xf32, #tpu.memory_space<vmem>>, vector<1x1000x1xf32>
    %get3A_8 = vector.shape_cast %get3A_7 : vector<1x1000x1xf32> to vector<1000x1xf32>
    %add3A = arith.addf %get3A_3, %get3A_8 : vector<1000x1xf32>
    %add3A_9 = arith.constant 1.000000e+00 : f32
    %add3A_10 = vector.broadcast %add3A_9 : f32 to vector<1000x1xf32>
    %add3A_11 = arith.addf %add3A, %add3A_10 : vector<1000x1xf32>
    %gt3A = arith.constant 0.000000e+00 : f32
    %gt3A_12 = vector.broadcast %gt3A : f32 to vector<1000x1xf32>
    %gt3A_13 = arith.cmpf ogt, %add3A_11, %gt3A_12 : vector<1000x1xf32>
    %rsqrt3A = math.rsqrt %add3A_11 : vector<1000x1xf32>
    %jit3A = arith.constant 0.000000e+00 : f32
    %broadcast_in_dim3A = vector.broadcast %jit3A : f32 to vector<1000x1xf32>
    %select_n3A = arith.select %gt3A_13, %rsqrt3A, %broadcast_in_dim3A : vector<1000x1xi1>, vector<1000x1xf32>
    %get3A_14 = arith.constant 0 : index
    %get3A_15 = arith.constant 0 : index
    %get3A_16 = arith.constant 0 : index
    %get3A_17 = vector.load %arg2[%get3A_14, %get3A_15, %get3A_16] : memref<2x1000x128xf32, #tpu.memory_space<vmem>>, vector<2x1000x128xf32>
    %slice3A = vector.extract_strided_slice %get3A_17 {offsets = [0, 0, 0], sizes = [1, 1000, 128], strides = [1, 1, 1]} : vector<2x1000x128xf32> to vector<1x1000x128xf32>
    %squeeze3A = vector.shape_cast %slice3A : vector<1x1000x128xf32> to vector<1000x128xf32>
    %slice3A_18 = vector.extract_strided_slice %get3A_17 {offsets = [1, 0, 0], sizes = [1, 1000, 128], strides = [1, 1, 1]} : vector<2x1000x128xf32> to vector<1x1000x128xf32>
    %squeeze3A_19 = vector.shape_cast %slice3A_18 : vector<1x1000x128xf32> to vector<1000x128xf32>
    %add3A_20 = arith.addf %squeeze3A, %squeeze3A_19 : vector<1000x128xf32>
    %get3A_21 = arith.constant 0 : index
    %get3A_22 = arith.constant 0 : index
    %get3A_23 = vector.load %arg3[%get3A_21, %get3A_22] : memref<1000x128xf32, #tpu.memory_space<vmem>>, vector<1000x128xf32>
    %add3A_24 = arith.addf %add3A_20, %get3A_23 : vector<1000x128xf32>
    %mul3A = vector.broadcast %select_n3A : vector<1000x1xf32> to vector<1000x128xf32>
    %mul3A_25 = arith.mulf %mul3A, %add3A_24 : vector<1000x128xf32>
    %get3A_26 = arith.constant 0 : index
    %get3A_27 = arith.constant 0 : index
    %get3A_28 = vector.load %arg4[%get3A_26, %get3A_27] : memref<1x128xf32, #tpu.memory_space<vmem>>, vector<1x128xf32>
    %add3A_29 = vector.broadcast %get3A_28 : vector<1x128xf32> to vector<1000x128xf32>
    %add3A_30 = arith.addf %mul3A_25, %add3A_29 : vector<1000x128xf32>
    %max3A = arith.constant 0.000000e+00 : f32
    %max3A_31 = vector.broadcast %max3A : f32 to vector<1000x128xf32>
    %max3A_32 = arith.maximumf %add3A_30, %max3A_31 : vector<1000x128xf32>
    %get3A_33 = arith.constant 0 : index
    %get3A_34 = arith.constant 0 : index
    %get3A_35 = vector.load %arg5[%get3A_33, %get3A_34] : memref<128x128xf32, #tpu.memory_space<vmem>>, vector<128x128xf32>
    %dot_general3A = arith.constant dense<0.000000e+00> : vector<1000x128xf32>
    %dot_general3A_36 = tpu.matmul %max3A_32, %get3A_35, %dot_general3A {dimension_numbers = #tpu.dot_dimension_numbers<[1], [0], [0], [1], [0, 0, 1, 1], [], []>, transpose_lhs_hint = false} : vector<1000x128xf32>, vector<128x128xf32>, vector<1000x128xf32> -> vector<1000x128xf32>
    %mul3A_37 = vector.broadcast %select_n3A : vector<1000x1xf32> to vector<1000x128xf32>
    %mul3A_38 = arith.mulf %mul3A_37, %dot_general3A_36 : vector<1000x128xf32>
    %swap3A = arith.constant 0 : index
    %swap3A_39 = arith.constant 0 : index
    %swap3A_40 = vector.load %arg6[%swap3A, %swap3A_39] : memref<1000x128xf32, #tpu.memory_space<vmem>>, vector<1000x128xf32>
    tpu.vector_store %arg6[%swap3A, %swap3A_39], %mul3A_38 {strides = array<i32>} : memref<1000x128xf32, #tpu.memory_space<vmem>>, vector<1000x128xf32>,
    return
  }
  func.func @transform_0(%arg0: i32) -> (i32, i32, i32) {
    %c0_i32 = arith.constant 0 : i32
    %c0_i32_0 = arith.constant 0 : i32
    %c0_i32_1 = arith.constant 0 : i32
    return %c0_i32, %arg0, %c0_i32_0 : i32, i32, i32
  }
  func.func @transform_1(%arg0: i32) -> (i32, i32, i32) {
    %c0_i32 = arith.constant 0 : i32
    %c0_i32_0 = arith.constant 0 : i32
    %c0_i32_1 = arith.constant 0 : i32
    return %c0_i32, %arg0, %c0_i32_0 : i32, i32, i32
  }
  func.func @transform_2(%arg0: i32) -> (i32, i32) {
    %c0_i32 = arith.constant 0 : i32
    %c0_i32_0 = arith.constant 0 : i32
    return %arg0, %c0_i32 : i32, i32
  }
  func.func @transform_3(%arg0: i32) -> (i32, i32) {
    %c0_i32 = arith.constant 0 : i32
    %c0_i32_0 = arith.constant 0 : i32
    %c0_i32_1 = arith.constant 0 : i32
    return %c0_i32, %c0_i32_0 : i32, i32
  }
  func.func @transform_4(%arg0: i32) -> (i32, i32) {
    %c0_i32 = arith.constant 0 : i32
    %c0_i32_0 = arith.constant 0 : i32
    %c0_i32_1 = arith.constant 0 : i32
    return %c0_i32, %c0_i32_0 : i32, i32
  }
  func.func @transform_5(%arg0: i32) -> (i32, i32) {
    %c0_i32 = arith.constant 0 : i32
    %c0_i32_0 = arith.constant 0 : i32
    return %arg0, %c0_i32 : i32, i32
  }
}

module attributes {stable_mosaic.version = 14 : i64} {
  func.func @_tc3_body(%arg0: i32, %arg1: memref<2x1000x1xf32, #tpu.memory_space<vmem>>, %arg2: memref<2x1000x128xf32, #tpu.memory_space<vmem>>, %arg3: memref<1000x128xf32, #tpu.memory_space<vmem>>, %arg4: memref<1x128xf32, #tpu.memory_space<vmem>>, %arg5: memref<1000x128xf32, #tpu.memory_space<vmem>>) attributes {dimension_semantics = [#tpu.dimension_semantics<arbitrary>], iteration_bounds = array<i64: 10>, scalar_prefetch = 0 : i64, scratch_operands = 0 : i64, tpu.core_type = #tpu.core_type<tc>, window_params = [{transform_indices = @transform_0, window_bounds = array<i64: 2, 1000, 1>}, {transform_indices = @transform_1, window_bounds = array<i64: 2, 1000, 128>}, {transform_indices = @transform_2, window_bounds = array<i64: 1000, 128>}, {pipeline_mode = #tpu.pipeline_mode<synchronous>, transform_indices = @transform_3, window_bounds = array<i64: 1, 128>}, {transform_indices = @transform_4, window_bounds = array<i64: 1000, 128>}]} {
    %get3A = arith.constant 0 : index
    %get3A_0 = arith.constant 0 : index
    %get3A_1 = arith.constant 0 : index
    %get3A_2 = vector.load %arg1[%get3A, %get3A_0, %get3A_1] : memref<2x1000x1xf32, #tpu.memory_space<vmem>>, vector<1x1000x1xf32>
    %get3A_3 = vector.shape_cast %get3A_2 : vector<1x1000x1xf32> to vector<1000x1xf32>
    %get3A_4 = arith.constant 1 : index
    %get3A_5 = arith.constant 0 : index
    %get3A_6 = arith.constant 0 : index
    %get3A_7 = vector.load %arg1[%get3A_4, %get3A_5, %get3A_6] : memref<2x1000x1xf32, #tpu.memory_space<vmem>>, vector<1x1000x1xf32>
    %get3A_8 = vector.shape_cast %get3A_7 : vector<1x1000x1xf32> to vector<1000x1xf32>
    %add3A = arith.addf %get3A_3, %get3A_8 : vector<1000x1xf32>
    %add3A_9 = arith.constant 1.000000e+00 : f32
    %add3A_10 = vector.broadcast %add3A_9 : f32 to vector<1000x1xf32>
    %add3A_11 = arith.addf %add3A, %add3A_10 : vector<1000x1xf32>
    %gt3A = arith.constant 0.000000e+00 : f32
    %gt3A_12 = vector.broadcast %gt3A : f32 to vector<1000x1xf32>
    %gt3A_13 = arith.cmpf ogt, %add3A_11, %gt3A_12 : vector<1000x1xf32>
    %rsqrt3A = math.rsqrt %add3A_11 : vector<1000x1xf32>
    %jit3A = arith.constant 0.000000e+00 : f32
    %broadcast_in_dim3A = vector.broadcast %jit3A : f32 to vector<1000x1xf32>
    %select_n3A = arith.select %gt3A_13, %rsqrt3A, %broadcast_in_dim3A : vector<1000x1xi1>, vector<1000x1xf32>
    %get3A_14 = arith.constant 0 : index
    %get3A_15 = arith.constant 0 : index
    %get3A_16 = arith.constant 0 : index
    %get3A_17 = vector.load %arg2[%get3A_14, %get3A_15, %get3A_16] : memref<2x1000x128xf32, #tpu.memory_space<vmem>>, vector<2x1000x128xf32>
    %slice3A = vector.extract_strided_slice %get3A_17 {offsets = [0, 0, 0], sizes = [1, 1000, 128], strides = [1, 1, 1]} : vector<2x1000x128xf32> to vector<1x1000x128xf32>
    %squeeze3A = vector.shape_cast %slice3A : vector<1x1000x128xf32> to vector<1000x128xf32>
    %slice3A_18 = vector.extract_strided_slice %get3A_17 {offsets = [1, 0, 0], sizes = [1, 1000, 128], strides = [1, 1, 1]} : vector<2x1000x128xf32> to vector<1x1000x128xf32>
    %squeeze3A_19 = vector.shape_cast %slice3A_18 : vector<1x1000x128xf32> to vector<1000x128xf32>
    %add3A_20 = arith.addf %squeeze3A, %squeeze3A_19 : vector<1000x128xf32>
    %get3A_21 = arith.constant 0 : index
    %get3A_22 = arith.constant 0 : index
    %get3A_23 = vector.load %arg3[%get3A_21, %get3A_22] : memref<1000x128xf32, #tpu.memory_space<vmem>>, vector<1000x128xf32>
    %add3A_24 = arith.addf %add3A_20, %get3A_23 : vector<1000x128xf32>
    %mul3A = vector.broadcast %select_n3A : vector<1000x1xf32> to vector<1000x128xf32>
    %mul3A_25 = arith.mulf %mul3A, %add3A_24 : vector<1000x128xf32>
    %get3A_26 = arith.constant 0 : index
    %get3A_27 = arith.constant 0 : index
    %get3A_28 = vector.load %arg4[%get3A_26, %get3A_27] : memref<1x128xf32, #tpu.memory_space<vmem>>, vector<1x128xf32>
    %add3A_29 = vector.broadcast %get3A_28 : vector<1x128xf32> to vector<1000x128xf32>
    %add3A_30 = arith.addf %mul3A_25, %add3A_29 : vector<1000x128xf32>
    %swap3A = arith.constant 0 : index
    %swap3A_31 = arith.constant 0 : index
    %swap3A_32 = vector.load %arg5[%swap3A, %swap3A_31] : memref<1000x128xf32, #tpu.memory_space<vmem>>, vector<1000x128xf32>
    tpu.vector_store %arg5[%swap3A, %swap3A_31], %add3A_30 {strides = array<i32>} : memref<1000x128xf32, #tpu.memory_space<vmem>>, vector<1000x128xf32>,
    return
  }
  func.func @transform_0(%arg0: i32) -> (i32, i32, i32) {
    %c0_i32 = arith.constant 0 : i32
    %c0_i32_0 = arith.constant 0 : i32
    %c0_i32_1 = arith.constant 0 : i32
    return %c0_i32, %arg0, %c0_i32_0 : i32, i32, i32
  }
  func.func @transform_1(%arg0: i32) -> (i32, i32, i32) {
    %c0_i32 = arith.constant 0 : i32
    %c0_i32_0 = arith.constant 0 : i32
    %c0_i32_1 = arith.constant 0 : i32
    return %c0_i32, %arg0, %c0_i32_0 : i32, i32, i32
  }
  func.func @transform_2(%arg0: i32) -> (i32, i32) {
    %c0_i32 = arith.constant 0 : i32
    %c0_i32_0 = arith.constant 0 : i32
    return %arg0, %c0_i32 : i32, i32
  }
  func.func @transform_3(%arg0: i32) -> (i32, i32) {
    %c0_i32 = arith.constant 0 : i32
    %c0_i32_0 = arith.constant 0 : i32
    %c0_i32_1 = arith.constant 0 : i32
    return %c0_i32, %c0_i32_0 : i32, i32
  }
  func.func @transform_4(%arg0: i32) -> (i32, i32) {
    %c0_i32 = arith.constant 0 : i32
    %c0_i32_0 = arith.constant 0 : i32
    return %arg0, %c0_i32 : i32, i32
  }
}

</mosaic_0001>

<sc_bundles>
// kernel: kernel.11.cloned.1.call-start
scs
__scs_entry_jumppad:
0x0: {  	(pc) =	sbr.rel $0x88, $3  }
0x1: {  	(tag) =	ssettag $0x0;
	lr =	simm.s32 $0x1  }
0x2: {  	[smem:$0x3F9B] =	sst lr;
	_ =	strace $0xD0000000  }
0x3: {  	_ = 	snop  }
0x4: {  	_ = 	snop  }
0x5: {  	_ = 	snop  }
0x6: {  	_ = 	snop  }
0x7: {  	_ = 	snop  }
__scs_overlays_trampoline_lowered:
0x8: {  	[smem:$0x3FAA] =	sst s0  }
0x9: {  	[smem:$0x3FAB] =	sst s1  }
0xa: {  	[smem:$0x3FAC] =	sst s2  }
0xb: {  	[smem:$0x3FAD] =	sst s3  }
0xc: {  	[smem:$0x3FAE] =	sst s4  }
0xd: {  	[smem:$0x3FAF] =	sst s5  }
0xe: {  	[smem:$0x3FB0] =	sst s6  }
0xf: {  	[smem:$0x3FB1] =	sst s7  }
0x10: {  	[smem:$0x3FB2] =	sst s8  }
0x11: {  	[smem:$0x3FB3] =	sst s9;
	s0 =	simm.s32 @!p0 $0x0  }
0x12: {  	s1 =	sld [smem:$0x3F99];
	s0 =	simm.s32 @p0 $0x1  }
0x13: {  	[smem:$0x3FB4] =	sst s0;
	s0 =	simm.s32 @!p1 $0x0  }
0x14: {  	s2 =	sld [smem:$0x3F98];
	s0 =	simm.s32 @p1 $0x1  }
0x15: {  	[smem:$0x3FB5] =	sst s0;
	s0 =	simm.s32 @!p2 $0x0  }
0x16: {  	s3 =	sld [smem:$0x3FDB];
	s0 =	simm.s32 @p2 $0x1  }
0x17: {  	s4 =	simm.s32 $0x1BF5;
	[smem:$0x3FB7] =	sst s0  }
0x18: {  	s0 =	sld [smem:$0x3F9A];
	_ =	swait.ge [sflag:s4], $0x0  }
0x19: {  	s7 =	sld [smem:$0x3F9B]  }
0x1a: {  	s8 =	sadd.s32 $0xFFFFE003, lr  }
0x1b: {  	s9 =	sadd.s32 $0xFFFFFEF7, lr;
	s5 =	simm.s32 $0xFFFFFFFF;
	p2 =	slt.u32 s8, $0xFFFFF086  }
0x1c: {  	p1 =	slt.u32 s9, $0xF7A;
	s5 =	simm.s32 @!p2 $0x0  }
0x1d: {  	s5 =	simm.s32 @p1 $0x1;
	p0 =	seq.s32 s7, s2  }
0x1e: {  	s7 =	smul.u32 @!p0 $0xF7A, s2;
	p2 =	seq.s32 @!p0 s5, $0x0  }
0x1f: {  	s9 =	smul.u32 $0xF7A, s1;
	s8 =	simm.s32 @!p0 $0x1BF5;
	p2 =	por !p2, p0  }
0x20: {  	[sflag:s8] =	ssyncset.s32 @!p0 $0xFFFFF086;
	s6 =	sadd.s32 @!p0 s3, s7;
	s7 =	simm.s32 @!p0 $0x108  }
0x21: {  	s3 =	sadd.s32 s3, s9;
	s6 =	sadd.s32 @!p0 $0x88, s6;
	s7 =	simm.s32 @p2 $0x1082  }
0x22: {  	[simem:s7], [sflag:s8] =	dma.local @!p0 [hbm:s6], $0xF7A  }
0x23: {  	s9 =	sor.u32 $0xD0000000, s2;
	s6 =	simm.s32 $0x108;
	_ =	swait.ge @!p0 [sflag:s8], $0x0  }
0x24: {  	s3 =	sadd.s32 $0x88, s3;
	s6 =	simm.s32 @!p1 $0x1082;
	[sflag:s4] =	ssyncset.s32 $0xFFFFF086  }
0x25: {  	[simem:s6], [sflag:s4] =	dma.local [hbm:s3], $0xF7A  }
0x26: {  	[smem:$0x3F9B] =	sst s1;
	(tag) =	ssettag s2;
	_ =	strace s9  }
0x27: {  	s1 =	sld [smem:$0x3FAB]  }
0x28: {  	s2 =	sld [smem:$0x3FAC]  }
0x29: {  	s4 =	sld [smem:$0x3FAE]  }
0x2a: {  	p0 =	seq.s32 s5, $0x0;
	s5 =	sld [smem:$0x3FAF]  }
0x2b: {  	s6 =	sld [smem:$0x3FB0]  }
0x2c: {  	s7 =	sld [smem:$0x3FB1]  }
0x2d: {  	s3 =	simm.s32 $0x108;
	s8 =	sld [smem:$0x3FB2]  }
0x2e: {  	s3 =	simm.s32 @!p0 $0x1082;
	s9 =	sld [smem:$0x3FB3]  }
0x2f: {  	lr =	sadd.s32 s0, s3;
	s0 =	sld [smem:$0x3FAA]  }
0x30: {  	s3 =	sld [smem:$0x3FAD]  }
0x31: {  	[smem:$0x3FB6] =	sst s10  }
0x32: {  	s10 =	sld [smem:$0x3FB4];
	_ =	sdelay $0x3  }
0x33: {  	p0 =	seq.s32 s10, $0x1;
	s10 =	sld [smem:$0x3FB6];
	_ =	sdelay $0x3  }
0x34: {  	[smem:$0x3FB6] =	sst s10  }
0x35: {  	s10 =	sld [smem:$0x3FB5];
	_ =	sdelay $0x3  }
0x36: {  	p1 =	seq.s32 s10, $0x1;
	s10 =	sld [smem:$0x3FB6];
	_ =	sdelay $0x3  }
0x37: {  	[smem:$0x3FB6] =	sst s10  }
0x38: {  	s10 =	sld [smem:$0x3FB7]  }
0x39: {  	_ = 	snop;
	(pc) =	sbr.ind lr, $3  }
0x3a: {  	_ = 	snop  }
0x3b: {  	_ = 	snop  }
0x3c: {  	p2 =	seq.s32 s10, $0x1;
	s10 =	sld [smem:$0x3FB6]  }
0x3d: {  	_ =	shalt  }
0x3e: {  	_ =	shalt  }
0x3f: {  	_ =	shalt  }
0x40: {  	_ =	shalt  }
0x41: {  	_ =	shalt  }
0x42: {  	_ =	shalt  }
0x43: {  	_ =	shalt  }
0x44: {  	_ =	shalt  }
0x45: {  	_ =	shalt  }
0x46: {  	_ =	shalt  }
0x47: {  	_ =	shalt  }
0x48: {  	_ =	shalt  }
0x49: {  	_ =	shalt  }
0x4a: {  	_ =	shalt  }
0x4b: {  	_ =	shalt  }
0x4c: {  	_ =	shalt  }
0x4d: {  	_ =	shalt  }
0x4e: {  	_ =	shalt  }
0x4f: {  	_ =	shalt  }
0x50: {  	_ =	shalt  }
0x51: {  	_ =	shalt  }
0x52: {  	_ =	shalt  }
0x53: {  	_ =	shalt  }
0x54: {  	_ =	shalt  }
0x55: {  	_ =	shalt  }
0x56: {  	_ =	shalt  }
0x57: {  	_ =	shalt  }
0x58: {  	_ =	shalt  }
0x59: {  	_ =	shalt  }
0x5a: {  	_ =	shalt  }
0x5b: {  	_ =	shalt  }
0x5c: {  	_ =	shalt  }
0x5d: {  	_ =	shalt  }
0x5e: {  	_ =	shalt  }
0x5f: {  	_ =	shalt  }
0x60: {  	_ =	shalt  }
0x61: {  	_ =	shalt  }
0x62: {  	_ =	shalt  }
0x63: {  	_ =	shalt  }
0x64: {  	_ =	shalt  }
0x65: {  	_ =	shalt  }
0x66: {  	_ =	shalt  }
0x67: {  	_ =	shalt  }
0x68: {  	_ =	shalt  }
0x69: {  	_ =	shalt  }
0x6a: {  	_ =	shalt  }
0x6b: {  	_ =	shalt  }
0x6c: {  	_ =	shalt  }
0x6d: {  	_ =	shalt  }
0x6e: {  	_ =	shalt  }
0x6f: {  	_ =	shalt  }
0x70: {  	_ =	shalt  }
0x71: {  	_ =	shalt  }
0x72: {  	_ =	shalt  }
0x73: {  	_ =	shalt  }
0x74: {  	_ =	shalt  }
0x75: {  	_ =	shalt  }
0x76: {  	_ =	shalt  }
0x77: {  	_ =	shalt  }
0x78: {  	_ =	shalt  }
0x79: {  	_ =	shalt  }
0x7a: {  	_ =	shalt  }
0x7b: {  	_ =	shalt  }
0x7c: {  	_ =	shalt  }
0x7d: {  	_ =	shalt  }
0x7e: {  	_ =	shalt  }
0x7f: {  	_ =	shalt  }
0x80: {  	_ =	shalt  }
0x81: {  	_ =	shalt  }
0x82: {  	_ =	shalt  }
0x83: {  	_ =	shalt  }
0x84: {  	_ =	shalt  }
0x85: {  	_ =	shalt  }
0x86: {  	_ =	shalt  }
0x87: {  	_ =	shalt  }
.Lfunc_end0:
.L_simem_size_0:
called_computation.1_lowered:
.L_overlay_start_0:
0x88: {  	s2 =	sld [smem:$0x3FD9]  }
0x89: {  	s3 =	sld [smem:$0x3FFE];
	_ =	sdelay $0x1  }
0x8a: {  	s1 =	srdreg.scid  }
0x8b: {  	s0 =	sand.u32 $0x1, s1  }
0x8c: {  	s17 =	sshll.u32 s0, $0xA;
	s2 =	sadd.s32 s3, s2  }
0x8d: {  	s2 =	sadd.s32 s2, s17  }
0x8e: {  	[smem:$0x3FC2] =	sst s2  }
0x8f: {  	_ = 	snop  }
0x90: {  	s2 =	sld [smem:$0x3FD0];
	(tm) =	ssettm $0x1  }
0x91: {  	s18 =	sld [smem:$0x3FFB];
	_ =	sdelay $0x3  }
0x92: {  	_ =	strace s18  }
0x93: {  	s3 =	sld [smem:$0x3FFC];
	_ =	sdelay $0x3  }
0x94: {  	_ =	strace s3  }
0x95: {  	s3 =	sld [smem:$0x3FFD];
	_ =	sdelay $0x3  }
0x96: {  	_ =	strace s3  }
0x97: {  	_ =	strace $0x8FFFFFFF  }
0x98: {  	s19 =	sld [smem:$0x3FDB];
	_ =	sdelay $0x1  }
0x99: {  	s4 =	simm.s32 $_scs_section_size  }
0x9a: {  	s5 =	simm.s32 $_size__tile_overlayer_lowered;
	s6 =	simm.s32 $_tile_overlayer_lowered  }
0x9b: {  	s22 =	simm.s32 $0x1BFF;
	s21 =	sshll.u32 s6, $0x1;
	s3 =	sadd.s32 s4, s19  }
0x9c: {  	s7 =	simm.s32 $0x0;
	s20 =	sshll.u32 s5, $0x1;
	s5 =	sadd.s32 s21, s3  }
0x9d: {  	[timem:s7], [sflag:s22] =	dma.local [hbm:s5], s20  }
0x9e: {  	_ =	swait.ge [sflag:s22], s20  }
0x9f: {  	s4 =	ssub.s32 $0x0, s20;
	[sflag:s22] =	ssyncset.done $0x0  }
0xa0: {  	[sflag:s22] =	ssyncadd.s32 s4;
	_ =	sdelay $0x1  }
0xa1: {  	s23 =	simm.s32 $0x1B8B  }
0xa2: {  	_ =	swait.ge [sflag:s23], $0x1  }
0xa3: {  	[sflag:s23] =	ssyncset.done $0x0  }
0xa4: {  	s25 =	simm.s32 $0x1B8E;
	s24 =	sld [smem:$0x3FFE];
	[sflag:s23] =	ssyncadd.s32 $0xFFFFFFFF  }
0xa5: {  	s26 =	simm.s32 $execute0_lowered;
	[smem:$0x3FD2] =	sst s25  }
0xa6: {  	s5 =	sshll.u32 s26, $0x1;
	_ =	strace $0x80000049;
	[dreg:$0x1] =	wrdreg $0xFFFFFFFF  }
0xa7: {  	s28 =	simm.s32 $_size_execute0_lowered;
	s3 =	sadd.s32 s3, s5;
	[dreg:$0x0] =	wrdreg $0x0  }
0xa8: {  	s5 =	sshll.u32 s28, $0x1;
	[dreg:$0x2] =	wrdreg s3  }
0xa9: {  	[dreg:$0x3] =	wrdreg s5  }
0xaa: {  	[dreg:$0x4] =	wrdreg $0xC0  }
0xab: {  	_ =	task [dreg:s7], $0x5FFFF  }
0xac: {  	[dreg:$0x1] =	wrdreg $0xFFFFFFFF  }
0xad: {  	[dreg:$0x0] =	wrdreg $0x60  }
0xae: {  	[dreg:$0x2] =	wrdreg s2  }
0xaf: {  	[dreg:$0x3] =	wrdreg s24  }
0xb0: {  	[dreg:$0x4] =	wrdreg $0xA8000  }
0xb1: {  	[dreg:$0x5] =	wrdreg $0x9  }
0xb2: {  	_ =	task.clear_ibuf [dreg:s7], $0x6FFFF;
	_ =	strace $0x90000049  }
0xb3: {  	s29 =	simm.s32 $0x9;
	_ =	strace $0x8000004B  }
0xb4: {  	_ =	swait.ge [sflag:s29], $0x1  }
0xb5: {  	[sflag:s29] =	ssyncadd.s32 $0xFFFFFFFF  }
0xb6: {  	_ =	strace $0x9000004B  }
0xb7: {  	_ =	sfence  }
0xb8: {  	s30 =	sld [smem:$0x0];
	_ =	sdelay $0x2  }
0xb9: {  	s31 =	sshll.u32 s1, $0xD;
	s1 =	sshrl.u32 s1, $0x2  }
0xba: {  	s3 =	sand.u32 $0x4000, s31;
	s1 =	sadd.s32 s1, s30  }
0xbb: {  	s0 =	sor.u32 s3, s0;
	s1 =	sshll.u32 s1, $0x11  }
0xbc: {  	s0 =	sor.u32 s1, s0  }
0xbd: {  	s0 =	sadd.s32 $0x8F2B, s0  }
0xbe: {  	[sflag:s0] =	ssyncadd.remote.s32 $0x1  }
0xbf: {  	_ =	sfence.sel $0xFFFF  }
0xc0: {  	[dreg:$0x0] =	wrdreg $0xFFFFFFFF;
	(pc) =	sbr.abs _section_cstart, $3  }
0xc1: {  	[dreg:$0x1] =	wrdreg $0xFFFFFFFF  }
0xc2: {  	_ =	task.clear_ibuf [dreg:s7], $0x2FFFF;
	_ =	strace $0x9FFFFFFF  }
0xc3: {  	(tm) =	ssettm $0x7FFFFFFF  }
tec
execute0_lowered:
.L_overlay_start_1:
0x0: {  	(tag) =	ssettag $0x1  }
0x1: {  	s1 =	srdreg.scid;
	s2 =	rddreg [dreg:$0x1]  }
0x2: {  	s0 =	simm.s32 $0x0;
	s17 =	stileid.u32;
	s30 =	simm.s32 $0x7  }
0x3: {  	s31 =	simm.s32 $0x1800;
	s1 =	sand.u32 $0x1, s1;
	[smem:$0x7FF] =	sst s0  }
0x4: {  	s3 =	sadd.s32 $0x62800, s2;
	s5 =	sadd.s32 $0x2200, s2;
	s7 =	sshll.u32 s17, $0xC  }
0x5: {  	s9 =	smul.u32 $0x14000, s17;
	s10 =	sadd.s32 $0x12800, s2;
	s2 =	sadd.s32 $0x12200, s2  }
0x6: {  	s4 =	ssub.s32 $0x2, s1;
	s8 =	sshll.u32 s1, $0xB;
	s1 =	smul.u32 $0x140000, s1  }
0x7: {  	s6 =	sshrl.u32 s4, $0x1;
	s25 =	sor.u32 s8, s7;
	s8 =	sadd.s32 $0x5000, s9  }
0x8: {  	s11 =	sadd.s32 $0x7800, s9;
	s12 =	sadd.s32 $0xA000, s9;
	s13 =	sadd.s32 $0xC800, s9  }
0x9: {  	s15 =	sadd.s32 $0xF000, s9;
	s16 =	sadd.s32 $0x11800, s9;
	s4 =	ssub.s32 s4, s6  }
0xa: {  	s7 =	sadd.s32 s3, s25;
	s26 =	sadd.s32 s5, s25;
	s14 =	sor.u32 $0x300, s25  }
0xb: {  	s6 =	sor.u32 $0x600, s25;
	s25 =	smul.u32 $0x50000, s17;
	s17 =	rddreg [dreg:$0x2]  }
0xc: {  	s20 =	sadd.s32 s1, s12;
	s21 =	sadd.s32 s1, s13;
	[dreg:$0x4] =	wrdreg s7  }
0xd: {  	s22 =	sadd.s32 s1, s15;
	[dreg:$0x5] =	wrdreg s26;
	s18 =	sadd.s32 s3, s14  }
0xe: {  	s7 =	sor.u32 $0x2800, s9;
	s14 =	sadd.s32 s5, s14;
	[dreg:$0x6] =	wrdreg s18  }
0xf: {  	s9 =	sadd.s32 s9, s1;
	s3 =	sadd.s32 s3, s6;
	[dreg:$0x7] =	wrdreg s14  }
0x10: {  	s29 =	sadd.s32 s5, s6;
	s24 =	sshrl.u32 s22, $0x3;
	[dreg:$0x8] =	wrdreg s3  }
0x11: {  	s22 =	sadd.s32 s8, s17;
	s28 =	sadd.s32 s16, s17;
	[dreg:$0x9] =	wrdreg s29  }
0x12: {  	s5 =	sshrl.u32 s9, $0x3;
	s6 =	sadd.s32 s1, s7;
	s9 =	sadd.s32 s1, s8  }
0x13: {  	s14 =	sadd.s32 s1, s11;
	s1 =	sadd.s32 s1, s16;
	s26 =	sshrl.u32 s25, $0x2  }
0x14: {  	s25 =	sadd.s32 s13, s17;
	s29 =	smax.u32 s4, $0x1;
	s4 =	simm.s32 $0x5800  }
0x15: {  	s8 =	simm.s32 $0x2;
	s13 =	simm.s32 $0x2F00;
	s16 =	simm.s32 $0x2F80  }
0x16: {  	s3 =	sadd.s32 s10, s5;
	s5 =	sshrl.u32 s9, $0x3;
	s19 =	sshrl.u32 s14, $0x3  }
0x17: {  	s14 =	rddreg [dreg:$0x0];
	s1 =	sshrl.u32 s1, $0x3;
	s9 =	simm.s32 $0x3  }
0x18: {  	[dreg:$0xa] =	wrdreg s3;
	s3 =	sshrl.u32 s6, $0x3;
	s18 =	sadd.s32 s10, s5  }
0x19: {  	s5 =	sshrl.u32 s21, $0x3;
	s1 =	sadd.s32 s10, s1;
	s21 =	sadd.s32 s7, s17  }
0x1a: {  	s6 =	simm.s32 $0x8000;
	s7 =	simm.s32 $0x1;
	[dreg:$0xc] =	wrdreg s18  }
0x1b: {  	s3 =	sadd.s32 s10, s3;
	s23 =	sadd.s32 s10, s5;
	[dreg:$0x11] =	wrdreg s1  }
0x1c: {  	s1 =	simm.s32 $0x4;
	s5 =	simm.s32 $0x100;
	[dreg:$0xb] =	wrdreg s3  }
0x1d: {  	s18 =	simm.s32 $0x0;
	s3 =	sadd.s32 s10, s19;
	[dreg:$0xf] =	wrdreg s23  }
0x1e: {  	s23 =	sadd.s32 s11, s17;
	[dreg:$0xd] =	wrdreg s3;
	s3 =	sshrl.u32 s20, $0x3  }
0x1f: {  	s11 =	simm.s32 $0x6;
	s20 =	sadd.s32 s26, s17;
	s3 =	sadd.s32 s10, s3  }
0x20: {  	s26 =	sadd.s32 s15, s17;
	[dreg:$0xe] =	wrdreg s3;
	s3 =	sadd.s32 s10, s24  }
0x21: {  	s15 =	simm.s32 $0x3000;
	s24 =	sadd.s32 s12, s17;
	[dreg:$0x10] =	wrdreg s3  }
0x22: {  	s10 =	simm.s32 $0x5;
	_ =	strace $0x8000004A;
	[dreg:$0x12] =	wrdreg s2  }
0x23: {  	s3 =	simm.s32 $0x80;
	[dreg:$0x13] =	wrdreg s29;
	s2 =	simm.s32 $0x50  }
.LBB2_1:
0x24: {  	s12 =	rddreg [dreg:$0x4]  }
0x25: {  	[tilespmem:s0], [sflag:$0x7] =	stream.linear.gather [hbm4b:s12+s0], $0x1800, $0x38;
	[tilespmem:$0x1E800] =	vst v63  }
0x26: {  	_ =	swait.ge [sflag:s30], $0x1800  }
0x27: {  	[sflag:s30] =	ssyncset.done $0x0  }
0x28: {  	s19 =	rddreg [dreg:$0x5];
	[sflag:s30] =	ssyncadd.s32 $0xFFFFE800  }
0x29: {  	[tilespmem:s31], [sflag:$0x7] =	stream.linear.gather [hbm4b:s19+s0], $0x1800, $0x38;
	[tilespmem:$0x1E800] =	vst v63  }
0x2a: {  	_ =	swait.ge [sflag:s30], $0x1800  }
0x2b: {  	[sflag:s30] =	ssyncset.done $0x0  }
0x2c: {  	s19 =	rddreg [dreg:$0x12];
	[sflag:s30] =	ssyncadd.s32 $0xFFFFE800  }
0x2d: {  	[tilespmem:s15], [sflag:$0x7] =	stream.linear.gather [hbm4b:s19+s0], $0x2800, $0x38;
	[tilespmem:$0x1E800] =	vst v63  }
0x2e: {  	_ =	swait.ge [sflag:s30], $0x2800  }
0x2f: {  	[sflag:s30] =	ssyncset.done $0x0  }
0x30: {  	[sflag:s30] =	ssyncadd.s32 $0xFFFFD800  }
0x31: {  	[spmem:s20] =	stream.linear.scatter [tilespmem:s15], [sflag:$0x4], $0x2800, $0x38;
	[tilespmem:$0x1E800] =	vst v63  }
0x32: {  	_ = 	snop  }
0x33: {  	[spmem:s21] =	stream.linear.scatter [tilespmem:s15], [sflag:$0x4], $0x2800, $0x38;
	[tilespmem:$0x1E800] =	vst v63  }
0x34: {  	_ = 	snop  }
0x35: {  	[spmem:s22] =	stream.linear.scatter [tilespmem:s15], [sflag:$0x4], $0x2800, $0x38;
	[tilespmem:$0x1E800] =	vst v63  }
0x36: {  	_ = 	snop  }
0x37: {  	[spmem:s23] =	stream.linear.scatter [tilespmem:s15], [sflag:$0x4], $0x2800, $0x38;
	[tilespmem:$0x1E800] =	vst v63  }
0x38: {  	_ = 	snop  }
0x39: {  	[spmem:s24] =	stream.linear.scatter [tilespmem:s15], [sflag:$0x4], $0x2800, $0x38;
	[tilespmem:$0x1E800] =	vst v63  }
0x3a: {  	_ = 	snop  }
0x3b: {  	[spmem:s25] =	stream.linear.scatter [tilespmem:s15], [sflag:$0x4], $0x2800, $0x38;
	[tilespmem:$0x1E800] =	vst v63  }
0x3c: {  	_ = 	snop  }
0x3d: {  	[spmem:s26] =	stream.linear.scatter [tilespmem:s15], [sflag:$0x4], $0x2800, $0x38;
	[tilespmem:$0x1E800] =	vst v63  }
0x3e: {  	_ = 	snop  }
0x3f: {  	[spmem:s28] =	stream.linear.scatter [tilespmem:s15], [sflag:$0x4], $0x2800, $0x38;
	[tilespmem:$0x1E800] =	vst v63  }
0x40: {  	_ =	swait.ge [sflag:s1], $0x2800  }
0x41: {  	[sflag:s1] =	ssyncset.done $0x0  }
0x42: {  	[sflag:s1] =	ssyncadd.s32 $0xFFFFD800  }
0x43: {  	_ =	swait.ge [sflag:s1], $0x2800  }
0x44: {  	[sflag:s1] =	ssyncset.done $0x0  }
0x45: {  	[sflag:s1] =	ssyncadd.s32 $0xFFFFD800  }
0x46: {  	_ =	swait.ge [sflag:s1], $0x2800  }
0x47: {  	[sflag:s1] =	ssyncset.done $0x0  }
0x48: {  	[sflag:s1] =	ssyncadd.s32 $0xFFFFD800  }
0x49: {  	_ =	swait.ge [sflag:s1], $0x2800  }
0x4a: {  	[sflag:s1] =	ssyncset.done $0x0  }
0x4b: {  	[sflag:s1] =	ssyncadd.s32 $0xFFFFD800  }
0x4c: {  	_ =	swait.ge [sflag:s1], $0x2800  }
0x4d: {  	[sflag:s1] =	ssyncset.done $0x0  }
0x4e: {  	[sflag:s1] =	ssyncadd.s32 $0xFFFFD800  }
0x4f: {  	_ =	swait.ge [sflag:s1], $0x2800  }
0x50: {  	[sflag:s1] =	ssyncset.done $0x0  }
0x51: {  	[sflag:s1] =	ssyncadd.s32 $0xFFFFD800  }
0x52: {  	_ =	swait.ge [sflag:s1], $0x2800  }
0x53: {  	[sflag:s1] =	ssyncset.done $0x0  }
0x54: {  	[sflag:s1] =	ssyncadd.s32 $0xFFFFD800  }
0x55: {  	_ =	swait.ge [sflag:s1], $0x2800  }
0x56: {  	[sflag:s1] =	ssyncset.done $0x0  }
0x57: {  	[sflag:s1] =	ssyncadd.s32 $0xFFFFD800  }
0x58: {  	[bflag:$0x0] =	sbarrier.arrive $0xFFFF  }
0x59: {  	[tilespmem:s15], [sflag:$0x1] =	stream.indirect.gather [hbm4b:s14+s2], $0x80, s0, s2, $0xb8;
	[tilespmem:$0x1E800] =	vst v63  }
0x5a: {  	_ = 	snop  }
0x5b: {  	[tilespmem:s4], [sflag:$0x2] =	stream.indirect.gather [hbm4b:s14+s2], $0x80, s3, s2, $0xb8;
	[tilespmem:$0x1E800] =	vst v63  }
0x5c: {  	_ = 	snop  }
0x5d: {  	[tilespmem:s6], [sflag:$0x3] =	stream.indirect.gather [hbm4b:s14+s2], $0x80, s5, s2, $0xb8;
	[tilespmem:$0x1E800] =	vst v63  }
0x5e: {  	_ =	swait.ge [sflag:s7], $0x2800  }
0x5f: {  	[sflag:s7] =	ssyncset.done $0x0  }
0x60: {  	s19 =	simm.s32 $0x1800;
	[sflag:s7] =	ssyncadd.s32 $0xFFFFD800  }
0x61: {  	[spmem:s17] =	stream.indirect.scatter.add.f32 [tilespmem:s15], [sflag:$0x4], $0x80, s19, s2, $0xb8;
	[tilespmem:$0x1E800] =	vst v63  }
0x62: {  	_ =	swait.ge [sflag:s8], $0x2800  }
0x63: {  	[sflag:s8] =	ssyncset.done $0x0  }
0x64: {  	s12 =	simm.s32 $0x1880;
	[sflag:s8] =	ssyncadd.s32 $0xFFFFD800  }
0x65: {  	[spmem:s17] =	stream.indirect.scatter.add.f32 [tilespmem:s4], [sflag:$0x5], $0x80, s12, s2, $0xb8;
	[tilespmem:$0x1E800] =	vst v63  }
0x66: {  	_ =	swait.ge [sflag:s9], $0x2800  }
0x67: {  	[sflag:s9] =	ssyncset.done $0x0  }
0x68: {  	s12 =	simm.s32 $0x1900;
	[sflag:s9] =	ssyncadd.s32 $0xFFFFD800  }
0x69: {  	[spmem:s17] =	stream.indirect.scatter.add.f32 [tilespmem:s6], [sflag:$0x6], $0x80, s12, s2, $0xb8;
	[tilespmem:$0x1E800] =	vst v63  }
0x6a: {  	_ =	swait.ge [sflag:s1], $0x2800  }
0x6b: {  	[sflag:s1] =	ssyncset.done $0x0  }
0x6c: {  	s12 =	simm.s32 $0x180;
	[sflag:s1] =	ssyncadd.s32 $0xFFFFD800  }
0x6d: {  	[tilespmem:s15], [sflag:$0x1] =	stream.indirect.gather [hbm4b:s14+s2], $0x80, s12, s2, $0xb8;
	[tilespmem:$0x1E800] =	vst v63  }
0x6e: {  	_ =	swait.ge [sflag:s10], $0x2800  }
0x6f: {  	[sflag:s10] =	ssyncset.done $0x0  }
0x70: {  	s12 =	simm.s32 $0x200;
	[sflag:s10] =	ssyncadd.s32 $0xFFFFD800  }
0x71: {  	[tilespmem:s4], [sflag:$0x2] =	stream.indirect.gather [hbm4b:s14+s2], $0x80, s12, s2, $0xb8;
	[tilespmem:$0x1E800] =	vst v63  }
0x72: {  	_ =	swait.ge [sflag:s11], $0x2800  }
0x73: {  	[sflag:s11] =	ssyncset.done $0x0  }
0x74: {  	s29 =	simm.s32 $0x280;
	s19 =	simm.s32 $0x600;
	[sflag:s11] =	ssyncadd.s32 $0xFFFFD800  }
.LBB2_2:
0x75: {  	[tilespmem:s6], [sflag:$0x3] =	stream.indirect.gather [hbm4b:s14+s2], $0x80, s29, s2, $0xb8;
	[tilespmem:$0x1E800] =	vst v63  }
0x76: {  	s29 =	smov.u32 s19  }
0x77: {  	p0 =	sne.s32 s19, $0x5400;
	s19 =	sadd.s32 $0x600, s19;
	_ =	swait.ge [sflag:s7], $0x2800  }
0x78: {  	s29 =	sshra.s32 s29, $0x2;
	[sflag:s7] =	ssyncset.done $0x0  }
0x79: {  	s12 =	sadd.s32 $0x1800, s29;
	[sflag:s7] =	ssyncadd.s32 $0xFFFFD800  }
0x7a: {  	[spmem:s17] =	stream.indirect.scatter.add.f32 [tilespmem:s15], [sflag:$0x4], $0x80, s12, s2, $0xb8;
	[tilespmem:$0x1E800] =	vst v63  }
0x7b: {  	_ =	swait.ge [sflag:s8], $0x2800  }
0x7c: {  	[sflag:s8] =	ssyncset.done $0x0  }
0x7d: {  	s12 =	sadd.s32 $0x1880, s29;
	[sflag:s8] =	ssyncadd.s32 $0xFFFFD800  }
0x7e: {  	[spmem:s17] =	stream.indirect.scatter.add.f32 [tilespmem:s4], [sflag:$0x5], $0x80, s12, s2, $0xb8;
	[tilespmem:$0x1E800] =	vst v63  }
0x7f: {  	_ =	swait.ge [sflag:s9], $0x2800  }
0x80: {  	[sflag:s9] =	ssyncset.done $0x0  }
0x81: {  	s12 =	sadd.s32 $0x1900, s29;
	[sflag:s9] =	ssyncadd.s32 $0xFFFFD800  }
0x82: {  	[spmem:s17] =	stream.indirect.scatter.add.f32 [tilespmem:s6], [sflag:$0x6], $0x80, s12, s2, $0xb8;
	[tilespmem:$0x1E800] =	vst v63  }
0x83: {  	_ =	swait.ge [sflag:s1], $0x2800  }
0x84: {  	[sflag:s1] =	ssyncset.done $0x0  }
0x85: {  	s12 =	sadd.s32 $0x180, s29;
	[sflag:s1] =	ssyncadd.s32 $0xFFFFD800  }
0x86: {  	[tilespmem:s15], [sflag:$0x1] =	stream.indirect.gather [hbm4b:s14+s2], $0x80, s12, s2, $0xb8;
	[tilespmem:$0x1E800] =	vst v63  }
0x87: {  	_ =	swait.ge [sflag:s10], $0x2800  }
0x88: {  	[sflag:s10] =	ssyncset.done $0x0  }
.Ltmp0:
0x89: {  	s12 =	sadd.s32 $0x200, s29;
	[sflag:s10] =	ssyncadd.s32 $0xFFFFD800;
	(pc) =	sbr.rel @p0 .LBB2_2-.Ltmp0, $4  }
0x8a: {  	[tilespmem:s4], [sflag:$0x2] =	stream.indirect.gather [hbm4b:s14+s2], $0x80, s12, s2, $0xb8;
	[tilespmem:$0x1E800] =	vst v63  }
0x8b: {  	_ =	swait.ge [sflag:s11], $0x2800  }
0x8c: {  	[sflag:s11] =	ssyncset.done $0x0  }
0x8d: {  	s29 =	sadd.s32 $0x280, s29;
	[sflag:s11] =	ssyncadd.s32 $0xFFFFD800  }
0x8e: {  	[tilespmem:s6], [sflag:$0x3] =	stream.indirect.gather [hbm4b:s14+s2], $0x80, s29, s2, $0xb8;
	[tilespmem:$0x1E800] =	vst v63  }
0x8f: {  	_ =	swait.ge [sflag:s7], $0x2800  }
0x90: {  	[sflag:s7] =	ssyncset.done $0x0  }
0x91: {  	s12 =	simm.s32 $0x2E80;
	[sflag:s7] =	ssyncadd.s32 $0xFFFFD800  }
0x92: {  	[spmem:s17] =	stream.indirect.scatter.add.f32 [tilespmem:s15], [sflag:$0x4], $0x80, s12, s2, $0xb8;
	[tilespmem:$0x1E800] =	vst v63  }
0x93: {  	_ =	swait.ge [sflag:s8], $0x2800  }
0x94: {  	[sflag:s8] =	ssyncset.done $0x0  }
0x95: {  	[sflag:s8] =	ssyncadd.s32 $0xFFFFD800  }
0x96: {  	[spmem:s17] =	stream.indirect.scatter.add.f32 [tilespmem:s4], [sflag:$0x5], $0x80, s13, s2, $0xb8;
	[tilespmem:$0x1E800] =	vst v63  }
0x97: {  	_ =	swait.ge [sflag:s9], $0x2800  }
0x98: {  	[sflag:s9] =	ssyncset.done $0x0  }
0x99: {  	[sflag:s9] =	ssyncadd.s32 $0xFFFFD800  }
0x9a: {  	[spmem:s17] =	stream.indirect.scatter.add.f32 [tilespmem:s6], [sflag:$0x6], $0x80, s16, s2, $0xb8;
	[tilespmem:$0x1E800] =	vst v63  }
0x9b: {  	_ =	swait.ge [sflag:s1], $0x2800  }
0x9c: {  	[sflag:s1] =	ssyncset.done $0x0  }
0x9d: {  	[sflag:s1] =	ssyncadd.s32 $0xFFFFD800  }
0x9e: {  	_ =	swait.ge [sflag:s10], $0x2800  }
0x9f: {  	[sflag:s10] =	ssyncset.done $0x0  }
0xa0: {  	[sflag:s10] =	ssyncadd.s32 $0xFFFFD800  }
0xa1: {  	_ =	swait.ge [sflag:s11], $0x2800  }
0xa2: {  	[sflag:s11] =	ssyncset.done $0x0  }
0xa3: {  	s12 =	simm.s32 $0x0;
	s19 =	rddreg [dreg:$0x6];
	[sflag:s11] =	ssyncadd.s32 $0xFFFFD800  }
0xa4: {  	[tilespmem:s12], [sflag:$0x7] =	stream.linear.gather [hbm4b:s19+s12], $0x1800, $0x38;
	[tilespmem:$0x1E800] =	vst v63  }
0xa5: {  	_ =	swait.ge [sflag:s30], $0x1800  }
0xa6: {  	[sflag:s30] =	ssyncset.done $0x0  }
0xa7: {  	s19 =	rddreg [dreg:$0x7];
	[sflag:s30] =	ssyncadd.s32 $0xFFFFE800  }
0xa8: {  	[tilespmem:s31], [sflag:$0x7] =	stream.linear.gather [hbm4b:s19+s12], $0x1800, $0x38;
	[tilespmem:$0x1E800] =	vst v63  }
0xa9: {  	_ =	swait.ge [sflag:s30], $0x1800  }
0xaa: {  	[sflag:s30] =	ssyncset.done $0x0  }
0xab: {  	[sflag:s30] =	ssyncadd.s32 $0xFFFFE800  }
0xac: {  	[tilespmem:s15], [sflag:$0x1] =	stream.indirect.gather [hbm4b:s14+s2], $0x80, s12, s2, $0xb8;
	[tilespmem:$0x1E800] =	vst v63  }
0xad: {  	_ = 	snop  }
0xae: {  	[tilespmem:s4], [sflag:$0x2] =	stream.indirect.gather [hbm4b:s14+s2], $0x80, s3, s2, $0xb8;
	[tilespmem:$0x1E800] =	vst v63  }
0xaf: {  	_ = 	snop  }
0xb0: {  	[tilespmem:s6], [sflag:$0x3] =	stream.indirect.gather [hbm4b:s14+s2], $0x80, s5, s2, $0xb8;
	[tilespmem:$0x1E800] =	vst v63  }
0xb1: {  	_ =	swait.ge [sflag:s7], $0x2800  }
0xb2: {  	[sflag:s7] =	ssyncset.done $0x0  }
0xb3: {  	s19 =	simm.s32 $0x1800;
	[sflag:s7] =	ssyncadd.s32 $0xFFFFD800  }
0xb4: {  	[spmem:s17] =	stream.indirect.scatter.add.f32 [tilespmem:s15], [sflag:$0x4], $0x80, s19, s2, $0xb8;
	[tilespmem:$0x1E800] =	vst v63  }
0xb5: {  	_ =	swait.ge [sflag:s8], $0x2800  }
0xb6: {  	[sflag:s8] =	ssyncset.done $0x0  }
0xb7: {  	s19 =	simm.s32 $0x1880;
	[sflag:s8] =	ssyncadd.s32 $0xFFFFD800  }
0xb8: {  	[spmem:s17] =	stream.indirect.scatter.add.f32 [tilespmem:s4], [sflag:$0x5], $0x80, s19, s2, $0xb8;
	[tilespmem:$0x1E800] =	vst v63  }
0xb9: {  	_ =	swait.ge [sflag:s9], $0x2800  }
0xba: {  	[sflag:s9] =	ssyncset.done $0x0  }
0xbb: {  	s19 =	simm.s32 $0x1900;
	[sflag:s9] =	ssyncadd.s32 $0xFFFFD800  }
0xbc: {  	[spmem:s17] =	stream.indirect.scatter.add.f32 [tilespmem:s6], [sflag:$0x6], $0x80, s19, s2, $0xb8;
	[tilespmem:$0x1E800] =	vst v63  }
0xbd: {  	_ =	swait.ge [sflag:s1], $0x2800  }
0xbe: {  	[sflag:s1] =	ssyncset.done $0x0  }
0xbf: {  	s19 =	simm.s32 $0x180;
	[sflag:s1] =	ssyncadd.s32 $0xFFFFD800  }
0xc0: {  	[tilespmem:s15], [sflag:$0x1] =	stream.indirect.gather [hbm4b:s14+s2], $0x80, s19, s2, $0xb8;
	[tilespmem:$0x1E800] =	vst v63  }
0xc1: {  	_ =	swait.ge [sflag:s10], $0x2800  }
0xc2: {  	[sflag:s10] =	ssyncset.done $0x0  }
0xc3: {  	s19 =	simm.s32 $0x200;
	[sflag:s10] =	ssyncadd.s32 $0xFFFFD800  }
0xc4: {  	[tilespmem:s4], [sflag:$0x2] =	stream.indirect.gather [hbm4b:s14+s2], $0x80, s19, s2, $0xb8;
	[tilespmem:$0x1E800] =	vst v63  }
0xc5: {  	_ =	swait.ge [sflag:s11], $0x2800  }
0xc6: {  	[sflag:s11] =	ssyncset.done $0x0  }
0xc7: {  	s29 =	simm.s32 $0x280;
	s19 =	simm.s32 $0x600;
	[sflag:s11] =	ssyncadd.s32 $0xFFFFD800  }
.LBB2_4:
0xc8: {  	[tilespmem:s6], [sflag:$0x3] =	stream.indirect.gather [hbm4b:s14+s2], $0x80, s29, s2, $0xb8;
	[tilespmem:$0x1E800] =	vst v63  }
0xc9: {  	s12 =	smov.u32 s19  }
0xca: {  	p0 =	sne.s32 s19, $0x5400;
	s19 =	sadd.s32 $0x600, s19;
	_ =	swait.ge [sflag:s7], $0x2800  }
0xcb: {  	s12 =	sshra.s32 s12, $0x2;
	[sflag:s7] =	ssyncset.done $0x0  }
0xcc: {  	s29 =	sadd.s32 $0x1800, s12;
	[sflag:s7] =	ssyncadd.s32 $0xFFFFD800  }
0xcd: {  	[spmem:s17] =	stream.indirect.scatter.add.f32 [tilespmem:s15], [sflag:$0x4], $0x80, s29, s2, $0xb8;
	[tilespmem:$0x1E800] =	vst v63  }
0xce: {  	_ =	swait.ge [sflag:s8], $0x2800  }
0xcf: {  	[sflag:s8] =	ssyncset.done $0x0  }
0xd0: {  	s29 =	sadd.s32 $0x1880, s12;
	[sflag:s8] =	ssyncadd.s32 $0xFFFFD800  }
0xd1: {  	[spmem:s17] =	stream.indirect.scatter.add.f32 [tilespmem:s4], [sflag:$0x5], $0x80, s29, s2, $0xb8;
	[tilespmem:$0x1E800] =	vst v63  }
0xd2: {  	_ =	swait.ge [sflag:s9], $0x2800  }
0xd3: {  	[sflag:s9] =	ssyncset.done $0x0  }
0xd4: {  	s29 =	sadd.s32 $0x1900, s12;
	[sflag:s9] =	ssyncadd.s32 $0xFFFFD800  }
0xd5: {  	[spmem:s17] =	stream.indirect.scatter.add.f32 [tilespmem:s6], [sflag:$0x6], $0x80, s29, s2, $0xb8;
	[tilespmem:$0x1E800] =	vst v63  }
0xd6: {  	_ =	swait.ge [sflag:s1], $0x2800  }
0xd7: {  	[sflag:s1] =	ssyncset.done $0x0  }
0xd8: {  	s29 =	sadd.s32 $0x180, s12;
	[sflag:s1] =	ssyncadd.s32 $0xFFFFD800  }
0xd9: {  	[tilespmem:s15], [sflag:$0x1] =	stream.indirect.gather [hbm4b:s14+s2], $0x80, s29, s2, $0xb8;
	[tilespmem:$0x1E800] =	vst v63  }
0xda: {  	_ =	swait.ge [sflag:s10], $0x2800  }
0xdb: {  	[sflag:s10] =	ssyncset.done $0x0  }
.Ltmp1:
0xdc: {  	s29 =	sadd.s32 $0x200, s12;
	[sflag:s10] =	ssyncadd.s32 $0xFFFFD800;
	(pc) =	sbr.rel @p0 .LBB2_4-.Ltmp1, $4  }
0xdd: {  	[tilespmem:s4], [sflag:$0x2] =	stream.indirect.gather [hbm4b:s14+s2], $0x80, s29, s2, $0xb8;
	[tilespmem:$0x1E800] =	vst v63  }
0xde: {  	_ =	swait.ge [sflag:s11], $0x2800  }
0xdf: {  	[sflag:s11] =	ssyncset.done $0x0  }
0xe0: {  	s29 =	sadd.s32 $0x280, s12;
	[sflag:s11] =	ssyncadd.s32 $0xFFFFD800  }
0xe1: {  	[tilespmem:s6], [sflag:$0x3] =	stream.indirect.gather [hbm4b:s14+s2], $0x80, s29, s2, $0xb8;
	[tilespmem:$0x1E800] =	vst v63  }
0xe2: {  	_ =	swait.ge [sflag:s7], $0x2800  }
0xe3: {  	[sflag:s7] =	ssyncset.done $0x0  }
0xe4: {  	s12 =	simm.s32 $0x2E80;
	[sflag:s7] =	ssyncadd.s32 $0xFFFFD800  }
0xe5: {  	[spmem:s17] =	stream.indirect.scatter.add.f32 [tilespmem:s15], [sflag:$0x4], $0x80, s12, s2, $0xb8;
	[tilespmem:$0x1E800] =	vst v63  }
0xe6: {  	_ =	swait.ge [sflag:s8], $0x2800  }
0xe7: {  	[sflag:s8] =	ssyncset.done $0x0  }
0xe8: {  	[sflag:s8] =	ssyncadd.s32 $0xFFFFD800  }
0xe9: {  	[spmem:s17] =	stream.indirect.scatter.add.f32 [tilespmem:s4], [sflag:$0x5], $0x80, s13, s2, $0xb8;
	[tilespmem:$0x1E800] =	vst v63  }
0xea: {  	_ =	swait.ge [sflag:s9], $0x2800  }
0xeb: {  	[sflag:s9] =	ssyncset.done $0x0  }
0xec: {  	[sflag:s9] =	ssyncadd.s32 $0xFFFFD800  }
0xed: {  	[spmem:s17] =	stream.indirect.scatter.add.f32 [tilespmem:s6], [sflag:$0x6], $0x80, s16, s2, $0xb8;
	[tilespmem:$0x1E800] =	vst v63  }
0xee: {  	_ =	swait.ge [sflag:s1], $0x2800  }
0xef: {  	[sflag:s1] =	ssyncset.done $0x0  }
0xf0: {  	[sflag:s1] =	ssyncadd.s32 $0xFFFFD800  }
0xf1: {  	_ =	swait.ge [sflag:s10], $0x2800  }
0xf2: {  	[sflag:s10] =	ssyncset.done $0x0  }
0xf3: {  	[sflag:s10] =	ssyncadd.s32 $0xFFFFD800  }
0xf4: {  	_ =	swait.ge [sflag:s11], $0x2800  }
0xf5: {  	[sflag:s11] =	ssyncset.done $0x0  }
0xf6: {  	s12 =	simm.s32 $0x0;
	s19 =	rddreg [dreg:$0x8];
	[sflag:s11] =	ssyncadd.s32 $0xFFFFD800  }
0xf7: {  	[tilespmem:s12], [sflag:$0x7] =	stream.linear.gather [hbm4b:s19+s12], $0xE80, $0x38;
	[tilespmem:$0x1E800] =	vst v63  }
0xf8: {  	_ =	swait.ge [sflag:s30], $0xE80  }
0xf9: {  	[sflag:s30] =	ssyncset.done $0x0  }
0xfa: {  	s19 =	rddreg [dreg:$0x9];
	[sflag:s30] =	ssyncadd.s32 $0xFFFFF180  }
0xfb: {  	[tilespmem:s31], [sflag:$0x7] =	stream.linear.gather [hbm4b:s19+s12], $0xE80, $0x38;
	[tilespmem:$0x1E800] =	vst v63  }
0xfc: {  	_ =	swait.ge [sflag:s30], $0xE80  }
0xfd: {  	[sflag:s30] =	ssyncset.done $0x0  }
0xfe: {  	[sflag:s30] =	ssyncadd.s32 $0xFFFFF180  }
0xff: {  	[tilespmem:s15], [sflag:$0x1] =	stream.indirect.gather [hbm4b:s14+s2], $0x80, s12, s2, $0xb8;
	[tilespmem:$0x1E800] =	vst v63  }
0x100: {  	_ = 	snop  }
0x101: {  	[tilespmem:s4], [sflag:$0x2] =	stream.indirect.gather [hbm4b:s14+s2], $0x80, s3, s2, $0xb8;
	[tilespmem:$0x1E800] =	vst v63  }
0x102: {  	_ = 	snop  }
0x103: {  	[tilespmem:s6], [sflag:$0x3] =	stream.indirect.gather [hbm4b:s14+s2], $0x80, s5, s2, $0xb8;
	[tilespmem:$0x1E800] =	vst v63  }
0x104: {  	_ =	swait.ge [sflag:s7], $0x2800  }
0x105: {  	[sflag:s7] =	ssyncset.done $0x0  }
0x106: {  	s19 =	simm.s32 $0x1800;
	[sflag:s7] =	ssyncadd.s32 $0xFFFFD800  }
0x107: {  	[spmem:s17] =	stream.indirect.scatter.add.f32 [tilespmem:s15], [sflag:$0x4], $0x80, s19, s2, $0xb8;
	[tilespmem:$0x1E800] =	vst v63  }
0x108: {  	_ =	swait.ge [sflag:s8], $0x2800  }
0x109: {  	[sflag:s8] =	ssyncset.done $0x0  }
0x10a: {  	s19 =	simm.s32 $0x1880;
	[sflag:s8] =	ssyncadd.s32 $0xFFFFD800  }
0x10b: {  	[spmem:s17] =	stream.indirect.scatter.add.f32 [tilespmem:s4], [sflag:$0x5], $0x80, s19, s2, $0xb8;
	[tilespmem:$0x1E800] =	vst v63  }
0x10c: {  	_ =	swait.ge [sflag:s9], $0x2800  }
0x10d: {  	[sflag:s9] =	ssyncset.done $0x0  }
0x10e: {  	s19 =	simm.s32 $0x1900;
	[sflag:s9] =	ssyncadd.s32 $0xFFFFD800  }
0x10f: {  	[spmem:s17] =	stream.indirect.scatter.add.f32 [tilespmem:s6], [sflag:$0x6], $0x80, s19, s2, $0xb8;
	[tilespmem:$0x1E800] =	vst v63  }
0x110: {  	_ =	swait.ge [sflag:s1], $0x2800  }
0x111: {  	[sflag:s1] =	ssyncset.done $0x0  }
0x112: {  	s19 =	simm.s32 $0x180;
	[sflag:s1] =	ssyncadd.s32 $0xFFFFD800  }
0x113: {  	[tilespmem:s15], [sflag:$0x1] =	stream.indirect.gather [hbm4b:s14+s2], $0x80, s19, s2, $0xb8;
	[tilespmem:$0x1E800] =	vst v63  }
0x114: {  	_ =	swait.ge [sflag:s10], $0x2800  }
0x115: {  	[sflag:s10] =	ssyncset.done $0x0  }
0x116: {  	s19 =	simm.s32 $0x200;
	[sflag:s10] =	ssyncadd.s32 $0xFFFFD800  }
0x117: {  	[tilespmem:s4], [sflag:$0x2] =	stream.indirect.gather [hbm4b:s14+s2], $0x80, s19, s2, $0xb8;
	[tilespmem:$0x1E800] =	vst v63  }
0x118: {  	_ =	swait.ge [sflag:s11], $0x2800  }
0x119: {  	[sflag:s11] =	ssyncset.done $0x0  }
0x11a: {  	s29 =	simm.s32 $0x280;
	s19 =	simm.s32 $0x600;
	[sflag:s11] =	ssyncadd.s32 $0xFFFFD800  }
.LBB2_6:
0x11b: {  	[tilespmem:s6], [sflag:$0x3] =	stream.indirect.gather [hbm4b:s14+s2], $0x80, s29, s2, $0xb8;
	[tilespmem:$0x1E800] =	vst v63  }
0x11c: {  	s12 =	smov.u32 s19  }
0x11d: {  	p0 =	sne.s32 s19, $0x2A00;
	s19 =	sadd.s32 $0x600, s19;
	_ =	swait.ge [sflag:s7], $0x2800  }
0x11e: {  	s12 =	sshra.s32 s12, $0x2;
	[sflag:s7] =	ssyncset.done $0x0  }
0x11f: {  	s29 =	sadd.s32 $0x1800, s12;
	[sflag:s7] =	ssyncadd.s32 $0xFFFFD800  }
0x120: {  	[spmem:s17] =	stream.indirect.scatter.add.f32 [tilespmem:s15], [sflag:$0x4], $0x80, s29, s2, $0xb8;
	[tilespmem:$0x1E800] =	vst v63  }
0x121: {  	_ =	swait.ge [sflag:s8], $0x2800  }
0x122: {  	[sflag:s8] =	ssyncset.done $0x0  }
0x123: {  	s29 =	sadd.s32 $0x1880, s12;
	[sflag:s8] =	ssyncadd.s32 $0xFFFFD800  }
0x124: {  	[spmem:s17] =	stream.indirect.scatter.add.f32 [tilespmem:s4], [sflag:$0x5], $0x80, s29, s2, $0xb8;
	[tilespmem:$0x1E800] =	vst v63  }
0x125: {  	_ =	swait.ge [sflag:s9], $0x2800  }
0x126: {  	[sflag:s9] =	ssyncset.done $0x0  }
0x127: {  	s29 =	sadd.s32 $0x1900, s12;
	[sflag:s9] =	ssyncadd.s32 $0xFFFFD800  }
0x128: {  	[spmem:s17] =	stream.indirect.scatter.add.f32 [tilespmem:s6], [sflag:$0x6], $0x80, s29, s2, $0xb8;
	[tilespmem:$0x1E800] =	vst v63  }
0x129: {  	_ =	swait.ge [sflag:s1], $0x2800  }
0x12a: {  	[sflag:s1] =	ssyncset.done $0x0  }
0x12b: {  	s29 =	sadd.s32 $0x180, s12;
	[sflag:s1] =	ssyncadd.s32 $0xFFFFD800  }
0x12c: {  	[tilespmem:s15], [sflag:$0x1] =	stream.indirect.gather [hbm4b:s14+s2], $0x80, s29, s2, $0xb8;
	[tilespmem:$0x1E800] =	vst v63  }
0x12d: {  	_ =	swait.ge [sflag:s10], $0x2800  }
0x12e: {  	[sflag:s10] =	ssyncset.done $0x0  }
.Ltmp2:
0x12f: {  	s29 =	sadd.s32 $0x200, s12;
	[sflag:s10] =	ssyncadd.s32 $0xFFFFD800;
	(pc) =	sbr.rel @p0 .LBB2_6-.Ltmp2, $4  }
0x130: {  	[tilespmem:s4], [sflag:$0x2] =	stream.indirect.gather [hbm4b:s14+s2], $0x80, s29, s2, $0xb8;
	[tilespmem:$0x1E800] =	vst v63  }
0x131: {  	_ =	swait.ge [sflag:s11], $0x2800  }
0x132: {  	[sflag:s11] =	ssyncset.done $0x0  }
0x133: {  	s29 =	sadd.s32 $0x280, s12;
	[sflag:s11] =	ssyncadd.s32 $0xFFFFD800  }
0x134: {  	[tilespmem:s6], [sflag:$0x3] =	stream.indirect.gather [hbm4b:s14+s2], $0x80, s29, s2, $0xb8;
	[tilespmem:$0x1E800] =	vst v63  }
0x135: {  	_ =	swait.ge [sflag:s7], $0x2800  }
0x136: {  	[sflag:s7] =	ssyncset.done $0x0  }
0x137: {  	s12 =	simm.s32 $0x2400;
	[sflag:s7] =	ssyncadd.s32 $0xFFFFD800  }
0x138: {  	[spmem:s17] =	stream.indirect.scatter.add.f32 [tilespmem:s15], [sflag:$0x4], $0x80, s12, s2, $0xb8;
	[tilespmem:$0x1E800] =	vst v63  }
0x139: {  	_ =	swait.ge [sflag:s8], $0x2800  }
0x13a: {  	[sflag:s8] =	ssyncset.done $0x0  }
0x13b: {  	s29 =	simm.s32 $0x2480;
	[sflag:s8] =	ssyncadd.s32 $0xFFFFD800  }
0x13c: {  	[spmem:s17] =	stream.indirect.scatter.add.f32 [tilespmem:s4], [sflag:$0x5], $0x80, s29, s2, $0xb8;
	[tilespmem:$0x1E800] =	vst v63  }
0x13d: {  	_ =	swait.ge [sflag:s9], $0x2800  }
0x13e: {  	[sflag:s9] =	ssyncset.done $0x0  }
0x13f: {  	s19 =	simm.s32 $0x2500;
	[sflag:s9] =	ssyncadd.s32 $0xFFFFD800  }
0x140: {  	[spmem:s17] =	stream.indirect.scatter.add.f32 [tilespmem:s6], [sflag:$0x6], $0x80, s19, s2, $0xb8;
	[tilespmem:$0x1E800] =	vst v63  }
0x141: {  	_ =	swait.ge [sflag:s1], $0x2800  }
0x142: {  	[sflag:s1] =	ssyncset.done $0x0  }
0x143: {  	s29 =	simm.s32 $0xD80;
	[sflag:s1] =	ssyncadd.s32 $0xFFFFD800  }
0x144: {  	[tilespmem:s15], [sflag:$0x1] =	stream.indirect.gather [hbm4b:s14+s2], $0x80, s29, s2, $0xb8;
	[tilespmem:$0x1E800] =	vst v63  }
0x145: {  	_ =	swait.ge [sflag:s7], $0x2800  }
0x146: {  	[sflag:s7] =	ssyncset.done $0x0  }
0x147: {  	s19 =	simm.s32 $0x2580;
	[sflag:s7] =	ssyncadd.s32 $0xFFFFD800  }
0x148: {  	[spmem:s17] =	stream.indirect.scatter.add.f32 [tilespmem:s15], [sflag:$0x4], $0x80, s19, s2, $0xb8;
	[tilespmem:$0x1E800] =	vst v63  }
0x149: {  	_ =	swait.ge [sflag:s10], $0x2800  }
0x14a: {  	[sflag:s10] =	ssyncset.done $0x0  }
0x14b: {  	s29 =	simm.s32 $0xE00;
	[sflag:s10] =	ssyncadd.s32 $0xFFFFD800  }
0x14c: {  	[tilespmem:s4], [sflag:$0x2] =	stream.indirect.gather [hbm4b:s14+s2], $0x80, s29, s2, $0xb8;
	[tilespmem:$0x1E800] =	vst v63  }
0x14d: {  	_ =	swait.ge [sflag:s8], $0x2800  }
0x14e: {  	[sflag:s8] =	ssyncset.done $0x0  }
0x14f: {  	s19 =	simm.s32 $0x2600;
	[sflag:s8] =	ssyncadd.s32 $0xFFFFD800  }
0x150: {  	[spmem:s17] =	stream.indirect.scatter.add.f32 [tilespmem:s4], [sflag:$0x5], $0x80, s19, s2, $0xb8;
	[tilespmem:$0x1E800] =	vst v63  }
0x151: {  	_ =	swait.ge [sflag:s1], $0x2800  }
0x152: {  	[sflag:s1] =	ssyncset.done $0x0  }
0x153: {  	[sflag:s1] =	ssyncadd.s32 $0xFFFFD800  }
0x154: {  	_ =	swait.ge [sflag:s10], $0x2800  }
0x155: {  	[sflag:s10] =	ssyncset.done $0x0  }
0x156: {  	[sflag:s10] =	ssyncadd.s32 $0xFFFFD800  }
0x157: {  	_ =	swait.ge [sflag:s11], $0x2800  }
0x158: {  	[sflag:s11] =	ssyncset.done $0x0  }
0x159: {  	[sflag:s11] =	ssyncadd.s32 $0xFFFFD800  }
0x15a: {  	[bflag:$0x0] =	sbarrier.arrive $0xFFFF  }
0x15b: {  	[tilespmem:s15], [sflag:$0x7] =	stream.linear.gather [spmem:s20], $0x2800, $0x38;
	[tilespmem:$0x1E800] =	vst v63  }
0x15c: {  	_ =	swait.ge [sflag:s30], $0x2800  }
0x15d: {  	[sflag:s30] =	ssyncset.done $0x0  }
0x15e: {  	s29 =	rddreg [dreg:$0xa];
	[sflag:s30] =	ssyncadd.s32 $0xFFFFD800  }
0x15f: {  	[hbm4b:s29+s0] =	stream.linear.scatter [tilespmem:s15], [sflag:$0x1], $0x2800, $0x38;
	[tilespmem:$0x1E800] =	vst v63  }
0x160: {  	_ = 	snop  }
0x161: {  	[tilespmem:s4], [sflag:$0x7] =	stream.linear.gather [spmem:s21], $0x2800, $0x38;
	[tilespmem:$0x1E800] =	vst v63  }
0x162: {  	_ =	swait.ge [sflag:s30], $0x2800  }
0x163: {  	[sflag:s30] =	ssyncset.done $0x0  }
0x164: {  	s19 =	rddreg [dreg:$0xb];
	[sflag:s30] =	ssyncadd.s32 $0xFFFFD800  }
0x165: {  	[hbm4b:s19+s0] =	stream.linear.scatter [tilespmem:s4], [sflag:$0x2], $0x2800, $0x38;
	[tilespmem:$0x1E800] =	vst v63  }
0x166: {  	_ =	swait.ge [sflag:s7], $0x2800  }
0x167: {  	[sflag:s7] =	ssyncset.done $0x0  }
0x168: {  	[sflag:s7] =	ssyncadd.s32 $0xFFFFD800  }
0x169: {  	[tilespmem:s15], [sflag:$0x7] =	stream.linear.gather [spmem:s22], $0x2800, $0x38;
	[tilespmem:$0x1E800] =	vst v63  }
0x16a: {  	_ =	swait.ge [sflag:s30], $0x2800  }
0x16b: {  	[sflag:s30] =	ssyncset.done $0x0  }
0x16c: {  	s29 =	rddreg [dreg:$0xc];
	[sflag:s30] =	ssyncadd.s32 $0xFFFFD800  }
0x16d: {  	[hbm4b:s29+s0] =	stream.linear.scatter [tilespmem:s15], [sflag:$0x1], $0x2800, $0x38;
	[tilespmem:$0x1E800] =	vst v63  }
0x16e: {  	_ =	swait.ge [sflag:s8], $0x2800  }
0x16f: {  	[sflag:s8] =	ssyncset.done $0x0  }
0x170: {  	[sflag:s8] =	ssyncadd.s32 $0xFFFFD800  }
0x171: {  	[tilespmem:s4], [sflag:$0x7] =	stream.linear.gather [spmem:s23], $0x2800, $0x38;
	[tilespmem:$0x1E800] =	vst v63  }
0x172: {  	_ =	swait.ge [sflag:s30], $0x2800  }
0x173: {  	[sflag:s30] =	ssyncset.done $0x0  }
0x174: {  	s19 =	rddreg [dreg:$0xd];
	[sflag:s30] =	ssyncadd.s32 $0xFFFFD800  }
0x175: {  	[hbm4b:s19+s0] =	stream.linear.scatter [tilespmem:s4], [sflag:$0x2], $0x2800, $0x38;
	[tilespmem:$0x1E800] =	vst v63  }
0x176: {  	_ =	swait.ge [sflag:s7], $0x2800  }
0x177: {  	[sflag:s7] =	ssyncset.done $0x0  }
0x178: {  	[sflag:s7] =	ssyncadd.s32 $0xFFFFD800  }
0x179: {  	[tilespmem:s15], [sflag:$0x7] =	stream.linear.gather [spmem:s24], $0x2800, $0x38;
	[tilespmem:$0x1E800] =	vst v63  }
0x17a: {  	_ =	swait.ge [sflag:s30], $0x2800  }
0x17b: {  	[sflag:s30] =	ssyncset.done $0x0  }
0x17c: {  	s29 =	rddreg [dreg:$0xe];
	[sflag:s30] =	ssyncadd.s32 $0xFFFFD800  }
0x17d: {  	[hbm4b:s29+s0] =	stream.linear.scatter [tilespmem:s15], [sflag:$0x1], $0x2800, $0x38;
	[tilespmem:$0x1E800] =	vst v63  }
0x17e: {  	_ =	swait.ge [sflag:s8], $0x2800  }
0x17f: {  	[sflag:s8] =	ssyncset.done $0x0  }
0x180: {  	[sflag:s8] =	ssyncadd.s32 $0xFFFFD800  }
0x181: {  	[tilespmem:s4], [sflag:$0x7] =	stream.linear.gather [spmem:s25], $0x2800, $0x38;
	[tilespmem:$0x1E800] =	vst v63  }
0x182: {  	_ =	swait.ge [sflag:s30], $0x2800  }
0x183: {  	[sflag:s30] =	ssyncset.done $0x0  }
0x184: {  	s19 =	rddreg [dreg:$0xf];
	[sflag:s30] =	ssyncadd.s32 $0xFFFFD800  }
0x185: {  	[hbm4b:s19+s0] =	stream.linear.scatter [tilespmem:s4], [sflag:$0x2], $0x2800, $0x38;
	[tilespmem:$0x1E800] =	vst v63  }
0x186: {  	_ =	swait.ge [sflag:s7], $0x2800  }
0x187: {  	[sflag:s7] =	ssyncset.done $0x0  }
0x188: {  	[sflag:s7] =	ssyncadd.s32 $0xFFFFD800  }
0x189: {  	[tilespmem:s15], [sflag:$0x7] =	stream.linear.gather [spmem:s26], $0x2800, $0x38;
	[tilespmem:$0x1E800] =	vst v63  }
0x18a: {  	_ =	swait.ge [sflag:s30], $0x2800  }
0x18b: {  	[sflag:s30] =	ssyncset.done $0x0  }
0x18c: {  	s29 =	rddreg [dreg:$0x10];
	[sflag:s30] =	ssyncadd.s32 $0xFFFFD800  }
0x18d: {  	[hbm4b:s29+s0] =	stream.linear.scatter [tilespmem:s15], [sflag:$0x1], $0x2800, $0x38;
	[tilespmem:$0x1E800] =	vst v63  }
0x18e: {  	_ =	swait.ge [sflag:s8], $0x2800  }
0x18f: {  	[sflag:s8] =	ssyncset.done $0x0  }
0x190: {  	[sflag:s8] =	ssyncadd.s32 $0xFFFFD800  }
0x191: {  	[tilespmem:s4], [sflag:$0x7] =	stream.linear.gather [spmem:s28], $0x2800, $0x38;
	[tilespmem:$0x1E800] =	vst v63  }
0x192: {  	_ =	swait.ge [sflag:s30], $0x2800  }
0x193: {  	[sflag:s30] =	ssyncset.done $0x0  }
0x194: {  	s19 =	rddreg [dreg:$0x11];
	[sflag:s30] =	ssyncadd.s32 $0xFFFFD800  }
0x195: {  	[hbm4b:s19+s0] =	stream.linear.scatter [tilespmem:s4], [sflag:$0x2], $0x2800, $0x38;
	[tilespmem:$0x1E800] =	vst v63  }
0x196: {  	_ =	swait.ge [sflag:s7], $0x2800  }
0x197: {  	[sflag:s7] =	ssyncset.done $0x0  }
0x198: {  	[sflag:s7] =	ssyncadd.s32 $0xFFFFD800  }
0x199: {  	_ =	swait.ge [sflag:s8], $0x2800  }
0x19a: {  	s18 =	sadd.s32 $0x1, s18;
	s29 =	rddreg [dreg:$0x13]  }
0x19b: {  	p0 =	sne.s32 s18, s29  }
.Ltmp3:
0x19c: {  	_ = 	snop;
	(pc) =	sbr.rel @p0 .LBB2_1-.Ltmp3, $3  }
0x19d: {  	_ =	sdelay $0x1  }
0x19e: {  	[sflag:s8] =	ssyncset.done $0x0  }
0x19f: {  	[sflag:s8] =	ssyncadd.s32 $0xFFFFD800  }
0x1a0: {  	_ =	sfence.sel $0x180000  }
0x1a1: {  	[bflag:$0x0] =	sbarrier.arrive $0xFFFF  }
0x1a2: {  	_ =	strace $0x9000004A  }
0x1a3: {  	s0 =	stileid.u32;
	[bflag:$0x2] =	sbarrier.arrive $0xFFFF  }
0x1a4: {  	p0 =	sne.s32 s0, $0x0;
	s0 =	rddreg [dreg:$0x3]  }
0x1a5: {  	s0 =	sadd.s32 @!p0 $0x100000, s0  }
0x1a6: {  	[sflag:s0] =	ssyncadd.tile.s32 @!p0 $0x1;
	_ =	shalt  }
.Lfunc_end2:
_tile_overlayer_lowered:
.L_overlay_start_2:
0x1a7: {  	(tag) =	ssettag $0x2  }
0x1a8: {  	s0 =	rddreg [dreg:$0x0];
	s2 =	stileid.u32  }
0x1a9: {  	s1 =	rddreg [dreg:$0x1];
	p0 =	sne.s32 s2, $0x0  }
0x1aa: {  	s3 =	rddreg [dreg:$0x2];
	[bflag:$0x3] =	sbarrier.arrive $0xFFFF;
	s2 =	simm.s32 @!p0 $0x1C07  }
0x1ab: {  	[timem:s3], [sflag:s2] =	dma.local @!p0 [hbm:s0], s1  }
0x1ac: {  	s0 =	simm.s32 @!p0 $0x7  }
0x1ad: {  	_ =	swait.ge @!p0 [sflag:s0], s1  }
0x1ae: {  	s1 =	ssub.s32 @!p0 $0x0, s1;
	[sflag:s0] =	ssyncset.done @!p0 $0x0  }
0x1af: {  	[sflag:s0] =	ssyncadd.s32 @!p0 s1  }
0x1b0: {  	[bflag:$0x3] =	sbarrier.arrive $0xFFFF  }
0x1b1: {  	_ =	shalt  }

// kernel: kernel.14.cloned.1.call-start
scs
__scs_entry_jumppad:
0x0: {  	(pc) =	sbr.rel $0x88, $3  }
0x1: {  	(tag) =	ssettag $0x0;
	lr =	simm.s32 $0x1  }
0x2: {  	[smem:$0x3F9B] =	sst lr;
	_ =	strace $0xD0000000  }
0x3: {  	_ = 	snop  }
0x4: {  	_ = 	snop  }
0x5: {  	_ = 	snop  }
0x6: {  	_ = 	snop  }
0x7: {  	_ = 	snop  }
__scs_overlays_trampoline_lowered:
0x8: {  	[smem:$0x3FAA] =	sst s0  }
0x9: {  	[smem:$0x3FAB] =	sst s1  }
0xa: {  	[smem:$0x3FAC] =	sst s2  }
0xb: {  	[smem:$0x3FAD] =	sst s3  }
0xc: {  	[smem:$0x3FAE] =	sst s4  }
0xd: {  	[smem:$0x3FAF] =	sst s5  }
0xe: {  	[smem:$0x3FB0] =	sst s6  }
0xf: {  	[smem:$0x3FB1] =	sst s7  }
0x10: {  	[smem:$0x3FB2] =	sst s8  }
0x11: {  	[smem:$0x3FB3] =	sst s9;
	s0 =	simm.s32 @!p0 $0x0  }
0x12: {  	s1 =	sld [smem:$0x3F99];
	s0 =	simm.s32 @p0 $0x1  }
0x13: {  	[smem:$0x3FB4] =	sst s0;
	s0 =	simm.s32 @!p1 $0x0  }
0x14: {  	s2 =	sld [smem:$0x3F98];
	s0 =	simm.s32 @p1 $0x1  }
0x15: {  	[smem:$0x3FB5] =	sst s0;
	s0 =	simm.s32 @!p2 $0x0  }
0x16: {  	s3 =	sld [smem:$0x3FDB];
	s0 =	simm.s32 @p2 $0x1  }
0x17: {  	s4 =	simm.s32 $0x1BF5;
	[smem:$0x3FB7] =	sst s0  }
0x18: {  	s0 =	sld [smem:$0x3F9A];
	_ =	swait.ge [sflag:s4], $0x0  }
0x19: {  	s7 =	sld [smem:$0x3F9B]  }
0x1a: {  	s8 =	sadd.s32 $0xFFFFE003, lr  }
0x1b: {  	s9 =	sadd.s32 $0xFFFFFEF7, lr;
	s5 =	simm.s32 $0xFFFFFFFF;
	p2 =	slt.u32 s8, $0xFFFFF086  }
0x1c: {  	p1 =	slt.u32 s9, $0xF7A;
	s5 =	simm.s32 @!p2 $0x0  }
0x1d: {  	s5 =	simm.s32 @p1 $0x1;
	p0 =	seq.s32 s7, s2  }
0x1e: {  	s7 =	smul.u32 @!p0 $0xF7A, s2;
	p2 =	seq.s32 @!p0 s5, $0x0  }
0x1f: {  	s9 =	smul.u32 $0xF7A, s1;
	s8 =	simm.s32 @!p0 $0x1BF5;
	p2 =	por !p2, p0  }
0x20: {  	[sflag:s8] =	ssyncset.s32 @!p0 $0xFFFFF086;
	s6 =	sadd.s32 @!p0 s3, s7;
	s7 =	simm.s32 @!p0 $0x108  }
0x21: {  	s3 =	sadd.s32 s3, s9;
	s6 =	sadd.s32 @!p0 $0x88, s6;
	s7 =	simm.s32 @p2 $0x1082  }
0x22: {  	[simem:s7], [sflag:s8] =	dma.local @!p0 [hbm:s6], $0xF7A  }
0x23: {  	s9 =	sor.u32 $0xD0000000, s2;
	s6 =	simm.s32 $0x108;
	_ =	swait.ge @!p0 [sflag:s8], $0x0  }
0x24: {  	s3 =	sadd.s32 $0x88, s3;
	s6 =	simm.s32 @!p1 $0x1082;
	[sflag:s4] =	ssyncset.s32 $0xFFFFF086  }
0x25: {  	[simem:s6], [sflag:s4] =	dma.local [hbm:s3], $0xF7A  }
0x26: {  	[smem:$0x3F9B] =	sst s1;
	(tag) =	ssettag s2;
	_ =	strace s9  }
0x27: {  	s1 =	sld [smem:$0x3FAB]  }
0x28: {  	s2 =	sld [smem:$0x3FAC]  }
0x29: {  	s4 =	sld [smem:$0x3FAE]  }
0x2a: {  	p0 =	seq.s32 s5, $0x0;
	s5 =	sld [smem:$0x3FAF]  }
0x2b: {  	s6 =	sld [smem:$0x3FB0]  }
0x2c: {  	s7 =	sld [smem:$0x3FB1]  }
0x2d: {  	s3 =	simm.s32 $0x108;
	s8 =	sld [smem:$0x3FB2]  }
0x2e: {  	s3 =	simm.s32 @!p0 $0x1082;
	s9 =	sld [smem:$0x3FB3]  }
0x2f: {  	lr =	sadd.s32 s0, s3;
	s0 =	sld [smem:$0x3FAA]  }
0x30: {  	s3 =	sld [smem:$0x3FAD]  }
0x31: {  	[smem:$0x3FB6] =	sst s10  }
0x32: {  	s10 =	sld [smem:$0x3FB4];
	_ =	sdelay $0x3  }
0x33: {  	p0 =	seq.s32 s10, $0x1;
	s10 =	sld [smem:$0x3FB6];
	_ =	sdelay $0x3  }
0x34: {  	[smem:$0x3FB6] =	sst s10  }
0x35: {  	s10 =	sld [smem:$0x3FB5];
	_ =	sdelay $0x3  }
0x36: {  	p1 =	seq.s32 s10, $0x1;
	s10 =	sld [smem:$0x3FB6];
	_ =	sdelay $0x3  }
0x37: {  	[smem:$0x3FB6] =	sst s10  }
0x38: {  	s10 =	sld [smem:$0x3FB7]  }
0x39: {  	_ = 	snop;
	(pc) =	sbr.ind lr, $3  }
0x3a: {  	_ = 	snop  }
0x3b: {  	_ = 	snop  }
0x3c: {  	p2 =	seq.s32 s10, $0x1;
	s10 =	sld [smem:$0x3FB6]  }
0x3d: {  	_ =	shalt  }
0x3e: {  	_ =	shalt  }
0x3f: {  	_ =	shalt  }
0x40: {  	_ =	shalt  }
0x41: {  	_ =	shalt  }
0x42: {  	_ =	shalt  }
0x43: {  	_ =	shalt  }
0x44: {  	_ =	shalt  }
0x45: {  	_ =	shalt  }
0x46: {  	_ =	shalt  }
0x47: {  	_ =	shalt  }
0x48: {  	_ =	shalt  }
0x49: {  	_ =	shalt  }
0x4a: {  	_ =	shalt  }
0x4b: {  	_ =	shalt  }
0x4c: {  	_ =	shalt  }
0x4d: {  	_ =	shalt  }
0x4e: {  	_ =	shalt  }
0x4f: {  	_ =	shalt  }
0x50: {  	_ =	shalt  }
0x51: {  	_ =	shalt  }
0x52: {  	_ =	shalt  }
0x53: {  	_ =	shalt  }
0x54: {  	_ =	shalt  }
0x55: {  	_ =	shalt  }
0x56: {  	_ =	shalt  }
0x57: {  	_ =	shalt  }
0x58: {  	_ =	shalt  }
0x59: {  	_ =	shalt  }
0x5a: {  	_ =	shalt  }
0x5b: {  	_ =	shalt  }
0x5c: {  	_ =	shalt  }
0x5d: {  	_ =	shalt  }
0x5e: {  	_ =	shalt  }
0x5f: {  	_ =	shalt  }
0x60: {  	_ =	shalt  }
0x61: {  	_ =	shalt  }
0x62: {  	_ =	shalt  }
0x63: {  	_ =	shalt  }
0x64: {  	_ =	shalt  }
0x65: {  	_ =	shalt  }
0x66: {  	_ =	shalt  }
0x67: {  	_ =	shalt  }
0x68: {  	_ =	shalt  }
0x69: {  	_ =	shalt  }
0x6a: {  	_ =	shalt  }
0x6b: {  	_ =	shalt  }
0x6c: {  	_ =	shalt  }
0x6d: {  	_ =	shalt  }
0x6e: {  	_ =	shalt  }
0x6f: {  	_ =	shalt  }
0x70: {  	_ =	shalt  }
0x71: {  	_ =	shalt  }
0x72: {  	_ =	shalt  }
0x73: {  	_ =	shalt  }
0x74: {  	_ =	shalt  }
0x75: {  	_ =	shalt  }
0x76: {  	_ =	shalt  }
0x77: {  	_ =	shalt  }
0x78: {  	_ =	shalt  }
0x79: {  	_ =	shalt  }
0x7a: {  	_ =	shalt  }
0x7b: {  	_ =	shalt  }
0x7c: {  	_ =	shalt  }
0x7d: {  	_ =	shalt  }
0x7e: {  	_ =	shalt  }
0x7f: {  	_ =	shalt  }
0x80: {  	_ =	shalt  }
0x81: {  	_ =	shalt  }
0x82: {  	_ =	shalt  }
0x83: {  	_ =	shalt  }
0x84: {  	_ =	shalt  }
0x85: {  	_ =	shalt  }
0x86: {  	_ =	shalt  }
0x87: {  	_ =	shalt  }
.Lfunc_end0:
.L_simem_size_0:
called_computation.2_lowered:
.L_overlay_start_0:
0x88: {  	s2 =	sld [smem:$0x3FD9]  }
0x89: {  	s3 =	sld [smem:$0x3FFE];
	_ =	sdelay $0x1  }
0x8a: {  	s1 =	srdreg.scid  }
0x8b: {  	s0 =	sand.u32 $0x1, s1  }
0x8c: {  	s17 =	sshll.u32 s0, $0xA;
	s2 =	sadd.s32 s3, s2  }
0x8d: {  	s2 =	sadd.s32 s2, s17  }
0x8e: {  	[smem:$0x3FC2] =	sst s2  }
0x8f: {  	_ = 	snop  }
0x90: {  	s2 =	sld [smem:$0x3FD0];
	(tm) =	ssettm $0x1  }
0x91: {  	s18 =	sld [smem:$0x3FFB];
	_ =	sdelay $0x3  }
0x92: {  	_ =	strace s18  }
0x93: {  	s3 =	sld [smem:$0x3FFC];
	_ =	sdelay $0x3  }
0x94: {  	_ =	strace s3  }
0x95: {  	s3 =	sld [smem:$0x3FFD];
	_ =	sdelay $0x3  }
0x96: {  	_ =	strace s3  }
0x97: {  	_ =	strace $0x8FFFFFFF  }
0x98: {  	s19 =	sld [smem:$0x3FDB];
	_ =	sdelay $0x1  }
0x99: {  	s4 =	simm.s32 $_scs_section_size  }
0x9a: {  	s5 =	simm.s32 $_size__tile_overlayer_lowered;
	s6 =	simm.s32 $_tile_overlayer_lowered  }
0x9b: {  	s22 =	simm.s32 $0x1BFF;
	s21 =	sshll.u32 s6, $0x1;
	s3 =	sadd.s32 s4, s19  }
0x9c: {  	s7 =	simm.s32 $0x0;
	s20 =	sshll.u32 s5, $0x1;
	s5 =	sadd.s32 s21, s3  }
0x9d: {  	[timem:s7], [sflag:s22] =	dma.local [hbm:s5], s20  }
0x9e: {  	_ =	swait.ge [sflag:s22], s20  }
0x9f: {  	s4 =	ssub.s32 $0x0, s20;
	[sflag:s22] =	ssyncset.done $0x0  }
0xa0: {  	[sflag:s22] =	ssyncadd.s32 s4;
	_ =	sdelay $0x1  }
0xa1: {  	s23 =	simm.s32 $0x1B8B  }
0xa2: {  	_ =	swait.ge [sflag:s23], $0x1  }
0xa3: {  	[sflag:s23] =	ssyncset.done $0x0  }
0xa4: {  	s25 =	simm.s32 $0x1B8E;
	s24 =	sld [smem:$0x3FFE];
	[sflag:s23] =	ssyncadd.s32 $0xFFFFFFFF  }
0xa5: {  	s26 =	simm.s32 $execute0_lowered;
	[smem:$0x3FD2] =	sst s25  }
0xa6: {  	s5 =	sshll.u32 s26, $0x1;
	_ =	strace $0x8000004C;
	[dreg:$0x1] =	wrdreg $0xFFFFFFFF  }
0xa7: {  	s28 =	simm.s32 $_size_execute0_lowered;
	s3 =	sadd.s32 s3, s5;
	[dreg:$0x0] =	wrdreg $0x0  }
0xa8: {  	s5 =	sshll.u32 s28, $0x1;
	[dreg:$0x2] =	wrdreg s3  }
0xa9: {  	[dreg:$0x3] =	wrdreg s5  }
0xaa: {  	[dreg:$0x4] =	wrdreg $0xC0  }
0xab: {  	_ =	task [dreg:s7], $0x5FFFF  }
0xac: {  	[dreg:$0x1] =	wrdreg $0xFFFFFFFF  }
0xad: {  	[dreg:$0x0] =	wrdreg $0x60  }
0xae: {  	[dreg:$0x2] =	wrdreg s2  }
0xaf: {  	[dreg:$0x3] =	wrdreg s24  }
0xb0: {  	[dreg:$0x4] =	wrdreg $0xA8000  }
0xb1: {  	[dreg:$0x5] =	wrdreg $0x9  }
0xb2: {  	_ =	task.clear_ibuf [dreg:s7], $0x6FFFF;
	_ =	strace $0x9000004C  }
0xb3: {  	s29 =	simm.s32 $0x9;
	_ =	strace $0x8000004E  }
0xb4: {  	_ =	swait.ge [sflag:s29], $0x1  }
0xb5: {  	[sflag:s29] =	ssyncadd.s32 $0xFFFFFFFF  }
0xb6: {  	_ =	strace $0x9000004E  }
0xb7: {  	_ =	sfence  }
0xb8: {  	s30 =	sld [smem:$0x0];
	_ =	sdelay $0x2  }
0xb9: {  	s31 =	sshll.u32 s1, $0xD;
	s1 =	sshrl.u32 s1, $0x2  }
0xba: {  	s3 =	sand.u32 $0x4000, s31;
	s1 =	sadd.s32 s1, s30  }
0xbb: {  	s0 =	sor.u32 s3, s0;
	s1 =	sshll.u32 s1, $0x11  }
0xbc: {  	s0 =	sor.u32 s1, s0  }
0xbd: {  	s0 =	sadd.s32 $0x8F2B, s0  }
0xbe: {  	[sflag:s0] =	ssyncadd.remote.s32 $0x1  }
0xbf: {  	_ =	sfence.sel $0xFFFF  }
0xc0: {  	[dreg:$0x0] =	wrdreg $0xFFFFFFFF;
	(pc) =	sbr.abs _section_cstart, $3  }
0xc1: {  	[dreg:$0x1] =	wrdreg $0xFFFFFFFF  }
0xc2: {  	_ =	task.clear_ibuf [dreg:s7], $0x2FFFF;
	_ =	strace $0x9FFFFFFF  }
0xc3: {  	(tm) =	ssettm $0x7FFFFFFF  }
tec
execute0_lowered:
.L_overlay_start_1:
0x0: {  	(tag) =	ssettag $0x1  }
0x1: {  	s1 =	srdreg.scid;
	s2 =	rddreg [dreg:$0x1]  }
0x2: {  	s0 =	simm.s32 $0x0;
	s17 =	stileid.u32;
	s30 =	simm.s32 $0x7  }
0x3: {  	s31 =	simm.s32 $0x1800;
	s1 =	sand.u32 $0x1, s1;
	[smem:$0x7FF] =	sst s0  }
0x4: {  	s3 =	sadd.s32 $0x62800, s2;
	s5 =	sadd.s32 $0x2200, s2;
	s7 =	sshll.u32 s17, $0xC  }
0x5: {  	s9 =	smul.u32 $0x14000, s17;
	s10 =	sadd.s32 $0x12800, s2;
	s2 =	sadd.s32 $0x12200, s2  }
0x6: {  	s4 =	ssub.s32 $0x2, s1;
	s8 =	sshll.u32 s1, $0xB;
	s1 =	smul.u32 $0x140000, s1  }
0x7: {  	s6 =	sshrl.u32 s4, $0x1;
	s25 =	sor.u32 s8, s7;
	s8 =	sadd.s32 $0x5000, s9  }
0x8: {  	s11 =	sadd.s32 $0x7800, s9;
	s12 =	sadd.s32 $0xA000, s9;
	s13 =	sadd.s32 $0xC800, s9  }
0x9: {  	s15 =	sadd.s32 $0xF000, s9;
	s16 =	sadd.s32 $0x11800, s9;
	s4 =	ssub.s32 s4, s6  }
0xa: {  	s7 =	sadd.s32 s3, s25;
	s26 =	sadd.s32 s5, s25;
	s14 =	sor.u32 $0x300, s25  }
0xb: {  	s6 =	sor.u32 $0x600, s25;
	s25 =	smul.u32 $0x50000, s17;
	s17 =	rddreg [dreg:$0x2]  }
0xc: {  	s20 =	sadd.s32 s1, s12;
	s21 =	sadd.s32 s1, s13;
	[dreg:$0x4] =	wrdreg s7  }
0xd: {  	s22 =	sadd.s32 s1, s15;
	[dreg:$0x5] =	wrdreg s26;
	s18 =	sadd.s32 s3, s14  }
0xe: {  	s7 =	sor.u32 $0x2800, s9;
	s14 =	sadd.s32 s5, s14;
	[dreg:$0x6] =	wrdreg s18  }
0xf: {  	s9 =	sadd.s32 s9, s1;
	s3 =	sadd.s32 s3, s6;
	[dreg:$0x7] =	wrdreg s14  }
0x10: {  	s29 =	sadd.s32 s5, s6;
	s24 =	sshrl.u32 s22, $0x3;
	[dreg:$0x8] =	wrdreg s3  }
0x11: {  	s22 =	sadd.s32 s8, s17;
	s28 =	sadd.s32 s16, s17;
	[dreg:$0x9] =	wrdreg s29  }
0x12: {  	s5 =	sshrl.u32 s9, $0x3;
	s6 =	sadd.s32 s1, s7;
	s9 =	sadd.s32 s1, s8  }
0x13: {  	s14 =	sadd.s32 s1, s11;
	s1 =	sadd.s32 s1, s16;
	s26 =	sshrl.u32 s25, $0x2  }
0x14: {  	s25 =	sadd.s32 s13, s17;
	s29 =	smax.u32 s4, $0x1;
	s4 =	simm.s32 $0x5800  }
0x15: {  	s8 =	simm.s32 $0x2;
	s13 =	simm.s32 $0x2F00;
	s16 =	simm.s32 $0x2F80  }
0x16: {  	s3 =	sadd.s32 s10, s5;
	s5 =	sshrl.u32 s9, $0x3;
	s19 =	sshrl.u32 s14, $0x3  }
0x17: {  	s14 =	rddreg [dreg:$0x0];
	s1 =	sshrl.u32 s1, $0x3;
	s9 =	simm.s32 $0x3  }
0x18: {  	[dreg:$0xa] =	wrdreg s3;
	s3 =	sshrl.u32 s6, $0x3;
	s18 =	sadd.s32 s10, s5  }
0x19: {  	s5 =	sshrl.u32 s21, $0x3;
	s1 =	sadd.s32 s10, s1;
	s21 =	sadd.s32 s7, s17  }
0x1a: {  	s6 =	simm.s32 $0x8000;
	s7 =	simm.s32 $0x1;
	[dreg:$0xc] =	wrdreg s18  }
0x1b: {  	s3 =	sadd.s32 s10, s3;
	s23 =	sadd.s32 s10, s5;
	[dreg:$0x11] =	wrdreg s1  }
0x1c: {  	s1 =	simm.s32 $0x4;
	s5 =	simm.s32 $0x100;
	[dreg:$0xb] =	wrdreg s3  }
0x1d: {  	s18 =	simm.s32 $0x0;
	s3 =	sadd.s32 s10, s19;
	[dreg:$0xf] =	wrdreg s23  }
0x1e: {  	s23 =	sadd.s32 s11, s17;
	[dreg:$0xd] =	wrdreg s3;
	s3 =	sshrl.u32 s20, $0x3  }
0x1f: {  	s11 =	simm.s32 $0x6;
	s20 =	sadd.s32 s26, s17;
	s3 =	sadd.s32 s10, s3  }
0x20: {  	s26 =	sadd.s32 s15, s17;
	[dreg:$0xe] =	wrdreg s3;
	s3 =	sadd.s32 s10, s24  }
0x21: {  	s15 =	simm.s32 $0x3000;
	s24 =	sadd.s32 s12, s17;
	[dreg:$0x10] =	wrdreg s3  }
0x22: {  	s10 =	simm.s32 $0x5;
	_ =	strace $0x8000004D;
	[dreg:$0x12] =	wrdreg s2  }
0x23: {  	s3 =	simm.s32 $0x80;
	[dreg:$0x13] =	wrdreg s29;
	s2 =	simm.s32 $0x50  }
.LBB2_1:
0x24: {  	s12 =	rddreg [dreg:$0x4]  }
0x25: {  	[tilespmem:s0], [sflag:$0x7] =	stream.linear.gather [hbm4b:s12+s0], $0x1800, $0x38;
	[tilespmem:$0x1E800] =	vst v63  }
0x26: {  	_ =	swait.ge [sflag:s30], $0x1800  }
0x27: {  	[sflag:s30] =	ssyncset.done $0x0  }
0x28: {  	s19 =	rddreg [dreg:$0x5];
	[sflag:s30] =	ssyncadd.s32 $0xFFFFE800  }
0x29: {  	[tilespmem:s31], [sflag:$0x7] =	stream.linear.gather [hbm4b:s19+s0], $0x1800, $0x38;
	[tilespmem:$0x1E800] =	vst v63  }
0x2a: {  	_ =	swait.ge [sflag:s30], $0x1800  }
0x2b: {  	[sflag:s30] =	ssyncset.done $0x0  }
0x2c: {  	s19 =	rddreg [dreg:$0x12];
	[sflag:s30] =	ssyncadd.s32 $0xFFFFE800  }
0x2d: {  	[tilespmem:s15], [sflag:$0x7] =	stream.linear.gather [hbm4b:s19+s0], $0x2800, $0x38;
	[tilespmem:$0x1E800] =	vst v63  }
0x2e: {  	_ =	swait.ge [sflag:s30], $0x2800  }
0x2f: {  	[sflag:s30] =	ssyncset.done $0x0  }
0x30: {  	[sflag:s30] =	ssyncadd.s32 $0xFFFFD800  }
0x31: {  	[spmem:s20] =	stream.linear.scatter [tilespmem:s15], [sflag:$0x4], $0x2800, $0x38;
	[tilespmem:$0x1E800] =	vst v63  }
0x32: {  	_ = 	snop  }
0x33: {  	[spmem:s21] =	stream.linear.scatter [tilespmem:s15], [sflag:$0x4], $0x2800, $0x38;
	[tilespmem:$0x1E800] =	vst v63  }
0x34: {  	_ = 	snop  }
0x35: {  	[spmem:s22] =	stream.linear.scatter [tilespmem:s15], [sflag:$0x4], $0x2800, $0x38;
	[tilespmem:$0x1E800] =	vst v63  }
0x36: {  	_ = 	snop  }
0x37: {  	[spmem:s23] =	stream.linear.scatter [tilespmem:s15], [sflag:$0x4], $0x2800, $0x38;
	[tilespmem:$0x1E800] =	vst v63  }
0x38: {  	_ = 	snop  }
0x39: {  	[spmem:s24] =	stream.linear.scatter [tilespmem:s15], [sflag:$0x4], $0x2800, $0x38;
	[tilespmem:$0x1E800] =	vst v63  }
0x3a: {  	_ = 	snop  }
0x3b: {  	[spmem:s25] =	stream.linear.scatter [tilespmem:s15], [sflag:$0x4], $0x2800, $0x38;
	[tilespmem:$0x1E800] =	vst v63  }
0x3c: {  	_ = 	snop  }
0x3d: {  	[spmem:s26] =	stream.linear.scatter [tilespmem:s15], [sflag:$0x4], $0x2800, $0x38;
	[tilespmem:$0x1E800] =	vst v63  }
0x3e: {  	_ = 	snop  }
0x3f: {  	[spmem:s28] =	stream.linear.scatter [tilespmem:s15], [sflag:$0x4], $0x2800, $0x38;
	[tilespmem:$0x1E800] =	vst v63  }
0x40: {  	_ =	swait.ge [sflag:s1], $0x2800  }
0x41: {  	[sflag:s1] =	ssyncset.done $0x0  }
0x42: {  	[sflag:s1] =	ssyncadd.s32 $0xFFFFD800  }
0x43: {  	_ =	swait.ge [sflag:s1], $0x2800  }
0x44: {  	[sflag:s1] =	ssyncset.done $0x0  }
0x45: {  	[sflag:s1] =	ssyncadd.s32 $0xFFFFD800  }
0x46: {  	_ =	swait.ge [sflag:s1], $0x2800  }
0x47: {  	[sflag:s1] =	ssyncset.done $0x0  }
0x48: {  	[sflag:s1] =	ssyncadd.s32 $0xFFFFD800  }
0x49: {  	_ =	swait.ge [sflag:s1], $0x2800  }
0x4a: {  	[sflag:s1] =	ssyncset.done $0x0  }
0x4b: {  	[sflag:s1] =	ssyncadd.s32 $0xFFFFD800  }
0x4c: {  	_ =	swait.ge [sflag:s1], $0x2800  }
0x4d: {  	[sflag:s1] =	ssyncset.done $0x0  }
0x4e: {  	[sflag:s1] =	ssyncadd.s32 $0xFFFFD800  }
0x4f: {  	_ =	swait.ge [sflag:s1], $0x2800  }
0x50: {  	[sflag:s1] =	ssyncset.done $0x0  }
0x51: {  	[sflag:s1] =	ssyncadd.s32 $0xFFFFD800  }
0x52: {  	_ =	swait.ge [sflag:s1], $0x2800  }
0x53: {  	[sflag:s1] =	ssyncset.done $0x0  }
0x54: {  	[sflag:s1] =	ssyncadd.s32 $0xFFFFD800  }
0x55: {  	_ =	swait.ge [sflag:s1], $0x2800  }
0x56: {  	[sflag:s1] =	ssyncset.done $0x0  }
0x57: {  	[sflag:s1] =	ssyncadd.s32 $0xFFFFD800  }
0x58: {  	[bflag:$0x0] =	sbarrier.arrive $0xFFFF  }
0x59: {  	[tilespmem:s15], [sflag:$0x1] =	stream.indirect.gather [hbm4b:s14+s2], $0x80, s0, s2, $0xb8;
	[tilespmem:$0x1E800] =	vst v63  }
0x5a: {  	_ = 	snop  }
0x5b: {  	[tilespmem:s4], [sflag:$0x2] =	stream.indirect.gather [hbm4b:s14+s2], $0x80, s3, s2, $0xb8;
	[tilespmem:$0x1E800] =	vst v63  }
0x5c: {  	_ = 	snop  }
0x5d: {  	[tilespmem:s6], [sflag:$0x3] =	stream.indirect.gather [hbm4b:s14+s2], $0x80, s5, s2, $0xb8;
	[tilespmem:$0x1E800] =	vst v63  }
0x5e: {  	_ =	swait.ge [sflag:s7], $0x2800  }
0x5f: {  	[sflag:s7] =	ssyncset.done $0x0  }
0x60: {  	s19 =	simm.s32 $0x1800;
	[sflag:s7] =	ssyncadd.s32 $0xFFFFD800  }
0x61: {  	[spmem:s17] =	stream.indirect.scatter.add.f32 [tilespmem:s15], [sflag:$0x4], $0x80, s19, s2, $0xb8;
	[tilespmem:$0x1E800] =	vst v63  }
0x62: {  	_ =	swait.ge [sflag:s8], $0x2800  }
0x63: {  	[sflag:s8] =	ssyncset.done $0x0  }
0x64: {  	s12 =	simm.s32 $0x1880;
	[sflag:s8] =	ssyncadd.s32 $0xFFFFD800  }
0x65: {  	[spmem:s17] =	stream.indirect.scatter.add.f32 [tilespmem:s4], [sflag:$0x5], $0x80, s12, s2, $0xb8;
	[tilespmem:$0x1E800] =	vst v63  }
0x66: {  	_ =	swait.ge [sflag:s9], $0x2800  }
0x67: {  	[sflag:s9] =	ssyncset.done $0x0  }
0x68: {  	s12 =	simm.s32 $0x1900;
	[sflag:s9] =	ssyncadd.s32 $0xFFFFD800  }
0x69: {  	[spmem:s17] =	stream.indirect.scatter.add.f32 [tilespmem:s6], [sflag:$0x6], $0x80, s12, s2, $0xb8;
	[tilespmem:$0x1E800] =	vst v63  }
0x6a: {  	_ =	swait.ge [sflag:s1], $0x2800  }
0x6b: {  	[sflag:s1] =	ssyncset.done $0x0  }
0x6c: {  	s12 =	simm.s32 $0x180;
	[sflag:s1] =	ssyncadd.s32 $0xFFFFD800  }
0x6d: {  	[tilespmem:s15], [sflag:$0x1] =	stream.indirect.gather [hbm4b:s14+s2], $0x80, s12, s2, $0xb8;
	[tilespmem:$0x1E800] =	vst v63  }
0x6e: {  	_ =	swait.ge [sflag:s10], $0x2800  }
0x6f: {  	[sflag:s10] =	ssyncset.done $0x0  }
0x70: {  	s12 =	simm.s32 $0x200;
	[sflag:s10] =	ssyncadd.s32 $0xFFFFD800  }
0x71: {  	[tilespmem:s4], [sflag:$0x2] =	stream.indirect.gather [hbm4b:s14+s2], $0x80, s12, s2, $0xb8;
	[tilespmem:$0x1E800] =	vst v63  }
0x72: {  	_ =	swait.ge [sflag:s11], $0x2800  }
0x73: {  	[sflag:s11] =	ssyncset.done $0x0  }
0x74: {  	s29 =	simm.s32 $0x280;
	s19 =	simm.s32 $0x600;
	[sflag:s11] =	ssyncadd.s32 $0xFFFFD800  }
.LBB2_2:
0x75: {  	[tilespmem:s6], [sflag:$0x3] =	stream.indirect.gather [hbm4b:s14+s2], $0x80, s29, s2, $0xb8;
	[tilespmem:$0x1E800] =	vst v63  }
0x76: {  	s29 =	smov.u32 s19  }
0x77: {  	p0 =	sne.s32 s19, $0x5400;
	s19 =	sadd.s32 $0x600, s19;
	_ =	swait.ge [sflag:s7], $0x2800  }
0x78: {  	s29 =	sshra.s32 s29, $0x2;
	[sflag:s7] =	ssyncset.done $0x0  }
0x79: {  	s12 =	sadd.s32 $0x1800, s29;
	[sflag:s7] =	ssyncadd.s32 $0xFFFFD800  }
0x7a: {  	[spmem:s17] =	stream.indirect.scatter.add.f32 [tilespmem:s15], [sflag:$0x4], $0x80, s12, s2, $0xb8;
	[tilespmem:$0x1E800] =	vst v63  }
0x7b: {  	_ =	swait.ge [sflag:s8], $0x2800  }
0x7c: {  	[sflag:s8] =	ssyncset.done $0x0  }
0x7d: {  	s12 =	sadd.s32 $0x1880, s29;
	[sflag:s8] =	ssyncadd.s32 $0xFFFFD800  }
0x7e: {  	[spmem:s17] =	stream.indirect.scatter.add.f32 [tilespmem:s4], [sflag:$0x5], $0x80, s12, s2, $0xb8;
	[tilespmem:$0x1E800] =	vst v63  }
0x7f: {  	_ =	swait.ge [sflag:s9], $0x2800  }
0x80: {  	[sflag:s9] =	ssyncset.done $0x0  }
0x81: {  	s12 =	sadd.s32 $0x1900, s29;
	[sflag:s9] =	ssyncadd.s32 $0xFFFFD800  }
0x82: {  	[spmem:s17] =	stream.indirect.scatter.add.f32 [tilespmem:s6], [sflag:$0x6], $0x80, s12, s2, $0xb8;
	[tilespmem:$0x1E800] =	vst v63  }
0x83: {  	_ =	swait.ge [sflag:s1], $0x2800  }
0x84: {  	[sflag:s1] =	ssyncset.done $0x0  }
0x85: {  	s12 =	sadd.s32 $0x180, s29;
	[sflag:s1] =	ssyncadd.s32 $0xFFFFD800  }
0x86: {  	[tilespmem:s15], [sflag:$0x1] =	stream.indirect.gather [hbm4b:s14+s2], $0x80, s12, s2, $0xb8;
	[tilespmem:$0x1E800] =	vst v63  }
0x87: {  	_ =	swait.ge [sflag:s10], $0x2800  }
0x88: {  	[sflag:s10] =	ssyncset.done $0x0  }
.Ltmp0:
0x89: {  	s12 =	sadd.s32 $0x200, s29;
	[sflag:s10] =	ssyncadd.s32 $0xFFFFD800;
	(pc) =	sbr.rel @p0 .LBB2_2-.Ltmp0, $4  }
0x8a: {  	[tilespmem:s4], [sflag:$0x2] =	stream.indirect.gather [hbm4b:s14+s2], $0x80, s12, s2, $0xb8;
	[tilespmem:$0x1E800] =	vst v63  }
0x8b: {  	_ =	swait.ge [sflag:s11], $0x2800  }
0x8c: {  	[sflag:s11] =	ssyncset.done $0x0  }
0x8d: {  	s29 =	sadd.s32 $0x280, s29;
	[sflag:s11] =	ssyncadd.s32 $0xFFFFD800  }
0x8e: {  	[tilespmem:s6], [sflag:$0x3] =	stream.indirect.gather [hbm4b:s14+s2], $0x80, s29, s2, $0xb8;
	[tilespmem:$0x1E800] =	vst v63  }
0x8f: {  	_ =	swait.ge [sflag:s7], $0x2800  }
0x90: {  	[sflag:s7] =	ssyncset.done $0x0  }
0x91: {  	s12 =	simm.s32 $0x2E80;
	[sflag:s7] =	ssyncadd.s32 $0xFFFFD800  }
0x92: {  	[spmem:s17] =	stream.indirect.scatter.add.f32 [tilespmem:s15], [sflag:$0x4], $0x80, s12, s2, $0xb8;
	[tilespmem:$0x1E800] =	vst v63  }
0x93: {  	_ =	swait.ge [sflag:s8], $0x2800  }
0x94: {  	[sflag:s8] =	ssyncset.done $0x0  }
0x95: {  	[sflag:s8] =	ssyncadd.s32 $0xFFFFD800  }
0x96: {  	[spmem:s17] =	stream.indirect.scatter.add.f32 [tilespmem:s4], [sflag:$0x5], $0x80, s13, s2, $0xb8;
	[tilespmem:$0x1E800] =	vst v63  }
0x97: {  	_ =	swait.ge [sflag:s9], $0x2800  }
0x98: {  	[sflag:s9] =	ssyncset.done $0x0  }
0x99: {  	[sflag:s9] =	ssyncadd.s32 $0xFFFFD800  }
0x9a: {  	[spmem:s17] =	stream.indirect.scatter.add.f32 [tilespmem:s6], [sflag:$0x6], $0x80, s16, s2, $0xb8;
	[tilespmem:$0x1E800] =	vst v63  }
0x9b: {  	_ =	swait.ge [sflag:s1], $0x2800  }
0x9c: {  	[sflag:s1] =	ssyncset.done $0x0  }
0x9d: {  	[sflag:s1] =	ssyncadd.s32 $0xFFFFD800  }
0x9e: {  	_ =	swait.ge [sflag:s10], $0x2800  }
0x9f: {  	[sflag:s10] =	ssyncset.done $0x0  }
0xa0: {  	[sflag:s10] =	ssyncadd.s32 $0xFFFFD800  }
0xa1: {  	_ =	swait.ge [sflag:s11], $0x2800  }
0xa2: {  	[sflag:s11] =	ssyncset.done $0x0  }
0xa3: {  	s12 =	simm.s32 $0x0;
	s19 =	rddreg [dreg:$0x6];
	[sflag:s11] =	ssyncadd.s32 $0xFFFFD800  }
0xa4: {  	[tilespmem:s12], [sflag:$0x7] =	stream.linear.gather [hbm4b:s19+s12], $0x1800, $0x38;
	[tilespmem:$0x1E800] =	vst v63  }
0xa5: {  	_ =	swait.ge [sflag:s30], $0x1800  }
0xa6: {  	[sflag:s30] =	ssyncset.done $0x0  }
0xa7: {  	s19 =	rddreg [dreg:$0x7];
	[sflag:s30] =	ssyncadd.s32 $0xFFFFE800  }
0xa8: {  	[tilespmem:s31], [sflag:$0x7] =	stream.linear.gather [hbm4b:s19+s12], $0x1800, $0x38;
	[tilespmem:$0x1E800] =	vst v63  }
0xa9: {  	_ =	swait.ge [sflag:s30], $0x1800  }
0xaa: {  	[sflag:s30] =	ssyncset.done $0x0  }
0xab: {  	[sflag:s30] =	ssyncadd.s32 $0xFFFFE800  }
0xac: {  	[tilespmem:s15], [sflag:$0x1] =	stream.indirect.gather [hbm4b:s14+s2], $0x80, s12, s2, $0xb8;
	[tilespmem:$0x1E800] =	vst v63  }
0xad: {  	_ = 	snop  }
0xae: {  	[tilespmem:s4], [sflag:$0x2] =	stream.indirect.gather [hbm4b:s14+s2], $0x80, s3, s2, $0xb8;
	[tilespmem:$0x1E800] =	vst v63  }
0xaf: {  	_ = 	snop  }
0xb0: {  	[tilespmem:s6], [sflag:$0x3] =	stream.indirect.gather [hbm4b:s14+s2], $0x80, s5, s2, $0xb8;
	[tilespmem:$0x1E800] =	vst v63  }
0xb1: {  	_ =	swait.ge [sflag:s7], $0x2800  }
0xb2: {  	[sflag:s7] =	ssyncset.done $0x0  }
0xb3: {  	s19 =	simm.s32 $0x1800;
	[sflag:s7] =	ssyncadd.s32 $0xFFFFD800  }
0xb4: {  	[spmem:s17] =	stream.indirect.scatter.add.f32 [tilespmem:s15], [sflag:$0x4], $0x80, s19, s2, $0xb8;
	[tilespmem:$0x1E800] =	vst v63  }
0xb5: {  	_ =	swait.ge [sflag:s8], $0x2800  }
0xb6: {  	[sflag:s8] =	ssyncset.done $0x0  }
0xb7: {  	s19 =	simm.s32 $0x1880;
	[sflag:s8] =	ssyncadd.s32 $0xFFFFD800  }
0xb8: {  	[spmem:s17] =	stream.indirect.scatter.add.f32 [tilespmem:s4], [sflag:$0x5], $0x80, s19, s2, $0xb8;
	[tilespmem:$0x1E800] =	vst v63  }
0xb9: {  	_ =	swait.ge [sflag:s9], $0x2800  }
0xba: {  	[sflag:s9] =	ssyncset.done $0x0  }
0xbb: {  	s19 =	simm.s32 $0x1900;
	[sflag:s9] =	ssyncadd.s32 $0xFFFFD800  }
0xbc: {  	[spmem:s17] =	stream.indirect.scatter.add.f32 [tilespmem:s6], [sflag:$0x6], $0x80, s19, s2, $0xb8;
	[tilespmem:$0x1E800] =	vst v63  }
0xbd: {  	_ =	swait.ge [sflag:s1], $0x2800  }
0xbe: {  	[sflag:s1] =	ssyncset.done $0x0  }
0xbf: {  	s19 =	simm.s32 $0x180;
	[sflag:s1] =	ssyncadd.s32 $0xFFFFD800  }
0xc0: {  	[tilespmem:s15], [sflag:$0x1] =	stream.indirect.gather [hbm4b:s14+s2], $0x80, s19, s2, $0xb8;
	[tilespmem:$0x1E800] =	vst v63  }
0xc1: {  	_ =	swait.ge [sflag:s10], $0x2800  }
0xc2: {  	[sflag:s10] =	ssyncset.done $0x0  }
0xc3: {  	s19 =	simm.s32 $0x200;
	[sflag:s10] =	ssyncadd.s32 $0xFFFFD800  }
0xc4: {  	[tilespmem:s4], [sflag:$0x2] =	stream.indirect.gather [hbm4b:s14+s2], $0x80, s19, s2, $0xb8;
	[tilespmem:$0x1E800] =	vst v63  }
0xc5: {  	_ =	swait.ge [sflag:s11], $0x2800  }
0xc6: {  	[sflag:s11] =	ssyncset.done $0x0  }
0xc7: {  	s29 =	simm.s32 $0x280;
	s19 =	simm.s32 $0x600;
	[sflag:s11] =	ssyncadd.s32 $0xFFFFD800  }
.LBB2_4:
0xc8: {  	[tilespmem:s6], [sflag:$0x3] =	stream.indirect.gather [hbm4b:s14+s2], $0x80, s29, s2, $0xb8;
	[tilespmem:$0x1E800] =	vst v63  }
0xc9: {  	s12 =	smov.u32 s19  }
0xca: {  	p0 =	sne.s32 s19, $0x5400;
	s19 =	sadd.s32 $0x600, s19;
	_ =	swait.ge [sflag:s7], $0x2800  }
0xcb: {  	s12 =	sshra.s32 s12, $0x2;
	[sflag:s7] =	ssyncset.done $0x0  }
0xcc: {  	s29 =	sadd.s32 $0x1800, s12;
	[sflag:s7] =	ssyncadd.s32 $0xFFFFD800  }
0xcd: {  	[spmem:s17] =	stream.indirect.scatter.add.f32 [tilespmem:s15], [sflag:$0x4], $0x80, s29, s2, $0xb8;
	[tilespmem:$0x1E800] =	vst v63  }
0xce: {  	_ =	swait.ge [sflag:s8], $0x2800  }
0xcf: {  	[sflag:s8] =	ssyncset.done $0x0  }
0xd0: {  	s29 =	sadd.s32 $0x1880, s12;
	[sflag:s8] =	ssyncadd.s32 $0xFFFFD800  }
0xd1: {  	[spmem:s17] =	stream.indirect.scatter.add.f32 [tilespmem:s4], [sflag:$0x5], $0x80, s29, s2, $0xb8;
	[tilespmem:$0x1E800] =	vst v63  }
0xd2: {  	_ =	swait.ge [sflag:s9], $0x2800  }
0xd3: {  	[sflag:s9] =	ssyncset.done $0x0  }
0xd4: {  	s29 =	sadd.s32 $0x1900, s12;
	[sflag:s9] =	ssyncadd.s32 $0xFFFFD800  }
0xd5: {  	[spmem:s17] =	stream.indirect.scatter.add.f32 [tilespmem:s6], [sflag:$0x6], $0x80, s29, s2, $0xb8;
	[tilespmem:$0x1E800] =	vst v63  }
0xd6: {  	_ =	swait.ge [sflag:s1], $0x2800  }
0xd7: {  	[sflag:s1] =	ssyncset.done $0x0  }
0xd8: {  	s29 =	sadd.s32 $0x180, s12;
	[sflag:s1] =	ssyncadd.s32 $0xFFFFD800  }
0xd9: {  	[tilespmem:s15], [sflag:$0x1] =	stream.indirect.gather [hbm4b:s14+s2], $0x80, s29, s2, $0xb8;
	[tilespmem:$0x1E800] =	vst v63  }
0xda: {  	_ =	swait.ge [sflag:s10], $0x2800  }
0xdb: {  	[sflag:s10] =	ssyncset.done $0x0  }
.Ltmp1:
0xdc: {  	s29 =	sadd.s32 $0x200, s12;
	[sflag:s10] =	ssyncadd.s32 $0xFFFFD800;
	(pc) =	sbr.rel @p0 .LBB2_4-.Ltmp1, $4  }
0xdd: {  	[tilespmem:s4], [sflag:$0x2] =	stream.indirect.gather [hbm4b:s14+s2], $0x80, s29, s2, $0xb8;
	[tilespmem:$0x1E800] =	vst v63  }
0xde: {  	_ =	swait.ge [sflag:s11], $0x2800  }
0xdf: {  	[sflag:s11] =	ssyncset.done $0x0  }
0xe0: {  	s29 =	sadd.s32 $0x280, s12;
	[sflag:s11] =	ssyncadd.s32 $0xFFFFD800  }
0xe1: {  	[tilespmem:s6], [sflag:$0x3] =	stream.indirect.gather [hbm4b:s14+s2], $0x80, s29, s2, $0xb8;
	[tilespmem:$0x1E800] =	vst v63  }
0xe2: {  	_ =	swait.ge [sflag:s7], $0x2800  }
0xe3: {  	[sflag:s7] =	ssyncset.done $0x0  }
0xe4: {  	s12 =	simm.s32 $0x2E80;
	[sflag:s7] =	ssyncadd.s32 $0xFFFFD800  }
0xe5: {  	[spmem:s17] =	stream.indirect.scatter.add.f32 [tilespmem:s15], [sflag:$0x4], $0x80, s12, s2, $0xb8;
	[tilespmem:$0x1E800] =	vst v63  }
0xe6: {  	_ =	swait.ge [sflag:s8], $0x2800  }
0xe7: {  	[sflag:s8] =	ssyncset.done $0x0  }
0xe8: {  	[sflag:s8] =	ssyncadd.s32 $0xFFFFD800  }
0xe9: {  	[spmem:s17] =	stream.indirect.scatter.add.f32 [tilespmem:s4], [sflag:$0x5], $0x80, s13, s2, $0xb8;
	[tilespmem:$0x1E800] =	vst v63  }
0xea: {  	_ =	swait.ge [sflag:s9], $0x2800  }
0xeb: {  	[sflag:s9] =	ssyncset.done $0x0  }
0xec: {  	[sflag:s9] =	ssyncadd.s32 $0xFFFFD800  }
0xed: {  	[spmem:s17] =	stream.indirect.scatter.add.f32 [tilespmem:s6], [sflag:$0x6], $0x80, s16, s2, $0xb8;
	[tilespmem:$0x1E800] =	vst v63  }
0xee: {  	_ =	swait.ge [sflag:s1], $0x2800  }
0xef: {  	[sflag:s1] =	ssyncset.done $0x0  }
0xf0: {  	[sflag:s1] =	ssyncadd.s32 $0xFFFFD800  }
0xf1: {  	_ =	swait.ge [sflag:s10], $0x2800  }
0xf2: {  	[sflag:s10] =	ssyncset.done $0x0  }
0xf3: {  	[sflag:s10] =	ssyncadd.s32 $0xFFFFD800  }
0xf4: {  	_ =	swait.ge [sflag:s11], $0x2800  }
0xf5: {  	[sflag:s11] =	ssyncset.done $0x0  }
0xf6: {  	s12 =	simm.s32 $0x0;
	s19 =	rddreg [dreg:$0x8];
	[sflag:s11] =	ssyncadd.s32 $0xFFFFD800  }
0xf7: {  	[tilespmem:s12], [sflag:$0x7] =	stream.linear.gather [hbm4b:s19+s12], $0xE80, $0x38;
	[tilespmem:$0x1E800] =	vst v63  }
0xf8: {  	_ =	swait.ge [sflag:s30], $0xE80  }
0xf9: {  	[sflag:s30] =	ssyncset.done $0x0  }
0xfa: {  	s19 =	rddreg [dreg:$0x9];
	[sflag:s30] =	ssyncadd.s32 $0xFFFFF180  }
0xfb: {  	[tilespmem:s31], [sflag:$0x7] =	stream.linear.gather [hbm4b:s19+s12], $0xE80, $0x38;
	[tilespmem:$0x1E800] =	vst v63  }
0xfc: {  	_ =	swait.ge [sflag:s30], $0xE80  }
0xfd: {  	[sflag:s30] =	ssyncset.done $0x0  }
0xfe: {  	[sflag:s30] =	ssyncadd.s32 $0xFFFFF180  }
0xff: {  	[tilespmem:s15], [sflag:$0x1] =	stream.indirect.gather [hbm4b:s14+s2], $0x80, s12, s2, $0xb8;
	[tilespmem:$0x1E800] =	vst v63  }
0x100: {  	_ = 	snop  }
0x101: {  	[tilespmem:s4], [sflag:$0x2] =	stream.indirect.gather [hbm4b:s14+s2], $0x80, s3, s2, $0xb8;
	[tilespmem:$0x1E800] =	vst v63  }
0x102: {  	_ = 	snop  }
0x103: {  	[tilespmem:s6], [sflag:$0x3] =	stream.indirect.gather [hbm4b:s14+s2], $0x80, s5, s2, $0xb8;
	[tilespmem:$0x1E800] =	vst v63  }
0x104: {  	_ =	swait.ge [sflag:s7], $0x2800  }
0x105: {  	[sflag:s7] =	ssyncset.done $0x0  }
0x106: {  	s19 =	simm.s32 $0x1800;
	[sflag:s7] =	ssyncadd.s32 $0xFFFFD800  }
0x107: {  	[spmem:s17] =	stream.indirect.scatter.add.f32 [tilespmem:s15], [sflag:$0x4], $0x80, s19, s2, $0xb8;
	[tilespmem:$0x1E800] =	vst v63  }
0x108: {  	_ =	swait.ge [sflag:s8], $0x2800  }
0x109: {  	[sflag:s8] =	ssyncset.done $0x0  }
0x10a: {  	s19 =	simm.s32 $0x1880;
	[sflag:s8] =	ssyncadd.s32 $0xFFFFD800  }
0x10b: {  	[spmem:s17] =	stream.indirect.scatter.add.f32 [tilespmem:s4], [sflag:$0x5], $0x80, s19, s2, $0xb8;
	[tilespmem:$0x1E800] =	vst v63  }
0x10c: {  	_ =	swait.ge [sflag:s9], $0x2800  }
0x10d: {  	[sflag:s9] =	ssyncset.done $0x0  }
0x10e: {  	s19 =	simm.s32 $0x1900;
	[sflag:s9] =	ssyncadd.s32 $0xFFFFD800  }
0x10f: {  	[spmem:s17] =	stream.indirect.scatter.add.f32 [tilespmem:s6], [sflag:$0x6], $0x80, s19, s2, $0xb8;
	[tilespmem:$0x1E800] =	vst v63  }
0x110: {  	_ =	swait.ge [sflag:s1], $0x2800  }
0x111: {  	[sflag:s1] =	ssyncset.done $0x0  }
0x112: {  	s19 =	simm.s32 $0x180;
	[sflag:s1] =	ssyncadd.s32 $0xFFFFD800  }
0x113: {  	[tilespmem:s15], [sflag:$0x1] =	stream.indirect.gather [hbm4b:s14+s2], $0x80, s19, s2, $0xb8;
	[tilespmem:$0x1E800] =	vst v63  }
0x114: {  	_ =	swait.ge [sflag:s10], $0x2800  }
0x115: {  	[sflag:s10] =	ssyncset.done $0x0  }
0x116: {  	s19 =	simm.s32 $0x200;
	[sflag:s10] =	ssyncadd.s32 $0xFFFFD800  }
0x117: {  	[tilespmem:s4], [sflag:$0x2] =	stream.indirect.gather [hbm4b:s14+s2], $0x80, s19, s2, $0xb8;
	[tilespmem:$0x1E800] =	vst v63  }
0x118: {  	_ =	swait.ge [sflag:s11], $0x2800  }
0x119: {  	[sflag:s11] =	ssyncset.done $0x0  }
0x11a: {  	s29 =	simm.s32 $0x280;
	s19 =	simm.s32 $0x600;
	[sflag:s11] =	ssyncadd.s32 $0xFFFFD800  }
.LBB2_6:
0x11b: {  	[tilespmem:s6], [sflag:$0x3] =	stream.indirect.gather [hbm4b:s14+s2], $0x80, s29, s2, $0xb8;
	[tilespmem:$0x1E800] =	vst v63  }
0x11c: {  	s12 =	smov.u32 s19  }
0x11d: {  	p0 =	sne.s32 s19, $0x2A00;
	s19 =	sadd.s32 $0x600, s19;
	_ =	swait.ge [sflag:s7], $0x2800  }
0x11e: {  	s12 =	sshra.s32 s12, $0x2;
	[sflag:s7] =	ssyncset.done $0x0  }
0x11f: {  	s29 =	sadd.s32 $0x1800, s12;
	[sflag:s7] =	ssyncadd.s32 $0xFFFFD800  }
0x120: {  	[spmem:s17] =	stream.indirect.scatter.add.f32 [tilespmem:s15], [sflag:$0x4], $0x80, s29, s2, $0xb8;
	[tilespmem:$0x1E800] =	vst v63  }
0x121: {  	_ =	swait.ge [sflag:s8], $0x2800  }
0x122: {  	[sflag:s8] =	ssyncset.done $0x0  }
0x123: {  	s29 =	sadd.s32 $0x1880, s12;
	[sflag:s8] =	ssyncadd.s32 $0xFFFFD800  }
0x124: {  	[spmem:s17] =	stream.indirect.scatter.add.f32 [tilespmem:s4], [sflag:$0x5], $0x80, s29, s2, $0xb8;
	[tilespmem:$0x1E800] =	vst v63  }
0x125: {  	_ =	swait.ge [sflag:s9], $0x2800  }
0x126: {  	[sflag:s9] =	ssyncset.done $0x0  }
0x127: {  	s29 =	sadd.s32 $0x1900, s12;
	[sflag:s9] =	ssyncadd.s32 $0xFFFFD800  }
0x128: {  	[spmem:s17] =	stream.indirect.scatter.add.f32 [tilespmem:s6], [sflag:$0x6], $0x80, s29, s2, $0xb8;
	[tilespmem:$0x1E800] =	vst v63  }
0x129: {  	_ =	swait.ge [sflag:s1], $0x2800  }
0x12a: {  	[sflag:s1] =	ssyncset.done $0x0  }
0x12b: {  	s29 =	sadd.s32 $0x180, s12;
	[sflag:s1] =	ssyncadd.s32 $0xFFFFD800  }
0x12c: {  	[tilespmem:s15], [sflag:$0x1] =	stream.indirect.gather [hbm4b:s14+s2], $0x80, s29, s2, $0xb8;
	[tilespmem:$0x1E800] =	vst v63  }
0x12d: {  	_ =	swait.ge [sflag:s10], $0x2800  }
0x12e: {  	[sflag:s10] =	ssyncset.done $0x0  }
.Ltmp2:
0x12f: {  	s29 =	sadd.s32 $0x200, s12;
	[sflag:s10] =	ssyncadd.s32 $0xFFFFD800;
	(pc) =	sbr.rel @p0 .LBB2_6-.Ltmp2, $4  }
0x130: {  	[tilespmem:s4], [sflag:$0x2] =	stream.indirect.gather [hbm4b:s14+s2], $0x80, s29, s2, $0xb8;
	[tilespmem:$0x1E800] =	vst v63  }
0x131: {  	_ =	swait.ge [sflag:s11], $0x2800  }
0x132: {  	[sflag:s11] =	ssyncset.done $0x0  }
0x133: {  	s29 =	sadd.s32 $0x280, s12;
	[sflag:s11] =	ssyncadd.s32 $0xFFFFD800  }
0x134: {  	[tilespmem:s6], [sflag:$0x3] =	stream.indirect.gather [hbm4b:s14+s2], $0x80, s29, s2, $0xb8;
	[tilespmem:$0x1E800] =	vst v63  }
0x135: {  	_ =	swait.ge [sflag:s7], $0x2800  }
0x136: {  	[sflag:s7] =	ssyncset.done $0x0  }
0x137: {  	s12 =	simm.s32 $0x2400;
	[sflag:s7] =	ssyncadd.s32 $0xFFFFD800  }
0x138: {  	[spmem:s17] =	stream.indirect.scatter.add.f32 [tilespmem:s15], [sflag:$0x4], $0x80, s12, s2, $0xb8;
	[tilespmem:$0x1E800] =	vst v63  }
0x139: {  	_ =	swait.ge [sflag:s8], $0x2800  }
0x13a: {  	[sflag:s8] =	ssyncset.done $0x0  }
0x13b: {  	s29 =	simm.s32 $0x2480;
	[sflag:s8] =	ssyncadd.s32 $0xFFFFD800  }
0x13c: {  	[spmem:s17] =	stream.indirect.scatter.add.f32 [tilespmem:s4], [sflag:$0x5], $0x80, s29, s2, $0xb8;
	[tilespmem:$0x1E800] =	vst v63  }
0x13d: {  	_ =	swait.ge [sflag:s9], $0x2800  }
0x13e: {  	[sflag:s9] =	ssyncset.done $0x0  }
0x13f: {  	s19 =	simm.s32 $0x2500;
	[sflag:s9] =	ssyncadd.s32 $0xFFFFD800  }
0x140: {  	[spmem:s17] =	stream.indirect.scatter.add.f32 [tilespmem:s6], [sflag:$0x6], $0x80, s19, s2, $0xb8;
	[tilespmem:$0x1E800] =	vst v63  }
0x141: {  	_ =	swait.ge [sflag:s1], $0x2800  }
0x142: {  	[sflag:s1] =	ssyncset.done $0x0  }
0x143: {  	s29 =	simm.s32 $0xD80;
	[sflag:s1] =	ssyncadd.s32 $0xFFFFD800  }
0x144: {  	[tilespmem:s15], [sflag:$0x1] =	stream.indirect.gather [hbm4b:s14+s2], $0x80, s29, s2, $0xb8;
	[tilespmem:$0x1E800] =	vst v63  }
0x145: {  	_ =	swait.ge [sflag:s7], $0x2800  }
0x146: {  	[sflag:s7] =	ssyncset.done $0x0  }
0x147: {  	s19 =	simm.s32 $0x2580;
	[sflag:s7] =	ssyncadd.s32 $0xFFFFD800  }
0x148: {  	[spmem:s17] =	stream.indirect.scatter.add.f32 [tilespmem:s15], [sflag:$0x4], $0x80, s19, s2, $0xb8;
	[tilespmem:$0x1E800] =	vst v63  }
0x149: {  	_ =	swait.ge [sflag:s10], $0x2800  }
0x14a: {  	[sflag:s10] =	ssyncset.done $0x0  }
0x14b: {  	s29 =	simm.s32 $0xE00;
	[sflag:s10] =	ssyncadd.s32 $0xFFFFD800  }
0x14c: {  	[tilespmem:s4], [sflag:$0x2] =	stream.indirect.gather [hbm4b:s14+s2], $0x80, s29, s2, $0xb8;
	[tilespmem:$0x1E800] =	vst v63  }
0x14d: {  	_ =	swait.ge [sflag:s8], $0x2800  }
0x14e: {  	[sflag:s8] =	ssyncset.done $0x0  }
0x14f: {  	s19 =	simm.s32 $0x2600;
	[sflag:s8] =	ssyncadd.s32 $0xFFFFD800  }
0x150: {  	[spmem:s17] =	stream.indirect.scatter.add.f32 [tilespmem:s4], [sflag:$0x5], $0x80, s19, s2, $0xb8;
	[tilespmem:$0x1E800] =	vst v63  }
0x151: {  	_ =	swait.ge [sflag:s1], $0x2800  }
0x152: {  	[sflag:s1] =	ssyncset.done $0x0  }
0x153: {  	[sflag:s1] =	ssyncadd.s32 $0xFFFFD800  }
0x154: {  	_ =	swait.ge [sflag:s10], $0x2800  }
0x155: {  	[sflag:s10] =	ssyncset.done $0x0  }
0x156: {  	[sflag:s10] =	ssyncadd.s32 $0xFFFFD800  }
0x157: {  	_ =	swait.ge [sflag:s11], $0x2800  }
0x158: {  	[sflag:s11] =	ssyncset.done $0x0  }
0x159: {  	[sflag:s11] =	ssyncadd.s32 $0xFFFFD800  }
0x15a: {  	[bflag:$0x0] =	sbarrier.arrive $0xFFFF  }
0x15b: {  	[tilespmem:s15], [sflag:$0x7] =	stream.linear.gather [spmem:s20], $0x2800, $0x38;
	[tilespmem:$0x1E800] =	vst v63  }
0x15c: {  	_ =	swait.ge [sflag:s30], $0x2800  }
0x15d: {  	[sflag:s30] =	ssyncset.done $0x0  }
0x15e: {  	s29 =	rddreg [dreg:$0xa];
	[sflag:s30] =	ssyncadd.s32 $0xFFFFD800  }
0x15f: {  	[hbm4b:s29+s0] =	stream.linear.scatter [tilespmem:s15], [sflag:$0x1], $0x2800, $0x38;
	[tilespmem:$0x1E800] =	vst v63  }
0x160: {  	_ = 	snop  }
0x161: {  	[tilespmem:s4], [sflag:$0x7] =	stream.linear.gather [spmem:s21], $0x2800, $0x38;
	[tilespmem:$0x1E800] =	vst v63  }
0x162: {  	_ =	swait.ge [sflag:s30], $0x2800  }
0x163: {  	[sflag:s30] =	ssyncset.done $0x0  }
0x164: {  	s19 =	rddreg [dreg:$0xb];
	[sflag:s30] =	ssyncadd.s32 $0xFFFFD800  }
0x165: {  	[hbm4b:s19+s0] =	stream.linear.scatter [tilespmem:s4], [sflag:$0x2], $0x2800, $0x38;
	[tilespmem:$0x1E800] =	vst v63  }
0x166: {  	_ =	swait.ge [sflag:s7], $0x2800  }
0x167: {  	[sflag:s7] =	ssyncset.done $0x0  }
0x168: {  	[sflag:s7] =	ssyncadd.s32 $0xFFFFD800  }
0x169: {  	[tilespmem:s15], [sflag:$0x7] =	stream.linear.gather [spmem:s22], $0x2800, $0x38;
	[tilespmem:$0x1E800] =	vst v63  }
0x16a: {  	_ =	swait.ge [sflag:s30], $0x2800  }
0x16b: {  	[sflag:s30] =	ssyncset.done $0x0  }
0x16c: {  	s29 =	rddreg [dreg:$0xc];
	[sflag:s30] =	ssyncadd.s32 $0xFFFFD800  }
0x16d: {  	[hbm4b:s29+s0] =	stream.linear.scatter [tilespmem:s15], [sflag:$0x1], $0x2800, $0x38;
	[tilespmem:$0x1E800] =	vst v63  }
0x16e: {  	_ =	swait.ge [sflag:s8], $0x2800  }
0x16f: {  	[sflag:s8] =	ssyncset.done $0x0  }
0x170: {  	[sflag:s8] =	ssyncadd.s32 $0xFFFFD800  }
0x171: {  	[tilespmem:s4], [sflag:$0x7] =	stream.linear.gather [spmem:s23], $0x2800, $0x38;
	[tilespmem:$0x1E800] =	vst v63  }
0x172: {  	_ =	swait.ge [sflag:s30], $0x2800  }
0x173: {  	[sflag:s30] =	ssyncset.done $0x0  }
0x174: {  	s19 =	rddreg [dreg:$0xd];
	[sflag:s30] =	ssyncadd.s32 $0xFFFFD800  }
0x175: {  	[hbm4b:s19+s0] =	stream.linear.scatter [tilespmem:s4], [sflag:$0x2], $0x2800, $0x38;
	[tilespmem:$0x1E800] =	vst v63  }
0x176: {  	_ =	swait.ge [sflag:s7], $0x2800  }
0x177: {  	[sflag:s7] =	ssyncset.done $0x0  }
0x178: {  	[sflag:s7] =	ssyncadd.s32 $0xFFFFD800  }
0x179: {  	[tilespmem:s15], [sflag:$0x7] =	stream.linear.gather [spmem:s24], $0x2800, $0x38;
	[tilespmem:$0x1E800] =	vst v63  }
0x17a: {  	_ =	swait.ge [sflag:s30], $0x2800  }
0x17b: {  	[sflag:s30] =	ssyncset.done $0x0  }
0x17c: {  	s29 =	rddreg [dreg:$0xe];
	[sflag:s30] =	ssyncadd.s32 $0xFFFFD800  }
0x17d: {  	[hbm4b:s29+s0] =	stream.linear.scatter [tilespmem:s15], [sflag:$0x1], $0x2800, $0x38;
	[tilespmem:$0x1E800] =	vst v63  }
0x17e: {  	_ =	swait.ge [sflag:s8], $0x2800  }
0x17f: {  	[sflag:s8] =	ssyncset.done $0x0  }
0x180: {  	[sflag:s8] =	ssyncadd.s32 $0xFFFFD800  }
0x181: {  	[tilespmem:s4], [sflag:$0x7] =	stream.linear.gather [spmem:s25], $0x2800, $0x38;
	[tilespmem:$0x1E800] =	vst v63  }
0x182: {  	_ =	swait.ge [sflag:s30], $0x2800  }
0x183: {  	[sflag:s30] =	ssyncset.done $0x0  }
0x184: {  	s19 =	rddreg [dreg:$0xf];
	[sflag:s30] =	ssyncadd.s32 $0xFFFFD800  }
0x185: {  	[hbm4b:s19+s0] =	stream.linear.scatter [tilespmem:s4], [sflag:$0x2], $0x2800, $0x38;
	[tilespmem:$0x1E800] =	vst v63  }
0x186: {  	_ =	swait.ge [sflag:s7], $0x2800  }
0x187: {  	[sflag:s7] =	ssyncset.done $0x0  }
0x188: {  	[sflag:s7] =	ssyncadd.s32 $0xFFFFD800  }
0x189: {  	[tilespmem:s15], [sflag:$0x7] =	stream.linear.gather [spmem:s26], $0x2800, $0x38;
	[tilespmem:$0x1E800] =	vst v63  }
0x18a: {  	_ =	swait.ge [sflag:s30], $0x2800  }
0x18b: {  	[sflag:s30] =	ssyncset.done $0x0  }
0x18c: {  	s29 =	rddreg [dreg:$0x10];
	[sflag:s30] =	ssyncadd.s32 $0xFFFFD800  }
0x18d: {  	[hbm4b:s29+s0] =	stream.linear.scatter [tilespmem:s15], [sflag:$0x1], $0x2800, $0x38;
	[tilespmem:$0x1E800] =	vst v63  }
0x18e: {  	_ =	swait.ge [sflag:s8], $0x2800  }
0x18f: {  	[sflag:s8] =	ssyncset.done $0x0  }
0x190: {  	[sflag:s8] =	ssyncadd.s32 $0xFFFFD800  }
0x191: {  	[tilespmem:s4], [sflag:$0x7] =	stream.linear.gather [spmem:s28], $0x2800, $0x38;
	[tilespmem:$0x1E800] =	vst v63  }
0x192: {  	_ =	swait.ge [sflag:s30], $0x2800  }
0x193: {  	[sflag:s30] =	ssyncset.done $0x0  }
0x194: {  	s19 =	rddreg [dreg:$0x11];
	[sflag:s30] =	ssyncadd.s32 $0xFFFFD800  }
0x195: {  	[hbm4b:s19+s0] =	stream.linear.scatter [tilespmem:s4], [sflag:$0x2], $0x2800, $0x38;
	[tilespmem:$0x1E800] =	vst v63  }
0x196: {  	_ =	swait.ge [sflag:s7], $0x2800  }
0x197: {  	[sflag:s7] =	ssyncset.done $0x0  }
0x198: {  	[sflag:s7] =	ssyncadd.s32 $0xFFFFD800  }
0x199: {  	_ =	swait.ge [sflag:s8], $0x2800  }
0x19a: {  	s18 =	sadd.s32 $0x1, s18;
	s29 =	rddreg [dreg:$0x13]  }
0x19b: {  	p0 =	sne.s32 s18, s29  }
.Ltmp3:
0x19c: {  	_ = 	snop;
	(pc) =	sbr.rel @p0 .LBB2_1-.Ltmp3, $3  }
0x19d: {  	_ =	sdelay $0x1  }
0x19e: {  	[sflag:s8] =	ssyncset.done $0x0  }
0x19f: {  	[sflag:s8] =	ssyncadd.s32 $0xFFFFD800  }
0x1a0: {  	_ =	sfence.sel $0x180000  }
0x1a1: {  	[bflag:$0x0] =	sbarrier.arrive $0xFFFF  }
0x1a2: {  	_ =	strace $0x9000004D  }
0x1a3: {  	s0 =	stileid.u32;
	[bflag:$0x2] =	sbarrier.arrive $0xFFFF  }
0x1a4: {  	p0 =	sne.s32 s0, $0x0;
	s0 =	rddreg [dreg:$0x3]  }
0x1a5: {  	s0 =	sadd.s32 @!p0 $0x100000, s0  }
0x1a6: {  	[sflag:s0] =	ssyncadd.tile.s32 @!p0 $0x1;
	_ =	shalt  }
.Lfunc_end2:
_tile_overlayer_lowered:
.L_overlay_start_2:
0x1a7: {  	(tag) =	ssettag $0x2  }
0x1a8: {  	s0 =	rddreg [dreg:$0x0];
	s2 =	stileid.u32  }
0x1a9: {  	s1 =	rddreg [dreg:$0x1];
	p0 =	sne.s32 s2, $0x0  }
0x1aa: {  	s3 =	rddreg [dreg:$0x2];
	[bflag:$0x3] =	sbarrier.arrive $0xFFFF;
	s2 =	simm.s32 @!p0 $0x1C07  }
0x1ab: {  	[timem:s3], [sflag:s2] =	dma.local @!p0 [hbm:s0], s1  }
0x1ac: {  	s0 =	simm.s32 @!p0 $0x7  }
0x1ad: {  	_ =	swait.ge @!p0 [sflag:s0], s1  }
0x1ae: {  	s1 =	ssub.s32 @!p0 $0x0, s1;
	[sflag:s0] =	ssyncset.done @!p0 $0x0  }
0x1af: {  	[sflag:s0] =	ssyncadd.s32 @!p0 s1  }
0x1b0: {  	[bflag:$0x3] =	sbarrier.arrive $0xFFFF  }
0x1b1: {  	_ =	shalt  }

// kernel: kernel.8.cloned.1.call-start
scs
__scs_entry_jumppad:
0x0: {  	(pc) =	sbr.rel $0x88, $3  }
0x1: {  	(tag) =	ssettag $0x0;
	lr =	simm.s32 $0x1  }
0x2: {  	[smem:$0x3F9B] =	sst lr;
	_ =	strace $0xD0000000  }
0x3: {  	_ = 	snop  }
0x4: {  	_ = 	snop  }
0x5: {  	_ = 	snop  }
0x6: {  	_ = 	snop  }
0x7: {  	_ = 	snop  }
__scs_overlays_trampoline_lowered:
0x8: {  	[smem:$0x3FAA] =	sst s0  }
0x9: {  	[smem:$0x3FAB] =	sst s1  }
0xa: {  	[smem:$0x3FAC] =	sst s2  }
0xb: {  	[smem:$0x3FAD] =	sst s3  }
0xc: {  	[smem:$0x3FAE] =	sst s4  }
0xd: {  	[smem:$0x3FAF] =	sst s5  }
0xe: {  	[smem:$0x3FB0] =	sst s6  }
0xf: {  	[smem:$0x3FB1] =	sst s7  }
0x10: {  	[smem:$0x3FB2] =	sst s8  }
0x11: {  	[smem:$0x3FB3] =	sst s9;
	s0 =	simm.s32 @!p0 $0x0  }
0x12: {  	s1 =	sld [smem:$0x3F99];
	s0 =	simm.s32 @p0 $0x1  }
0x13: {  	[smem:$0x3FB4] =	sst s0;
	s0 =	simm.s32 @!p1 $0x0  }
0x14: {  	s2 =	sld [smem:$0x3F98];
	s0 =	simm.s32 @p1 $0x1  }
0x15: {  	[smem:$0x3FB5] =	sst s0;
	s0 =	simm.s32 @!p2 $0x0  }
0x16: {  	s3 =	sld [smem:$0x3FDB];
	s0 =	simm.s32 @p2 $0x1  }
0x17: {  	s4 =	simm.s32 $0x1BF5;
	[smem:$0x3FB7] =	sst s0  }
0x18: {  	s0 =	sld [smem:$0x3F9A];
	_ =	swait.ge [sflag:s4], $0x0  }
0x19: {  	s7 =	sld [smem:$0x3F9B]  }
0x1a: {  	s8 =	sadd.s32 $0xFFFFE003, lr  }
0x1b: {  	s9 =	sadd.s32 $0xFFFFFEF7, lr;
	s5 =	simm.s32 $0xFFFFFFFF;
	p2 =	slt.u32 s8, $0xFFFFF086  }
0x1c: {  	p1 =	slt.u32 s9, $0xF7A;
	s5 =	simm.s32 @!p2 $0x0  }
0x1d: {  	s5 =	simm.s32 @p1 $0x1;
	p0 =	seq.s32 s7, s2  }
0x1e: {  	s7 =	smul.u32 @!p0 $0xF7A, s2;
	p2 =	seq.s32 @!p0 s5, $0x0  }
0x1f: {  	s9 =	smul.u32 $0xF7A, s1;
	s8 =	simm.s32 @!p0 $0x1BF5;
	p2 =	por !p2, p0  }
0x20: {  	[sflag:s8] =	ssyncset.s32 @!p0 $0xFFFFF086;
	s6 =	sadd.s32 @!p0 s3, s7;
	s7 =	simm.s32 @!p0 $0x108  }
0x21: {  	s3 =	sadd.s32 s3, s9;
	s6 =	sadd.s32 @!p0 $0x88, s6;
	s7 =	simm.s32 @p2 $0x1082  }
0x22: {  	[simem:s7], [sflag:s8] =	dma.local @!p0 [hbm:s6], $0xF7A  }
0x23: {  	s9 =	sor.u32 $0xD0000000, s2;
	s6 =	simm.s32 $0x108;
	_ =	swait.ge @!p0 [sflag:s8], $0x0  }
0x24: {  	s3 =	sadd.s32 $0x88, s3;
	s6 =	simm.s32 @!p1 $0x1082;
	[sflag:s4] =	ssyncset.s32 $0xFFFFF086  }
0x25: {  	[simem:s6], [sflag:s4] =	dma.local [hbm:s3], $0xF7A  }
0x26: {  	[smem:$0x3F9B] =	sst s1;
	(tag) =	ssettag s2;
	_ =	strace s9  }
0x27: {  	s1 =	sld [smem:$0x3FAB]  }
0x28: {  	s2 =	sld [smem:$0x3FAC]  }
0x29: {  	s4 =	sld [smem:$0x3FAE]  }
0x2a: {  	p0 =	seq.s32 s5, $0x0;
	s5 =	sld [smem:$0x3FAF]  }
0x2b: {  	s6 =	sld [smem:$0x3FB0]  }
0x2c: {  	s7 =	sld [smem:$0x3FB1]  }
0x2d: {  	s3 =	simm.s32 $0x108;
	s8 =	sld [smem:$0x3FB2]  }
0x2e: {  	s3 =	simm.s32 @!p0 $0x1082;
	s9 =	sld [smem:$0x3FB3]  }
0x2f: {  	lr =	sadd.s32 s0, s3;
	s0 =	sld [smem:$0x3FAA]  }
0x30: {  	s3 =	sld [smem:$0x3FAD]  }
0x31: {  	[smem:$0x3FB6] =	sst s10  }
0x32: {  	s10 =	sld [smem:$0x3FB4];
	_ =	sdelay $0x3  }
0x33: {  	p0 =	seq.s32 s10, $0x1;
	s10 =	sld [smem:$0x3FB6];
	_ =	sdelay $0x3  }
0x34: {  	[smem:$0x3FB6] =	sst s10  }
0x35: {  	s10 =	sld [smem:$0x3FB5];
	_ =	sdelay $0x3  }
0x36: {  	p1 =	seq.s32 s10, $0x1;
	s10 =	sld [smem:$0x3FB6];
	_ =	sdelay $0x3  }
0x37: {  	[smem:$0x3FB6] =	sst s10  }
0x38: {  	s10 =	sld [smem:$0x3FB7]  }
0x39: {  	_ = 	snop;
	(pc) =	sbr.ind lr, $3  }
0x3a: {  	_ = 	snop  }
0x3b: {  	_ = 	snop  }
0x3c: {  	p2 =	seq.s32 s10, $0x1;
	s10 =	sld [smem:$0x3FB6]  }
0x3d: {  	_ =	shalt  }
0x3e: {  	_ =	shalt  }
0x3f: {  	_ =	shalt  }
0x40: {  	_ =	shalt  }
0x41: {  	_ =	shalt  }
0x42: {  	_ =	shalt  }
0x43: {  	_ =	shalt  }
0x44: {  	_ =	shalt  }
0x45: {  	_ =	shalt  }
0x46: {  	_ =	shalt  }
0x47: {  	_ =	shalt  }
0x48: {  	_ =	shalt  }
0x49: {  	_ =	shalt  }
0x4a: {  	_ =	shalt  }
0x4b: {  	_ =	shalt  }
0x4c: {  	_ =	shalt  }
0x4d: {  	_ =	shalt  }
0x4e: {  	_ =	shalt  }
0x4f: {  	_ =	shalt  }
0x50: {  	_ =	shalt  }
0x51: {  	_ =	shalt  }
0x52: {  	_ =	shalt  }
0x53: {  	_ =	shalt  }
0x54: {  	_ =	shalt  }
0x55: {  	_ =	shalt  }
0x56: {  	_ =	shalt  }
0x57: {  	_ =	shalt  }
0x58: {  	_ =	shalt  }
0x59: {  	_ =	shalt  }
0x5a: {  	_ =	shalt  }
0x5b: {  	_ =	shalt  }
0x5c: {  	_ =	shalt  }
0x5d: {  	_ =	shalt  }
0x5e: {  	_ =	shalt  }
0x5f: {  	_ =	shalt  }
0x60: {  	_ =	shalt  }
0x61: {  	_ =	shalt  }
0x62: {  	_ =	shalt  }
0x63: {  	_ =	shalt  }
0x64: {  	_ =	shalt  }
0x65: {  	_ =	shalt  }
0x66: {  	_ =	shalt  }
0x67: {  	_ =	shalt  }
0x68: {  	_ =	shalt  }
0x69: {  	_ =	shalt  }
0x6a: {  	_ =	shalt  }
0x6b: {  	_ =	shalt  }
0x6c: {  	_ =	shalt  }
0x6d: {  	_ =	shalt  }
0x6e: {  	_ =	shalt  }
0x6f: {  	_ =	shalt  }
0x70: {  	_ =	shalt  }
0x71: {  	_ =	shalt  }
0x72: {  	_ =	shalt  }
0x73: {  	_ =	shalt  }
0x74: {  	_ =	shalt  }
0x75: {  	_ =	shalt  }
0x76: {  	_ =	shalt  }
0x77: {  	_ =	shalt  }
0x78: {  	_ =	shalt  }
0x79: {  	_ =	shalt  }
0x7a: {  	_ =	shalt  }
0x7b: {  	_ =	shalt  }
0x7c: {  	_ =	shalt  }
0x7d: {  	_ =	shalt  }
0x7e: {  	_ =	shalt  }
0x7f: {  	_ =	shalt  }
0x80: {  	_ =	shalt  }
0x81: {  	_ =	shalt  }
0x82: {  	_ =	shalt  }
0x83: {  	_ =	shalt  }
0x84: {  	_ =	shalt  }
0x85: {  	_ =	shalt  }
0x86: {  	_ =	shalt  }
0x87: {  	_ =	shalt  }
.Lfunc_end0:
.L_simem_size_0:
called_computation_lowered:
.L_overlay_start_0:
0x88: {  	s2 =	sld [smem:$0x3FD9]  }
0x89: {  	s3 =	sld [smem:$0x3FFE];
	_ =	sdelay $0x1  }
0x8a: {  	s1 =	srdreg.scid  }
0x8b: {  	s0 =	sand.u32 $0x1, s1  }
0x8c: {  	s17 =	sshll.u32 s0, $0xA;
	s2 =	sadd.s32 s3, s2  }
0x8d: {  	s2 =	sadd.s32 s2, s17  }
0x8e: {  	[smem:$0x3FC2] =	sst s2  }
0x8f: {  	_ = 	snop  }
0x90: {  	s2 =	sld [smem:$0x3FD0];
	(tm) =	ssettm $0x1  }
0x91: {  	s18 =	sld [smem:$0x3FFB];
	_ =	sdelay $0x3  }
0x92: {  	_ =	strace s18  }
0x93: {  	s3 =	sld [smem:$0x3FFC];
	_ =	sdelay $0x3  }
0x94: {  	_ =	strace s3  }
0x95: {  	s3 =	sld [smem:$0x3FFD];
	_ =	sdelay $0x3  }
0x96: {  	_ =	strace s3  }
0x97: {  	_ =	strace $0x8FFFFFFF  }
0x98: {  	s19 =	sld [smem:$0x3FDB];
	_ =	sdelay $0x1  }
0x99: {  	s4 =	simm.s32 $_scs_section_size  }
0x9a: {  	s5 =	simm.s32 $_size__tile_overlayer_lowered;
	s6 =	simm.s32 $_tile_overlayer_lowered  }
0x9b: {  	s22 =	simm.s32 $0x1BFF;
	s21 =	sshll.u32 s6, $0x1;
	s3 =	sadd.s32 s4, s19  }
0x9c: {  	s7 =	simm.s32 $0x0;
	s20 =	sshll.u32 s5, $0x1;
	s5 =	sadd.s32 s21, s3  }
0x9d: {  	[timem:s7], [sflag:s22] =	dma.local [hbm:s5], s20  }
0x9e: {  	_ =	swait.ge [sflag:s22], s20  }
0x9f: {  	s4 =	ssub.s32 $0x0, s20;
	[sflag:s22] =	ssyncset.done $0x0  }
0xa0: {  	[sflag:s22] =	ssyncadd.s32 s4;
	_ =	sdelay $0x1  }
0xa1: {  	s23 =	simm.s32 $0x1B8B  }
0xa2: {  	_ =	swait.ge [sflag:s23], $0x1  }
0xa3: {  	[sflag:s23] =	ssyncset.done $0x0  }
0xa4: {  	s25 =	simm.s32 $0x1B8E;
	s24 =	sld [smem:$0x3FFE];
	[sflag:s23] =	ssyncadd.s32 $0xFFFFFFFF  }
0xa5: {  	s26 =	simm.s32 $execute0_lowered;
	[smem:$0x3FD2] =	sst s25  }
0xa6: {  	s5 =	sshll.u32 s26, $0x1;
	_ =	strace $0x80000046;
	[dreg:$0x1] =	wrdreg $0xFFFFFFFF  }
0xa7: {  	s28 =	simm.s32 $_size_execute0_lowered;
	s3 =	sadd.s32 s3, s5;
	[dreg:$0x0] =	wrdreg $0x0  }
0xa8: {  	s5 =	sshll.u32 s28, $0x1;
	[dreg:$0x2] =	wrdreg s3  }
0xa9: {  	[dreg:$0x3] =	wrdreg s5  }
0xaa: {  	[dreg:$0x4] =	wrdreg $0xC0  }
0xab: {  	_ =	task [dreg:s7], $0x5FFFF  }
0xac: {  	[dreg:$0x1] =	wrdreg $0xFFFFFFFF  }
0xad: {  	[dreg:$0x0] =	wrdreg $0x60  }
0xae: {  	[dreg:$0x2] =	wrdreg s24  }
0xaf: {  	[dreg:$0x3] =	wrdreg s2  }
0xb0: {  	[dreg:$0x4] =	wrdreg $0x90000  }
0xb1: {  	[dreg:$0x5] =	wrdreg $0x9  }
0xb2: {  	_ =	task.clear_ibuf [dreg:s7], $0x6FFFF;
	_ =	strace $0x90000046  }
0xb3: {  	s29 =	simm.s32 $0x9;
	_ =	strace $0x80000048  }
0xb4: {  	_ =	swait.ge [sflag:s29], $0x1  }
0xb5: {  	[sflag:s29] =	ssyncadd.s32 $0xFFFFFFFF  }
0xb6: {  	_ =	strace $0x90000048  }
0xb7: {  	_ =	sfence  }
0xb8: {  	s30 =	sld [smem:$0x0];
	_ =	sdelay $0x2  }
0xb9: {  	s31 =	sshll.u32 s1, $0xD;
	s1 =	sshrl.u32 s1, $0x2  }
0xba: {  	s3 =	sand.u32 $0x4000, s31;
	s1 =	sadd.s32 s1, s30  }
0xbb: {  	s0 =	sor.u32 s3, s0;
	s1 =	sshll.u32 s1, $0x11  }
0xbc: {  	s0 =	sor.u32 s1, s0  }
0xbd: {  	s0 =	sadd.s32 $0x8F2B, s0  }
0xbe: {  	[sflag:s0] =	ssyncadd.remote.s32 $0x1  }
0xbf: {  	_ =	sfence.sel $0xFFFF  }
0xc0: {  	[dreg:$0x0] =	wrdreg $0xFFFFFFFF;
	(pc) =	sbr.abs _section_cstart, $3  }
0xc1: {  	[dreg:$0x1] =	wrdreg $0xFFFFFFFF  }
0xc2: {  	_ =	task.clear_ibuf [dreg:s7], $0x2FFFF;
	_ =	strace $0x9FFFFFFF  }
0xc3: {  	(tm) =	ssettm $0x7FFFFFFF  }
tec
execute0_lowered:
.L_overlay_start_1:
0x0: {  	(tag) =	ssettag $0x1  }
0x1: {  	s0 =	rddreg [dreg:$0x0]  }
0x2: {  	s1 =	rddreg [dreg:$0x1]  }
0x3: {  	s2 =	rddreg [dreg:$0x2];
	s4 =	srdreg.scid  }
0x4: {  	s3 =	simm.s32 $0x0;
	s11 =	stileid.u32;
	s28 =	simm.s32 $0x50  }
0x5: {  	s29 =	simm.s32 $0x80;
	s30 =	simm.s32 $0x6800;
	s31 =	simm.s32 $0x0  }
0x6: {  	s4 =	sand.u32 $0x1, s4;
	[smem:$0x7FF] =	sst s3;
	s9 =	smul.u32 $0x50000, s11  }
0x7: {  	s8 =	sshll.u32 s11, $0xC;
	s14 =	smul.u32 $0x14000, s11;
	s5 =	sshll.u32 s4, $0xB  }
0x8: {  	_ =	strace $0x80000047;
	s7 =	ssub.s32 $0x2, s4;
	s4 =	smul.u32 $0x140000, s4  }
0x9: {  	s6 =	sadd.s32 s5, s0;
	s5 =	sadd.s32 $0x12200, s0;
	s0 =	sadd.s32 $0x12800, s0  }
0xa: {  	s10 =	sshrl.u32 s7, $0x1;
	s25 =	sshrl.u32 s9, $0x2;
	s15 =	sor.u32 $0x2800, s14  }
0xb: {  	s17 =	sadd.s32 $0x5000, s14;
	s18 =	sadd.s32 $0x7800, s14;
	s19 =	sadd.s32 $0xA000, s14  }
0xc: {  	s20 =	sadd.s32 $0xC800, s14;
	s21 =	sadd.s32 $0xF000, s14;
	s22 =	sadd.s32 $0x11800, s14  }
0xd: {  	s6 =	sadd.s32 s8, s6;
	s23 =	ssub.s32 s7, s10;
	s7 =	sadd.s32 s25, s2  }
0xe: {  	s8 =	sadd.s32 s15, s2;
	s9 =	sadd.s32 s17, s2;
	s10 =	sadd.s32 s18, s2  }
0xf: {  	s11 =	sadd.s32 s19, s2;
	s12 =	sadd.s32 s20, s2;
	s13 =	sadd.s32 s21, s2  }
0x10: {  	s16 =	sadd.s32 s14, s4;
	s24 =	sadd.s32 s4, s15;
	s14 =	sadd.s32 s22, s2  }
0x11: {  	s17 =	sadd.s32 s4, s17;
	s18 =	sadd.s32 s4, s18;
	s19 =	sadd.s32 s4, s19  }
0x12: {  	s20 =	sadd.s32 s4, s20;
	s21 =	sadd.s32 s4, s21;
	s4 =	sadd.s32 s4, s22  }
0x13: {  	s25 =	simm.s32 $0x4000;
	s6 =	sadd.s32 $0x2200, s6;
	s16 =	sshrl.u32 s16, $0x3  }
0x14: {  	s26 =	sshrl.u32 s24, $0x3;
	s17 =	sshrl.u32 s17, $0x3;
	s18 =	sshrl.u32 s18, $0x3  }
0x15: {  	s19 =	sshrl.u32 s19, $0x3;
	s20 =	sshrl.u32 s20, $0x3;
	s21 =	sshrl.u32 s21, $0x3  }
0x16: {  	s4 =	sshrl.u32 s4, $0x3;
	s23 =	smax.u32 s23, $0x1;
	s24 =	simm.s32 $0x2  }
0x17: {  	s15 =	sadd.s32 s0, s16;
	s16 =	sadd.s32 s0, s26;
	s17 =	sadd.s32 s0, s17  }
0x18: {  	s18 =	sadd.s32 s0, s18;
	s19 =	sadd.s32 s0, s19;
	s20 =	sadd.s32 s0, s20  }
0x19: {  	s21 =	sadd.s32 s0, s21;
	s22 =	sadd.s32 s0, s4;
	s26 =	simm.s32 $0x1  }
.LBB2_1:
0x1a: {  	[tilespmem:s3], [sflag:$0x2] =	stream.linear.gather [hbm4b:s6+s3], $0x3E80, $0x38;
	[tilespmem:$0x1D000] =	vst v63  }
0x1b: {  	_ =	swait.ge [sflag:s24], $0x3E80  }
0x1c: {  	[sflag:s24] =	ssyncset.done $0x0  }
0x1d: {  	[sflag:s24] =	ssyncadd.s32 $0xFFFFC180  }
0x1e: {  	[tilespmem:s25], [sflag:$0x2] =	stream.linear.gather [hbm4b:s5+s3], $0x2800, $0x38;
	[tilespmem:$0x1D000] =	vst v63  }
0x1f: {  	_ =	swait.ge [sflag:s24], $0x2800  }
0x20: {  	[sflag:s24] =	ssyncset.done $0x0  }
0x21: {  	[sflag:s24] =	ssyncadd.s32 $0xFFFFD800  }
0x22: {  	[spmem:s7] =	stream.linear.scatter [tilespmem:s25], [sflag:$0x1], $0x2800, $0x38;
	[tilespmem:$0x1D000] =	vst v63  }
0x23: {  	_ = 	snop  }
0x24: {  	[spmem:s8] =	stream.linear.scatter [tilespmem:s25], [sflag:$0x1], $0x2800, $0x38;
	[tilespmem:$0x1D000] =	vst v63  }
0x25: {  	_ = 	snop  }
0x26: {  	[spmem:s9] =	stream.linear.scatter [tilespmem:s25], [sflag:$0x1], $0x2800, $0x38;
	[tilespmem:$0x1D000] =	vst v63  }
0x27: {  	_ = 	snop  }
0x28: {  	[spmem:s10] =	stream.linear.scatter [tilespmem:s25], [sflag:$0x1], $0x2800, $0x38;
	[tilespmem:$0x1D000] =	vst v63  }
0x29: {  	_ = 	snop  }
0x2a: {  	[spmem:s11] =	stream.linear.scatter [tilespmem:s25], [sflag:$0x1], $0x2800, $0x38;
	[tilespmem:$0x1D000] =	vst v63  }
0x2b: {  	_ = 	snop  }
0x2c: {  	[spmem:s12] =	stream.linear.scatter [tilespmem:s25], [sflag:$0x1], $0x2800, $0x38;
	[tilespmem:$0x1D000] =	vst v63  }
0x2d: {  	_ = 	snop  }
0x2e: {  	[spmem:s13] =	stream.linear.scatter [tilespmem:s25], [sflag:$0x1], $0x2800, $0x38;
	[tilespmem:$0x1D000] =	vst v63  }
0x2f: {  	_ = 	snop  }
0x30: {  	[spmem:s14] =	stream.linear.scatter [tilespmem:s25], [sflag:$0x1], $0x2800, $0x38;
	[tilespmem:$0x1D000] =	vst v63  }
0x31: {  	_ =	swait.ge [sflag:s26], $0x2800  }
0x32: {  	[sflag:s26] =	ssyncset.done $0x0  }
0x33: {  	[sflag:s26] =	ssyncadd.s32 $0xFFFFD800  }
0x34: {  	_ =	swait.ge [sflag:s26], $0x2800  }
0x35: {  	[sflag:s26] =	ssyncset.done $0x0  }
0x36: {  	[sflag:s26] =	ssyncadd.s32 $0xFFFFD800  }
0x37: {  	_ =	swait.ge [sflag:s26], $0x2800  }
0x38: {  	[sflag:s26] =	ssyncset.done $0x0  }
0x39: {  	[sflag:s26] =	ssyncadd.s32 $0xFFFFD800  }
0x3a: {  	_ =	swait.ge [sflag:s26], $0x2800  }
0x3b: {  	[sflag:s26] =	ssyncset.done $0x0  }
0x3c: {  	[sflag:s26] =	ssyncadd.s32 $0xFFFFD800  }
0x3d: {  	_ =	swait.ge [sflag:s26], $0x2800  }
0x3e: {  	[sflag:s26] =	ssyncset.done $0x0  }
0x3f: {  	[sflag:s26] =	ssyncadd.s32 $0xFFFFD800  }
0x40: {  	_ =	swait.ge [sflag:s26], $0x2800  }
0x41: {  	[sflag:s26] =	ssyncset.done $0x0  }
0x42: {  	[sflag:s26] =	ssyncadd.s32 $0xFFFFD800  }
0x43: {  	_ =	swait.ge [sflag:s26], $0x2800  }
0x44: {  	[sflag:s26] =	ssyncset.done $0x0  }
0x45: {  	[sflag:s26] =	ssyncadd.s32 $0xFFFFD800  }
0x46: {  	_ =	swait.ge [sflag:s26], $0x2800  }
0x47: {  	[sflag:s26] =	ssyncset.done $0x0  }
0x48: {  	[sflag:s26] =	ssyncadd.s32 $0xFFFFD800  }
0x49: {  	[tilespmem:s25], [sflag:$0x2] =	stream.linear.gather [hbm4b:s1+s3], $0x2800, $0x38;
	[tilespmem:$0x1D000] =	vst v63  }
0x4a: {  	_ =	swait.ge [sflag:s24], $0x2800  }
0x4b: {  	[sflag:s24] =	ssyncset.done $0x0  }
0x4c: {  	[sflag:s24] =	ssyncadd.s32 $0xFFFFD800  }
0x4d: {  	[bflag:$0x0] =	sbarrier.arrive $0xFFFF  }
0x4e: {  	[spmem:s2] =	stream.indirect.scatter.add.f32 [tilespmem:s25], [sflag:$0x1], $0x80, s3, s28, $0xb8;
	[tilespmem:$0x1D000] =	vst v63  }
0x4f: {  	_ = 	snop  }
0x50: {  	[spmem:s2] =	stream.indirect.scatter.add.f32 [tilespmem:s25], [sflag:$0x1], $0x80, s29, s28, $0xb8;
	[tilespmem:$0x1D000] =	vst v63  }
0x51: {  	_ =	swait.ge [sflag:s26], $0x2800  }
0x52: {  	[sflag:s26] =	ssyncset.done $0x0  }
0x53: {  	s0 =	simm.s32 $0x600;
	s4 =	simm.s32 $0x100;
	[sflag:s26] =	ssyncadd.s32 $0xFFFFD800  }
.LBB2_2:
0x54: {  	[spmem:s2] =	stream.indirect.scatter.add.f32 [tilespmem:s25], [sflag:$0x1], $0x80, s4, s28, $0xb8;
	[tilespmem:$0x1D000] =	vst v63  }
0x55: {  	s4 =	smov.u32 s0;
	p0 =	sne.s32 s0, $0xF800  }
.Ltmp0:
0x56: {  	s0 =	sadd.s32 $0x200, s0;
	(pc) =	sbr.rel @p0 .LBB2_2-.Ltmp0, $4  }
0x57: {  	_ = 	snop  }
0x58: {  	_ =	swait.ge [sflag:s26], $0x2800  }
0x59: {  	[sflag:s26] =	ssyncset.done $0x0  }
0x5a: {  	s4 =	sshra.s32 s4, $0x2;
	[sflag:s26] =	ssyncadd.s32 $0xFFFFD800  }
0x5b: {  	[spmem:s2] =	stream.indirect.scatter.add.f32 [tilespmem:s25], [sflag:$0x1], $0x80, s4, s28, $0xb8;
	[tilespmem:$0x1D000] =	vst v63  }
0x5c: {  	_ =	swait.ge [sflag:s26], $0x2800  }
0x5d: {  	[sflag:s26] =	ssyncset.done $0x0  }
0x5e: {  	[sflag:s26] =	ssyncadd.s32 $0xFFFFD800  }
0x5f: {  	_ =	swait.ge [sflag:s26], $0x2800  }
0x60: {  	[sflag:s26] =	ssyncset.done $0x0  }
0x61: {  	[sflag:s26] =	ssyncadd.s32 $0xFFFFD800  }
0x62: {  	[bflag:$0x0] =	sbarrier.arrive $0xFFFF  }
0x63: {  	[tilespmem:s25], [sflag:$0x2] =	stream.linear.gather [spmem:s7], $0x2800, $0x38;
	[tilespmem:$0x1D000] =	vst v63  }
0x64: {  	_ =	swait.ge [sflag:s24], $0x2800  }
0x65: {  	[sflag:s24] =	ssyncset.done $0x0  }
0x66: {  	[sflag:s24] =	ssyncadd.s32 $0xFFFFD800  }
0x67: {  	[hbm4b:s15+s3] =	stream.linear.scatter [tilespmem:s25], [sflag:$0x1], $0x2800, $0x38;
	[tilespmem:$0x1D000] =	vst v63  }
0x68: {  	_ = 	snop  }
0x69: {  	[tilespmem:s30], [sflag:$0x2] =	stream.linear.gather [spmem:s8], $0x2800, $0x38;
	[tilespmem:$0x1D000] =	vst v63  }
0x6a: {  	_ =	swait.ge [sflag:s24], $0x2800  }
0x6b: {  	[sflag:s24] =	ssyncset.done $0x0  }
0x6c: {  	[sflag:s24] =	ssyncadd.s32 $0xFFFFD800  }
0x6d: {  	[hbm4b:s16+s3] =	stream.linear.scatter [tilespmem:s30], [sflag:$0x1], $0x2800, $0x38;
	[tilespmem:$0x1D000] =	vst v63  }
0x6e: {  	_ =	swait.ge [sflag:s26], $0x2800  }
0x6f: {  	[sflag:s26] =	ssyncset.done $0x0  }
0x70: {  	[sflag:s26] =	ssyncadd.s32 $0xFFFFD800  }
0x71: {  	[tilespmem:s25], [sflag:$0x2] =	stream.linear.gather [spmem:s9], $0x2800, $0x38;
	[tilespmem:$0x1D000] =	vst v63  }
0x72: {  	_ =	swait.ge [sflag:s24], $0x2800  }
0x73: {  	[sflag:s24] =	ssyncset.done $0x0  }
0x74: {  	[sflag:s24] =	ssyncadd.s32 $0xFFFFD800  }
0x75: {  	[hbm4b:s17+s3] =	stream.linear.scatter [tilespmem:s25], [sflag:$0x1], $0x2800, $0x38;
	[tilespmem:$0x1D000] =	vst v63  }
0x76: {  	_ =	swait.ge [sflag:s26], $0x2800  }
0x77: {  	[sflag:s26] =	ssyncset.done $0x0  }
0x78: {  	[sflag:s26] =	ssyncadd.s32 $0xFFFFD800  }
0x79: {  	[tilespmem:s30], [sflag:$0x2] =	stream.linear.gather [spmem:s10], $0x2800, $0x38;
	[tilespmem:$0x1D000] =	vst v63  }
0x7a: {  	_ =	swait.ge [sflag:s24], $0x2800  }
0x7b: {  	[sflag:s24] =	ssyncset.done $0x0  }
0x7c: {  	[sflag:s24] =	ssyncadd.s32 $0xFFFFD800  }
0x7d: {  	[hbm4b:s18+s3] =	stream.linear.scatter [tilespmem:s30], [sflag:$0x1], $0x2800, $0x38;
	[tilespmem:$0x1D000] =	vst v63  }
0x7e: {  	_ =	swait.ge [sflag:s26], $0x2800  }
0x7f: {  	[sflag:s26] =	ssyncset.done $0x0  }
0x80: {  	[sflag:s26] =	ssyncadd.s32 $0xFFFFD800  }
0x81: {  	[tilespmem:s25], [sflag:$0x2] =	stream.linear.gather [spmem:s11], $0x2800, $0x38;
	[tilespmem:$0x1D000] =	vst v63  }
0x82: {  	_ =	swait.ge [sflag:s24], $0x2800  }
0x83: {  	[sflag:s24] =	ssyncset.done $0x0  }
0x84: {  	[sflag:s24] =	ssyncadd.s32 $0xFFFFD800  }
0x85: {  	[hbm4b:s19+s3] =	stream.linear.scatter [tilespmem:s25], [sflag:$0x1], $0x2800, $0x38;
	[tilespmem:$0x1D000] =	vst v63  }
0x86: {  	_ =	swait.ge [sflag:s26], $0x2800  }
0x87: {  	[sflag:s26] =	ssyncset.done $0x0  }
0x88: {  	[sflag:s26] =	ssyncadd.s32 $0xFFFFD800  }
0x89: {  	[tilespmem:s30], [sflag:$0x2] =	stream.linear.gather [spmem:s12], $0x2800, $0x38;
	[tilespmem:$0x1D000] =	vst v63  }
0x8a: {  	_ =	swait.ge [sflag:s24], $0x2800  }
0x8b: {  	[sflag:s24] =	ssyncset.done $0x0  }
0x8c: {  	[sflag:s24] =	ssyncadd.s32 $0xFFFFD800  }
0x8d: {  	[hbm4b:s20+s3] =	stream.linear.scatter [tilespmem:s30], [sflag:$0x1], $0x2800, $0x38;
	[tilespmem:$0x1D000] =	vst v63  }
0x8e: {  	_ =	swait.ge [sflag:s26], $0x2800  }
0x8f: {  	[sflag:s26] =	ssyncset.done $0x0  }
0x90: {  	[sflag:s26] =	ssyncadd.s32 $0xFFFFD800  }
0x91: {  	[tilespmem:s25], [sflag:$0x2] =	stream.linear.gather [spmem:s13], $0x2800, $0x38;
	[tilespmem:$0x1D000] =	vst v63  }
0x92: {  	_ =	swait.ge [sflag:s24], $0x2800  }
0x93: {  	[sflag:s24] =	ssyncset.done $0x0  }
0x94: {  	[sflag:s24] =	ssyncadd.s32 $0xFFFFD800  }
0x95: {  	[hbm4b:s21+s3] =	stream.linear.scatter [tilespmem:s25], [sflag:$0x1], $0x2800, $0x38;
	[tilespmem:$0x1D000] =	vst v63  }
0x96: {  	_ =	swait.ge [sflag:s26], $0x2800  }
0x97: {  	[sflag:s26] =	ssyncset.done $0x0  }
0x98: {  	[sflag:s26] =	ssyncadd.s32 $0xFFFFD800  }
0x99: {  	[tilespmem:s30], [sflag:$0x2] =	stream.linear.gather [spmem:s14], $0x2800, $0x38;
	[tilespmem:$0x1D000] =	vst v63  }
0x9a: {  	_ =	swait.ge [sflag:s24], $0x2800  }
0x9b: {  	[sflag:s24] =	ssyncset.done $0x0  }
0x9c: {  	s31 =	sadd.s32 $0x1, s31;
	[sflag:s24] =	ssyncadd.s32 $0xFFFFD800  }
0x9d: {  	[hbm4b:s22+s3] =	stream.linear.scatter [tilespmem:s30], [sflag:$0x1], $0x2800, $0x38;
	[tilespmem:$0x1D000] =	vst v63  }
0x9e: {  	p0 =	sne.s32 s31, s23;
	_ =	swait.ge [sflag:s26], $0x2800  }
.Ltmp1:
0x9f: {  	[sflag:s26] =	ssyncset.done $0x0;
	(pc) =	sbr.rel @p0 .LBB2_1-.Ltmp1, $4  }
0xa0: {  	[sflag:s26] =	ssyncadd.s32 $0xFFFFD800  }
0xa1: {  	_ =	swait.ge [sflag:s26], $0x2800  }
0xa2: {  	[sflag:s26] =	ssyncset.done $0x0  }
0xa3: {  	[sflag:s26] =	ssyncadd.s32 $0xFFFFD800  }
0xa4: {  	_ =	sfence.sel $0x180000  }
0xa5: {  	[bflag:$0x0] =	sbarrier.arrive $0xFFFF  }
0xa6: {  	_ =	strace $0x90000047  }
0xa7: {  	s0 =	stileid.u32;
	[bflag:$0x2] =	sbarrier.arrive $0xFFFF  }
0xa8: {  	p0 =	sne.s32 s0, $0x0;
	s0 =	rddreg [dreg:$0x3]  }
0xa9: {  	s0 =	sadd.s32 @!p0 $0x100000, s0  }
0xaa: {  	[sflag:s0] =	ssyncadd.tile.s32 @!p0 $0x1;
	_ =	shalt  }
.Lfunc_end2:
_tile_overlayer_lowered:
.L_overlay_start_2:
0xab: {  	(tag) =	ssettag $0x2  }
0xac: {  	s0 =	rddreg [dreg:$0x0];
	s2 =	stileid.u32  }
0xad: {  	s1 =	rddreg [dreg:$0x1];
	p0 =	sne.s32 s2, $0x0  }
0xae: {  	s3 =	rddreg [dreg:$0x2];
	[bflag:$0x3] =	sbarrier.arrive $0xFFFF;
	s2 =	simm.s32 @!p0 $0x1C02  }
0xaf: {  	[timem:s3], [sflag:s2] =	dma.local @!p0 [hbm:s0], s1  }
0xb0: {  	s0 =	simm.s32 @!p0 $0x2  }
0xb1: {  	_ =	swait.ge @!p0 [sflag:s0], s1  }
0xb2: {  	s1 =	ssub.s32 @!p0 $0x0, s1;
	[sflag:s0] =	ssyncset.done @!p0 $0x0  }
0xb3: {  	[sflag:s0] =	ssyncadd.s32 @!p0 s1  }
0xb4: {  	[bflag:$0x3] =	sbarrier.arrive $0xFFFF  }
0xb5: {  	_ =	shalt  }

</sc_bundles>
